<compile_context>
chip_gen: v7x
topology: tpu7x:2x2x1
jax: 0.10.2.dev20260603
libtpu: 0.0.44.dev20260713+nightly
codegen_flags: <defaults>
</compile_context>

<pallas_src>
import functools

import numpy as np

import jax
import jax.numpy as jnp
from jax import lax
from jax.experimental import pallas as pl
from jax.experimental.pallas import tpu as pltpu
from jax.experimental.pallas import tpu_sc as plsc

N = 10000
E = 320000
D = 128
NP = 10240
NC = 2
NS = 16
NW = NC * NS
CH = 64
NCH = 160
EPW = NCH * CH
EPAD = NW * EPW
RPT = NP // NS
GRP = 8
NBG = 4
DH = D // 2

_MESH = plsc.VectorSubcoreMesh(core_axis_name="c", subcore_axis_name="s")
_SC_PARAMS = pltpu.CompilerParams(
    needs_layout_passes=False, use_tc_tiling_on_sc=False)

_PERM = np.empty((D,), dtype=np.int32)
for _q in range(4):
    for _j in range(16):
        _PERM[32 * _q + _j] = 32 * _q + 2 * _j
        _PERM[32 * _q + 16 + _j] = 32 * _q + 2 * _j + 1


@functools.partial(
    pl.kernel,
    out_type=jax.ShapeDtypeStruct((2, NW, NP), jnp.float32),
    mesh=_MESH,
    compiler_params=_SC_PARAMS,
    scratch_types=[
        pltpu.VMEM((NCH, CH), jnp.int32),
        pltpu.VMEM((NCH, CH), jnp.int32),
        pltpu.VMEM((NP,), jnp.float32),
        pltpu.VMEM((NP,), jnp.float32),
    ],
)
def _deg_pass(src_hbm, dst_hbm, hist_hbm, sidx, didx, hs, hd):
    c = lax.axis_index("c")
    s = lax.axis_index("s")
    wid = s * NC + c
    pltpu.sync_copy(src_hbm.at[wid], sidx)
    pltpu.sync_copy(dst_hbm.at[wid], didx)

    zeros = jnp.zeros((16,), jnp.float32)

    def zero_body(i, carry):
        hs[pl.ds(i * 16, 16)] = zeros
        hd[pl.ds(i * 16, 16)] = zeros
        return carry

    lax.fori_loop(0, NP // 16, zero_body, 0)

    ones = jnp.full((16,), 1.0, jnp.float32)

    def body(j, carry):
        for k in range(CH // 16):
            sv = sidx[j, pl.ds(k * 16, 16)]
            dv = didx[j, pl.ds(k * 16, 16)]
            plsc.addupdate_scatter(hs, [sv], ones)
            plsc.addupdate_scatter(hd, [dv], ones)
        return carry

    lax.fori_loop(0, NCH, body, 0)
    pltpu.sync_copy(hs, hist_hbm.at[0, wid])
    pltpu.sync_copy(hd, hist_hbm.at[1, wid])


def _reduce_body(hist_ref, deg_ref):
    deg_ref[...] = jnp.sum(hist_ref[...], axis=1)


def _reduce_hist(hist):
    return pl.pallas_call(
        _reduce_body,
        out_shape=jax.ShapeDtypeStruct((2, NP), jnp.float32),
    )(hist)


def _scale_body(feat_ref, deg_ref, type_ref, wt_ref, table_ref):
    nl = lax.rsqrt(jnp.maximum(deg_ref[...], 1.0))
    tc = type_ref[...]
    lanes = lax.broadcasted_iota(jnp.int32, (tc.shape[0], 128), 1)
    wtn = jnp.sum(
        jnp.where(tc == lanes, wt_ref[...], 0.0), axis=1, keepdims=True
    )
    table_ref[...] = (feat_ref[...] * (nl * wtn)).astype(jnp.bfloat16)


def _scale_pass(feat_p, deg_out_col, type_col, wt_row):
    blk = NP // 8
    return pl.pallas_call(
        _scale_body,
        grid=(8,),
        in_specs=[
            pl.BlockSpec((blk, D), lambda i: (i, 0)),
            pl.BlockSpec((blk, 1), lambda i: (i, 0)),
            pl.BlockSpec((blk, 1), lambda i: (i, 0)),
            pl.BlockSpec((1, 128), lambda i: (0, 0)),
        ],
        out_specs=pl.BlockSpec((blk, D), lambda i: (i, 0)),
        out_shape=jax.ShapeDtypeStruct((NP, D), jnp.bfloat16),
    )(feat_p, deg_out_col, type_col, wt_row)


@functools.partial(
    pl.kernel,
    out_type=jax.ShapeDtypeStruct((NC, NP, D), jnp.float32),
    mesh=_MESH,
    compiler_params=_SC_PARAMS,
    scratch_types=[
        pltpu.VMEM((2, GRP, CH), jnp.int32),
        pltpu.VMEM((2, GRP, CH), jnp.int32),
        pltpu.VMEM((NBG, CH, DH), jnp.int32),
        pltpu.VMEM((2, CH, D), jnp.float32),
        pltpu.VMEM_SHARED((NP, D), jnp.float32),
        pltpu.SemaphoreType.DMA,
        pltpu.SemaphoreType.DMA,
        pltpu.SemaphoreType.DMA,
        pltpu.SemaphoreType.DMA,
        pltpu.SemaphoreType.DMA,
        pltpu.SemaphoreType.DMA,
        pltpu.SemaphoreType.DMA,
        pltpu.SemaphoreType.DMA,
    ],
)
def _agg_pass(table_hbm, src_hbm, dst_hbm, zero_hbm, part_hbm,
              sbuf, dbuf, gring, fstage, acc,
              sg0, sg1, sg2, sg3, ss0, ss1, si0, si1):
    sg = (sg0, sg1, sg2, sg3)
    ss = (ss0, ss1)
    si = (si0, si1)
    c = lax.axis_index("c")
    s = lax.axis_index("s")
    wid = s * NC + c
    pltpu.sync_copy(zero_hbm, acc.at[pl.ds(s * RPT, RPT)])
    pltpu.sync_copy(src_hbm.at[wid, pl.ds(0, GRP)], sbuf.at[0])
    pltpu.sync_copy(dst_hbm.at[wid, pl.ds(0, GRP)], dbuf.at[0])
    plsc.subcore_barrier()
    for j in range(3):
        pltpu.async_copy(table_hbm.at[sbuf.at[0, j]], gring.at[j], sg[j])

    npair = NCH // (2 * GRP)

    def body(p, carry):
        base = p * 2 * GRP
        for ch in range(2 * GRP):
            gb = ch % NBG
            sb = ch % 2
            sl = ch // GRP
            k = ch % GRP
            if ch == 0:
                pltpu.async_copy(
                    src_hbm.at[wid, pl.ds(base + GRP, GRP)], sbuf.at[1], si[1])
                pltpu.async_copy(
                    dst_hbm.at[wid, pl.ds(base + GRP, GRP)], dbuf.at[1], si[1])
            if ch == GRP:
                @pl.when(p < npair - 1)
                def _():
                    pltpu.async_copy(
                        src_hbm.at[wid, pl.ds(base + 2 * GRP, GRP)],
                        sbuf.at[0], si[0])
                    pltpu.async_copy(
                        dst_hbm.at[wid, pl.ds(base + 2 * GRP, GRP)],
                        dbuf.at[0], si[0])
            if ch == GRP - 3:
                pltpu.make_async_copy(
                    src_hbm.at[wid, pl.ds(0, GRP)], sbuf.at[1], si[1]).wait()
                pltpu.make_async_copy(
                    dst_hbm.at[wid, pl.ds(0, GRP)], dbuf.at[1], si[1]).wait()
            if ch == 2 * GRP - 3:
                @pl.when(p < npair - 1)
                def _():
                    pltpu.make_async_copy(
                        src_hbm.at[wid, pl.ds(0, GRP)], sbuf.at[0],
                        si[0]).wait()
                    pltpu.make_async_copy(
                        dst_hbm.at[wid, pl.ds(0, GRP)], dbuf.at[0],
                        si[0]).wait()

            pltpu.make_async_copy(
                table_hbm.at[sbuf.at[sl, k]], gring.at[gb], sg[gb]).wait()

            if ch >= 2:
                pltpu.make_async_copy(
                    fstage.at[sb], acc.at[dbuf.at[sl, k]], ss[sb]).wait()
            else:
                @pl.when(p > 0)
                def _():
                    pltpu.make_async_copy(
                        fstage.at[sb], acc.at[dbuf.at[sl, k]], ss[sb]).wait()

            def conv_body(r, carry2, gb=gb, sb=sb):
                for q in range(4):
                    v = gring[gb, r, pl.ds(16 * q, 16)]
                    a, b2 = plsc.unpack(
                        plsc.bitcast(v, jnp.bfloat16),
                        format=plsc.PackFormat.INTERLEAVED)
                    fstage[sb, r, pl.ds(32 * q, 16)] = a
                    fstage[sb, r, pl.ds(32 * q + 16, 16)] = b2
                return carry2

            lax.fori_loop(0, CH, conv_body, 0)

            pltpu.async_copy(
                fstage.at[sb], acc.at[dbuf.at[sl, k]], ss[sb], add=True)

            c3 = ch + 3
            if c3 < 2 * GRP:
                nsl, nk = c3 // GRP, c3 % GRP
                pltpu.async_copy(
                    table_hbm.at[sbuf.at[nsl, nk]],
                    gring.at[c3 % NBG], sg[c3 % NBG])
            else:
                nsl, nk = 0, c3 - 2 * GRP

                @pl.when(p < npair - 1)
                def _():
                    pltpu.async_copy(
                        table_hbm.at[sbuf.at[nsl, nk]],
                        gring.at[c3 % NBG], sg[c3 % NBG])
        return carry

    lax.fori_loop(0, npair, body, 0)

    for b in range(2):
        pltpu.make_async_copy(
            fstage.at[b], acc.at[dbuf.at[1, GRP - 1]], ss[b]).wait()
    plsc.subcore_barrier()
    pltpu.sync_copy(acc.at[pl.ds(s * RPT, RPT)],
                    part_hbm.at[c, pl.ds(s * RPT, RPT)])


def _final_body(p_ref, w_ref, deg_ref, b_ref, o_ref):
    a = p_ref[0] + p_ref[1]
    nr = lax.rsqrt(jnp.maximum(deg_ref[...], 1.0))
    o_ref[...] = (
        jnp.dot(a * nr, w_ref[...], preferred_element_type=jnp.float32,
                precision=lax.Precision.HIGHEST)
        + b_ref[...]
    )


def _final_pass(parts, W_perm, deg_in_col, bias_row):
    blk = NP // 8
    return pl.pallas_call(
        _final_body,
        grid=(8,),
        in_specs=[
            pl.BlockSpec((NC, blk, D), lambda i: (0, i, 0)),
            pl.BlockSpec((D, D), lambda i: (0, 0)),
            pl.BlockSpec((blk, 1), lambda i: (i, 0)),
            pl.BlockSpec((1, D), lambda i: (0, 0)),
        ],
        out_specs=pl.BlockSpec((blk, D), lambda i: (i, 0)),
        out_shape=jax.ShapeDtypeStruct((NP, D), jnp.float32),
    )(parts, W_perm, deg_in_col, bias_row)


def kernel(feat, edge_index, type_info, W, bias, weight_type):
    src = edge_index[0].astype(jnp.int32)
    dst = edge_index[1].astype(jnp.int32)
    pad = jnp.full((EPAD - E,), N, jnp.int32)
    src3 = jnp.concatenate([src, pad]).reshape(NW, NCH, CH)
    dst3 = jnp.concatenate([dst, pad]).reshape(NW, NCH, CH)

    feat_p = jnp.zeros((NP, D), jnp.float32).at[:N].set(feat)
    type_col = (
        jnp.zeros((NP,), jnp.int32).at[:N].set(type_info.astype(jnp.int32))
        .reshape(NP, 1)
    )
    wt_row = jnp.zeros((1, 128), jnp.float32).at[0, :4].set(weight_type)
    zero_blk = jnp.zeros((RPT, D), jnp.float32)

    hist = _deg_pass(src3, dst3)
    degs = _reduce_hist(hist)
    deg_out_col = degs[0].reshape(NP, 1)
    deg_in_col = degs[1].reshape(NP, 1)

    table = _scale_pass(feat_p, deg_out_col, type_col, wt_row)
    table = lax.bitcast_convert_type(
        table.reshape(NP, DH, 2), jnp.int32)
    parts = _agg_pass(table, src3, dst3, zero_blk)
    W_perm = W[jnp.asarray(_PERM), :]
    out_p = _final_pass(parts, W_perm, deg_in_col, bias.reshape(1, D))
    return out_p[:N]

# --- scband reference (transcript-rebuilt; emitter-appended) ---
"""Pipeline reference for scband-cdsearcher-56186762166823 (READ-ONLY COPY).

The authoritative reference and input builder live on the scoring server;
editing this copy changes nothing except your own understanding.
"""

import jax, jax.numpy as jnp
import numpy as np

N_NODES = 10000
N_EDGES = 320000
D_IN = 128
D_OUT = 128
NUM_TYPE = 4


def setup_inputs(seed: int = 0) -> dict:
    key = jax.random.key(seed)
    k1, k2, k3, k4 = jax.random.split(key, 4)
    feat = jax.random.normal(k1, (N_NODES, D_IN), dtype=jnp.float32)
    edge_index = jax.random.randint(k2, (2, N_EDGES), 0, N_NODES)
    type_info = jax.random.randint(k3, (N_NODES,), 0, NUM_TYPE)
    # learned params of REConv (xavier-uniform-like weight, zero bias, ones type weights)
    limit = float(np.sqrt(6.0 / (D_IN + D_OUT)))
    W = jax.random.uniform(k4, (D_IN, D_OUT), dtype=jnp.float32, minval=-limit, maxval=limit)
    bias = jnp.zeros((D_OUT,), dtype=jnp.float32)
    weight_type = jnp.ones((NUM_TYPE,), dtype=jnp.float32)
    return {"feat": feat, "edge_index": edge_index, "type_info": type_info,
            "W": W, "bias": bias, "weight_type": weight_type}


def reference(feat, edge_index, type_info, W, bias, weight_type):
    # REConv.forward with norm='both', copy_u + fn.sum aggregation
    n = feat.shape[0]
    src = edge_index[0]
    dst = edge_index[1]
    # left normalization: out-degree of source nodes
    deg_out = jnp.zeros((n,), dtype=jnp.float32).at[src].add(1.0)
    deg_out = jnp.clip(deg_out, 1.0, None)
    norm_l = deg_out ** -0.5
    h = feat * norm_l[:, None]
    # linear transform
    h = h @ W
    # per-node type reweighting (gather from weight_type by type id)
    h = h * weight_type[type_info][:, None]
    # message passing: gather source features, scatter-sum into dst
    msg = jnp.take(h, src, axis=0)
    rst = jax.ops.segment_sum(msg, dst, num_segments=n)
    # right normalization: in-degree of destination nodes
    deg_in = jnp.zeros((n,), dtype=jnp.float32).at[dst].add(1.0)
    deg_in = jnp.clip(deg_in, 1.0, None)
    norm_r = deg_in ** -0.5
    rst = rst * norm_r[:, None]
    rst = rst + bias
    return rst

if __name__ == "__main__":
    import jax
    _d = setup_inputs()
    print(jax.jit(kernel)(*tuple(_d.values())))

</pallas_src>

<mosaic_0001>
#map = affine_map<(d0, d1) -> (0, 0, 0)>
module attributes {stable_mosaic.version = 14 : i64} {
  func.func @_deg_pass(%arg0: i32, %arg1: i32, %arg2: memref<32x160x64xi32, #tpu.memory_space<hbm>>, %arg3: memref<32x160x64xi32, #tpu.memory_space<hbm>>, %arg4: memref<2x32x10240xf32, #tpu.memory_space<hbm>>, %arg5: memref<160x64xi32, #tpu.memory_space<vmem>>, %arg6: memref<160x64xi32, #tpu.memory_space<vmem>>, %arg7: memref<10240xf32, #tpu.memory_space<vmem>>, %arg8: memref<10240xf32, #tpu.memory_space<vmem>>) attributes {dimension_semantics = [#tpu.dimension_semantics<core_parallel>, #tpu.dimension_semantics<subcore_parallel>], iteration_bounds = array<i64: 2, 16>, scalar_prefetch = 0 : i64, scratch_operands = 4 : i64, tpu.core_type = #tpu.core_type<sc_vector_subcore>, window_params = [{transform_indices = #map}, {transform_indices = #map}, {transform_indices = #map}]} {
    %mul3A = arith.constant 2 : i32
    %mul3A_0 = arith.muli %arg1, %mul3A : i32
    %add3A = arith.addi %mul3A_0, %arg0 : i32
    "tpu.region"() ({
      %run_scoped3A_16 = tpu.sem_alloc : memref<!tpu.dma_semaphore, #tpu.memory_space<semaphore_mem>>
      %dma_start3A = arith.constant 0 : i32
      %dma_start3A_17 = arith.constant 0 : i32
      %dma_start3A_18 = tpu.memref_slice %arg2[%add3A, %dma_start3A, %dma_start3A_17] : memref<32x160x64xi32, #tpu.memory_space<hbm>> -> memref<1x160x64xi32, #tpu.memory_space<hbm>>
      %dma_start3A_19 = tpu.memref_squeeze %dma_start3A_18 : memref<1x160x64xi32, #tpu.memory_space<hbm>> -> memref<160x64xi32, #tpu.memory_space<hbm>>
      %dma_start3A_20 = arith.constant 0 : i32
      %dma_start3A_21 = arith.constant 0 : i32
      %dma_start3A_22 = tpu.memref_slice %arg2[%add3A, %dma_start3A_20, %dma_start3A_21] : memref<32x160x64xi32, #tpu.memory_space<hbm>> -> memref<1x160x64xi32, #tpu.memory_space<hbm>>
      %dma_start3A_23 = tpu.memref_squeeze %dma_start3A_22 : memref<1x160x64xi32, #tpu.memory_space<hbm>> -> memref<160x64xi32, #tpu.memory_space<hbm>>
      tpu.enqueue_dma source(%dma_start3A_23 : memref<160x64xi32, #tpu.memory_space<hbm>>) target(%arg5 : memref<160x64xi32, #tpu.memory_space<vmem>>) target_semaphore(%run_scoped3A_16 : memref<!tpu.dma_semaphore, #tpu.memory_space<semaphore_mem>>)
      %dma_wait3A = arith.constant 0 : i32
      %dma_wait3A_24 = arith.constant 0 : i32
      %dma_wait3A_25 = tpu.memref_slice %arg2[%add3A, %dma_wait3A, %dma_wait3A_24] : memref<32x160x64xi32, #tpu.memory_space<hbm>> -> memref<1x160x64xi32, #tpu.memory_space<hbm>>
      %dma_wait3A_26 = tpu.memref_squeeze %dma_wait3A_25 : memref<1x160x64xi32, #tpu.memory_space<hbm>> -> memref<160x64xi32, #tpu.memory_space<hbm>>
      %dma_wait3A_27 = arith.constant 0 : i32
      %dma_wait3A_28 = arith.constant 0 : i32
      %dma_wait3A_29 = tpu.memref_slice %arg2[%add3A, %dma_wait3A_27, %dma_wait3A_28] : memref<32x160x64xi32, #tpu.memory_space<hbm>> -> memref<1x160x64xi32, #tpu.memory_space<hbm>>
      %dma_wait3A_30 = tpu.memref_squeeze %dma_wait3A_29 : memref<1x160x64xi32, #tpu.memory_space<hbm>> -> memref<160x64xi32, #tpu.memory_space<hbm>>
      tpu.wait_dma2 semaphore(%run_scoped3A_16 : memref<!tpu.dma_semaphore, #tpu.memory_space<semaphore_mem>>) src(%dma_wait3A_30 : memref<160x64xi32, #tpu.memory_space<hbm>>) dst(%arg5 : memref<160x64xi32, #tpu.memory_space<vmem>>)
      tpu.yield
    }) : () -> ()
    "tpu.region"() ({
      %run_scoped3A_16 = tpu.sem_alloc : memref<!tpu.dma_semaphore, #tpu.memory_space<semaphore_mem>>
      %dma_start3A = arith.constant 0 : i32
      %dma_start3A_17 = arith.constant 0 : i32
      %dma_start3A_18 = tpu.memref_slice %arg3[%add3A, %dma_start3A, %dma_start3A_17] : memref<32x160x64xi32, #tpu.memory_space<hbm>> -> memref<1x160x64xi32, #tpu.memory_space<hbm>>
      %dma_start3A_19 = tpu.memref_squeeze %dma_start3A_18 : memref<1x160x64xi32, #tpu.memory_space<hbm>> -> memref<160x64xi32, #tpu.memory_space<hbm>>
      %dma_start3A_20 = arith.constant 0 : i32
      %dma_start3A_21 = arith.constant 0 : i32
      %dma_start3A_22 = tpu.memref_slice %arg3[%add3A, %dma_start3A_20, %dma_start3A_21] : memref<32x160x64xi32, #tpu.memory_space<hbm>> -> memref<1x160x64xi32, #tpu.memory_space<hbm>>
      %dma_start3A_23 = tpu.memref_squeeze %dma_start3A_22 : memref<1x160x64xi32, #tpu.memory_space<hbm>> -> memref<160x64xi32, #tpu.memory_space<hbm>>
      tpu.enqueue_dma source(%dma_start3A_23 : memref<160x64xi32, #tpu.memory_space<hbm>>) target(%arg6 : memref<160x64xi32, #tpu.memory_space<vmem>>) target_semaphore(%run_scoped3A_16 : memref<!tpu.dma_semaphore, #tpu.memory_space<semaphore_mem>>)
      %dma_wait3A = arith.constant 0 : i32
      %dma_wait3A_24 = arith.constant 0 : i32
      %dma_wait3A_25 = tpu.memref_slice %arg3[%add3A, %dma_wait3A, %dma_wait3A_24] : memref<32x160x64xi32, #tpu.memory_space<hbm>> -> memref<1x160x64xi32, #tpu.memory_space<hbm>>
      %dma_wait3A_26 = tpu.memref_squeeze %dma_wait3A_25 : memref<1x160x64xi32, #tpu.memory_space<hbm>> -> memref<160x64xi32, #tpu.memory_space<hbm>>
      %dma_wait3A_27 = arith.constant 0 : i32
      %dma_wait3A_28 = arith.constant 0 : i32
      %dma_wait3A_29 = tpu.memref_slice %arg3[%add3A, %dma_wait3A_27, %dma_wait3A_28] : memref<32x160x64xi32, #tpu.memory_space<hbm>> -> memref<1x160x64xi32, #tpu.memory_space<hbm>>
      %dma_wait3A_30 = tpu.memref_squeeze %dma_wait3A_29 : memref<1x160x64xi32, #tpu.memory_space<hbm>> -> memref<160x64xi32, #tpu.memory_space<hbm>>
      tpu.wait_dma2 semaphore(%run_scoped3A_16 : memref<!tpu.dma_semaphore, #tpu.memory_space<semaphore_mem>>) src(%dma_wait3A_30 : memref<160x64xi32, #tpu.memory_space<hbm>>) dst(%arg6 : memref<160x64xi32, #tpu.memory_space<vmem>>)
      tpu.yield
    }) : () -> ()
    %broadcast_in_dim3A = arith.constant 0.000000e+00 : f32
    %broadcast_in_dim3A_1 = vector.broadcast %broadcast_in_dim3A : f32 to vector<16xf32>
    %scan3A = arith.constant 0 : i32
    %scan3A_2 = arith.constant 0 : i32
    %scan3A_3 = arith.constant 640 : i32
    %scan3A_4 = arith.addi %scan3A_2, %scan3A_3 : i32
    %scan3A_5 = arith.constant 1 : i32
    scf.for %scan3A_16 = %scan3A_2 to %scan3A_4 step %scan3A_5  : i32 {
      %mul3A_17 = arith.constant 16 : i32
      %mul3A_18 = arith.muli %scan3A_16, %mul3A_17 : i32
      %swap3A = arith.index_cast %mul3A_18 : i32 to index
      %swap3A_19 = tpu.vector_load %arg7[%swap3A] {strides = array<i32>} : memref<10240xf32, #tpu.memory_space<vmem>>, vector<16xf32>,
      tpu.vector_store %arg7[%swap3A], %broadcast_in_dim3A_1 {strides = array<i32>} : memref<10240xf32, #tpu.memory_space<vmem>>, vector<16xf32>,
      %mul3A_20 = arith.constant 16 : i32
      %mul3A_21 = arith.muli %scan3A_16, %mul3A_20 : i32
      %swap3A_22 = arith.index_cast %mul3A_21 : i32 to index
      %swap3A_23 = tpu.vector_load %arg8[%swap3A_22] {strides = array<i32>} : memref<10240xf32, #tpu.memory_space<vmem>>, vector<16xf32>,
      tpu.vector_store %arg8[%swap3A_22], %broadcast_in_dim3A_1 {strides = array<i32>} : memref<10240xf32, #tpu.memory_space<vmem>>, vector<16xf32>,
    }
    %scan3A_6 = arith.constant 640 : i32
    %broadcast_in_dim3A_7 = arith.constant 1.000000e+00 : f32
    %broadcast_in_dim3A_8 = vector.broadcast %broadcast_in_dim3A_7 : f32 to vector<16xf32>
    %scan3A_9 = arith.constant 0 : i32
    %scan3A_10 = arith.constant 0 : i32
    %scan3A_11 = arith.constant 160 : i32
    %scan3A_12 = arith.addi %scan3A_10, %scan3A_11 : i32
    %scan3A_13 = arith.constant 1 : i32
    scf.for %scan3A_16 = %scan3A_10 to %scan3A_12 step %scan3A_13  : i32 {
      %get3A = arith.index_cast %scan3A_16 : i32 to index
      %get3A_17 = arith.constant 0 : index
      %get3A_18 = tpu.vector_load %arg5[%get3A, %get3A_17] {strides = array<i32>} : memref<160x64xi32, #tpu.memory_space<vmem>>, vector<16xi32>,
      %get3A_19 = arith.index_cast %scan3A_16 : i32 to index
      %get3A_20 = arith.constant 0 : index
      %get3A_21 = tpu.vector_load %arg6[%get3A_19, %get3A_20] {strides = array<i32>} : memref<160x64xi32, #tpu.memory_space<vmem>>, vector<16xi32>,
      tpu.vector_store_idx %arg7[%get3A_18], %broadcast_in_dim3A_8 {add = true} : memref<10240xf32, #tpu.memory_space<vmem>>[vector<16xi32>], vector<16xf32>,
      tpu.vector_store_idx %arg8[%get3A_21], %broadcast_in_dim3A_8 {add = true} : memref<10240xf32, #tpu.memory_space<vmem>>[vector<16xi32>], vector<16xf32>,
      %get3A_22 = arith.index_cast %scan3A_16 : i32 to index
      %get3A_23 = arith.constant 16 : index
      %get3A_24 = tpu.vector_load %arg5[%get3A_22, %get3A_23] {strides = array<i32>} : memref<160x64xi32, #tpu.memory_space<vmem>>, vector<16xi32>,
      %get3A_25 = arith.index_cast %scan3A_16 : i32 to index
      %get3A_26 = arith.constant 16 : index
      %get3A_27 = tpu.vector_load %arg6[%get3A_25, %get3A_26] {strides = array<i32>} : memref<160x64xi32, #tpu.memory_space<vmem>>, vector<16xi32>,
      tpu.vector_store_idx %arg7[%get3A_24], %broadcast_in_dim3A_8 {add = true} : memref<10240xf32, #tpu.memory_space<vmem>>[vector<16xi32>], vector<16xf32>,
      tpu.vector_store_idx %arg8[%get3A_27], %broadcast_in_dim3A_8 {add = true} : memref<10240xf32, #tpu.memory_space<vmem>>[vector<16xi32>], vector<16xf32>,
      %get3A_28 = arith.index_cast %scan3A_16 : i32 to index
      %get3A_29 = arith.constant 32 : index
      %get3A_30 = tpu.vector_load %arg5[%get3A_28, %get3A_29] {strides = array<i32>} : memref<160x64xi32, #tpu.memory_space<vmem>>, vector<16xi32>,
      %get3A_31 = arith.index_cast %scan3A_16 : i32 to index
      %get3A_32 = arith.constant 32 : index
      %get3A_33 = tpu.vector_load %arg6[%get3A_31, %get3A_32] {strides = array<i32>} : memref<160x64xi32, #tpu.memory_space<vmem>>, vector<16xi32>,
      tpu.vector_store_idx %arg7[%get3A_30], %broadcast_in_dim3A_8 {add = true} : memref<10240xf32, #tpu.memory_space<vmem>>[vector<16xi32>], vector<16xf32>,
      tpu.vector_store_idx %arg8[%get3A_33], %broadcast_in_dim3A_8 {add = true} : memref<10240xf32, #tpu.memory_space<vmem>>[vector<16xi32>], vector<16xf32>,
      %get3A_34 = arith.index_cast %scan3A_16 : i32 to index
      %get3A_35 = arith.constant 48 : index
      %get3A_36 = tpu.vector_load %arg5[%get3A_34, %get3A_35] {strides = array<i32>} : memref<160x64xi32, #tpu.memory_space<vmem>>, vector<16xi32>,
      %get3A_37 = arith.index_cast %scan3A_16 : i32 to index
      %get3A_38 = arith.constant 48 : index
      %get3A_39 = tpu.vector_load %arg6[%get3A_37, %get3A_38] {strides = array<i32>} : memref<160x64xi32, #tpu.memory_space<vmem>>, vector<16xi32>,
      tpu.vector_store_idx %arg7[%get3A_36], %broadcast_in_dim3A_8 {add = true} : memref<10240xf32, #tpu.memory_space<vmem>>[vector<16xi32>], vector<16xf32>,
      tpu.vector_store_idx %arg8[%get3A_39], %broadcast_in_dim3A_8 {add = true} : memref<10240xf32, #tpu.memory_space<vmem>>[vector<16xi32>], vector<16xf32>,
    }
    %scan3A_14 = arith.constant 160 : i32
    %run_scoped3A = arith.constant 0 : i32
    "tpu.region"() ({
      %run_scoped3A_16 = tpu.sem_alloc : memref<!tpu.dma_semaphore, #tpu.memory_space<semaphore_mem>>
      %dma_start3A = arith.constant 0 : i32
      %dma_start3A_17 = tpu.memref_slice %arg4[%run_scoped3A, %add3A, %dma_start3A] : memref<2x32x10240xf32, #tpu.memory_space<hbm>> -> memref<1x1x10240xf32, #tpu.memory_space<hbm>>
      %dma_start3A_18 = tpu.memref_squeeze %dma_start3A_17 : memref<1x1x10240xf32, #tpu.memory_space<hbm>> -> memref<10240xf32, #tpu.memory_space<hbm>>
      %dma_start3A_19 = arith.constant 0 : i32
      %dma_start3A_20 = tpu.memref_slice %arg4[%run_scoped3A, %add3A, %dma_start3A_19] : memref<2x32x10240xf32, #tpu.memory_space<hbm>> -> memref<1x1x10240xf32, #tpu.memory_space<hbm>>
      %dma_start3A_21 = tpu.memref_squeeze %dma_start3A_20 : memref<1x1x10240xf32, #tpu.memory_space<hbm>> -> memref<10240xf32, #tpu.memory_space<hbm>>
      tpu.enqueue_dma source(%arg7 : memref<10240xf32, #tpu.memory_space<vmem>>) target(%dma_start3A_21 : memref<10240xf32, #tpu.memory_space<hbm>>) target_semaphore(%run_scoped3A_16 : memref<!tpu.dma_semaphore, #tpu.memory_space<semaphore_mem>>)
      %dma_wait3A = arith.constant 0 : i32
      %dma_wait3A_22 = tpu.memref_slice %arg4[%run_scoped3A, %add3A, %dma_wait3A] : memref<2x32x10240xf32, #tpu.memory_space<hbm>> -> memref<1x1x10240xf32, #tpu.memory_space<hbm>>
      %dma_wait3A_23 = tpu.memref_squeeze %dma_wait3A_22 : memref<1x1x10240xf32, #tpu.memory_space<hbm>> -> memref<10240xf32, #tpu.memory_space<hbm>>
      %dma_wait3A_24 = arith.constant 0 : i32
      %dma_wait3A_25 = tpu.memref_slice %arg4[%run_scoped3A, %add3A, %dma_wait3A_24] : memref<2x32x10240xf32, #tpu.memory_space<hbm>> -> memref<1x1x10240xf32, #tpu.memory_space<hbm>>
      %dma_wait3A_26 = tpu.memref_squeeze %dma_wait3A_25 : memref<1x1x10240xf32, #tpu.memory_space<hbm>> -> memref<10240xf32, #tpu.memory_space<hbm>>
      tpu.wait_dma2 semaphore(%run_scoped3A_16 : memref<!tpu.dma_semaphore, #tpu.memory_space<semaphore_mem>>) src(%arg7 : memref<10240xf32, #tpu.memory_space<vmem>>) dst(%dma_wait3A_26 : memref<10240xf32, #tpu.memory_space<hbm>>)
      tpu.yield
    }) : () -> ()
    %run_scoped3A_15 = arith.constant 1 : i32
    "tpu.region"() ({
      %run_scoped3A_16 = tpu.sem_alloc : memref<!tpu.dma_semaphore, #tpu.memory_space<semaphore_mem>>
      %dma_start3A = arith.constant 0 : i32
      %dma_start3A_17 = tpu.memref_slice %arg4[%run_scoped3A_15, %add3A, %dma_start3A] : memref<2x32x10240xf32, #tpu.memory_space<hbm>> -> memref<1x1x10240xf32, #tpu.memory_space<hbm>>
      %dma_start3A_18 = tpu.memref_squeeze %dma_start3A_17 : memref<1x1x10240xf32, #tpu.memory_space<hbm>> -> memref<10240xf32, #tpu.memory_space<hbm>>
      %dma_start3A_19 = arith.constant 0 : i32
      %dma_start3A_20 = tpu.memref_slice %arg4[%run_scoped3A_15, %add3A, %dma_start3A_19] : memref<2x32x10240xf32, #tpu.memory_space<hbm>> -> memref<1x1x10240xf32, #tpu.memory_space<hbm>>
      %dma_start3A_21 = tpu.memref_squeeze %dma_start3A_20 : memref<1x1x10240xf32, #tpu.memory_space<hbm>> -> memref<10240xf32, #tpu.memory_space<hbm>>
      tpu.enqueue_dma source(%arg8 : memref<10240xf32, #tpu.memory_space<vmem>>) target(%dma_start3A_21 : memref<10240xf32, #tpu.memory_space<hbm>>) target_semaphore(%run_scoped3A_16 : memref<!tpu.dma_semaphore, #tpu.memory_space<semaphore_mem>>)
      %dma_wait3A = arith.constant 0 : i32
      %dma_wait3A_22 = tpu.memref_slice %arg4[%run_scoped3A_15, %add3A, %dma_wait3A] : memref<2x32x10240xf32, #tpu.memory_space<hbm>> -> memref<1x1x10240xf32, #tpu.memory_space<hbm>>
      %dma_wait3A_23 = tpu.memref_squeeze %dma_wait3A_22 : memref<1x1x10240xf32, #tpu.memory_space<hbm>> -> memref<10240xf32, #tpu.memory_space<hbm>>
      %dma_wait3A_24 = arith.constant 0 : i32
      %dma_wait3A_25 = tpu.memref_slice %arg4[%run_scoped3A_15, %add3A, %dma_wait3A_24] : memref<2x32x10240xf32, #tpu.memory_space<hbm>> -> memref<1x1x10240xf32, #tpu.memory_space<hbm>>
      %dma_wait3A_26 = tpu.memref_squeeze %dma_wait3A_25 : memref<1x1x10240xf32, #tpu.memory_space<hbm>> -> memref<10240xf32, #tpu.memory_space<hbm>>
      tpu.wait_dma2 semaphore(%run_scoped3A_16 : memref<!tpu.dma_semaphore, #tpu.memory_space<semaphore_mem>>) src(%arg8 : memref<10240xf32, #tpu.memory_space<vmem>>) dst(%dma_wait3A_26 : memref<10240xf32, #tpu.memory_space<hbm>>)
      tpu.yield
    }) : () -> ()
    return
  }
}

#map = affine_map<(d0, d1) -> (0, 0)>
#map1 = affine_map<(d0, d1) -> (0, 0, 0)>
module attributes {stable_mosaic.version = 14 : i64} {
  func.func @_agg_pass(%arg0: i32, %arg1: i32, %arg2: memref<10240x64xi32, #tpu.memory_space<hbm>>, %arg3: memref<32x160x64xi32, #tpu.memory_space<hbm>>, %arg4: memref<32x160x64xi32, #tpu.memory_space<hbm>>, %arg5: memref<640x128xf32, #tpu.memory_space<hbm>>, %arg6: memref<2x10240x128xf32, #tpu.memory_space<hbm>>, %arg7: memref<2x8x64xi32, #tpu.memory_space<vmem>>, %arg8: memref<2x8x64xi32, #tpu.memory_space<vmem>>, %arg9: memref<4x64x64xi32, #tpu.memory_space<vmem>>, %arg10: memref<2x64x128xf32, #tpu.memory_space<vmem>>, %arg11: memref<10240x128xf32, #tpu.memory_space<vmem_shared>>, %arg12: memref<!tpu.dma_semaphore, #tpu.memory_space<semaphore_mem>>, %arg13: memref<!tpu.dma_semaphore, #tpu.memory_space<semaphore_mem>>, %arg14: memref<!tpu.dma_semaphore, #tpu.memory_space<semaphore_mem>>, %arg15: memref<!tpu.dma_semaphore, #tpu.memory_space<semaphore_mem>>, %arg16: memref<!tpu.dma_semaphore, #tpu.memory_space<semaphore_mem>>, %arg17: memref<!tpu.dma_semaphore, #tpu.memory_space<semaphore_mem>>, %arg18: memref<!tpu.dma_semaphore, #tpu.memory_space<semaphore_mem>>, %arg19: memref<!tpu.dma_semaphore, #tpu.memory_space<semaphore_mem>>) attributes {dimension_semantics = [#tpu.dimension_semantics<core_parallel>, #tpu.dimension_semantics<subcore_parallel>], iteration_bounds = array<i64: 2, 16>, scalar_prefetch = 0 : i64, scratch_operands = 13 : i64, tpu.core_type = #tpu.core_type<sc_vector_subcore>, window_params = [{transform_indices = #map}, {transform_indices = #map1}, {transform_indices = #map1}, {transform_indices = #map}, {transform_indices = #map1}]} {
    %mul3A = arith.constant 2 : i32
    %mul3A_0 = arith.muli %arg1, %mul3A : i32
    %add3A = arith.addi %mul3A_0, %arg0 : i32
    %mul3A_1 = arith.constant 640 : i32
    %mul3A_2 = arith.muli %arg1, %mul3A_1 : i32
    "tpu.region"() ({
      %run_scoped3A_77 = tpu.sem_alloc : memref<!tpu.dma_semaphore, #tpu.memory_space<semaphore_mem>>
      %dma_start3A_78 = arith.constant 0 : i32
      %dma_start3A_79 = tpu.memref_slice %arg11[%mul3A_2, %dma_start3A_78] : memref<10240x128xf32, #tpu.memory_space<vmem_shared>> -> memref<640x128xf32, #tpu.memory_space<vmem_shared>>
      tpu.enqueue_dma source(%arg5 : memref<640x128xf32, #tpu.memory_space<hbm>>) target(%dma_start3A_79 : memref<640x128xf32, #tpu.memory_space<vmem_shared>>) target_semaphore(%run_scoped3A_77 : memref<!tpu.dma_semaphore, #tpu.memory_space<semaphore_mem>>)
      %dma_wait3A_80 = arith.constant 0 : i32
      %dma_wait3A_81 = tpu.memref_slice %arg11[%mul3A_2, %dma_wait3A_80] : memref<10240x128xf32, #tpu.memory_space<vmem_shared>> -> memref<640x128xf32, #tpu.memory_space<vmem_shared>>
      tpu.wait_dma2 semaphore(%run_scoped3A_77 : memref<!tpu.dma_semaphore, #tpu.memory_space<semaphore_mem>>) src(%arg5 : memref<640x128xf32, #tpu.memory_space<hbm>>) dst(%dma_wait3A_81 : memref<640x128xf32, #tpu.memory_space<vmem_shared>>)
      tpu.yield
    }) : () -> ()
    %run_scoped3A = arith.constant 0 : i32
    "tpu.region"() ({
      %run_scoped3A_77 = tpu.sem_alloc : memref<!tpu.dma_semaphore, #tpu.memory_space<semaphore_mem>>
      %dma_start3A_78 = arith.constant 0 : i32
      %dma_start3A_79 = arith.constant 0 : i32
      %dma_start3A_80 = tpu.memref_slice %arg7[%run_scoped3A, %dma_start3A_78, %dma_start3A_79] : memref<2x8x64xi32, #tpu.memory_space<vmem>> -> memref<1x8x64xi32, #tpu.memory_space<vmem>>
      %dma_start3A_81 = tpu.memref_squeeze %dma_start3A_80 : memref<1x8x64xi32, #tpu.memory_space<vmem>> -> memref<8x64xi32, #tpu.memory_space<vmem>>
      %dma_start3A_82 = arith.constant 0 : i32
      %dma_start3A_83 = arith.constant 0 : i32
      %dma_start3A_84 = tpu.memref_slice %arg3[%add3A, %dma_start3A_82, %dma_start3A_83] : memref<32x160x64xi32, #tpu.memory_space<hbm>> -> memref<1x8x64xi32, #tpu.memory_space<hbm>>
      %dma_start3A_85 = tpu.memref_squeeze %dma_start3A_84 : memref<1x8x64xi32, #tpu.memory_space<hbm>> -> memref<8x64xi32, #tpu.memory_space<hbm>>
      %dma_start3A_86 = arith.constant 0 : i32
      %dma_start3A_87 = arith.constant 0 : i32
      %dma_start3A_88 = tpu.memref_slice %arg7[%run_scoped3A, %dma_start3A_86, %dma_start3A_87] : memref<2x8x64xi32, #tpu.memory_space<vmem>> -> memref<1x8x64xi32, #tpu.memory_space<vmem>>
      %dma_start3A_89 = tpu.memref_squeeze %dma_start3A_88 : memref<1x8x64xi32, #tpu.memory_space<vmem>> -> memref<8x64xi32, #tpu.memory_space<vmem>>
      %dma_start3A_90 = arith.constant 0 : i32
      %dma_start3A_91 = arith.constant 0 : i32
      %dma_start3A_92 = tpu.memref_slice %arg3[%add3A, %dma_start3A_90, %dma_start3A_91] : memref<32x160x64xi32, #tpu.memory_space<hbm>> -> memref<1x8x64xi32, #tpu.memory_space<hbm>>
      %dma_start3A_93 = tpu.memref_squeeze %dma_start3A_92 : memref<1x8x64xi32, #tpu.memory_space<hbm>> -> memref<8x64xi32, #tpu.memory_space<hbm>>
      tpu.enqueue_dma source(%dma_start3A_93 : memref<8x64xi32, #tpu.memory_space<hbm>>) target(%dma_start3A_89 : memref<8x64xi32, #tpu.memory_space<vmem>>) target_semaphore(%run_scoped3A_77 : memref<!tpu.dma_semaphore, #tpu.memory_space<semaphore_mem>>)
      %dma_wait3A_94 = arith.constant 0 : i32
      %dma_wait3A_95 = arith.constant 0 : i32
      %dma_wait3A_96 = tpu.memref_slice %arg7[%run_scoped3A, %dma_wait3A_94, %dma_wait3A_95] : memref<2x8x64xi32, #tpu.memory_space<vmem>> -> memref<1x8x64xi32, #tpu.memory_space<vmem>>
      %dma_wait3A_97 = tpu.memref_squeeze %dma_wait3A_96 : memref<1x8x64xi32, #tpu.memory_space<vmem>> -> memref<8x64xi32, #tpu.memory_space<vmem>>
      %dma_wait3A_98 = arith.constant 0 : i32
      %dma_wait3A_99 = arith.constant 0 : i32
      %dma_wait3A_100 = tpu.memref_slice %arg3[%add3A, %dma_wait3A_98, %dma_wait3A_99] : memref<32x160x64xi32, #tpu.memory_space<hbm>> -> memref<1x8x64xi32, #tpu.memory_space<hbm>>
      %dma_wait3A_101 = tpu.memref_squeeze %dma_wait3A_100 : memref<1x8x64xi32, #tpu.memory_space<hbm>> -> memref<8x64xi32, #tpu.memory_space<hbm>>
      %dma_wait3A_102 = arith.constant 0 : i32
      %dma_wait3A_103 = arith.constant 0 : i32
      %dma_wait3A_104 = tpu.memref_slice %arg7[%run_scoped3A, %dma_wait3A_102, %dma_wait3A_103] : memref<2x8x64xi32, #tpu.memory_space<vmem>> -> memref<1x8x64xi32, #tpu.memory_space<vmem>>
      %dma_wait3A_105 = tpu.memref_squeeze %dma_wait3A_104 : memref<1x8x64xi32, #tpu.memory_space<vmem>> -> memref<8x64xi32, #tpu.memory_space<vmem>>
      %dma_wait3A_106 = arith.constant 0 : i32
      %dma_wait3A_107 = arith.constant 0 : i32
      %dma_wait3A_108 = tpu.memref_slice %arg3[%add3A, %dma_wait3A_106, %dma_wait3A_107] : memref<32x160x64xi32, #tpu.memory_space<hbm>> -> memref<1x8x64xi32, #tpu.memory_space<hbm>>
      %dma_wait3A_109 = tpu.memref_squeeze %dma_wait3A_108 : memref<1x8x64xi32, #tpu.memory_space<hbm>> -> memref<8x64xi32, #tpu.memory_space<hbm>>
      tpu.wait_dma2 semaphore(%run_scoped3A_77 : memref<!tpu.dma_semaphore, #tpu.memory_space<semaphore_mem>>) src(%dma_wait3A_109 : memref<8x64xi32, #tpu.memory_space<hbm>>) dst(%dma_wait3A_105 : memref<8x64xi32, #tpu.memory_space<vmem>>)
      tpu.yield
    }) : () -> ()
    %run_scoped3A_3 = arith.constant 0 : i32
    "tpu.region"() ({
      %run_scoped3A_77 = tpu.sem_alloc : memref<!tpu.dma_semaphore, #tpu.memory_space<semaphore_mem>>
      %dma_start3A_78 = arith.constant 0 : i32
      %dma_start3A_79 = arith.constant 0 : i32
      %dma_start3A_80 = tpu.memref_slice %arg8[%run_scoped3A_3, %dma_start3A_78, %dma_start3A_79] : memref<2x8x64xi32, #tpu.memory_space<vmem>> -> memref<1x8x64xi32, #tpu.memory_space<vmem>>
      %dma_start3A_81 = tpu.memref_squeeze %dma_start3A_80 : memref<1x8x64xi32, #tpu.memory_space<vmem>> -> memref<8x64xi32, #tpu.memory_space<vmem>>
      %dma_start3A_82 = arith.constant 0 : i32
      %dma_start3A_83 = arith.constant 0 : i32
      %dma_start3A_84 = tpu.memref_slice %arg4[%add3A, %dma_start3A_82, %dma_start3A_83] : memref<32x160x64xi32, #tpu.memory_space<hbm>> -> memref<1x8x64xi32, #tpu.memory_space<hbm>>
      %dma_start3A_85 = tpu.memref_squeeze %dma_start3A_84 : memref<1x8x64xi32, #tpu.memory_space<hbm>> -> memref<8x64xi32, #tpu.memory_space<hbm>>
      %dma_start3A_86 = arith.constant 0 : i32
      %dma_start3A_87 = arith.constant 0 : i32
      %dma_start3A_88 = tpu.memref_slice %arg8[%run_scoped3A_3, %dma_start3A_86, %dma_start3A_87] : memref<2x8x64xi32, #tpu.memory_space<vmem>> -> memref<1x8x64xi32, #tpu.memory_space<vmem>>
      %dma_start3A_89 = tpu.memref_squeeze %dma_start3A_88 : memref<1x8x64xi32, #tpu.memory_space<vmem>> -> memref<8x64xi32, #tpu.memory_space<vmem>>
      %dma_start3A_90 = arith.constant 0 : i32
      %dma_start3A_91 = arith.constant 0 : i32
      %dma_start3A_92 = tpu.memref_slice %arg4[%add3A, %dma_start3A_90, %dma_start3A_91] : memref<32x160x64xi32, #tpu.memory_space<hbm>> -> memref<1x8x64xi32, #tpu.memory_space<hbm>>
      %dma_start3A_93 = tpu.memref_squeeze %dma_start3A_92 : memref<1x8x64xi32, #tpu.memory_space<hbm>> -> memref<8x64xi32, #tpu.memory_space<hbm>>
      tpu.enqueue_dma source(%dma_start3A_93 : memref<8x64xi32, #tpu.memory_space<hbm>>) target(%dma_start3A_89 : memref<8x64xi32, #tpu.memory_space<vmem>>) target_semaphore(%run_scoped3A_77 : memref<!tpu.dma_semaphore, #tpu.memory_space<semaphore_mem>>)
      %dma_wait3A_94 = arith.constant 0 : i32
      %dma_wait3A_95 = arith.constant 0 : i32
      %dma_wait3A_96 = tpu.memref_slice %arg8[%run_scoped3A_3, %dma_wait3A_94, %dma_wait3A_95] : memref<2x8x64xi32, #tpu.memory_space<vmem>> -> memref<1x8x64xi32, #tpu.memory_space<vmem>>
      %dma_wait3A_97 = tpu.memref_squeeze %dma_wait3A_96 : memref<1x8x64xi32, #tpu.memory_space<vmem>> -> memref<8x64xi32, #tpu.memory_space<vmem>>
      %dma_wait3A_98 = arith.constant 0 : i32
      %dma_wait3A_99 = arith.constant 0 : i32
      %dma_wait3A_100 = tpu.memref_slice %arg4[%add3A, %dma_wait3A_98, %dma_wait3A_99] : memref<32x160x64xi32, #tpu.memory_space<hbm>> -> memref<1x8x64xi32, #tpu.memory_space<hbm>>
      %dma_wait3A_101 = tpu.memref_squeeze %dma_wait3A_100 : memref<1x8x64xi32, #tpu.memory_space<hbm>> -> memref<8x64xi32, #tpu.memory_space<hbm>>
      %dma_wait3A_102 = arith.constant 0 : i32
      %dma_wait3A_103 = arith.constant 0 : i32
      %dma_wait3A_104 = tpu.memref_slice %arg8[%run_scoped3A_3, %dma_wait3A_102, %dma_wait3A_103] : memref<2x8x64xi32, #tpu.memory_space<vmem>> -> memref<1x8x64xi32, #tpu.memory_space<vmem>>
      %dma_wait3A_105 = tpu.memref_squeeze %dma_wait3A_104 : memref<1x8x64xi32, #tpu.memory_space<vmem>> -> memref<8x64xi32, #tpu.memory_space<vmem>>
      %dma_wait3A_106 = arith.constant 0 : i32
      %dma_wait3A_107 = arith.constant 0 : i32
      %dma_wait3A_108 = tpu.memref_slice %arg4[%add3A, %dma_wait3A_106, %dma_wait3A_107] : memref<32x160x64xi32, #tpu.memory_space<hbm>> -> memref<1x8x64xi32, #tpu.memory_space<hbm>>
      %dma_wait3A_109 = tpu.memref_squeeze %dma_wait3A_108 : memref<1x8x64xi32, #tpu.memory_space<hbm>> -> memref<8x64xi32, #tpu.memory_space<hbm>>
      tpu.wait_dma2 semaphore(%run_scoped3A_77 : memref<!tpu.dma_semaphore, #tpu.memory_space<semaphore_mem>>) src(%dma_wait3A_109 : memref<8x64xi32, #tpu.memory_space<hbm>>) dst(%dma_wait3A_105 : memref<8x64xi32, #tpu.memory_space<vmem>>)
      tpu.yield
    }) : () -> ()
    %barrier3A = arith.constant 0 : index
    tpu.barrier barrier_id(%barrier3A)
    %dma_start3A = arith.constant 0 : i32
    %dma_start3A_4 = arith.constant 0 : i32
    %dma_start3A_5 = arith.constant 0 : i32
    %dma_start3A_6 = arith.constant 0 : i32
    %dma_start3A_7 = arith.constant 0 : i32
    %dma_start3A_8 = tpu.memref_slice %arg9[%dma_start3A_5, %dma_start3A_6, %dma_start3A_7] : memref<4x64x64xi32, #tpu.memory_space<vmem>> -> memref<1x64x64xi32, #tpu.memory_space<vmem>>
    %dma_start3A_9 = tpu.memref_squeeze %dma_start3A_8 : memref<1x64x64xi32, #tpu.memory_space<vmem>> -> memref<64x64xi32, #tpu.memory_space<vmem>>
    %dma_start3A_10 = arith.constant 0 : i32
    %dma_start3A_11 = tpu.memref_slice %arg7[%dma_start3A, %dma_start3A_4, %dma_start3A_10] : memref<2x8x64xi32, #tpu.memory_space<vmem>> -> memref<1x1x64xi32, #tpu.memory_space<vmem>>
    %dma_start3A_12 = tpu.memref_squeeze %dma_start3A_11 : memref<1x1x64xi32, #tpu.memory_space<vmem>> -> memref<64xi32, #tpu.memory_space<vmem>>
    %dma_start3A_13 = arith.constant 0 : i32
    %dma_start3A_14 = arith.constant 0 : i32
    %dma_start3A_15 = tpu.memref_slice %arg2[%dma_start3A_13, %dma_start3A_14] : memref<10240x64xi32, #tpu.memory_space<hbm>> -> memref<10240x64xi32, #tpu.memory_space<hbm>>
    tpu.enqueue_indirect_dma source(%dma_start3A_15 : memref<10240x64xi32, #tpu.memory_space<hbm>>) target(%dma_start3A_9 : memref<64x64xi32, #tpu.memory_space<vmem>>) offsets(%dma_start3A_12 : memref<64xi32, #tpu.memory_space<vmem>>) semaphore(%arg12 : memref<!tpu.dma_semaphore, #tpu.memory_space<semaphore_mem>>)
    %dma_start3A_16 = arith.constant 0 : i32
    %dma_start3A_17 = arith.constant 1 : i32
    %dma_start3A_18 = arith.constant 1 : i32
    %dma_start3A_19 = arith.constant 0 : i32
    %dma_start3A_20 = arith.constant 0 : i32
    %dma_start3A_21 = tpu.memref_slice %arg9[%dma_start3A_18, %dma_start3A_19, %dma_start3A_20] : memref<4x64x64xi32, #tpu.memory_space<vmem>> -> memref<1x64x64xi32, #tpu.memory_space<vmem>>
    %dma_start3A_22 = tpu.memref_squeeze %dma_start3A_21 : memref<1x64x64xi32, #tpu.memory_space<vmem>> -> memref<64x64xi32, #tpu.memory_space<vmem>>
    %dma_start3A_23 = arith.constant 0 : i32
    %dma_start3A_24 = tpu.memref_slice %arg7[%dma_start3A_16, %dma_start3A_17, %dma_start3A_23] : memref<2x8x64xi32, #tpu.memory_space<vmem>> -> memref<1x1x64xi32, #tpu.memory_space<vmem>>
    %dma_start3A_25 = tpu.memref_squeeze %dma_start3A_24 : memref<1x1x64xi32, #tpu.memory_space<vmem>> -> memref<64xi32, #tpu.memory_space<vmem>>
    %dma_start3A_26 = arith.constant 0 : i32
    %dma_start3A_27 = arith.constant 0 : i32
    %dma_start3A_28 = tpu.memref_slice %arg2[%dma_start3A_26, %dma_start3A_27] : memref<10240x64xi32, #tpu.memory_space<hbm>> -> memref<10240x64xi32, #tpu.memory_space<hbm>>
    tpu.enqueue_indirect_dma source(%dma_start3A_28 : memref<10240x64xi32, #tpu.memory_space<hbm>>) target(%dma_start3A_22 : memref<64x64xi32, #tpu.memory_space<vmem>>) offsets(%dma_start3A_25 : memref<64xi32, #tpu.memory_space<vmem>>) semaphore(%arg13 : memref<!tpu.dma_semaphore, #tpu.memory_space<semaphore_mem>>)
    %dma_start3A_29 = arith.constant 0 : i32
    %dma_start3A_30 = arith.constant 2 : i32
    %dma_start3A_31 = arith.constant 2 : i32
    %dma_start3A_32 = arith.constant 0 : i32
    %dma_start3A_33 = arith.constant 0 : i32
    %dma_start3A_34 = tpu.memref_slice %arg9[%dma_start3A_31, %dma_start3A_32, %dma_start3A_33] : memref<4x64x64xi32, #tpu.memory_space<vmem>> -> memref<1x64x64xi32, #tpu.memory_space<vmem>>
    %dma_start3A_35 = tpu.memref_squeeze %dma_start3A_34 : memref<1x64x64xi32, #tpu.memory_space<vmem>> -> memref<64x64xi32, #tpu.memory_space<vmem>>
    %dma_start3A_36 = arith.constant 0 : i32
    %dma_start3A_37 = tpu.memref_slice %arg7[%dma_start3A_29, %dma_start3A_30, %dma_start3A_36] : memref<2x8x64xi32, #tpu.memory_space<vmem>> -> memref<1x1x64xi32, #tpu.memory_space<vmem>>
    %dma_start3A_38 = tpu.memref_squeeze %dma_start3A_37 : memref<1x1x64xi32, #tpu.memory_space<vmem>> -> memref<64xi32, #tpu.memory_space<vmem>>
    %dma_start3A_39 = arith.constant 0 : i32
    %dma_start3A_40 = arith.constant 0 : i32
    %dma_start3A_41 = tpu.memref_slice %arg2[%dma_start3A_39, %dma_start3A_40] : memref<10240x64xi32, #tpu.memory_space<hbm>> -> memref<10240x64xi32, #tpu.memory_space<hbm>>
    tpu.enqueue_indirect_dma source(%dma_start3A_41 : memref<10240x64xi32, #tpu.memory_space<hbm>>) target(%dma_start3A_35 : memref<64x64xi32, #tpu.memory_space<vmem>>) offsets(%dma_start3A_38 : memref<64xi32, #tpu.memory_space<vmem>>) semaphore(%arg14 : memref<!tpu.dma_semaphore, #tpu.memory_space<semaphore_mem>>)
    %scan3A = arith.constant 0 : i32
    %scan3A_42 = arith.constant 0 : i32
    %scan3A_43 = arith.constant 10 : i32
    %scan3A_44 = arith.addi %scan3A_42, %scan3A_43 : i32
    %scan3A_45 = arith.constant 1 : i32
    scf.for %scan3A_77 = %scan3A_42 to %scan3A_44 step %scan3A_45  : i32 {
      %mul3A_78 = arith.constant 2 : i32
      %mul3A_79 = arith.muli %scan3A_77, %mul3A_78 : i32
      %mul3A_80 = arith.constant 8 : i32
      %mul3A_81 = arith.muli %mul3A_79, %mul3A_80 : i32
      %add3A_82 = arith.constant 8 : i32
      %add3A_83 = arith.addi %mul3A_81, %add3A_82 : i32
      %dma_start3A_84 = arith.constant 1 : i32
      %dma_start3A_85 = arith.constant 0 : i32
      %dma_start3A_86 = arith.constant 0 : i32
      %dma_start3A_87 = tpu.memref_slice %arg7[%dma_start3A_84, %dma_start3A_85, %dma_start3A_86] : memref<2x8x64xi32, #tpu.memory_space<vmem>> -> memref<1x8x64xi32, #tpu.memory_space<vmem>>
      %dma_start3A_88 = tpu.memref_squeeze %dma_start3A_87 : memref<1x8x64xi32, #tpu.memory_space<vmem>> -> memref<8x64xi32, #tpu.memory_space<vmem>>
      %dma_start3A_89 = arith.constant 0 : i32
      %dma_start3A_90 = tpu.memref_slice %arg3[%add3A, %add3A_83, %dma_start3A_89] : memref<32x160x64xi32, #tpu.memory_space<hbm>> -> memref<1x8x64xi32, #tpu.memory_space<hbm>>
      %dma_start3A_91 = tpu.memref_squeeze %dma_start3A_90 : memref<1x8x64xi32, #tpu.memory_space<hbm>> -> memref<8x64xi32, #tpu.memory_space<hbm>>
      %dma_start3A_92 = arith.constant 0 : i32
      %dma_start3A_93 = arith.constant 0 : i32
      %dma_start3A_94 = tpu.memref_slice %arg7[%dma_start3A_84, %dma_start3A_92, %dma_start3A_93] : memref<2x8x64xi32, #tpu.memory_space<vmem>> -> memref<1x8x64xi32, #tpu.memory_space<vmem>>
      %dma_start3A_95 = tpu.memref_squeeze %dma_start3A_94 : memref<1x8x64xi32, #tpu.memory_space<vmem>> -> memref<8x64xi32, #tpu.memory_space<vmem>>
      %dma_start3A_96 = arith.constant 0 : i32
      %dma_start3A_97 = tpu.memref_slice %arg3[%add3A, %add3A_83, %dma_start3A_96] : memref<32x160x64xi32, #tpu.memory_space<hbm>> -> memref<1x8x64xi32, #tpu.memory_space<hbm>>
      %dma_start3A_98 = tpu.memref_squeeze %dma_start3A_97 : memref<1x8x64xi32, #tpu.memory_space<hbm>> -> memref<8x64xi32, #tpu.memory_space<hbm>>
      tpu.enqueue_dma source(%dma_start3A_98 : memref<8x64xi32, #tpu.memory_space<hbm>>) target(%dma_start3A_95 : memref<8x64xi32, #tpu.memory_space<vmem>>) target_semaphore(%arg19 : memref<!tpu.dma_semaphore, #tpu.memory_space<semaphore_mem>>)
      %add3A_99 = arith.constant 8 : i32
      %add3A_100 = arith.addi %mul3A_81, %add3A_99 : i32
      %dma_start3A_101 = arith.constant 1 : i32
      %dma_start3A_102 = arith.constant 0 : i32
      %dma_start3A_103 = arith.constant 0 : i32
      %dma_start3A_104 = tpu.memref_slice %arg8[%dma_start3A_101, %dma_start3A_102, %dma_start3A_103] : memref<2x8x64xi32, #tpu.memory_space<vmem>> -> memref<1x8x64xi32, #tpu.memory_space<vmem>>
      %dma_start3A_105 = tpu.memref_squeeze %dma_start3A_104 : memref<1x8x64xi32, #tpu.memory_space<vmem>> -> memref<8x64xi32, #tpu.memory_space<vmem>>
      %dma_start3A_106 = arith.constant 0 : i32
      %dma_start3A_107 = tpu.memref_slice %arg4[%add3A, %add3A_100, %dma_start3A_106] : memref<32x160x64xi32, #tpu.memory_space<hbm>> -> memref<1x8x64xi32, #tpu.memory_space<hbm>>
      %dma_start3A_108 = tpu.memref_squeeze %dma_start3A_107 : memref<1x8x64xi32, #tpu.memory_space<hbm>> -> memref<8x64xi32, #tpu.memory_space<hbm>>
      %dma_start3A_109 = arith.constant 0 : i32
      %dma_start3A_110 = arith.constant 0 : i32
      %dma_start3A_111 = tpu.memref_slice %arg8[%dma_start3A_101, %dma_start3A_109, %dma_start3A_110] : memref<2x8x64xi32, #tpu.memory_space<vmem>> -> memref<1x8x64xi32, #tpu.memory_space<vmem>>
      %dma_start3A_112 = tpu.memref_squeeze %dma_start3A_111 : memref<1x8x64xi32, #tpu.memory_space<vmem>> -> memref<8x64xi32, #tpu.memory_space<vmem>>
      %dma_start3A_113 = arith.constant 0 : i32
      %dma_start3A_114 = tpu.memref_slice %arg4[%add3A, %add3A_100, %dma_start3A_113] : memref<32x160x64xi32, #tpu.memory_space<hbm>> -> memref<1x8x64xi32, #tpu.memory_space<hbm>>
      %dma_start3A_115 = tpu.memref_squeeze %dma_start3A_114 : memref<1x8x64xi32, #tpu.memory_space<hbm>> -> memref<8x64xi32, #tpu.memory_space<hbm>>
      tpu.enqueue_dma source(%dma_start3A_115 : memref<8x64xi32, #tpu.memory_space<hbm>>) target(%dma_start3A_112 : memref<8x64xi32, #tpu.memory_space<vmem>>) target_semaphore(%arg19 : memref<!tpu.dma_semaphore, #tpu.memory_space<semaphore_mem>>)
      %dma_wait3A_116 = arith.constant 0 : i32
      %dma_wait3A_117 = arith.constant 0 : i32
      %dma_wait3A_118 = arith.constant 0 : i32
      %dma_wait3A_119 = arith.constant 0 : i32
      %dma_wait3A_120 = arith.constant 0 : i32
      %dma_wait3A_121 = tpu.memref_slice %arg9[%dma_wait3A_118, %dma_wait3A_119, %dma_wait3A_120] : memref<4x64x64xi32, #tpu.memory_space<vmem>> -> memref<1x64x64xi32, #tpu.memory_space<vmem>>
      %dma_wait3A_122 = tpu.memref_squeeze %dma_wait3A_121 : memref<1x64x64xi32, #tpu.memory_space<vmem>> -> memref<64x64xi32, #tpu.memory_space<vmem>>
      %dma_wait3A_123 = arith.constant 0 : i32
      %dma_wait3A_124 = tpu.memref_slice %arg7[%dma_wait3A_116, %dma_wait3A_117, %dma_wait3A_123] : memref<2x8x64xi32, #tpu.memory_space<vmem>> -> memref<1x1x64xi32, #tpu.memory_space<vmem>>
      %dma_wait3A_125 = tpu.memref_squeeze %dma_wait3A_124 : memref<1x1x64xi32, #tpu.memory_space<vmem>> -> memref<64xi32, #tpu.memory_space<vmem>>
      %dma_wait3A_126 = arith.constant 0 : i32
      %dma_wait3A_127 = arith.constant 0 : i32
      %dma_wait3A_128 = tpu.memref_slice %arg2[%dma_wait3A_126, %dma_wait3A_127] : memref<10240x64xi32, #tpu.memory_space<hbm>> -> memref<10240x64xi32, #tpu.memory_space<hbm>>
      tpu.wait_indirect_dma semaphore(%arg12 : memref<!tpu.dma_semaphore, #tpu.memory_space<semaphore_mem>>) src(%dma_wait3A_128 : memref<10240x64xi32, #tpu.memory_space<hbm>>) dst(%dma_wait3A_122 : memref<64x64xi32, #tpu.memory_space<vmem>>)
      %gt3A = arith.constant 0 : i32
      %gt3A_129 = arith.cmpi sgt, %scan3A_77, %gt3A : i32
      %convert_element_type3A = arith.extui %gt3A_129 : i1 to i32
      %cond3A = arith.constant 0 : i32
      %cond3A_130 = arith.cmpi ne, %convert_element_type3A, %cond3A : i32
      scf.if %cond3A_130 {
        %dma_wait3A_1044 = arith.constant 0 : i32
        %dma_wait3A_1045 = arith.constant 0 : i32
        %dma_wait3A_1046 = arith.constant 0 : i32
        %dma_wait3A_1047 = arith.constant 0 : i32
        %dma_wait3A_1048 = arith.constant 0 : i32
        %dma_wait3A_1049 = tpu.memref_slice %arg10[%dma_wait3A_1044, %dma_wait3A_1047, %dma_wait3A_1048] : memref<2x64x128xf32, #tpu.memory_space<vmem>> -> memref<1x64x128xf32, #tpu.memory_space<vmem>>
        %dma_wait3A_1050 = tpu.memref_squeeze %dma_wait3A_1049 : memref<1x64x128xf32, #tpu.memory_space<vmem>> -> memref<64x128xf32, #tpu.memory_space<vmem>>
        %dma_wait3A_1051 = arith.constant 0 : i32
        %dma_wait3A_1052 = tpu.memref_slice %arg8[%dma_wait3A_1045, %dma_wait3A_1046, %dma_wait3A_1051] : memref<2x8x64xi32, #tpu.memory_space<vmem>> -> memref<1x1x64xi32, #tpu.memory_space<vmem>>
        %dma_wait3A_1053 = tpu.memref_squeeze %dma_wait3A_1052 : memref<1x1x64xi32, #tpu.memory_space<vmem>> -> memref<64xi32, #tpu.memory_space<vmem>>
        %dma_wait3A_1054 = arith.constant 0 : i32
        %dma_wait3A_1055 = arith.constant 0 : i32
        %dma_wait3A_1056 = tpu.memref_slice %arg11[%dma_wait3A_1054, %dma_wait3A_1055] : memref<10240x128xf32, #tpu.memory_space<vmem_shared>> -> memref<10240x128xf32, #tpu.memory_space<vmem_shared>>
        tpu.wait_indirect_dma semaphore(%arg16 : memref<!tpu.dma_semaphore, #tpu.memory_space<semaphore_mem>>) src(%dma_wait3A_1050 : memref<64x128xf32, #tpu.memory_space<vmem>>) dst(%dma_wait3A_1056 : memref<10240x128xf32, #tpu.memory_space<vmem_shared>>)
      } else {
      }
      %scan3A_131 = arith.constant 0 : i32
      %scan3A_132 = arith.constant 0 : i32
      %scan3A_133 = arith.constant 64 : i32
      %scan3A_134 = arith.addi %scan3A_132, %scan3A_133 : i32
      %scan3A_135 = arith.constant 1 : i32
      scf.for %scan3A_1044 = %scan3A_132 to %scan3A_134 step %scan3A_135  : i32 {
        %get3A = arith.constant 0 : i32
        %get3A_1045 = arith.index_cast %get3A : i32 to index
        %get3A_1046 = arith.index_cast %scan3A_1044 : i32 to index
        %get3A_1047 = arith.constant 0 : index
        %get3A_1048 = tpu.vector_load %arg9[%get3A_1045, %get3A_1046, %get3A_1047] {strides = array<i32>} : memref<4x64x64xi32, #tpu.memory_space<vmem>>, vector<16xi32>,
        %bitcast3A = vector.bitcast %get3A_1048 : vector<16xi32> to vector<32xbf16>
        %unpack3A = tpu.unpack_subelements %bitcast3A, 0 {pack_format = #tpu.pack_format<interleaved>} : vector<32xbf16> -> vector<16xf32>
        %unpack3A_1049 = tpu.unpack_subelements %bitcast3A, 1 {pack_format = #tpu.pack_format<interleaved>} : vector<32xbf16> -> vector<16xf32>
        %swap3A = arith.constant 0 : i32
        %swap3A_1050 = arith.index_cast %swap3A : i32 to index
        %swap3A_1051 = arith.index_cast %scan3A_1044 : i32 to index
        %swap3A_1052 = arith.constant 0 : index
        %swap3A_1053 = tpu.vector_load %arg10[%swap3A_1050, %swap3A_1051, %swap3A_1052] {strides = array<i32>} : memref<2x64x128xf32, #tpu.memory_space<vmem>>, vector<16xf32>,
        tpu.vector_store %arg10[%swap3A_1050, %swap3A_1051, %swap3A_1052], %unpack3A {strides = array<i32>} : memref<2x64x128xf32, #tpu.memory_space<vmem>>, vector<16xf32>,
        %swap3A_1054 = arith.constant 0 : i32
        %swap3A_1055 = arith.index_cast %swap3A_1054 : i32 to index
        %swap3A_1056 = arith.index_cast %scan3A_1044 : i32 to index
        %swap3A_1057 = arith.constant 16 : index
        %swap3A_1058 = tpu.vector_load %arg10[%swap3A_1055, %swap3A_1056, %swap3A_1057] {strides = array<i32>} : memref<2x64x128xf32, #tpu.memory_space<vmem>>, vector<16xf32>,
        tpu.vector_store %arg10[%swap3A_1055, %swap3A_1056, %swap3A_1057], %unpack3A_1049 {strides = array<i32>} : memref<2x64x128xf32, #tpu.memory_space<vmem>>, vector<16xf32>,
        %get3A_1059 = arith.constant 0 : i32
        %get3A_1060 = arith.index_cast %get3A_1059 : i32 to index
        %get3A_1061 = arith.index_cast %scan3A_1044 : i32 to index
        %get3A_1062 = arith.constant 16 : index
        %get3A_1063 = tpu.vector_load %arg9[%get3A_1060, %get3A_1061, %get3A_1062] {strides = array<i32>} : memref<4x64x64xi32, #tpu.memory_space<vmem>>, vector<16xi32>,
        %bitcast3A_1064 = vector.bitcast %get3A_1063 : vector<16xi32> to vector<32xbf16>
        %unpack3A_1065 = tpu.unpack_subelements %bitcast3A_1064, 0 {pack_format = #tpu.pack_format<interleaved>} : vector<32xbf16> -> vector<16xf32>
        %unpack3A_1066 = tpu.unpack_subelements %bitcast3A_1064, 1 {pack_format = #tpu.pack_format<interleaved>} : vector<32xbf16> -> vector<16xf32>
        %swap3A_1067 = arith.constant 0 : i32
        %swap3A_1068 = arith.index_cast %swap3A_1067 : i32 to index
        %swap3A_1069 = arith.index_cast %scan3A_1044 : i32 to index
        %swap3A_1070 = arith.constant 32 : index
        %swap3A_1071 = tpu.vector_load %arg10[%swap3A_1068, %swap3A_1069, %swap3A_1070] {strides = array<i32>} : memref<2x64x128xf32, #tpu.memory_space<vmem>>, vector<16xf32>,
        tpu.vector_store %arg10[%swap3A_1068, %swap3A_1069, %swap3A_1070], %unpack3A_1065 {strides = array<i32>} : memref<2x64x128xf32, #tpu.memory_space<vmem>>, vector<16xf32>,
        %swap3A_1072 = arith.constant 0 : i32
        %swap3A_1073 = arith.index_cast %swap3A_1072 : i32 to index
        %swap3A_1074 = arith.index_cast %scan3A_1044 : i32 to index
        %swap3A_1075 = arith.constant 48 : index
        %swap3A_1076 = tpu.vector_load %arg10[%swap3A_1073, %swap3A_1074, %swap3A_1075] {strides = array<i32>} : memref<2x64x128xf32, #tpu.memory_space<vmem>>, vector<16xf32>,
        tpu.vector_store %arg10[%swap3A_1073, %swap3A_1074, %swap3A_1075], %unpack3A_1066 {strides = array<i32>} : memref<2x64x128xf32, #tpu.memory_space<vmem>>, vector<16xf32>,
        %get3A_1077 = arith.constant 0 : i32
        %get3A_1078 = arith.index_cast %get3A_1077 : i32 to index
        %get3A_1079 = arith.index_cast %scan3A_1044 : i32 to index
        %get3A_1080 = arith.constant 32 : index
        %get3A_1081 = tpu.vector_load %arg9[%get3A_1078, %get3A_1079, %get3A_1080] {strides = array<i32>} : memref<4x64x64xi32, #tpu.memory_space<vmem>>, vector<16xi32>,
        %bitcast3A_1082 = vector.bitcast %get3A_1081 : vector<16xi32> to vector<32xbf16>
        %unpack3A_1083 = tpu.unpack_subelements %bitcast3A_1082, 0 {pack_format = #tpu.pack_format<interleaved>} : vector<32xbf16> -> vector<16xf32>
        %unpack3A_1084 = tpu.unpack_subelements %bitcast3A_1082, 1 {pack_format = #tpu.pack_format<interleaved>} : vector<32xbf16> -> vector<16xf32>
        %swap3A_1085 = arith.constant 0 : i32
        %swap3A_1086 = arith.index_cast %swap3A_1085 : i32 to index
        %swap3A_1087 = arith.index_cast %scan3A_1044 : i32 to index
        %swap3A_1088 = arith.constant 64 : index
        %swap3A_1089 = tpu.vector_load %arg10[%swap3A_1086, %swap3A_1087, %swap3A_1088] {strides = array<i32>} : memref<2x64x128xf32, #tpu.memory_space<vmem>>, vector<16xf32>,
        tpu.vector_store %arg10[%swap3A_1086, %swap3A_1087, %swap3A_1088], %unpack3A_1083 {strides = array<i32>} : memref<2x64x128xf32, #tpu.memory_space<vmem>>, vector<16xf32>,
        %swap3A_1090 = arith.constant 0 : i32
        %swap3A_1091 = arith.index_cast %swap3A_1090 : i32 to index
        %swap3A_1092 = arith.index_cast %scan3A_1044 : i32 to index
        %swap3A_1093 = arith.constant 80 : index
        %swap3A_1094 = tpu.vector_load %arg10[%swap3A_1091, %swap3A_1092, %swap3A_1093] {strides = array<i32>} : memref<2x64x128xf32, #tpu.memory_space<vmem>>, vector<16xf32>,
        tpu.vector_store %arg10[%swap3A_1091, %swap3A_1092, %swap3A_1093], %unpack3A_1084 {strides = array<i32>} : memref<2x64x128xf32, #tpu.memory_space<vmem>>, vector<16xf32>,
        %get3A_1095 = arith.constant 0 : i32
        %get3A_1096 = arith.index_cast %get3A_1095 : i32 to index
        %get3A_1097 = arith.index_cast %scan3A_1044 : i32 to index
        %get3A_1098 = arith.constant 48 : index
        %get3A_1099 = tpu.vector_load %arg9[%get3A_1096, %get3A_1097, %get3A_1098] {strides = array<i32>} : memref<4x64x64xi32, #tpu.memory_space<vmem>>, vector<16xi32>,
        %bitcast3A_1100 = vector.bitcast %get3A_1099 : vector<16xi32> to vector<32xbf16>
        %unpack3A_1101 = tpu.unpack_subelements %bitcast3A_1100, 0 {pack_format = #tpu.pack_format<interleaved>} : vector<32xbf16> -> vector<16xf32>
        %unpack3A_1102 = tpu.unpack_subelements %bitcast3A_1100, 1 {pack_format = #tpu.pack_format<interleaved>} : vector<32xbf16> -> vector<16xf32>
        %swap3A_1103 = arith.constant 0 : i32
        %swap3A_1104 = arith.index_cast %swap3A_1103 : i32 to index
        %swap3A_1105 = arith.index_cast %scan3A_1044 : i32 to index
        %swap3A_1106 = arith.constant 96 : index
        %swap3A_1107 = tpu.vector_load %arg10[%swap3A_1104, %swap3A_1105, %swap3A_1106] {strides = array<i32>} : memref<2x64x128xf32, #tpu.memory_space<vmem>>, vector<16xf32>,
        tpu.vector_store %arg10[%swap3A_1104, %swap3A_1105, %swap3A_1106], %unpack3A_1101 {strides = array<i32>} : memref<2x64x128xf32, #tpu.memory_space<vmem>>, vector<16xf32>,
        %swap3A_1108 = arith.constant 0 : i32
        %swap3A_1109 = arith.index_cast %swap3A_1108 : i32 to index
        %swap3A_1110 = arith.index_cast %scan3A_1044 : i32 to index
        %swap3A_1111 = arith.constant 112 : index
        %swap3A_1112 = tpu.vector_load %arg10[%swap3A_1109, %swap3A_1110, %swap3A_1111] {strides = array<i32>} : memref<2x64x128xf32, #tpu.memory_space<vmem>>, vector<16xf32>,
        tpu.vector_store %arg10[%swap3A_1109, %swap3A_1110, %swap3A_1111], %unpack3A_1102 {strides = array<i32>} : memref<2x64x128xf32, #tpu.memory_space<vmem>>, vector<16xf32>,
      }
      %scan3A_136 = arith.constant 64 : i32
      %dma_start3A_137 = arith.constant 0 : i32
      %dma_start3A_138 = arith.constant 0 : i32
      %dma_start3A_139 = arith.constant 0 : i32
      %dma_start3A_140 = arith.constant 0 : i32
      %dma_start3A_141 = arith.constant 0 : i32
      %dma_start3A_142 = tpu.memref_slice %arg10[%dma_start3A_137, %dma_start3A_140, %dma_start3A_141] : memref<2x64x128xf32, #tpu.memory_space<vmem>> -> memref<1x64x128xf32, #tpu.memory_space<vmem>>
      %dma_start3A_143 = tpu.memref_squeeze %dma_start3A_142 : memref<1x64x128xf32, #tpu.memory_space<vmem>> -> memref<64x128xf32, #tpu.memory_space<vmem>>
      %dma_start3A_144 = arith.constant 0 : i32
      %dma_start3A_145 = tpu.memref_slice %arg8[%dma_start3A_138, %dma_start3A_139, %dma_start3A_144] : memref<2x8x64xi32, #tpu.memory_space<vmem>> -> memref<1x1x64xi32, #tpu.memory_space<vmem>>
      %dma_start3A_146 = tpu.memref_squeeze %dma_start3A_145 : memref<1x1x64xi32, #tpu.memory_space<vmem>> -> memref<64xi32, #tpu.memory_space<vmem>>
      %dma_start3A_147 = arith.constant 0 : i32
      %dma_start3A_148 = arith.constant 0 : i32
      %dma_start3A_149 = tpu.memref_slice %arg11[%dma_start3A_147, %dma_start3A_148] : memref<10240x128xf32, #tpu.memory_space<vmem_shared>> -> memref<10240x128xf32, #tpu.memory_space<vmem_shared>>
      tpu.enqueue_indirect_dma source(%dma_start3A_143 : memref<64x128xf32, #tpu.memory_space<vmem>>) target(%dma_start3A_149 : memref<10240x128xf32, #tpu.memory_space<vmem_shared>>) offsets(%dma_start3A_146 : memref<64xi32, #tpu.memory_space<vmem>>) semaphore(%arg16 : memref<!tpu.dma_semaphore, #tpu.memory_space<semaphore_mem>>) {add = true}
      %dma_start3A_150 = arith.constant 0 : i32
      %dma_start3A_151 = arith.constant 3 : i32
      %dma_start3A_152 = arith.constant 3 : i32
      %dma_start3A_153 = arith.constant 0 : i32
      %dma_start3A_154 = arith.constant 0 : i32
      %dma_start3A_155 = tpu.memref_slice %arg9[%dma_start3A_152, %dma_start3A_153, %dma_start3A_154] : memref<4x64x64xi32, #tpu.memory_space<vmem>> -> memref<1x64x64xi32, #tpu.memory_space<vmem>>
      %dma_start3A_156 = tpu.memref_squeeze %dma_start3A_155 : memref<1x64x64xi32, #tpu.memory_space<vmem>> -> memref<64x64xi32, #tpu.memory_space<vmem>>
      %dma_start3A_157 = arith.constant 0 : i32
      %dma_start3A_158 = tpu.memref_slice %arg7[%dma_start3A_150, %dma_start3A_151, %dma_start3A_157] : memref<2x8x64xi32, #tpu.memory_space<vmem>> -> memref<1x1x64xi32, #tpu.memory_space<vmem>>
      %dma_start3A_159 = tpu.memref_squeeze %dma_start3A_158 : memref<1x1x64xi32, #tpu.memory_space<vmem>> -> memref<64xi32, #tpu.memory_space<vmem>>
      %dma_start3A_160 = arith.constant 0 : i32
      %dma_start3A_161 = arith.constant 0 : i32
      %dma_start3A_162 = tpu.memref_slice %arg2[%dma_start3A_160, %dma_start3A_161] : memref<10240x64xi32, #tpu.memory_space<hbm>> -> memref<10240x64xi32, #tpu.memory_space<hbm>>
      tpu.enqueue_indirect_dma source(%dma_start3A_162 : memref<10240x64xi32, #tpu.memory_space<hbm>>) target(%dma_start3A_156 : memref<64x64xi32, #tpu.memory_space<vmem>>) offsets(%dma_start3A_159 : memref<64xi32, #tpu.memory_space<vmem>>) semaphore(%arg15 : memref<!tpu.dma_semaphore, #tpu.memory_space<semaphore_mem>>)
      %dma_wait3A_163 = arith.constant 0 : i32
      %dma_wait3A_164 = arith.constant 1 : i32
      %dma_wait3A_165 = arith.constant 1 : i32
      %dma_wait3A_166 = arith.constant 0 : i32
      %dma_wait3A_167 = arith.constant 0 : i32
      %dma_wait3A_168 = tpu.memref_slice %arg9[%dma_wait3A_165, %dma_wait3A_166, %dma_wait3A_167] : memref<4x64x64xi32, #tpu.memory_space<vmem>> -> memref<1x64x64xi32, #tpu.memory_space<vmem>>
      %dma_wait3A_169 = tpu.memref_squeeze %dma_wait3A_168 : memref<1x64x64xi32, #tpu.memory_space<vmem>> -> memref<64x64xi32, #tpu.memory_space<vmem>>
      %dma_wait3A_170 = arith.constant 0 : i32
      %dma_wait3A_171 = tpu.memref_slice %arg7[%dma_wait3A_163, %dma_wait3A_164, %dma_wait3A_170] : memref<2x8x64xi32, #tpu.memory_space<vmem>> -> memref<1x1x64xi32, #tpu.memory_space<vmem>>
      %dma_wait3A_172 = tpu.memref_squeeze %dma_wait3A_171 : memref<1x1x64xi32, #tpu.memory_space<vmem>> -> memref<64xi32, #tpu.memory_space<vmem>>
      %dma_wait3A_173 = arith.constant 0 : i32
      %dma_wait3A_174 = arith.constant 0 : i32
      %dma_wait3A_175 = tpu.memref_slice %arg2[%dma_wait3A_173, %dma_wait3A_174] : memref<10240x64xi32, #tpu.memory_space<hbm>> -> memref<10240x64xi32, #tpu.memory_space<hbm>>
      tpu.wait_indirect_dma semaphore(%arg13 : memref<!tpu.dma_semaphore, #tpu.memory_space<semaphore_mem>>) src(%dma_wait3A_175 : memref<10240x64xi32, #tpu.memory_space<hbm>>) dst(%dma_wait3A_169 : memref<64x64xi32, #tpu.memory_space<vmem>>)
      %gt3A_176 = arith.constant 0 : i32
      %gt3A_177 = arith.cmpi sgt, %scan3A_77, %gt3A_176 : i32
      %convert_element_type3A_178 = arith.extui %gt3A_177 : i1 to i32
      %cond3A_179 = arith.constant 0 : i32
      %cond3A_180 = arith.cmpi ne, %convert_element_type3A_178, %cond3A_179 : i32
      scf.if %cond3A_180 {
        %dma_wait3A_1044 = arith.constant 1 : i32
        %dma_wait3A_1045 = arith.constant 0 : i32
        %dma_wait3A_1046 = arith.constant 1 : i32
        %dma_wait3A_1047 = arith.constant 0 : i32
        %dma_wait3A_1048 = arith.constant 0 : i32
        %dma_wait3A_1049 = tpu.memref_slice %arg10[%dma_wait3A_1044, %dma_wait3A_1047, %dma_wait3A_1048] : memref<2x64x128xf32, #tpu.memory_space<vmem>> -> memref<1x64x128xf32, #tpu.memory_space<vmem>>
        %dma_wait3A_1050 = tpu.memref_squeeze %dma_wait3A_1049 : memref<1x64x128xf32, #tpu.memory_space<vmem>> -> memref<64x128xf32, #tpu.memory_space<vmem>>
        %dma_wait3A_1051 = arith.constant 0 : i32
        %dma_wait3A_1052 = tpu.memref_slice %arg8[%dma_wait3A_1045, %dma_wait3A_1046, %dma_wait3A_1051] : memref<2x8x64xi32, #tpu.memory_space<vmem>> -> memref<1x1x64xi32, #tpu.memory_space<vmem>>
        %dma_wait3A_1053 = tpu.memref_squeeze %dma_wait3A_1052 : memref<1x1x64xi32, #tpu.memory_space<vmem>> -> memref<64xi32, #tpu.memory_space<vmem>>
        %dma_wait3A_1054 = arith.constant 0 : i32
        %dma_wait3A_1055 = arith.constant 0 : i32
        %dma_wait3A_1056 = tpu.memref_slice %arg11[%dma_wait3A_1054, %dma_wait3A_1055] : memref<10240x128xf32, #tpu.memory_space<vmem_shared>> -> memref<10240x128xf32, #tpu.memory_space<vmem_shared>>
        tpu.wait_indirect_dma semaphore(%arg17 : memref<!tpu.dma_semaphore, #tpu.memory_space<semaphore_mem>>) src(%dma_wait3A_1050 : memref<64x128xf32, #tpu.memory_space<vmem>>) dst(%dma_wait3A_1056 : memref<10240x128xf32, #tpu.memory_space<vmem_shared>>)
      } else {
      }
      %scan3A_181 = arith.constant 0 : i32
      %scan3A_182 = arith.constant 0 : i32
      %scan3A_183 = arith.constant 64 : i32
      %scan3A_184 = arith.addi %scan3A_182, %scan3A_183 : i32
      %scan3A_185 = arith.constant 1 : i32
      scf.for %scan3A_1044 = %scan3A_182 to %scan3A_184 step %scan3A_185  : i32 {
        %get3A = arith.constant 1 : i32
        %get3A_1045 = arith.index_cast %get3A : i32 to index
        %get3A_1046 = arith.index_cast %scan3A_1044 : i32 to index
        %get3A_1047 = arith.constant 0 : index
        %get3A_1048 = tpu.vector_load %arg9[%get3A_1045, %get3A_1046, %get3A_1047] {strides = array<i32>} : memref<4x64x64xi32, #tpu.memory_space<vmem>>, vector<16xi32>,
        %bitcast3A = vector.bitcast %get3A_1048 : vector<16xi32> to vector<32xbf16>
        %unpack3A = tpu.unpack_subelements %bitcast3A, 0 {pack_format = #tpu.pack_format<interleaved>} : vector<32xbf16> -> vector<16xf32>
        %unpack3A_1049 = tpu.unpack_subelements %bitcast3A, 1 {pack_format = #tpu.pack_format<interleaved>} : vector<32xbf16> -> vector<16xf32>
        %swap3A = arith.constant 1 : i32
        %swap3A_1050 = arith.index_cast %swap3A : i32 to index
        %swap3A_1051 = arith.index_cast %scan3A_1044 : i32 to index
        %swap3A_1052 = arith.constant 0 : index
        %swap3A_1053 = tpu.vector_load %arg10[%swap3A_1050, %swap3A_1051, %swap3A_1052] {strides = array<i32>} : memref<2x64x128xf32, #tpu.memory_space<vmem>>, vector<16xf32>,
        tpu.vector_store %arg10[%swap3A_1050, %swap3A_1051, %swap3A_1052], %unpack3A {strides = array<i32>} : memref<2x64x128xf32, #tpu.memory_space<vmem>>, vector<16xf32>,
        %swap3A_1054 = arith.constant 1 : i32
        %swap3A_1055 = arith.index_cast %swap3A_1054 : i32 to index
        %swap3A_1056 = arith.index_cast %scan3A_1044 : i32 to index
        %swap3A_1057 = arith.constant 16 : index
        %swap3A_1058 = tpu.vector_load %arg10[%swap3A_1055, %swap3A_1056, %swap3A_1057] {strides = array<i32>} : memref<2x64x128xf32, #tpu.memory_space<vmem>>, vector<16xf32>,
        tpu.vector_store %arg10[%swap3A_1055, %swap3A_1056, %swap3A_1057], %unpack3A_1049 {strides = array<i32>} : memref<2x64x128xf32, #tpu.memory_space<vmem>>, vector<16xf32>,
        %get3A_1059 = arith.constant 1 : i32
        %get3A_1060 = arith.index_cast %get3A_1059 : i32 to index
        %get3A_1061 = arith.index_cast %scan3A_1044 : i32 to index
        %get3A_1062 = arith.constant 16 : index
        %get3A_1063 = tpu.vector_load %arg9[%get3A_1060, %get3A_1061, %get3A_1062] {strides = array<i32>} : memref<4x64x64xi32, #tpu.memory_space<vmem>>, vector<16xi32>,
        %bitcast3A_1064 = vector.bitcast %get3A_1063 : vector<16xi32> to vector<32xbf16>
        %unpack3A_1065 = tpu.unpack_subelements %bitcast3A_1064, 0 {pack_format = #tpu.pack_format<interleaved>} : vector<32xbf16> -> vector<16xf32>
        %unpack3A_1066 = tpu.unpack_subelements %bitcast3A_1064, 1 {pack_format = #tpu.pack_format<interleaved>} : vector<32xbf16> -> vector<16xf32>
        %swap3A_1067 = arith.constant 1 : i32
        %swap3A_1068 = arith.index_cast %swap3A_1067 : i32 to index
        %swap3A_1069 = arith.index_cast %scan3A_1044 : i32 to index
        %swap3A_1070 = arith.constant 32 : index
        %swap3A_1071 = tpu.vector_load %arg10[%swap3A_1068, %swap3A_1069, %swap3A_1070] {strides = array<i32>} : memref<2x64x128xf32, #tpu.memory_space<vmem>>, vector<16xf32>,
        tpu.vector_store %arg10[%swap3A_1068, %swap3A_1069, %swap3A_1070], %unpack3A_1065 {strides = array<i32>} : memref<2x64x128xf32, #tpu.memory_space<vmem>>, vector<16xf32>,
        %swap3A_1072 = arith.constant 1 : i32
        %swap3A_1073 = arith.index_cast %swap3A_1072 : i32 to index
        %swap3A_1074 = arith.index_cast %scan3A_1044 : i32 to index
        %swap3A_1075 = arith.constant 48 : index
        %swap3A_1076 = tpu.vector_load %arg10[%swap3A_1073, %swap3A_1074, %swap3A_1075] {strides = array<i32>} : memref<2x64x128xf32, #tpu.memory_space<vmem>>, vector<16xf32>,
        tpu.vector_store %arg10[%swap3A_1073, %swap3A_1074, %swap3A_1075], %unpack3A_1066 {strides = array<i32>} : memref<2x64x128xf32, #tpu.memory_space<vmem>>, vector<16xf32>,
        %get3A_1077 = arith.constant 1 : i32
        %get3A_1078 = arith.index_cast %get3A_1077 : i32 to index
        %get3A_1079 = arith.index_cast %scan3A_1044 : i32 to index
        %get3A_1080 = arith.constant 32 : index
        %get3A_1081 = tpu.vector_load %arg9[%get3A_1078, %get3A_1079, %get3A_1080] {strides = array<i32>} : memref<4x64x64xi32, #tpu.memory_space<vmem>>, vector<16xi32>,
        %bitcast3A_1082 = vector.bitcast %get3A_1081 : vector<16xi32> to vector<32xbf16>
        %unpack3A_1083 = tpu.unpack_subelements %bitcast3A_1082, 0 {pack_format = #tpu.pack_format<interleaved>} : vector<32xbf16> -> vector<16xf32>
        %unpack3A_1084 = tpu.unpack_subelements %bitcast3A_1082, 1 {pack_format = #tpu.pack_format<interleaved>} : vector<32xbf16> -> vector<16xf32>
        %swap3A_1085 = arith.constant 1 : i32
        %swap3A_1086 = arith.index_cast %swap3A_1085 : i32 to index
        %swap3A_1087 = arith.index_cast %scan3A_1044 : i32 to index
        %swap3A_1088 = arith.constant 64 : index
        %swap3A_1089 = tpu.vector_load %arg10[%swap3A_1086, %swap3A_1087, %swap3A_1088] {strides = array<i32>} : memref<2x64x128xf32, #tpu.memory_space<vmem>>, vector<16xf32>,
        tpu.vector_store %arg10[%swap3A_1086, %swap3A_1087, %swap3A_1088], %unpack3A_1083 {strides = array<i32>} : memref<2x64x128xf32, #tpu.memory_space<vmem>>, vector<16xf32>,
        %swap3A_1090 = arith.constant 1 : i32
        %swap3A_1091 = arith.index_cast %swap3A_1090 : i32 to index
        %swap3A_1092 = arith.index_cast %scan3A_1044 : i32 to index
        %swap3A_1093 = arith.constant 80 : index
        %swap3A_1094 = tpu.vector_load %arg10[%swap3A_1091, %swap3A_1092, %swap3A_1093] {strides = array<i32>} : memref<2x64x128xf32, #tpu.memory_space<vmem>>, vector<16xf32>,
        tpu.vector_store %arg10[%swap3A_1091, %swap3A_1092, %swap3A_1093], %unpack3A_1084 {strides = array<i32>} : memref<2x64x128xf32, #tpu.memory_space<vmem>>, vector<16xf32>,
        %get3A_1095 = arith.constant 1 : i32
        %get3A_1096 = arith.index_cast %get3A_1095 : i32 to index
        %get3A_1097 = arith.index_cast %scan3A_1044 : i32 to index
        %get3A_1098 = arith.constant 48 : index
        %get3A_1099 = tpu.vector_load %arg9[%get3A_1096, %get3A_1097, %get3A_1098] {strides = array<i32>} : memref<4x64x64xi32, #tpu.memory_space<vmem>>, vector<16xi32>,
        %bitcast3A_1100 = vector.bitcast %get3A_1099 : vector<16xi32> to vector<32xbf16>
        %unpack3A_1101 = tpu.unpack_subelements %bitcast3A_1100, 0 {pack_format = #tpu.pack_format<interleaved>} : vector<32xbf16> -> vector<16xf32>
        %unpack3A_1102 = tpu.unpack_subelements %bitcast3A_1100, 1 {pack_format = #tpu.pack_format<interleaved>} : vector<32xbf16> -> vector<16xf32>
        %swap3A_1103 = arith.constant 1 : i32
        %swap3A_1104 = arith.index_cast %swap3A_1103 : i32 to index
        %swap3A_1105 = arith.index_cast %scan3A_1044 : i32 to index
        %swap3A_1106 = arith.constant 96 : index
        %swap3A_1107 = tpu.vector_load %arg10[%swap3A_1104, %swap3A_1105, %swap3A_1106] {strides = array<i32>} : memref<2x64x128xf32, #tpu.memory_space<vmem>>, vector<16xf32>,
        tpu.vector_store %arg10[%swap3A_1104, %swap3A_1105, %swap3A_1106], %unpack3A_1101 {strides = array<i32>} : memref<2x64x128xf32, #tpu.memory_space<vmem>>, vector<16xf32>,
        %swap3A_1108 = arith.constant 1 : i32
        %swap3A_1109 = arith.index_cast %swap3A_1108 : i32 to index
        %swap3A_1110 = arith.index_cast %scan3A_1044 : i32 to index
        %swap3A_1111 = arith.constant 112 : index
        %swap3A_1112 = tpu.vector_load %arg10[%swap3A_1109, %swap3A_1110, %swap3A_1111] {strides = array<i32>} : memref<2x64x128xf32, #tpu.memory_space<vmem>>, vector<16xf32>,
        tpu.vector_store %arg10[%swap3A_1109, %swap3A_1110, %swap3A_1111], %unpack3A_1102 {strides = array<i32>} : memref<2x64x128xf32, #tpu.memory_space<vmem>>, vector<16xf32>,
      }
      %scan3A_186 = arith.constant 64 : i32
      %dma_start3A_187 = arith.constant 1 : i32
      %dma_start3A_188 = arith.constant 0 : i32
      %dma_start3A_189 = arith.constant 1 : i32
      %dma_start3A_190 = arith.constant 0 : i32
      %dma_start3A_191 = arith.constant 0 : i32
      %dma_start3A_192 = tpu.memref_slice %arg10[%dma_start3A_187, %dma_start3A_190, %dma_start3A_191] : memref<2x64x128xf32, #tpu.memory_space<vmem>> -> memref<1x64x128xf32, #tpu.memory_space<vmem>>
      %dma_start3A_193 = tpu.memref_squeeze %dma_start3A_192 : memref<1x64x128xf32, #tpu.memory_space<vmem>> -> memref<64x128xf32, #tpu.memory_space<vmem>>
      %dma_start3A_194 = arith.constant 0 : i32
      %dma_start3A_195 = tpu.memref_slice %arg8[%dma_start3A_188, %dma_start3A_189, %dma_start3A_194] : memref<2x8x64xi32, #tpu.memory_space<vmem>> -> memref<1x1x64xi32, #tpu.memory_space<vmem>>
      %dma_start3A_196 = tpu.memref_squeeze %dma_start3A_195 : memref<1x1x64xi32, #tpu.memory_space<vmem>> -> memref<64xi32, #tpu.memory_space<vmem>>
      %dma_start3A_197 = arith.constant 0 : i32
      %dma_start3A_198 = arith.constant 0 : i32
      %dma_start3A_199 = tpu.memref_slice %arg11[%dma_start3A_197, %dma_start3A_198] : memref<10240x128xf32, #tpu.memory_space<vmem_shared>> -> memref<10240x128xf32, #tpu.memory_space<vmem_shared>>
      tpu.enqueue_indirect_dma source(%dma_start3A_193 : memref<64x128xf32, #tpu.memory_space<vmem>>) target(%dma_start3A_199 : memref<10240x128xf32, #tpu.memory_space<vmem_shared>>) offsets(%dma_start3A_196 : memref<64xi32, #tpu.memory_space<vmem>>) semaphore(%arg17 : memref<!tpu.dma_semaphore, #tpu.memory_space<semaphore_mem>>) {add = true}
      %dma_start3A_200 = arith.constant 0 : i32
      %dma_start3A_201 = arith.constant 4 : i32
      %dma_start3A_202 = arith.constant 0 : i32
      %dma_start3A_203 = arith.constant 0 : i32
      %dma_start3A_204 = arith.constant 0 : i32
      %dma_start3A_205 = tpu.memref_slice %arg9[%dma_start3A_202, %dma_start3A_203, %dma_start3A_204] : memref<4x64x64xi32, #tpu.memory_space<vmem>> -> memref<1x64x64xi32, #tpu.memory_space<vmem>>
      %dma_start3A_206 = tpu.memref_squeeze %dma_start3A_205 : memref<1x64x64xi32, #tpu.memory_space<vmem>> -> memref<64x64xi32, #tpu.memory_space<vmem>>
      %dma_start3A_207 = arith.constant 0 : i32
      %dma_start3A_208 = tpu.memref_slice %arg7[%dma_start3A_200, %dma_start3A_201, %dma_start3A_207] : memref<2x8x64xi32, #tpu.memory_space<vmem>> -> memref<1x1x64xi32, #tpu.memory_space<vmem>>
      %dma_start3A_209 = tpu.memref_squeeze %dma_start3A_208 : memref<1x1x64xi32, #tpu.memory_space<vmem>> -> memref<64xi32, #tpu.memory_space<vmem>>
      %dma_start3A_210 = arith.constant 0 : i32
      %dma_start3A_211 = arith.constant 0 : i32
      %dma_start3A_212 = tpu.memref_slice %arg2[%dma_start3A_210, %dma_start3A_211] : memref<10240x64xi32, #tpu.memory_space<hbm>> -> memref<10240x64xi32, #tpu.memory_space<hbm>>
      tpu.enqueue_indirect_dma source(%dma_start3A_212 : memref<10240x64xi32, #tpu.memory_space<hbm>>) target(%dma_start3A_206 : memref<64x64xi32, #tpu.memory_space<vmem>>) offsets(%dma_start3A_209 : memref<64xi32, #tpu.memory_space<vmem>>) semaphore(%arg12 : memref<!tpu.dma_semaphore, #tpu.memory_space<semaphore_mem>>)
      %dma_wait3A_213 = arith.constant 0 : i32
      %dma_wait3A_214 = arith.constant 2 : i32
      %dma_wait3A_215 = arith.constant 2 : i32
      %dma_wait3A_216 = arith.constant 0 : i32
      %dma_wait3A_217 = arith.constant 0 : i32
      %dma_wait3A_218 = tpu.memref_slice %arg9[%dma_wait3A_215, %dma_wait3A_216, %dma_wait3A_217] : memref<4x64x64xi32, #tpu.memory_space<vmem>> -> memref<1x64x64xi32, #tpu.memory_space<vmem>>
      %dma_wait3A_219 = tpu.memref_squeeze %dma_wait3A_218 : memref<1x64x64xi32, #tpu.memory_space<vmem>> -> memref<64x64xi32, #tpu.memory_space<vmem>>
      %dma_wait3A_220 = arith.constant 0 : i32
      %dma_wait3A_221 = tpu.memref_slice %arg7[%dma_wait3A_213, %dma_wait3A_214, %dma_wait3A_220] : memref<2x8x64xi32, #tpu.memory_space<vmem>> -> memref<1x1x64xi32, #tpu.memory_space<vmem>>
      %dma_wait3A_222 = tpu.memref_squeeze %dma_wait3A_221 : memref<1x1x64xi32, #tpu.memory_space<vmem>> -> memref<64xi32, #tpu.memory_space<vmem>>
      %dma_wait3A_223 = arith.constant 0 : i32
      %dma_wait3A_224 = arith.constant 0 : i32
      %dma_wait3A_225 = tpu.memref_slice %arg2[%dma_wait3A_223, %dma_wait3A_224] : memref<10240x64xi32, #tpu.memory_space<hbm>> -> memref<10240x64xi32, #tpu.memory_space<hbm>>
      tpu.wait_indirect_dma semaphore(%arg14 : memref<!tpu.dma_semaphore, #tpu.memory_space<semaphore_mem>>) src(%dma_wait3A_225 : memref<10240x64xi32, #tpu.memory_space<hbm>>) dst(%dma_wait3A_219 : memref<64x64xi32, #tpu.memory_space<vmem>>)
      %dma_wait3A_226 = arith.constant 0 : i32
      %dma_wait3A_227 = arith.constant 0 : i32
      %dma_wait3A_228 = arith.constant 2 : i32
      %dma_wait3A_229 = arith.constant 0 : i32
      %dma_wait3A_230 = arith.constant 0 : i32
      %dma_wait3A_231 = tpu.memref_slice %arg10[%dma_wait3A_226, %dma_wait3A_229, %dma_wait3A_230] : memref<2x64x128xf32, #tpu.memory_space<vmem>> -> memref<1x64x128xf32, #tpu.memory_space<vmem>>
      %dma_wait3A_232 = tpu.memref_squeeze %dma_wait3A_231 : memref<1x64x128xf32, #tpu.memory_space<vmem>> -> memref<64x128xf32, #tpu.memory_space<vmem>>
      %dma_wait3A_233 = arith.constant 0 : i32
      %dma_wait3A_234 = tpu.memref_slice %arg8[%dma_wait3A_227, %dma_wait3A_228, %dma_wait3A_233] : memref<2x8x64xi32, #tpu.memory_space<vmem>> -> memref<1x1x64xi32, #tpu.memory_space<vmem>>
      %dma_wait3A_235 = tpu.memref_squeeze %dma_wait3A_234 : memref<1x1x64xi32, #tpu.memory_space<vmem>> -> memref<64xi32, #tpu.memory_space<vmem>>
      %dma_wait3A_236 = arith.constant 0 : i32
      %dma_wait3A_237 = arith.constant 0 : i32
      %dma_wait3A_238 = tpu.memref_slice %arg11[%dma_wait3A_236, %dma_wait3A_237] : memref<10240x128xf32, #tpu.memory_space<vmem_shared>> -> memref<10240x128xf32, #tpu.memory_space<vmem_shared>>
      tpu.wait_indirect_dma semaphore(%arg16 : memref<!tpu.dma_semaphore, #tpu.memory_space<semaphore_mem>>) src(%dma_wait3A_232 : memref<64x128xf32, #tpu.memory_space<vmem>>) dst(%dma_wait3A_238 : memref<10240x128xf32, #tpu.memory_space<vmem_shared>>)
      %scan3A_239 = arith.constant 0 : i32
      %scan3A_240 = arith.constant 0 : i32
      %scan3A_241 = arith.constant 64 : i32
      %scan3A_242 = arith.addi %scan3A_240, %scan3A_241 : i32
      %scan3A_243 = arith.constant 1 : i32
      scf.for %scan3A_1044 = %scan3A_240 to %scan3A_242 step %scan3A_243  : i32 {
        %get3A = arith.constant 2 : i32
        %get3A_1045 = arith.index_cast %get3A : i32 to index
        %get3A_1046 = arith.index_cast %scan3A_1044 : i32 to index
        %get3A_1047 = arith.constant 0 : index
        %get3A_1048 = tpu.vector_load %arg9[%get3A_1045, %get3A_1046, %get3A_1047] {strides = array<i32>} : memref<4x64x64xi32, #tpu.memory_space<vmem>>, vector<16xi32>,
        %bitcast3A = vector.bitcast %get3A_1048 : vector<16xi32> to vector<32xbf16>
        %unpack3A = tpu.unpack_subelements %bitcast3A, 0 {pack_format = #tpu.pack_format<interleaved>} : vector<32xbf16> -> vector<16xf32>
        %unpack3A_1049 = tpu.unpack_subelements %bitcast3A, 1 {pack_format = #tpu.pack_format<interleaved>} : vector<32xbf16> -> vector<16xf32>
        %swap3A = arith.constant 0 : i32
        %swap3A_1050 = arith.index_cast %swap3A : i32 to index
        %swap3A_1051 = arith.index_cast %scan3A_1044 : i32 to index
        %swap3A_1052 = arith.constant 0 : index
        %swap3A_1053 = tpu.vector_load %arg10[%swap3A_1050, %swap3A_1051, %swap3A_1052] {strides = array<i32>} : memref<2x64x128xf32, #tpu.memory_space<vmem>>, vector<16xf32>,
        tpu.vector_store %arg10[%swap3A_1050, %swap3A_1051, %swap3A_1052], %unpack3A {strides = array<i32>} : memref<2x64x128xf32, #tpu.memory_space<vmem>>, vector<16xf32>,
        %swap3A_1054 = arith.constant 0 : i32
        %swap3A_1055 = arith.index_cast %swap3A_1054 : i32 to index
        %swap3A_1056 = arith.index_cast %scan3A_1044 : i32 to index
        %swap3A_1057 = arith.constant 16 : index
        %swap3A_1058 = tpu.vector_load %arg10[%swap3A_1055, %swap3A_1056, %swap3A_1057] {strides = array<i32>} : memref<2x64x128xf32, #tpu.memory_space<vmem>>, vector<16xf32>,
        tpu.vector_store %arg10[%swap3A_1055, %swap3A_1056, %swap3A_1057], %unpack3A_1049 {strides = array<i32>} : memref<2x64x128xf32, #tpu.memory_space<vmem>>, vector<16xf32>,
        %get3A_1059 = arith.constant 2 : i32
        %get3A_1060 = arith.index_cast %get3A_1059 : i32 to index
        %get3A_1061 = arith.index_cast %scan3A_1044 : i32 to index
        %get3A_1062 = arith.constant 16 : index
        %get3A_1063 = tpu.vector_load %arg9[%get3A_1060, %get3A_1061, %get3A_1062] {strides = array<i32>} : memref<4x64x64xi32, #tpu.memory_space<vmem>>, vector<16xi32>,
        %bitcast3A_1064 = vector.bitcast %get3A_1063 : vector<16xi32> to vector<32xbf16>
        %unpack3A_1065 = tpu.unpack_subelements %bitcast3A_1064, 0 {pack_format = #tpu.pack_format<interleaved>} : vector<32xbf16> -> vector<16xf32>
        %unpack3A_1066 = tpu.unpack_subelements %bitcast3A_1064, 1 {pack_format = #tpu.pack_format<interleaved>} : vector<32xbf16> -> vector<16xf32>
        %swap3A_1067 = arith.constant 0 : i32
        %swap3A_1068 = arith.index_cast %swap3A_1067 : i32 to index
        %swap3A_1069 = arith.index_cast %scan3A_1044 : i32 to index
        %swap3A_1070 = arith.constant 32 : index
        %swap3A_1071 = tpu.vector_load %arg10[%swap3A_1068, %swap3A_1069, %swap3A_1070] {strides = array<i32>} : memref<2x64x128xf32, #tpu.memory_space<vmem>>, vector<16xf32>,
        tpu.vector_store %arg10[%swap3A_1068, %swap3A_1069, %swap3A_1070], %unpack3A_1065 {strides = array<i32>} : memref<2x64x128xf32, #tpu.memory_space<vmem>>, vector<16xf32>,
        %swap3A_1072 = arith.constant 0 : i32
        %swap3A_1073 = arith.index_cast %swap3A_1072 : i32 to index
        %swap3A_1074 = arith.index_cast %scan3A_1044 : i32 to index
        %swap3A_1075 = arith.constant 48 : index
        %swap3A_1076 = tpu.vector_load %arg10[%swap3A_1073, %swap3A_1074, %swap3A_1075] {strides = array<i32>} : memref<2x64x128xf32, #tpu.memory_space<vmem>>, vector<16xf32>,
        tpu.vector_store %arg10[%swap3A_1073, %swap3A_1074, %swap3A_1075], %unpack3A_1066 {strides = array<i32>} : memref<2x64x128xf32, #tpu.memory_space<vmem>>, vector<16xf32>,
        %get3A_1077 = arith.constant 2 : i32
        %get3A_1078 = arith.index_cast %get3A_1077 : i32 to index
        %get3A_1079 = arith.index_cast %scan3A_1044 : i32 to index
        %get3A_1080 = arith.constant 32 : index
        %get3A_1081 = tpu.vector_load %arg9[%get3A_1078, %get3A_1079, %get3A_1080] {strides = array<i32>} : memref<4x64x64xi32, #tpu.memory_space<vmem>>, vector<16xi32>,
        %bitcast3A_1082 = vector.bitcast %get3A_1081 : vector<16xi32> to vector<32xbf16>
        %unpack3A_1083 = tpu.unpack_subelements %bitcast3A_1082, 0 {pack_format = #tpu.pack_format<interleaved>} : vector<32xbf16> -> vector<16xf32>
        %unpack3A_1084 = tpu.unpack_subelements %bitcast3A_1082, 1 {pack_format = #tpu.pack_format<interleaved>} : vector<32xbf16> -> vector<16xf32>
        %swap3A_1085 = arith.constant 0 : i32
        %swap3A_1086 = arith.index_cast %swap3A_1085 : i32 to index
        %swap3A_1087 = arith.index_cast %scan3A_1044 : i32 to index
        %swap3A_1088 = arith.constant 64 : index
        %swap3A_1089 = tpu.vector_load %arg10[%swap3A_1086, %swap3A_1087, %swap3A_1088] {strides = array<i32>} : memref<2x64x128xf32, #tpu.memory_space<vmem>>, vector<16xf32>,
        tpu.vector_store %arg10[%swap3A_1086, %swap3A_1087, %swap3A_1088], %unpack3A_1083 {strides = array<i32>} : memref<2x64x128xf32, #tpu.memory_space<vmem>>, vector<16xf32>,
        %swap3A_1090 = arith.constant 0 : i32
        %swap3A_1091 = arith.index_cast %swap3A_1090 : i32 to index
        %swap3A_1092 = arith.index_cast %scan3A_1044 : i32 to index
        %swap3A_1093 = arith.constant 80 : index
        %swap3A_1094 = tpu.vector_load %arg10[%swap3A_1091, %swap3A_1092, %swap3A_1093] {strides = array<i32>} : memref<2x64x128xf32, #tpu.memory_space<vmem>>, vector<16xf32>,
        tpu.vector_store %arg10[%swap3A_1091, %swap3A_1092, %swap3A_1093], %unpack3A_1084 {strides = array<i32>} : memref<2x64x128xf32, #tpu.memory_space<vmem>>, vector<16xf32>,
        %get3A_1095 = arith.constant 2 : i32
        %get3A_1096 = arith.index_cast %get3A_1095 : i32 to index
        %get3A_1097 = arith.index_cast %scan3A_1044 : i32 to index
        %get3A_1098 = arith.constant 48 : index
        %get3A_1099 = tpu.vector_load %arg9[%get3A_1096, %get3A_1097, %get3A_1098] {strides = array<i32>} : memref<4x64x64xi32, #tpu.memory_space<vmem>>, vector<16xi32>,
        %bitcast3A_1100 = vector.bitcast %get3A_1099 : vector<16xi32> to vector<32xbf16>
        %unpack3A_1101 = tpu.unpack_subelements %bitcast3A_1100, 0 {pack_format = #tpu.pack_format<interleaved>} : vector<32xbf16> -> vector<16xf32>
        %unpack3A_1102 = tpu.unpack_subelements %bitcast3A_1100, 1 {pack_format = #tpu.pack_format<interleaved>} : vector<32xbf16> -> vector<16xf32>
        %swap3A_1103 = arith.constant 0 : i32
        %swap3A_1104 = arith.index_cast %swap3A_1103 : i32 to index
        %swap3A_1105 = arith.index_cast %scan3A_1044 : i32 to index
        %swap3A_1106 = arith.constant 96 : index
        %swap3A_1107 = tpu.vector_load %arg10[%swap3A_1104, %swap3A_1105, %swap3A_1106] {strides = array<i32>} : memref<2x64x128xf32, #tpu.memory_space<vmem>>, vector<16xf32>,
        tpu.vector_store %arg10[%swap3A_1104, %swap3A_1105, %swap3A_1106], %unpack3A_1101 {strides = array<i32>} : memref<2x64x128xf32, #tpu.memory_space<vmem>>, vector<16xf32>,
        %swap3A_1108 = arith.constant 0 : i32
        %swap3A_1109 = arith.index_cast %swap3A_1108 : i32 to index
        %swap3A_1110 = arith.index_cast %scan3A_1044 : i32 to index
        %swap3A_1111 = arith.constant 112 : index
        %swap3A_1112 = tpu.vector_load %arg10[%swap3A_1109, %swap3A_1110, %swap3A_1111] {strides = array<i32>} : memref<2x64x128xf32, #tpu.memory_space<vmem>>, vector<16xf32>,
        tpu.vector_store %arg10[%swap3A_1109, %swap3A_1110, %swap3A_1111], %unpack3A_1102 {strides = array<i32>} : memref<2x64x128xf32, #tpu.memory_space<vmem>>, vector<16xf32>,
      }
      %scan3A_244 = arith.constant 64 : i32
      %dma_start3A_245 = arith.constant 0 : i32
      %dma_start3A_246 = arith.constant 0 : i32
      %dma_start3A_247 = arith.constant 2 : i32
      %dma_start3A_248 = arith.constant 0 : i32
      %dma_start3A_249 = arith.constant 0 : i32
      %dma_start3A_250 = tpu.memref_slice %arg10[%dma_start3A_245, %dma_start3A_248, %dma_start3A_249] : memref<2x64x128xf32, #tpu.memory_space<vmem>> -> memref<1x64x128xf32, #tpu.memory_space<vmem>>
      %dma_start3A_251 = tpu.memref_squeeze %dma_start3A_250 : memref<1x64x128xf32, #tpu.memory_space<vmem>> -> memref<64x128xf32, #tpu.memory_space<vmem>>
      %dma_start3A_252 = arith.constant 0 : i32
      %dma_start3A_253 = tpu.memref_slice %arg8[%dma_start3A_246, %dma_start3A_247, %dma_start3A_252] : memref<2x8x64xi32, #tpu.memory_space<vmem>> -> memref<1x1x64xi32, #tpu.memory_space<vmem>>
      %dma_start3A_254 = tpu.memref_squeeze %dma_start3A_253 : memref<1x1x64xi32, #tpu.memory_space<vmem>> -> memref<64xi32, #tpu.memory_space<vmem>>
      %dma_start3A_255 = arith.constant 0 : i32
      %dma_start3A_256 = arith.constant 0 : i32
      %dma_start3A_257 = tpu.memref_slice %arg11[%dma_start3A_255, %dma_start3A_256] : memref<10240x128xf32, #tpu.memory_space<vmem_shared>> -> memref<10240x128xf32, #tpu.memory_space<vmem_shared>>
      tpu.enqueue_indirect_dma source(%dma_start3A_251 : memref<64x128xf32, #tpu.memory_space<vmem>>) target(%dma_start3A_257 : memref<10240x128xf32, #tpu.memory_space<vmem_shared>>) offsets(%dma_start3A_254 : memref<64xi32, #tpu.memory_space<vmem>>) semaphore(%arg16 : memref<!tpu.dma_semaphore, #tpu.memory_space<semaphore_mem>>) {add = true}
      %dma_start3A_258 = arith.constant 0 : i32
      %dma_start3A_259 = arith.constant 5 : i32
      %dma_start3A_260 = arith.constant 1 : i32
      %dma_start3A_261 = arith.constant 0 : i32
      %dma_start3A_262 = arith.constant 0 : i32
      %dma_start3A_263 = tpu.memref_slice %arg9[%dma_start3A_260, %dma_start3A_261, %dma_start3A_262] : memref<4x64x64xi32, #tpu.memory_space<vmem>> -> memref<1x64x64xi32, #tpu.memory_space<vmem>>
      %dma_start3A_264 = tpu.memref_squeeze %dma_start3A_263 : memref<1x64x64xi32, #tpu.memory_space<vmem>> -> memref<64x64xi32, #tpu.memory_space<vmem>>
      %dma_start3A_265 = arith.constant 0 : i32
      %dma_start3A_266 = tpu.memref_slice %arg7[%dma_start3A_258, %dma_start3A_259, %dma_start3A_265] : memref<2x8x64xi32, #tpu.memory_space<vmem>> -> memref<1x1x64xi32, #tpu.memory_space<vmem>>
      %dma_start3A_267 = tpu.memref_squeeze %dma_start3A_266 : memref<1x1x64xi32, #tpu.memory_space<vmem>> -> memref<64xi32, #tpu.memory_space<vmem>>
      %dma_start3A_268 = arith.constant 0 : i32
      %dma_start3A_269 = arith.constant 0 : i32
      %dma_start3A_270 = tpu.memref_slice %arg2[%dma_start3A_268, %dma_start3A_269] : memref<10240x64xi32, #tpu.memory_space<hbm>> -> memref<10240x64xi32, #tpu.memory_space<hbm>>
      tpu.enqueue_indirect_dma source(%dma_start3A_270 : memref<10240x64xi32, #tpu.memory_space<hbm>>) target(%dma_start3A_264 : memref<64x64xi32, #tpu.memory_space<vmem>>) offsets(%dma_start3A_267 : memref<64xi32, #tpu.memory_space<vmem>>) semaphore(%arg13 : memref<!tpu.dma_semaphore, #tpu.memory_space<semaphore_mem>>)
      %dma_wait3A_271 = arith.constant 0 : i32
      %dma_wait3A_272 = arith.constant 3 : i32
      %dma_wait3A_273 = arith.constant 3 : i32
      %dma_wait3A_274 = arith.constant 0 : i32
      %dma_wait3A_275 = arith.constant 0 : i32
      %dma_wait3A_276 = tpu.memref_slice %arg9[%dma_wait3A_273, %dma_wait3A_274, %dma_wait3A_275] : memref<4x64x64xi32, #tpu.memory_space<vmem>> -> memref<1x64x64xi32, #tpu.memory_space<vmem>>
      %dma_wait3A_277 = tpu.memref_squeeze %dma_wait3A_276 : memref<1x64x64xi32, #tpu.memory_space<vmem>> -> memref<64x64xi32, #tpu.memory_space<vmem>>
      %dma_wait3A_278 = arith.constant 0 : i32
      %dma_wait3A_279 = tpu.memref_slice %arg7[%dma_wait3A_271, %dma_wait3A_272, %dma_wait3A_278] : memref<2x8x64xi32, #tpu.memory_space<vmem>> -> memref<1x1x64xi32, #tpu.memory_space<vmem>>
      %dma_wait3A_280 = tpu.memref_squeeze %dma_wait3A_279 : memref<1x1x64xi32, #tpu.memory_space<vmem>> -> memref<64xi32, #tpu.memory_space<vmem>>
      %dma_wait3A_281 = arith.constant 0 : i32
      %dma_wait3A_282 = arith.constant 0 : i32
      %dma_wait3A_283 = tpu.memref_slice %arg2[%dma_wait3A_281, %dma_wait3A_282] : memref<10240x64xi32, #tpu.memory_space<hbm>> -> memref<10240x64xi32, #tpu.memory_space<hbm>>
      tpu.wait_indirect_dma semaphore(%arg15 : memref<!tpu.dma_semaphore, #tpu.memory_space<semaphore_mem>>) src(%dma_wait3A_283 : memref<10240x64xi32, #tpu.memory_space<hbm>>) dst(%dma_wait3A_277 : memref<64x64xi32, #tpu.memory_space<vmem>>)
      %dma_wait3A_284 = arith.constant 1 : i32
      %dma_wait3A_285 = arith.constant 0 : i32
      %dma_wait3A_286 = arith.constant 3 : i32
      %dma_wait3A_287 = arith.constant 0 : i32
      %dma_wait3A_288 = arith.constant 0 : i32
      %dma_wait3A_289 = tpu.memref_slice %arg10[%dma_wait3A_284, %dma_wait3A_287, %dma_wait3A_288] : memref<2x64x128xf32, #tpu.memory_space<vmem>> -> memref<1x64x128xf32, #tpu.memory_space<vmem>>
      %dma_wait3A_290 = tpu.memref_squeeze %dma_wait3A_289 : memref<1x64x128xf32, #tpu.memory_space<vmem>> -> memref<64x128xf32, #tpu.memory_space<vmem>>
      %dma_wait3A_291 = arith.constant 0 : i32
      %dma_wait3A_292 = tpu.memref_slice %arg8[%dma_wait3A_285, %dma_wait3A_286, %dma_wait3A_291] : memref<2x8x64xi32, #tpu.memory_space<vmem>> -> memref<1x1x64xi32, #tpu.memory_space<vmem>>
      %dma_wait3A_293 = tpu.memref_squeeze %dma_wait3A_292 : memref<1x1x64xi32, #tpu.memory_space<vmem>> -> memref<64xi32, #tpu.memory_space<vmem>>
      %dma_wait3A_294 = arith.constant 0 : i32
      %dma_wait3A_295 = arith.constant 0 : i32
      %dma_wait3A_296 = tpu.memref_slice %arg11[%dma_wait3A_294, %dma_wait3A_295] : memref<10240x128xf32, #tpu.memory_space<vmem_shared>> -> memref<10240x128xf32, #tpu.memory_space<vmem_shared>>
      tpu.wait_indirect_dma semaphore(%arg17 : memref<!tpu.dma_semaphore, #tpu.memory_space<semaphore_mem>>) src(%dma_wait3A_290 : memref<64x128xf32, #tpu.memory_space<vmem>>) dst(%dma_wait3A_296 : memref<10240x128xf32, #tpu.memory_space<vmem_shared>>)
      %scan3A_297 = arith.constant 0 : i32
      %scan3A_298 = arith.constant 0 : i32
      %scan3A_299 = arith.constant 64 : i32
      %scan3A_300 = arith.addi %scan3A_298, %scan3A_299 : i32
      %scan3A_301 = arith.constant 1 : i32
      scf.for %scan3A_1044 = %scan3A_298 to %scan3A_300 step %scan3A_301  : i32 {
        %get3A = arith.constant 3 : i32
        %get3A_1045 = arith.index_cast %get3A : i32 to index
        %get3A_1046 = arith.index_cast %scan3A_1044 : i32 to index
        %get3A_1047 = arith.constant 0 : index
        %get3A_1048 = tpu.vector_load %arg9[%get3A_1045, %get3A_1046, %get3A_1047] {strides = array<i32>} : memref<4x64x64xi32, #tpu.memory_space<vmem>>, vector<16xi32>,
        %bitcast3A = vector.bitcast %get3A_1048 : vector<16xi32> to vector<32xbf16>
        %unpack3A = tpu.unpack_subelements %bitcast3A, 0 {pack_format = #tpu.pack_format<interleaved>} : vector<32xbf16> -> vector<16xf32>
        %unpack3A_1049 = tpu.unpack_subelements %bitcast3A, 1 {pack_format = #tpu.pack_format<interleaved>} : vector<32xbf16> -> vector<16xf32>
        %swap3A = arith.constant 1 : i32
        %swap3A_1050 = arith.index_cast %swap3A : i32 to index
        %swap3A_1051 = arith.index_cast %scan3A_1044 : i32 to index
        %swap3A_1052 = arith.constant 0 : index
        %swap3A_1053 = tpu.vector_load %arg10[%swap3A_1050, %swap3A_1051, %swap3A_1052] {strides = array<i32>} : memref<2x64x128xf32, #tpu.memory_space<vmem>>, vector<16xf32>,
        tpu.vector_store %arg10[%swap3A_1050, %swap3A_1051, %swap3A_1052], %unpack3A {strides = array<i32>} : memref<2x64x128xf32, #tpu.memory_space<vmem>>, vector<16xf32>,
        %swap3A_1054 = arith.constant 1 : i32
        %swap3A_1055 = arith.index_cast %swap3A_1054 : i32 to index
        %swap3A_1056 = arith.index_cast %scan3A_1044 : i32 to index
        %swap3A_1057 = arith.constant 16 : index
        %swap3A_1058 = tpu.vector_load %arg10[%swap3A_1055, %swap3A_1056, %swap3A_1057] {strides = array<i32>} : memref<2x64x128xf32, #tpu.memory_space<vmem>>, vector<16xf32>,
        tpu.vector_store %arg10[%swap3A_1055, %swap3A_1056, %swap3A_1057], %unpack3A_1049 {strides = array<i32>} : memref<2x64x128xf32, #tpu.memory_space<vmem>>, vector<16xf32>,
        %get3A_1059 = arith.constant 3 : i32
        %get3A_1060 = arith.index_cast %get3A_1059 : i32 to index
        %get3A_1061 = arith.index_cast %scan3A_1044 : i32 to index
        %get3A_1062 = arith.constant 16 : index
        %get3A_1063 = tpu.vector_load %arg9[%get3A_1060, %get3A_1061, %get3A_1062] {strides = array<i32>} : memref<4x64x64xi32, #tpu.memory_space<vmem>>, vector<16xi32>,
        %bitcast3A_1064 = vector.bitcast %get3A_1063 : vector<16xi32> to vector<32xbf16>
        %unpack3A_1065 = tpu.unpack_subelements %bitcast3A_1064, 0 {pack_format = #tpu.pack_format<interleaved>} : vector<32xbf16> -> vector<16xf32>
        %unpack3A_1066 = tpu.unpack_subelements %bitcast3A_1064, 1 {pack_format = #tpu.pack_format<interleaved>} : vector<32xbf16> -> vector<16xf32>
        %swap3A_1067 = arith.constant 1 : i32
        %swap3A_1068 = arith.index_cast %swap3A_1067 : i32 to index
        %swap3A_1069 = arith.index_cast %scan3A_1044 : i32 to index
        %swap3A_1070 = arith.constant 32 : index
        %swap3A_1071 = tpu.vector_load %arg10[%swap3A_1068, %swap3A_1069, %swap3A_1070] {strides = array<i32>} : memref<2x64x128xf32, #tpu.memory_space<vmem>>, vector<16xf32>,
        tpu.vector_store %arg10[%swap3A_1068, %swap3A_1069, %swap3A_1070], %unpack3A_1065 {strides = array<i32>} : memref<2x64x128xf32, #tpu.memory_space<vmem>>, vector<16xf32>,
        %swap3A_1072 = arith.constant 1 : i32
        %swap3A_1073 = arith.index_cast %swap3A_1072 : i32 to index
        %swap3A_1074 = arith.index_cast %scan3A_1044 : i32 to index
        %swap3A_1075 = arith.constant 48 : index
        %swap3A_1076 = tpu.vector_load %arg10[%swap3A_1073, %swap3A_1074, %swap3A_1075] {strides = array<i32>} : memref<2x64x128xf32, #tpu.memory_space<vmem>>, vector<16xf32>,
        tpu.vector_store %arg10[%swap3A_1073, %swap3A_1074, %swap3A_1075], %unpack3A_1066 {strides = array<i32>} : memref<2x64x128xf32, #tpu.memory_space<vmem>>, vector<16xf32>,
        %get3A_1077 = arith.constant 3 : i32
        %get3A_1078 = arith.index_cast %get3A_1077 : i32 to index
        %get3A_1079 = arith.index_cast %scan3A_1044 : i32 to index
        %get3A_1080 = arith.constant 32 : index
        %get3A_1081 = tpu.vector_load %arg9[%get3A_1078, %get3A_1079, %get3A_1080] {strides = array<i32>} : memref<4x64x64xi32, #tpu.memory_space<vmem>>, vector<16xi32>,
        %bitcast3A_1082 = vector.bitcast %get3A_1081 : vector<16xi32> to vector<32xbf16>
        %unpack3A_1083 = tpu.unpack_subelements %bitcast3A_1082, 0 {pack_format = #tpu.pack_format<interleaved>} : vector<32xbf16> -> vector<16xf32>
        %unpack3A_1084 = tpu.unpack_subelements %bitcast3A_1082, 1 {pack_format = #tpu.pack_format<interleaved>} : vector<32xbf16> -> vector<16xf32>
        %swap3A_1085 = arith.constant 1 : i32
        %swap3A_1086 = arith.index_cast %swap3A_1085 : i32 to index
        %swap3A_1087 = arith.index_cast %scan3A_1044 : i32 to index
        %swap3A_1088 = arith.constant 64 : index
        %swap3A_1089 = tpu.vector_load %arg10[%swap3A_1086, %swap3A_1087, %swap3A_1088] {strides = array<i32>} : memref<2x64x128xf32, #tpu.memory_space<vmem>>, vector<16xf32>,
        tpu.vector_store %arg10[%swap3A_1086, %swap3A_1087, %swap3A_1088], %unpack3A_1083 {strides = array<i32>} : memref<2x64x128xf32, #tpu.memory_space<vmem>>, vector<16xf32>,
        %swap3A_1090 = arith.constant 1 : i32
        %swap3A_1091 = arith.index_cast %swap3A_1090 : i32 to index
        %swap3A_1092 = arith.index_cast %scan3A_1044 : i32 to index
        %swap3A_1093 = arith.constant 80 : index
        %swap3A_1094 = tpu.vector_load %arg10[%swap3A_1091, %swap3A_1092, %swap3A_1093] {strides = array<i32>} : memref<2x64x128xf32, #tpu.memory_space<vmem>>, vector<16xf32>,
        tpu.vector_store %arg10[%swap3A_1091, %swap3A_1092, %swap3A_1093], %unpack3A_1084 {strides = array<i32>} : memref<2x64x128xf32, #tpu.memory_space<vmem>>, vector<16xf32>,
        %get3A_1095 = arith.constant 3 : i32
        %get3A_1096 = arith.index_cast %get3A_1095 : i32 to index
        %get3A_1097 = arith.index_cast %scan3A_1044 : i32 to index
        %get3A_1098 = arith.constant 48 : index
        %get3A_1099 = tpu.vector_load %arg9[%get3A_1096, %get3A_1097, %get3A_1098] {strides = array<i32>} : memref<4x64x64xi32, #tpu.memory_space<vmem>>, vector<16xi32>,
        %bitcast3A_1100 = vector.bitcast %get3A_1099 : vector<16xi32> to vector<32xbf16>
        %unpack3A_1101 = tpu.unpack_subelements %bitcast3A_1100, 0 {pack_format = #tpu.pack_format<interleaved>} : vector<32xbf16> -> vector<16xf32>
        %unpack3A_1102 = tpu.unpack_subelements %bitcast3A_1100, 1 {pack_format = #tpu.pack_format<interleaved>} : vector<32xbf16> -> vector<16xf32>
        %swap3A_1103 = arith.constant 1 : i32
        %swap3A_1104 = arith.index_cast %swap3A_1103 : i32 to index
        %swap3A_1105 = arith.index_cast %scan3A_1044 : i32 to index
        %swap3A_1106 = arith.constant 96 : index
        %swap3A_1107 = tpu.vector_load %arg10[%swap3A_1104, %swap3A_1105, %swap3A_1106] {strides = array<i32>} : memref<2x64x128xf32, #tpu.memory_space<vmem>>, vector<16xf32>,
        tpu.vector_store %arg10[%swap3A_1104, %swap3A_1105, %swap3A_1106], %unpack3A_1101 {strides = array<i32>} : memref<2x64x128xf32, #tpu.memory_space<vmem>>, vector<16xf32>,
        %swap3A_1108 = arith.constant 1 : i32
        %swap3A_1109 = arith.index_cast %swap3A_1108 : i32 to index
        %swap3A_1110 = arith.index_cast %scan3A_1044 : i32 to index
        %swap3A_1111 = arith.constant 112 : index
        %swap3A_1112 = tpu.vector_load %arg10[%swap3A_1109, %swap3A_1110, %swap3A_1111] {strides = array<i32>} : memref<2x64x128xf32, #tpu.memory_space<vmem>>, vector<16xf32>,
        tpu.vector_store %arg10[%swap3A_1109, %swap3A_1110, %swap3A_1111], %unpack3A_1102 {strides = array<i32>} : memref<2x64x128xf32, #tpu.memory_space<vmem>>, vector<16xf32>,
      }
      %scan3A_302 = arith.constant 64 : i32
      %dma_start3A_303 = arith.constant 1 : i32
      %dma_start3A_304 = arith.constant 0 : i32
      %dma_start3A_305 = arith.constant 3 : i32
      %dma_start3A_306 = arith.constant 0 : i32
      %dma_start3A_307 = arith.constant 0 : i32
      %dma_start3A_308 = tpu.memref_slice %arg10[%dma_start3A_303, %dma_start3A_306, %dma_start3A_307] : memref<2x64x128xf32, #tpu.memory_space<vmem>> -> memref<1x64x128xf32, #tpu.memory_space<vmem>>
      %dma_start3A_309 = tpu.memref_squeeze %dma_start3A_308 : memref<1x64x128xf32, #tpu.memory_space<vmem>> -> memref<64x128xf32, #tpu.memory_space<vmem>>
      %dma_start3A_310 = arith.constant 0 : i32
      %dma_start3A_311 = tpu.memref_slice %arg8[%dma_start3A_304, %dma_start3A_305, %dma_start3A_310] : memref<2x8x64xi32, #tpu.memory_space<vmem>> -> memref<1x1x64xi32, #tpu.memory_space<vmem>>
      %dma_start3A_312 = tpu.memref_squeeze %dma_start3A_311 : memref<1x1x64xi32, #tpu.memory_space<vmem>> -> memref<64xi32, #tpu.memory_space<vmem>>
      %dma_start3A_313 = arith.constant 0 : i32
      %dma_start3A_314 = arith.constant 0 : i32
      %dma_start3A_315 = tpu.memref_slice %arg11[%dma_start3A_313, %dma_start3A_314] : memref<10240x128xf32, #tpu.memory_space<vmem_shared>> -> memref<10240x128xf32, #tpu.memory_space<vmem_shared>>
      tpu.enqueue_indirect_dma source(%dma_start3A_309 : memref<64x128xf32, #tpu.memory_space<vmem>>) target(%dma_start3A_315 : memref<10240x128xf32, #tpu.memory_space<vmem_shared>>) offsets(%dma_start3A_312 : memref<64xi32, #tpu.memory_space<vmem>>) semaphore(%arg17 : memref<!tpu.dma_semaphore, #tpu.memory_space<semaphore_mem>>) {add = true}
      %dma_start3A_316 = arith.constant 0 : i32
      %dma_start3A_317 = arith.constant 6 : i32
      %dma_start3A_318 = arith.constant 2 : i32
      %dma_start3A_319 = arith.constant 0 : i32
      %dma_start3A_320 = arith.constant 0 : i32
      %dma_start3A_321 = tpu.memref_slice %arg9[%dma_start3A_318, %dma_start3A_319, %dma_start3A_320] : memref<4x64x64xi32, #tpu.memory_space<vmem>> -> memref<1x64x64xi32, #tpu.memory_space<vmem>>
      %dma_start3A_322 = tpu.memref_squeeze %dma_start3A_321 : memref<1x64x64xi32, #tpu.memory_space<vmem>> -> memref<64x64xi32, #tpu.memory_space<vmem>>
      %dma_start3A_323 = arith.constant 0 : i32
      %dma_start3A_324 = tpu.memref_slice %arg7[%dma_start3A_316, %dma_start3A_317, %dma_start3A_323] : memref<2x8x64xi32, #tpu.memory_space<vmem>> -> memref<1x1x64xi32, #tpu.memory_space<vmem>>
      %dma_start3A_325 = tpu.memref_squeeze %dma_start3A_324 : memref<1x1x64xi32, #tpu.memory_space<vmem>> -> memref<64xi32, #tpu.memory_space<vmem>>
      %dma_start3A_326 = arith.constant 0 : i32
      %dma_start3A_327 = arith.constant 0 : i32
      %dma_start3A_328 = tpu.memref_slice %arg2[%dma_start3A_326, %dma_start3A_327] : memref<10240x64xi32, #tpu.memory_space<hbm>> -> memref<10240x64xi32, #tpu.memory_space<hbm>>
      tpu.enqueue_indirect_dma source(%dma_start3A_328 : memref<10240x64xi32, #tpu.memory_space<hbm>>) target(%dma_start3A_322 : memref<64x64xi32, #tpu.memory_space<vmem>>) offsets(%dma_start3A_325 : memref<64xi32, #tpu.memory_space<vmem>>) semaphore(%arg14 : memref<!tpu.dma_semaphore, #tpu.memory_space<semaphore_mem>>)
      %dma_wait3A_329 = arith.constant 0 : i32
      %dma_wait3A_330 = arith.constant 4 : i32
      %dma_wait3A_331 = arith.constant 0 : i32
      %dma_wait3A_332 = arith.constant 0 : i32
      %dma_wait3A_333 = arith.constant 0 : i32
      %dma_wait3A_334 = tpu.memref_slice %arg9[%dma_wait3A_331, %dma_wait3A_332, %dma_wait3A_333] : memref<4x64x64xi32, #tpu.memory_space<vmem>> -> memref<1x64x64xi32, #tpu.memory_space<vmem>>
      %dma_wait3A_335 = tpu.memref_squeeze %dma_wait3A_334 : memref<1x64x64xi32, #tpu.memory_space<vmem>> -> memref<64x64xi32, #tpu.memory_space<vmem>>
      %dma_wait3A_336 = arith.constant 0 : i32
      %dma_wait3A_337 = tpu.memref_slice %arg7[%dma_wait3A_329, %dma_wait3A_330, %dma_wait3A_336] : memref<2x8x64xi32, #tpu.memory_space<vmem>> -> memref<1x1x64xi32, #tpu.memory_space<vmem>>
      %dma_wait3A_338 = tpu.memref_squeeze %dma_wait3A_337 : memref<1x1x64xi32, #tpu.memory_space<vmem>> -> memref<64xi32, #tpu.memory_space<vmem>>
      %dma_wait3A_339 = arith.constant 0 : i32
      %dma_wait3A_340 = arith.constant 0 : i32
      %dma_wait3A_341 = tpu.memref_slice %arg2[%dma_wait3A_339, %dma_wait3A_340] : memref<10240x64xi32, #tpu.memory_space<hbm>> -> memref<10240x64xi32, #tpu.memory_space<hbm>>
      tpu.wait_indirect_dma semaphore(%arg12 : memref<!tpu.dma_semaphore, #tpu.memory_space<semaphore_mem>>) src(%dma_wait3A_341 : memref<10240x64xi32, #tpu.memory_space<hbm>>) dst(%dma_wait3A_335 : memref<64x64xi32, #tpu.memory_space<vmem>>)
      %dma_wait3A_342 = arith.constant 0 : i32
      %dma_wait3A_343 = arith.constant 0 : i32
      %dma_wait3A_344 = arith.constant 4 : i32
      %dma_wait3A_345 = arith.constant 0 : i32
      %dma_wait3A_346 = arith.constant 0 : i32
      %dma_wait3A_347 = tpu.memref_slice %arg10[%dma_wait3A_342, %dma_wait3A_345, %dma_wait3A_346] : memref<2x64x128xf32, #tpu.memory_space<vmem>> -> memref<1x64x128xf32, #tpu.memory_space<vmem>>
      %dma_wait3A_348 = tpu.memref_squeeze %dma_wait3A_347 : memref<1x64x128xf32, #tpu.memory_space<vmem>> -> memref<64x128xf32, #tpu.memory_space<vmem>>
      %dma_wait3A_349 = arith.constant 0 : i32
      %dma_wait3A_350 = tpu.memref_slice %arg8[%dma_wait3A_343, %dma_wait3A_344, %dma_wait3A_349] : memref<2x8x64xi32, #tpu.memory_space<vmem>> -> memref<1x1x64xi32, #tpu.memory_space<vmem>>
      %dma_wait3A_351 = tpu.memref_squeeze %dma_wait3A_350 : memref<1x1x64xi32, #tpu.memory_space<vmem>> -> memref<64xi32, #tpu.memory_space<vmem>>
      %dma_wait3A_352 = arith.constant 0 : i32
      %dma_wait3A_353 = arith.constant 0 : i32
      %dma_wait3A_354 = tpu.memref_slice %arg11[%dma_wait3A_352, %dma_wait3A_353] : memref<10240x128xf32, #tpu.memory_space<vmem_shared>> -> memref<10240x128xf32, #tpu.memory_space<vmem_shared>>
      tpu.wait_indirect_dma semaphore(%arg16 : memref<!tpu.dma_semaphore, #tpu.memory_space<semaphore_mem>>) src(%dma_wait3A_348 : memref<64x128xf32, #tpu.memory_space<vmem>>) dst(%dma_wait3A_354 : memref<10240x128xf32, #tpu.memory_space<vmem_shared>>)
      %scan3A_355 = arith.constant 0 : i32
      %scan3A_356 = arith.constant 0 : i32
      %scan3A_357 = arith.constant 64 : i32
      %scan3A_358 = arith.addi %scan3A_356, %scan3A_357 : i32
      %scan3A_359 = arith.constant 1 : i32
      scf.for %scan3A_1044 = %scan3A_356 to %scan3A_358 step %scan3A_359  : i32 {
        %get3A = arith.constant 0 : i32
        %get3A_1045 = arith.index_cast %get3A : i32 to index
        %get3A_1046 = arith.index_cast %scan3A_1044 : i32 to index
        %get3A_1047 = arith.constant 0 : index
        %get3A_1048 = tpu.vector_load %arg9[%get3A_1045, %get3A_1046, %get3A_1047] {strides = array<i32>} : memref<4x64x64xi32, #tpu.memory_space<vmem>>, vector<16xi32>,
        %bitcast3A = vector.bitcast %get3A_1048 : vector<16xi32> to vector<32xbf16>
        %unpack3A = tpu.unpack_subelements %bitcast3A, 0 {pack_format = #tpu.pack_format<interleaved>} : vector<32xbf16> -> vector<16xf32>
        %unpack3A_1049 = tpu.unpack_subelements %bitcast3A, 1 {pack_format = #tpu.pack_format<interleaved>} : vector<32xbf16> -> vector<16xf32>
        %swap3A = arith.constant 0 : i32
        %swap3A_1050 = arith.index_cast %swap3A : i32 to index
        %swap3A_1051 = arith.index_cast %scan3A_1044 : i32 to index
        %swap3A_1052 = arith.constant 0 : index
        %swap3A_1053 = tpu.vector_load %arg10[%swap3A_1050, %swap3A_1051, %swap3A_1052] {strides = array<i32>} : memref<2x64x128xf32, #tpu.memory_space<vmem>>, vector<16xf32>,
        tpu.vector_store %arg10[%swap3A_1050, %swap3A_1051, %swap3A_1052], %unpack3A {strides = array<i32>} : memref<2x64x128xf32, #tpu.memory_space<vmem>>, vector<16xf32>,
        %swap3A_1054 = arith.constant 0 : i32
        %swap3A_1055 = arith.index_cast %swap3A_1054 : i32 to index
        %swap3A_1056 = arith.index_cast %scan3A_1044 : i32 to index
        %swap3A_1057 = arith.constant 16 : index
        %swap3A_1058 = tpu.vector_load %arg10[%swap3A_1055, %swap3A_1056, %swap3A_1057] {strides = array<i32>} : memref<2x64x128xf32, #tpu.memory_space<vmem>>, vector<16xf32>,
        tpu.vector_store %arg10[%swap3A_1055, %swap3A_1056, %swap3A_1057], %unpack3A_1049 {strides = array<i32>} : memref<2x64x128xf32, #tpu.memory_space<vmem>>, vector<16xf32>,
        %get3A_1059 = arith.constant 0 : i32
        %get3A_1060 = arith.index_cast %get3A_1059 : i32 to index
        %get3A_1061 = arith.index_cast %scan3A_1044 : i32 to index
        %get3A_1062 = arith.constant 16 : index
        %get3A_1063 = tpu.vector_load %arg9[%get3A_1060, %get3A_1061, %get3A_1062] {strides = array<i32>} : memref<4x64x64xi32, #tpu.memory_space<vmem>>, vector<16xi32>,
        %bitcast3A_1064 = vector.bitcast %get3A_1063 : vector<16xi32> to vector<32xbf16>
        %unpack3A_1065 = tpu.unpack_subelements %bitcast3A_1064, 0 {pack_format = #tpu.pack_format<interleaved>} : vector<32xbf16> -> vector<16xf32>
        %unpack3A_1066 = tpu.unpack_subelements %bitcast3A_1064, 1 {pack_format = #tpu.pack_format<interleaved>} : vector<32xbf16> -> vector<16xf32>
        %swap3A_1067 = arith.constant 0 : i32
        %swap3A_1068 = arith.index_cast %swap3A_1067 : i32 to index
        %swap3A_1069 = arith.index_cast %scan3A_1044 : i32 to index
        %swap3A_1070 = arith.constant 32 : index
        %swap3A_1071 = tpu.vector_load %arg10[%swap3A_1068, %swap3A_1069, %swap3A_1070] {strides = array<i32>} : memref<2x64x128xf32, #tpu.memory_space<vmem>>, vector<16xf32>,
        tpu.vector_store %arg10[%swap3A_1068, %swap3A_1069, %swap3A_1070], %unpack3A_1065 {strides = array<i32>} : memref<2x64x128xf32, #tpu.memory_space<vmem>>, vector<16xf32>,
        %swap3A_1072 = arith.constant 0 : i32
        %swap3A_1073 = arith.index_cast %swap3A_1072 : i32 to index
        %swap3A_1074 = arith.index_cast %scan3A_1044 : i32 to index
        %swap3A_1075 = arith.constant 48 : index
        %swap3A_1076 = tpu.vector_load %arg10[%swap3A_1073, %swap3A_1074, %swap3A_1075] {strides = array<i32>} : memref<2x64x128xf32, #tpu.memory_space<vmem>>, vector<16xf32>,
        tpu.vector_store %arg10[%swap3A_1073, %swap3A_1074, %swap3A_1075], %unpack3A_1066 {strides = array<i32>} : memref<2x64x128xf32, #tpu.memory_space<vmem>>, vector<16xf32>,
        %get3A_1077 = arith.constant 0 : i32
        %get3A_1078 = arith.index_cast %get3A_1077 : i32 to index
        %get3A_1079 = arith.index_cast %scan3A_1044 : i32 to index
        %get3A_1080 = arith.constant 32 : index
        %get3A_1081 = tpu.vector_load %arg9[%get3A_1078, %get3A_1079, %get3A_1080] {strides = array<i32>} : memref<4x64x64xi32, #tpu.memory_space<vmem>>, vector<16xi32>,
        %bitcast3A_1082 = vector.bitcast %get3A_1081 : vector<16xi32> to vector<32xbf16>
        %unpack3A_1083 = tpu.unpack_subelements %bitcast3A_1082, 0 {pack_format = #tpu.pack_format<interleaved>} : vector<32xbf16> -> vector<16xf32>
        %unpack3A_1084 = tpu.unpack_subelements %bitcast3A_1082, 1 {pack_format = #tpu.pack_format<interleaved>} : vector<32xbf16> -> vector<16xf32>
        %swap3A_1085 = arith.constant 0 : i32
        %swap3A_1086 = arith.index_cast %swap3A_1085 : i32 to index
        %swap3A_1087 = arith.index_cast %scan3A_1044 : i32 to index
        %swap3A_1088 = arith.constant 64 : index
        %swap3A_1089 = tpu.vector_load %arg10[%swap3A_1086, %swap3A_1087, %swap3A_1088] {strides = array<i32>} : memref<2x64x128xf32, #tpu.memory_space<vmem>>, vector<16xf32>,
        tpu.vector_store %arg10[%swap3A_1086, %swap3A_1087, %swap3A_1088], %unpack3A_1083 {strides = array<i32>} : memref<2x64x128xf32, #tpu.memory_space<vmem>>, vector<16xf32>,
        %swap3A_1090 = arith.constant 0 : i32
        %swap3A_1091 = arith.index_cast %swap3A_1090 : i32 to index
        %swap3A_1092 = arith.index_cast %scan3A_1044 : i32 to index
        %swap3A_1093 = arith.constant 80 : index
        %swap3A_1094 = tpu.vector_load %arg10[%swap3A_1091, %swap3A_1092, %swap3A_1093] {strides = array<i32>} : memref<2x64x128xf32, #tpu.memory_space<vmem>>, vector<16xf32>,
        tpu.vector_store %arg10[%swap3A_1091, %swap3A_1092, %swap3A_1093], %unpack3A_1084 {strides = array<i32>} : memref<2x64x128xf32, #tpu.memory_space<vmem>>, vector<16xf32>,
        %get3A_1095 = arith.constant 0 : i32
        %get3A_1096 = arith.index_cast %get3A_1095 : i32 to index
        %get3A_1097 = arith.index_cast %scan3A_1044 : i32 to index
        %get3A_1098 = arith.constant 48 : index
        %get3A_1099 = tpu.vector_load %arg9[%get3A_1096, %get3A_1097, %get3A_1098] {strides = array<i32>} : memref<4x64x64xi32, #tpu.memory_space<vmem>>, vector<16xi32>,
        %bitcast3A_1100 = vector.bitcast %get3A_1099 : vector<16xi32> to vector<32xbf16>
        %unpack3A_1101 = tpu.unpack_subelements %bitcast3A_1100, 0 {pack_format = #tpu.pack_format<interleaved>} : vector<32xbf16> -> vector<16xf32>
        %unpack3A_1102 = tpu.unpack_subelements %bitcast3A_1100, 1 {pack_format = #tpu.pack_format<interleaved>} : vector<32xbf16> -> vector<16xf32>
        %swap3A_1103 = arith.constant 0 : i32
        %swap3A_1104 = arith.index_cast %swap3A_1103 : i32 to index
        %swap3A_1105 = arith.index_cast %scan3A_1044 : i32 to index
        %swap3A_1106 = arith.constant 96 : index
        %swap3A_1107 = tpu.vector_load %arg10[%swap3A_1104, %swap3A_1105, %swap3A_1106] {strides = array<i32>} : memref<2x64x128xf32, #tpu.memory_space<vmem>>, vector<16xf32>,
        tpu.vector_store %arg10[%swap3A_1104, %swap3A_1105, %swap3A_1106], %unpack3A_1101 {strides = array<i32>} : memref<2x64x128xf32, #tpu.memory_space<vmem>>, vector<16xf32>,
        %swap3A_1108 = arith.constant 0 : i32
        %swap3A_1109 = arith.index_cast %swap3A_1108 : i32 to index
        %swap3A_1110 = arith.index_cast %scan3A_1044 : i32 to index
        %swap3A_1111 = arith.constant 112 : index
        %swap3A_1112 = tpu.vector_load %arg10[%swap3A_1109, %swap3A_1110, %swap3A_1111] {strides = array<i32>} : memref<2x64x128xf32, #tpu.memory_space<vmem>>, vector<16xf32>,
        tpu.vector_store %arg10[%swap3A_1109, %swap3A_1110, %swap3A_1111], %unpack3A_1102 {strides = array<i32>} : memref<2x64x128xf32, #tpu.memory_space<vmem>>, vector<16xf32>,
      }
      %scan3A_360 = arith.constant 64 : i32
      %dma_start3A_361 = arith.constant 0 : i32
      %dma_start3A_362 = arith.constant 0 : i32
      %dma_start3A_363 = arith.constant 4 : i32
      %dma_start3A_364 = arith.constant 0 : i32
      %dma_start3A_365 = arith.constant 0 : i32
      %dma_start3A_366 = tpu.memref_slice %arg10[%dma_start3A_361, %dma_start3A_364, %dma_start3A_365] : memref<2x64x128xf32, #tpu.memory_space<vmem>> -> memref<1x64x128xf32, #tpu.memory_space<vmem>>
      %dma_start3A_367 = tpu.memref_squeeze %dma_start3A_366 : memref<1x64x128xf32, #tpu.memory_space<vmem>> -> memref<64x128xf32, #tpu.memory_space<vmem>>
      %dma_start3A_368 = arith.constant 0 : i32
      %dma_start3A_369 = tpu.memref_slice %arg8[%dma_start3A_362, %dma_start3A_363, %dma_start3A_368] : memref<2x8x64xi32, #tpu.memory_space<vmem>> -> memref<1x1x64xi32, #tpu.memory_space<vmem>>
      %dma_start3A_370 = tpu.memref_squeeze %dma_start3A_369 : memref<1x1x64xi32, #tpu.memory_space<vmem>> -> memref<64xi32, #tpu.memory_space<vmem>>
      %dma_start3A_371 = arith.constant 0 : i32
      %dma_start3A_372 = arith.constant 0 : i32
      %dma_start3A_373 = tpu.memref_slice %arg11[%dma_start3A_371, %dma_start3A_372] : memref<10240x128xf32, #tpu.memory_space<vmem_shared>> -> memref<10240x128xf32, #tpu.memory_space<vmem_shared>>
      tpu.enqueue_indirect_dma source(%dma_start3A_367 : memref<64x128xf32, #tpu.memory_space<vmem>>) target(%dma_start3A_373 : memref<10240x128xf32, #tpu.memory_space<vmem_shared>>) offsets(%dma_start3A_370 : memref<64xi32, #tpu.memory_space<vmem>>) semaphore(%arg16 : memref<!tpu.dma_semaphore, #tpu.memory_space<semaphore_mem>>) {add = true}
      %dma_start3A_374 = arith.constant 0 : i32
      %dma_start3A_375 = arith.constant 7 : i32
      %dma_start3A_376 = arith.constant 3 : i32
      %dma_start3A_377 = arith.constant 0 : i32
      %dma_start3A_378 = arith.constant 0 : i32
      %dma_start3A_379 = tpu.memref_slice %arg9[%dma_start3A_376, %dma_start3A_377, %dma_start3A_378] : memref<4x64x64xi32, #tpu.memory_space<vmem>> -> memref<1x64x64xi32, #tpu.memory_space<vmem>>
      %dma_start3A_380 = tpu.memref_squeeze %dma_start3A_379 : memref<1x64x64xi32, #tpu.memory_space<vmem>> -> memref<64x64xi32, #tpu.memory_space<vmem>>
      %dma_start3A_381 = arith.constant 0 : i32
      %dma_start3A_382 = tpu.memref_slice %arg7[%dma_start3A_374, %dma_start3A_375, %dma_start3A_381] : memref<2x8x64xi32, #tpu.memory_space<vmem>> -> memref<1x1x64xi32, #tpu.memory_space<vmem>>
      %dma_start3A_383 = tpu.memref_squeeze %dma_start3A_382 : memref<1x1x64xi32, #tpu.memory_space<vmem>> -> memref<64xi32, #tpu.memory_space<vmem>>
      %dma_start3A_384 = arith.constant 0 : i32
      %dma_start3A_385 = arith.constant 0 : i32
      %dma_start3A_386 = tpu.memref_slice %arg2[%dma_start3A_384, %dma_start3A_385] : memref<10240x64xi32, #tpu.memory_space<hbm>> -> memref<10240x64xi32, #tpu.memory_space<hbm>>
      tpu.enqueue_indirect_dma source(%dma_start3A_386 : memref<10240x64xi32, #tpu.memory_space<hbm>>) target(%dma_start3A_380 : memref<64x64xi32, #tpu.memory_space<vmem>>) offsets(%dma_start3A_383 : memref<64xi32, #tpu.memory_space<vmem>>) semaphore(%arg15 : memref<!tpu.dma_semaphore, #tpu.memory_space<semaphore_mem>>)
      %dma_wait3A_387 = arith.constant 1 : i32
      %dma_wait3A_388 = arith.constant 0 : i32
      %dma_wait3A_389 = arith.constant 0 : i32
      %dma_wait3A_390 = tpu.memref_slice %arg7[%dma_wait3A_387, %dma_wait3A_388, %dma_wait3A_389] : memref<2x8x64xi32, #tpu.memory_space<vmem>> -> memref<1x8x64xi32, #tpu.memory_space<vmem>>
      %dma_wait3A_391 = tpu.memref_squeeze %dma_wait3A_390 : memref<1x8x64xi32, #tpu.memory_space<vmem>> -> memref<8x64xi32, #tpu.memory_space<vmem>>
      %dma_wait3A_392 = arith.constant 0 : i32
      %dma_wait3A_393 = arith.constant 0 : i32
      %dma_wait3A_394 = tpu.memref_slice %arg3[%add3A, %dma_wait3A_392, %dma_wait3A_393] : memref<32x160x64xi32, #tpu.memory_space<hbm>> -> memref<1x8x64xi32, #tpu.memory_space<hbm>>
      %dma_wait3A_395 = tpu.memref_squeeze %dma_wait3A_394 : memref<1x8x64xi32, #tpu.memory_space<hbm>> -> memref<8x64xi32, #tpu.memory_space<hbm>>
      %dma_wait3A_396 = arith.constant 0 : i32
      %dma_wait3A_397 = arith.constant 0 : i32
      %dma_wait3A_398 = tpu.memref_slice %arg7[%dma_wait3A_387, %dma_wait3A_396, %dma_wait3A_397] : memref<2x8x64xi32, #tpu.memory_space<vmem>> -> memref<1x8x64xi32, #tpu.memory_space<vmem>>
      %dma_wait3A_399 = tpu.memref_squeeze %dma_wait3A_398 : memref<1x8x64xi32, #tpu.memory_space<vmem>> -> memref<8x64xi32, #tpu.memory_space<vmem>>
      %dma_wait3A_400 = arith.constant 0 : i32
      %dma_wait3A_401 = arith.constant 0 : i32
      %dma_wait3A_402 = tpu.memref_slice %arg3[%add3A, %dma_wait3A_400, %dma_wait3A_401] : memref<32x160x64xi32, #tpu.memory_space<hbm>> -> memref<1x8x64xi32, #tpu.memory_space<hbm>>
      %dma_wait3A_403 = tpu.memref_squeeze %dma_wait3A_402 : memref<1x8x64xi32, #tpu.memory_space<hbm>> -> memref<8x64xi32, #tpu.memory_space<hbm>>
      tpu.wait_dma2 semaphore(%arg19 : memref<!tpu.dma_semaphore, #tpu.memory_space<semaphore_mem>>) src(%dma_wait3A_403 : memref<8x64xi32, #tpu.memory_space<hbm>>) dst(%dma_wait3A_399 : memref<8x64xi32, #tpu.memory_space<vmem>>)
      %dma_wait3A_404 = arith.constant 1 : i32
      %dma_wait3A_405 = arith.constant 0 : i32
      %dma_wait3A_406 = arith.constant 0 : i32
      %dma_wait3A_407 = tpu.memref_slice %arg8[%dma_wait3A_404, %dma_wait3A_405, %dma_wait3A_406] : memref<2x8x64xi32, #tpu.memory_space<vmem>> -> memref<1x8x64xi32, #tpu.memory_space<vmem>>
      %dma_wait3A_408 = tpu.memref_squeeze %dma_wait3A_407 : memref<1x8x64xi32, #tpu.memory_space<vmem>> -> memref<8x64xi32, #tpu.memory_space<vmem>>
      %dma_wait3A_409 = arith.constant 0 : i32
      %dma_wait3A_410 = arith.constant 0 : i32
      %dma_wait3A_411 = tpu.memref_slice %arg4[%add3A, %dma_wait3A_409, %dma_wait3A_410] : memref<32x160x64xi32, #tpu.memory_space<hbm>> -> memref<1x8x64xi32, #tpu.memory_space<hbm>>
      %dma_wait3A_412 = tpu.memref_squeeze %dma_wait3A_411 : memref<1x8x64xi32, #tpu.memory_space<hbm>> -> memref<8x64xi32, #tpu.memory_space<hbm>>
      %dma_wait3A_413 = arith.constant 0 : i32
      %dma_wait3A_414 = arith.constant 0 : i32
      %dma_wait3A_415 = tpu.memref_slice %arg8[%dma_wait3A_404, %dma_wait3A_413, %dma_wait3A_414] : memref<2x8x64xi32, #tpu.memory_space<vmem>> -> memref<1x8x64xi32, #tpu.memory_space<vmem>>
      %dma_wait3A_416 = tpu.memref_squeeze %dma_wait3A_415 : memref<1x8x64xi32, #tpu.memory_space<vmem>> -> memref<8x64xi32, #tpu.memory_space<vmem>>
      %dma_wait3A_417 = arith.constant 0 : i32
      %dma_wait3A_418 = arith.constant 0 : i32
      %dma_wait3A_419 = tpu.memref_slice %arg4[%add3A, %dma_wait3A_417, %dma_wait3A_418] : memref<32x160x64xi32, #tpu.memory_space<hbm>> -> memref<1x8x64xi32, #tpu.memory_space<hbm>>
      %dma_wait3A_420 = tpu.memref_squeeze %dma_wait3A_419 : memref<1x8x64xi32, #tpu.memory_space<hbm>> -> memref<8x64xi32, #tpu.memory_space<hbm>>
      tpu.wait_dma2 semaphore(%arg19 : memref<!tpu.dma_semaphore, #tpu.memory_space<semaphore_mem>>) src(%dma_wait3A_420 : memref<8x64xi32, #tpu.memory_space<hbm>>) dst(%dma_wait3A_416 : memref<8x64xi32, #tpu.memory_space<vmem>>)
      %dma_wait3A_421 = arith.constant 0 : i32
      %dma_wait3A_422 = arith.constant 5 : i32
      %dma_wait3A_423 = arith.constant 1 : i32
      %dma_wait3A_424 = arith.constant 0 : i32
      %dma_wait3A_425 = arith.constant 0 : i32
      %dma_wait3A_426 = tpu.memref_slice %arg9[%dma_wait3A_423, %dma_wait3A_424, %dma_wait3A_425] : memref<4x64x64xi32, #tpu.memory_space<vmem>> -> memref<1x64x64xi32, #tpu.memory_space<vmem>>
      %dma_wait3A_427 = tpu.memref_squeeze %dma_wait3A_426 : memref<1x64x64xi32, #tpu.memory_space<vmem>> -> memref<64x64xi32, #tpu.memory_space<vmem>>
      %dma_wait3A_428 = arith.constant 0 : i32
      %dma_wait3A_429 = tpu.memref_slice %arg7[%dma_wait3A_421, %dma_wait3A_422, %dma_wait3A_428] : memref<2x8x64xi32, #tpu.memory_space<vmem>> -> memref<1x1x64xi32, #tpu.memory_space<vmem>>
      %dma_wait3A_430 = tpu.memref_squeeze %dma_wait3A_429 : memref<1x1x64xi32, #tpu.memory_space<vmem>> -> memref<64xi32, #tpu.memory_space<vmem>>
      %dma_wait3A_431 = arith.constant 0 : i32
      %dma_wait3A_432 = arith.constant 0 : i32
      %dma_wait3A_433 = tpu.memref_slice %arg2[%dma_wait3A_431, %dma_wait3A_432] : memref<10240x64xi32, #tpu.memory_space<hbm>> -> memref<10240x64xi32, #tpu.memory_space<hbm>>
      tpu.wait_indirect_dma semaphore(%arg13 : memref<!tpu.dma_semaphore, #tpu.memory_space<semaphore_mem>>) src(%dma_wait3A_433 : memref<10240x64xi32, #tpu.memory_space<hbm>>) dst(%dma_wait3A_427 : memref<64x64xi32, #tpu.memory_space<vmem>>)
      %dma_wait3A_434 = arith.constant 1 : i32
      %dma_wait3A_435 = arith.constant 0 : i32
      %dma_wait3A_436 = arith.constant 5 : i32
      %dma_wait3A_437 = arith.constant 0 : i32
      %dma_wait3A_438 = arith.constant 0 : i32
      %dma_wait3A_439 = tpu.memref_slice %arg10[%dma_wait3A_434, %dma_wait3A_437, %dma_wait3A_438] : memref<2x64x128xf32, #tpu.memory_space<vmem>> -> memref<1x64x128xf32, #tpu.memory_space<vmem>>
      %dma_wait3A_440 = tpu.memref_squeeze %dma_wait3A_439 : memref<1x64x128xf32, #tpu.memory_space<vmem>> -> memref<64x128xf32, #tpu.memory_space<vmem>>
      %dma_wait3A_441 = arith.constant 0 : i32
      %dma_wait3A_442 = tpu.memref_slice %arg8[%dma_wait3A_435, %dma_wait3A_436, %dma_wait3A_441] : memref<2x8x64xi32, #tpu.memory_space<vmem>> -> memref<1x1x64xi32, #tpu.memory_space<vmem>>
      %dma_wait3A_443 = tpu.memref_squeeze %dma_wait3A_442 : memref<1x1x64xi32, #tpu.memory_space<vmem>> -> memref<64xi32, #tpu.memory_space<vmem>>
      %dma_wait3A_444 = arith.constant 0 : i32
      %dma_wait3A_445 = arith.constant 0 : i32
      %dma_wait3A_446 = tpu.memref_slice %arg11[%dma_wait3A_444, %dma_wait3A_445] : memref<10240x128xf32, #tpu.memory_space<vmem_shared>> -> memref<10240x128xf32, #tpu.memory_space<vmem_shared>>
      tpu.wait_indirect_dma semaphore(%arg17 : memref<!tpu.dma_semaphore, #tpu.memory_space<semaphore_mem>>) src(%dma_wait3A_440 : memref<64x128xf32, #tpu.memory_space<vmem>>) dst(%dma_wait3A_446 : memref<10240x128xf32, #tpu.memory_space<vmem_shared>>)
      %scan3A_447 = arith.constant 0 : i32
      %scan3A_448 = arith.constant 0 : i32
      %scan3A_449 = arith.constant 64 : i32
      %scan3A_450 = arith.addi %scan3A_448, %scan3A_449 : i32
      %scan3A_451 = arith.constant 1 : i32
      scf.for %scan3A_1044 = %scan3A_448 to %scan3A_450 step %scan3A_451  : i32 {
        %get3A = arith.constant 1 : i32
        %get3A_1045 = arith.index_cast %get3A : i32 to index
        %get3A_1046 = arith.index_cast %scan3A_1044 : i32 to index
        %get3A_1047 = arith.constant 0 : index
        %get3A_1048 = tpu.vector_load %arg9[%get3A_1045, %get3A_1046, %get3A_1047] {strides = array<i32>} : memref<4x64x64xi32, #tpu.memory_space<vmem>>, vector<16xi32>,
        %bitcast3A = vector.bitcast %get3A_1048 : vector<16xi32> to vector<32xbf16>
        %unpack3A = tpu.unpack_subelements %bitcast3A, 0 {pack_format = #tpu.pack_format<interleaved>} : vector<32xbf16> -> vector<16xf32>
        %unpack3A_1049 = tpu.unpack_subelements %bitcast3A, 1 {pack_format = #tpu.pack_format<interleaved>} : vector<32xbf16> -> vector<16xf32>
        %swap3A = arith.constant 1 : i32
        %swap3A_1050 = arith.index_cast %swap3A : i32 to index
        %swap3A_1051 = arith.index_cast %scan3A_1044 : i32 to index
        %swap3A_1052 = arith.constant 0 : index
        %swap3A_1053 = tpu.vector_load %arg10[%swap3A_1050, %swap3A_1051, %swap3A_1052] {strides = array<i32>} : memref<2x64x128xf32, #tpu.memory_space<vmem>>, vector<16xf32>,
        tpu.vector_store %arg10[%swap3A_1050, %swap3A_1051, %swap3A_1052], %unpack3A {strides = array<i32>} : memref<2x64x128xf32, #tpu.memory_space<vmem>>, vector<16xf32>,
        %swap3A_1054 = arith.constant 1 : i32
        %swap3A_1055 = arith.index_cast %swap3A_1054 : i32 to index
        %swap3A_1056 = arith.index_cast %scan3A_1044 : i32 to index
        %swap3A_1057 = arith.constant 16 : index
        %swap3A_1058 = tpu.vector_load %arg10[%swap3A_1055, %swap3A_1056, %swap3A_1057] {strides = array<i32>} : memref<2x64x128xf32, #tpu.memory_space<vmem>>, vector<16xf32>,
        tpu.vector_store %arg10[%swap3A_1055, %swap3A_1056, %swap3A_1057], %unpack3A_1049 {strides = array<i32>} : memref<2x64x128xf32, #tpu.memory_space<vmem>>, vector<16xf32>,
        %get3A_1059 = arith.constant 1 : i32
        %get3A_1060 = arith.index_cast %get3A_1059 : i32 to index
        %get3A_1061 = arith.index_cast %scan3A_1044 : i32 to index
        %get3A_1062 = arith.constant 16 : index
        %get3A_1063 = tpu.vector_load %arg9[%get3A_1060, %get3A_1061, %get3A_1062] {strides = array<i32>} : memref<4x64x64xi32, #tpu.memory_space<vmem>>, vector<16xi32>,
        %bitcast3A_1064 = vector.bitcast %get3A_1063 : vector<16xi32> to vector<32xbf16>
        %unpack3A_1065 = tpu.unpack_subelements %bitcast3A_1064, 0 {pack_format = #tpu.pack_format<interleaved>} : vector<32xbf16> -> vector<16xf32>
        %unpack3A_1066 = tpu.unpack_subelements %bitcast3A_1064, 1 {pack_format = #tpu.pack_format<interleaved>} : vector<32xbf16> -> vector<16xf32>
        %swap3A_1067 = arith.constant 1 : i32
        %swap3A_1068 = arith.index_cast %swap3A_1067 : i32 to index
        %swap3A_1069 = arith.index_cast %scan3A_1044 : i32 to index
        %swap3A_1070 = arith.constant 32 : index
        %swap3A_1071 = tpu.vector_load %arg10[%swap3A_1068, %swap3A_1069, %swap3A_1070] {strides = array<i32>} : memref<2x64x128xf32, #tpu.memory_space<vmem>>, vector<16xf32>,
        tpu.vector_store %arg10[%swap3A_1068, %swap3A_1069, %swap3A_1070], %unpack3A_1065 {strides = array<i32>} : memref<2x64x128xf32, #tpu.memory_space<vmem>>, vector<16xf32>,
        %swap3A_1072 = arith.constant 1 : i32
        %swap3A_1073 = arith.index_cast %swap3A_1072 : i32 to index
        %swap3A_1074 = arith.index_cast %scan3A_1044 : i32 to index
        %swap3A_1075 = arith.constant 48 : index
        %swap3A_1076 = tpu.vector_load %arg10[%swap3A_1073, %swap3A_1074, %swap3A_1075] {strides = array<i32>} : memref<2x64x128xf32, #tpu.memory_space<vmem>>, vector<16xf32>,
        tpu.vector_store %arg10[%swap3A_1073, %swap3A_1074, %swap3A_1075], %unpack3A_1066 {strides = array<i32>} : memref<2x64x128xf32, #tpu.memory_space<vmem>>, vector<16xf32>,
        %get3A_1077 = arith.constant 1 : i32
        %get3A_1078 = arith.index_cast %get3A_1077 : i32 to index
        %get3A_1079 = arith.index_cast %scan3A_1044 : i32 to index
        %get3A_1080 = arith.constant 32 : index
        %get3A_1081 = tpu.vector_load %arg9[%get3A_1078, %get3A_1079, %get3A_1080] {strides = array<i32>} : memref<4x64x64xi32, #tpu.memory_space<vmem>>, vector<16xi32>,
        %bitcast3A_1082 = vector.bitcast %get3A_1081 : vector<16xi32> to vector<32xbf16>
        %unpack3A_1083 = tpu.unpack_subelements %bitcast3A_1082, 0 {pack_format = #tpu.pack_format<interleaved>} : vector<32xbf16> -> vector<16xf32>
        %unpack3A_1084 = tpu.unpack_subelements %bitcast3A_1082, 1 {pack_format = #tpu.pack_format<interleaved>} : vector<32xbf16> -> vector<16xf32>
        %swap3A_1085 = arith.constant 1 : i32
        %swap3A_1086 = arith.index_cast %swap3A_1085 : i32 to index
        %swap3A_1087 = arith.index_cast %scan3A_1044 : i32 to index
        %swap3A_1088 = arith.constant 64 : index
        %swap3A_1089 = tpu.vector_load %arg10[%swap3A_1086, %swap3A_1087, %swap3A_1088] {strides = array<i32>} : memref<2x64x128xf32, #tpu.memory_space<vmem>>, vector<16xf32>,
        tpu.vector_store %arg10[%swap3A_1086, %swap3A_1087, %swap3A_1088], %unpack3A_1083 {strides = array<i32>} : memref<2x64x128xf32, #tpu.memory_space<vmem>>, vector<16xf32>,
        %swap3A_1090 = arith.constant 1 : i32
        %swap3A_1091 = arith.index_cast %swap3A_1090 : i32 to index
        %swap3A_1092 = arith.index_cast %scan3A_1044 : i32 to index
        %swap3A_1093 = arith.constant 80 : index
        %swap3A_1094 = tpu.vector_load %arg10[%swap3A_1091, %swap3A_1092, %swap3A_1093] {strides = array<i32>} : memref<2x64x128xf32, #tpu.memory_space<vmem>>, vector<16xf32>,
        tpu.vector_store %arg10[%swap3A_1091, %swap3A_1092, %swap3A_1093], %unpack3A_1084 {strides = array<i32>} : memref<2x64x128xf32, #tpu.memory_space<vmem>>, vector<16xf32>,
        %get3A_1095 = arith.constant 1 : i32
        %get3A_1096 = arith.index_cast %get3A_1095 : i32 to index
        %get3A_1097 = arith.index_cast %scan3A_1044 : i32 to index
        %get3A_1098 = arith.constant 48 : index
        %get3A_1099 = tpu.vector_load %arg9[%get3A_1096, %get3A_1097, %get3A_1098] {strides = array<i32>} : memref<4x64x64xi32, #tpu.memory_space<vmem>>, vector<16xi32>,
        %bitcast3A_1100 = vector.bitcast %get3A_1099 : vector<16xi32> to vector<32xbf16>
        %unpack3A_1101 = tpu.unpack_subelements %bitcast3A_1100, 0 {pack_format = #tpu.pack_format<interleaved>} : vector<32xbf16> -> vector<16xf32>
        %unpack3A_1102 = tpu.unpack_subelements %bitcast3A_1100, 1 {pack_format = #tpu.pack_format<interleaved>} : vector<32xbf16> -> vector<16xf32>
        %swap3A_1103 = arith.constant 1 : i32
        %swap3A_1104 = arith.index_cast %swap3A_1103 : i32 to index
        %swap3A_1105 = arith.index_cast %scan3A_1044 : i32 to index
        %swap3A_1106 = arith.constant 96 : index
        %swap3A_1107 = tpu.vector_load %arg10[%swap3A_1104, %swap3A_1105, %swap3A_1106] {strides = array<i32>} : memref<2x64x128xf32, #tpu.memory_space<vmem>>, vector<16xf32>,
        tpu.vector_store %arg10[%swap3A_1104, %swap3A_1105, %swap3A_1106], %unpack3A_1101 {strides = array<i32>} : memref<2x64x128xf32, #tpu.memory_space<vmem>>, vector<16xf32>,
        %swap3A_1108 = arith.constant 1 : i32
        %swap3A_1109 = arith.index_cast %swap3A_1108 : i32 to index
        %swap3A_1110 = arith.index_cast %scan3A_1044 : i32 to index
        %swap3A_1111 = arith.constant 112 : index
        %swap3A_1112 = tpu.vector_load %arg10[%swap3A_1109, %swap3A_1110, %swap3A_1111] {strides = array<i32>} : memref<2x64x128xf32, #tpu.memory_space<vmem>>, vector<16xf32>,
        tpu.vector_store %arg10[%swap3A_1109, %swap3A_1110, %swap3A_1111], %unpack3A_1102 {strides = array<i32>} : memref<2x64x128xf32, #tpu.memory_space<vmem>>, vector<16xf32>,
      }
      %scan3A_452 = arith.constant 64 : i32
      %dma_start3A_453 = arith.constant 1 : i32
      %dma_start3A_454 = arith.constant 0 : i32
      %dma_start3A_455 = arith.constant 5 : i32
      %dma_start3A_456 = arith.constant 0 : i32
      %dma_start3A_457 = arith.constant 0 : i32
      %dma_start3A_458 = tpu.memref_slice %arg10[%dma_start3A_453, %dma_start3A_456, %dma_start3A_457] : memref<2x64x128xf32, #tpu.memory_space<vmem>> -> memref<1x64x128xf32, #tpu.memory_space<vmem>>
      %dma_start3A_459 = tpu.memref_squeeze %dma_start3A_458 : memref<1x64x128xf32, #tpu.memory_space<vmem>> -> memref<64x128xf32, #tpu.memory_space<vmem>>
      %dma_start3A_460 = arith.constant 0 : i32
      %dma_start3A_461 = tpu.memref_slice %arg8[%dma_start3A_454, %dma_start3A_455, %dma_start3A_460] : memref<2x8x64xi32, #tpu.memory_space<vmem>> -> memref<1x1x64xi32, #tpu.memory_space<vmem>>
      %dma_start3A_462 = tpu.memref_squeeze %dma_start3A_461 : memref<1x1x64xi32, #tpu.memory_space<vmem>> -> memref<64xi32, #tpu.memory_space<vmem>>
      %dma_start3A_463 = arith.constant 0 : i32
      %dma_start3A_464 = arith.constant 0 : i32
      %dma_start3A_465 = tpu.memref_slice %arg11[%dma_start3A_463, %dma_start3A_464] : memref<10240x128xf32, #tpu.memory_space<vmem_shared>> -> memref<10240x128xf32, #tpu.memory_space<vmem_shared>>
      tpu.enqueue_indirect_dma source(%dma_start3A_459 : memref<64x128xf32, #tpu.memory_space<vmem>>) target(%dma_start3A_465 : memref<10240x128xf32, #tpu.memory_space<vmem_shared>>) offsets(%dma_start3A_462 : memref<64xi32, #tpu.memory_space<vmem>>) semaphore(%arg17 : memref<!tpu.dma_semaphore, #tpu.memory_space<semaphore_mem>>) {add = true}
      %dma_start3A_466 = arith.constant 1 : i32
      %dma_start3A_467 = arith.constant 0 : i32
      %dma_start3A_468 = arith.constant 0 : i32
      %dma_start3A_469 = arith.constant 0 : i32
      %dma_start3A_470 = arith.constant 0 : i32
      %dma_start3A_471 = tpu.memref_slice %arg9[%dma_start3A_468, %dma_start3A_469, %dma_start3A_470] : memref<4x64x64xi32, #tpu.memory_space<vmem>> -> memref<1x64x64xi32, #tpu.memory_space<vmem>>
      %dma_start3A_472 = tpu.memref_squeeze %dma_start3A_471 : memref<1x64x64xi32, #tpu.memory_space<vmem>> -> memref<64x64xi32, #tpu.memory_space<vmem>>
      %dma_start3A_473 = arith.constant 0 : i32
      %dma_start3A_474 = tpu.memref_slice %arg7[%dma_start3A_466, %dma_start3A_467, %dma_start3A_473] : memref<2x8x64xi32, #tpu.memory_space<vmem>> -> memref<1x1x64xi32, #tpu.memory_space<vmem>>
      %dma_start3A_475 = tpu.memref_squeeze %dma_start3A_474 : memref<1x1x64xi32, #tpu.memory_space<vmem>> -> memref<64xi32, #tpu.memory_space<vmem>>
      %dma_start3A_476 = arith.constant 0 : i32
      %dma_start3A_477 = arith.constant 0 : i32
      %dma_start3A_478 = tpu.memref_slice %arg2[%dma_start3A_476, %dma_start3A_477] : memref<10240x64xi32, #tpu.memory_space<hbm>> -> memref<10240x64xi32, #tpu.memory_space<hbm>>
      tpu.enqueue_indirect_dma source(%dma_start3A_478 : memref<10240x64xi32, #tpu.memory_space<hbm>>) target(%dma_start3A_472 : memref<64x64xi32, #tpu.memory_space<vmem>>) offsets(%dma_start3A_475 : memref<64xi32, #tpu.memory_space<vmem>>) semaphore(%arg12 : memref<!tpu.dma_semaphore, #tpu.memory_space<semaphore_mem>>)
      %dma_wait3A_479 = arith.constant 0 : i32
      %dma_wait3A_480 = arith.constant 6 : i32
      %dma_wait3A_481 = arith.constant 2 : i32
      %dma_wait3A_482 = arith.constant 0 : i32
      %dma_wait3A_483 = arith.constant 0 : i32
      %dma_wait3A_484 = tpu.memref_slice %arg9[%dma_wait3A_481, %dma_wait3A_482, %dma_wait3A_483] : memref<4x64x64xi32, #tpu.memory_space<vmem>> -> memref<1x64x64xi32, #tpu.memory_space<vmem>>
      %dma_wait3A_485 = tpu.memref_squeeze %dma_wait3A_484 : memref<1x64x64xi32, #tpu.memory_space<vmem>> -> memref<64x64xi32, #tpu.memory_space<vmem>>
      %dma_wait3A_486 = arith.constant 0 : i32
      %dma_wait3A_487 = tpu.memref_slice %arg7[%dma_wait3A_479, %dma_wait3A_480, %dma_wait3A_486] : memref<2x8x64xi32, #tpu.memory_space<vmem>> -> memref<1x1x64xi32, #tpu.memory_space<vmem>>
      %dma_wait3A_488 = tpu.memref_squeeze %dma_wait3A_487 : memref<1x1x64xi32, #tpu.memory_space<vmem>> -> memref<64xi32, #tpu.memory_space<vmem>>
      %dma_wait3A_489 = arith.constant 0 : i32
      %dma_wait3A_490 = arith.constant 0 : i32
      %dma_wait3A_491 = tpu.memref_slice %arg2[%dma_wait3A_489, %dma_wait3A_490] : memref<10240x64xi32, #tpu.memory_space<hbm>> -> memref<10240x64xi32, #tpu.memory_space<hbm>>
      tpu.wait_indirect_dma semaphore(%arg14 : memref<!tpu.dma_semaphore, #tpu.memory_space<semaphore_mem>>) src(%dma_wait3A_491 : memref<10240x64xi32, #tpu.memory_space<hbm>>) dst(%dma_wait3A_485 : memref<64x64xi32, #tpu.memory_space<vmem>>)
      %dma_wait3A_492 = arith.constant 0 : i32
      %dma_wait3A_493 = arith.constant 0 : i32
      %dma_wait3A_494 = arith.constant 6 : i32
      %dma_wait3A_495 = arith.constant 0 : i32
      %dma_wait3A_496 = arith.constant 0 : i32
      %dma_wait3A_497 = tpu.memref_slice %arg10[%dma_wait3A_492, %dma_wait3A_495, %dma_wait3A_496] : memref<2x64x128xf32, #tpu.memory_space<vmem>> -> memref<1x64x128xf32, #tpu.memory_space<vmem>>
      %dma_wait3A_498 = tpu.memref_squeeze %dma_wait3A_497 : memref<1x64x128xf32, #tpu.memory_space<vmem>> -> memref<64x128xf32, #tpu.memory_space<vmem>>
      %dma_wait3A_499 = arith.constant 0 : i32
      %dma_wait3A_500 = tpu.memref_slice %arg8[%dma_wait3A_493, %dma_wait3A_494, %dma_wait3A_499] : memref<2x8x64xi32, #tpu.memory_space<vmem>> -> memref<1x1x64xi32, #tpu.memory_space<vmem>>
      %dma_wait3A_501 = tpu.memref_squeeze %dma_wait3A_500 : memref<1x1x64xi32, #tpu.memory_space<vmem>> -> memref<64xi32, #tpu.memory_space<vmem>>
      %dma_wait3A_502 = arith.constant 0 : i32
      %dma_wait3A_503 = arith.constant 0 : i32
      %dma_wait3A_504 = tpu.memref_slice %arg11[%dma_wait3A_502, %dma_wait3A_503] : memref<10240x128xf32, #tpu.memory_space<vmem_shared>> -> memref<10240x128xf32, #tpu.memory_space<vmem_shared>>
      tpu.wait_indirect_dma semaphore(%arg16 : memref<!tpu.dma_semaphore, #tpu.memory_space<semaphore_mem>>) src(%dma_wait3A_498 : memref<64x128xf32, #tpu.memory_space<vmem>>) dst(%dma_wait3A_504 : memref<10240x128xf32, #tpu.memory_space<vmem_shared>>)
      %scan3A_505 = arith.constant 0 : i32
      %scan3A_506 = arith.constant 0 : i32
      %scan3A_507 = arith.constant 64 : i32
      %scan3A_508 = arith.addi %scan3A_506, %scan3A_507 : i32
      %scan3A_509 = arith.constant 1 : i32
      scf.for %scan3A_1044 = %scan3A_506 to %scan3A_508 step %scan3A_509  : i32 {
        %get3A = arith.constant 2 : i32
        %get3A_1045 = arith.index_cast %get3A : i32 to index
        %get3A_1046 = arith.index_cast %scan3A_1044 : i32 to index
        %get3A_1047 = arith.constant 0 : index
        %get3A_1048 = tpu.vector_load %arg9[%get3A_1045, %get3A_1046, %get3A_1047] {strides = array<i32>} : memref<4x64x64xi32, #tpu.memory_space<vmem>>, vector<16xi32>,
        %bitcast3A = vector.bitcast %get3A_1048 : vector<16xi32> to vector<32xbf16>
        %unpack3A = tpu.unpack_subelements %bitcast3A, 0 {pack_format = #tpu.pack_format<interleaved>} : vector<32xbf16> -> vector<16xf32>
        %unpack3A_1049 = tpu.unpack_subelements %bitcast3A, 1 {pack_format = #tpu.pack_format<interleaved>} : vector<32xbf16> -> vector<16xf32>
        %swap3A = arith.constant 0 : i32
        %swap3A_1050 = arith.index_cast %swap3A : i32 to index
        %swap3A_1051 = arith.index_cast %scan3A_1044 : i32 to index
        %swap3A_1052 = arith.constant 0 : index
        %swap3A_1053 = tpu.vector_load %arg10[%swap3A_1050, %swap3A_1051, %swap3A_1052] {strides = array<i32>} : memref<2x64x128xf32, #tpu.memory_space<vmem>>, vector<16xf32>,
        tpu.vector_store %arg10[%swap3A_1050, %swap3A_1051, %swap3A_1052], %unpack3A {strides = array<i32>} : memref<2x64x128xf32, #tpu.memory_space<vmem>>, vector<16xf32>,
        %swap3A_1054 = arith.constant 0 : i32
        %swap3A_1055 = arith.index_cast %swap3A_1054 : i32 to index
        %swap3A_1056 = arith.index_cast %scan3A_1044 : i32 to index
        %swap3A_1057 = arith.constant 16 : index
        %swap3A_1058 = tpu.vector_load %arg10[%swap3A_1055, %swap3A_1056, %swap3A_1057] {strides = array<i32>} : memref<2x64x128xf32, #tpu.memory_space<vmem>>, vector<16xf32>,
        tpu.vector_store %arg10[%swap3A_1055, %swap3A_1056, %swap3A_1057], %unpack3A_1049 {strides = array<i32>} : memref<2x64x128xf32, #tpu.memory_space<vmem>>, vector<16xf32>,
        %get3A_1059 = arith.constant 2 : i32
        %get3A_1060 = arith.index_cast %get3A_1059 : i32 to index
        %get3A_1061 = arith.index_cast %scan3A_1044 : i32 to index
        %get3A_1062 = arith.constant 16 : index
        %get3A_1063 = tpu.vector_load %arg9[%get3A_1060, %get3A_1061, %get3A_1062] {strides = array<i32>} : memref<4x64x64xi32, #tpu.memory_space<vmem>>, vector<16xi32>,
        %bitcast3A_1064 = vector.bitcast %get3A_1063 : vector<16xi32> to vector<32xbf16>
        %unpack3A_1065 = tpu.unpack_subelements %bitcast3A_1064, 0 {pack_format = #tpu.pack_format<interleaved>} : vector<32xbf16> -> vector<16xf32>
        %unpack3A_1066 = tpu.unpack_subelements %bitcast3A_1064, 1 {pack_format = #tpu.pack_format<interleaved>} : vector<32xbf16> -> vector<16xf32>
        %swap3A_1067 = arith.constant 0 : i32
        %swap3A_1068 = arith.index_cast %swap3A_1067 : i32 to index
        %swap3A_1069 = arith.index_cast %scan3A_1044 : i32 to index
        %swap3A_1070 = arith.constant 32 : index
        %swap3A_1071 = tpu.vector_load %arg10[%swap3A_1068, %swap3A_1069, %swap3A_1070] {strides = array<i32>} : memref<2x64x128xf32, #tpu.memory_space<vmem>>, vector<16xf32>,
        tpu.vector_store %arg10[%swap3A_1068, %swap3A_1069, %swap3A_1070], %unpack3A_1065 {strides = array<i32>} : memref<2x64x128xf32, #tpu.memory_space<vmem>>, vector<16xf32>,
        %swap3A_1072 = arith.constant 0 : i32
        %swap3A_1073 = arith.index_cast %swap3A_1072 : i32 to index
        %swap3A_1074 = arith.index_cast %scan3A_1044 : i32 to index
        %swap3A_1075 = arith.constant 48 : index
        %swap3A_1076 = tpu.vector_load %arg10[%swap3A_1073, %swap3A_1074, %swap3A_1075] {strides = array<i32>} : memref<2x64x128xf32, #tpu.memory_space<vmem>>, vector<16xf32>,
        tpu.vector_store %arg10[%swap3A_1073, %swap3A_1074, %swap3A_1075], %unpack3A_1066 {strides = array<i32>} : memref<2x64x128xf32, #tpu.memory_space<vmem>>, vector<16xf32>,
        %get3A_1077 = arith.constant 2 : i32
        %get3A_1078 = arith.index_cast %get3A_1077 : i32 to index
        %get3A_1079 = arith.index_cast %scan3A_1044 : i32 to index
        %get3A_1080 = arith.constant 32 : index
        %get3A_1081 = tpu.vector_load %arg9[%get3A_1078, %get3A_1079, %get3A_1080] {strides = array<i32>} : memref<4x64x64xi32, #tpu.memory_space<vmem>>, vector<16xi32>,
        %bitcast3A_1082 = vector.bitcast %get3A_1081 : vector<16xi32> to vector<32xbf16>
        %unpack3A_1083 = tpu.unpack_subelements %bitcast3A_1082, 0 {pack_format = #tpu.pack_format<interleaved>} : vector<32xbf16> -> vector<16xf32>
        %unpack3A_1084 = tpu.unpack_subelements %bitcast3A_1082, 1 {pack_format = #tpu.pack_format<interleaved>} : vector<32xbf16> -> vector<16xf32>
        %swap3A_1085 = arith.constant 0 : i32
        %swap3A_1086 = arith.index_cast %swap3A_1085 : i32 to index
        %swap3A_1087 = arith.index_cast %scan3A_1044 : i32 to index
        %swap3A_1088 = arith.constant 64 : index
        %swap3A_1089 = tpu.vector_load %arg10[%swap3A_1086, %swap3A_1087, %swap3A_1088] {strides = array<i32>} : memref<2x64x128xf32, #tpu.memory_space<vmem>>, vector<16xf32>,
        tpu.vector_store %arg10[%swap3A_1086, %swap3A_1087, %swap3A_1088], %unpack3A_1083 {strides = array<i32>} : memref<2x64x128xf32, #tpu.memory_space<vmem>>, vector<16xf32>,
        %swap3A_1090 = arith.constant 0 : i32
        %swap3A_1091 = arith.index_cast %swap3A_1090 : i32 to index
        %swap3A_1092 = arith.index_cast %scan3A_1044 : i32 to index
        %swap3A_1093 = arith.constant 80 : index
        %swap3A_1094 = tpu.vector_load %arg10[%swap3A_1091, %swap3A_1092, %swap3A_1093] {strides = array<i32>} : memref<2x64x128xf32, #tpu.memory_space<vmem>>, vector<16xf32>,
        tpu.vector_store %arg10[%swap3A_1091, %swap3A_1092, %swap3A_1093], %unpack3A_1084 {strides = array<i32>} : memref<2x64x128xf32, #tpu.memory_space<vmem>>, vector<16xf32>,
        %get3A_1095 = arith.constant 2 : i32
        %get3A_1096 = arith.index_cast %get3A_1095 : i32 to index
        %get3A_1097 = arith.index_cast %scan3A_1044 : i32 to index
        %get3A_1098 = arith.constant 48 : index
        %get3A_1099 = tpu.vector_load %arg9[%get3A_1096, %get3A_1097, %get3A_1098] {strides = array<i32>} : memref<4x64x64xi32, #tpu.memory_space<vmem>>, vector<16xi32>,
        %bitcast3A_1100 = vector.bitcast %get3A_1099 : vector<16xi32> to vector<32xbf16>
        %unpack3A_1101 = tpu.unpack_subelements %bitcast3A_1100, 0 {pack_format = #tpu.pack_format<interleaved>} : vector<32xbf16> -> vector<16xf32>
        %unpack3A_1102 = tpu.unpack_subelements %bitcast3A_1100, 1 {pack_format = #tpu.pack_format<interleaved>} : vector<32xbf16> -> vector<16xf32>
        %swap3A_1103 = arith.constant 0 : i32
        %swap3A_1104 = arith.index_cast %swap3A_1103 : i32 to index
        %swap3A_1105 = arith.index_cast %scan3A_1044 : i32 to index
        %swap3A_1106 = arith.constant 96 : index
        %swap3A_1107 = tpu.vector_load %arg10[%swap3A_1104, %swap3A_1105, %swap3A_1106] {strides = array<i32>} : memref<2x64x128xf32, #tpu.memory_space<vmem>>, vector<16xf32>,
        tpu.vector_store %arg10[%swap3A_1104, %swap3A_1105, %swap3A_1106], %unpack3A_1101 {strides = array<i32>} : memref<2x64x128xf32, #tpu.memory_space<vmem>>, vector<16xf32>,
        %swap3A_1108 = arith.constant 0 : i32
        %swap3A_1109 = arith.index_cast %swap3A_1108 : i32 to index
        %swap3A_1110 = arith.index_cast %scan3A_1044 : i32 to index
        %swap3A_1111 = arith.constant 112 : index
        %swap3A_1112 = tpu.vector_load %arg10[%swap3A_1109, %swap3A_1110, %swap3A_1111] {strides = array<i32>} : memref<2x64x128xf32, #tpu.memory_space<vmem>>, vector<16xf32>,
        tpu.vector_store %arg10[%swap3A_1109, %swap3A_1110, %swap3A_1111], %unpack3A_1102 {strides = array<i32>} : memref<2x64x128xf32, #tpu.memory_space<vmem>>, vector<16xf32>,
      }
      %scan3A_510 = arith.constant 64 : i32
      %dma_start3A_511 = arith.constant 0 : i32
      %dma_start3A_512 = arith.constant 0 : i32
      %dma_start3A_513 = arith.constant 6 : i32
      %dma_start3A_514 = arith.constant 0 : i32
      %dma_start3A_515 = arith.constant 0 : i32
      %dma_start3A_516 = tpu.memref_slice %arg10[%dma_start3A_511, %dma_start3A_514, %dma_start3A_515] : memref<2x64x128xf32, #tpu.memory_space<vmem>> -> memref<1x64x128xf32, #tpu.memory_space<vmem>>
      %dma_start3A_517 = tpu.memref_squeeze %dma_start3A_516 : memref<1x64x128xf32, #tpu.memory_space<vmem>> -> memref<64x128xf32, #tpu.memory_space<vmem>>
      %dma_start3A_518 = arith.constant 0 : i32
      %dma_start3A_519 = tpu.memref_slice %arg8[%dma_start3A_512, %dma_start3A_513, %dma_start3A_518] : memref<2x8x64xi32, #tpu.memory_space<vmem>> -> memref<1x1x64xi32, #tpu.memory_space<vmem>>
      %dma_start3A_520 = tpu.memref_squeeze %dma_start3A_519 : memref<1x1x64xi32, #tpu.memory_space<vmem>> -> memref<64xi32, #tpu.memory_space<vmem>>
      %dma_start3A_521 = arith.constant 0 : i32
      %dma_start3A_522 = arith.constant 0 : i32
      %dma_start3A_523 = tpu.memref_slice %arg11[%dma_start3A_521, %dma_start3A_522] : memref<10240x128xf32, #tpu.memory_space<vmem_shared>> -> memref<10240x128xf32, #tpu.memory_space<vmem_shared>>
      tpu.enqueue_indirect_dma source(%dma_start3A_517 : memref<64x128xf32, #tpu.memory_space<vmem>>) target(%dma_start3A_523 : memref<10240x128xf32, #tpu.memory_space<vmem_shared>>) offsets(%dma_start3A_520 : memref<64xi32, #tpu.memory_space<vmem>>) semaphore(%arg16 : memref<!tpu.dma_semaphore, #tpu.memory_space<semaphore_mem>>) {add = true}
      %dma_start3A_524 = arith.constant 1 : i32
      %dma_start3A_525 = arith.constant 1 : i32
      %dma_start3A_526 = arith.constant 1 : i32
      %dma_start3A_527 = arith.constant 0 : i32
      %dma_start3A_528 = arith.constant 0 : i32
      %dma_start3A_529 = tpu.memref_slice %arg9[%dma_start3A_526, %dma_start3A_527, %dma_start3A_528] : memref<4x64x64xi32, #tpu.memory_space<vmem>> -> memref<1x64x64xi32, #tpu.memory_space<vmem>>
      %dma_start3A_530 = tpu.memref_squeeze %dma_start3A_529 : memref<1x64x64xi32, #tpu.memory_space<vmem>> -> memref<64x64xi32, #tpu.memory_space<vmem>>
      %dma_start3A_531 = arith.constant 0 : i32
      %dma_start3A_532 = tpu.memref_slice %arg7[%dma_start3A_524, %dma_start3A_525, %dma_start3A_531] : memref<2x8x64xi32, #tpu.memory_space<vmem>> -> memref<1x1x64xi32, #tpu.memory_space<vmem>>
      %dma_start3A_533 = tpu.memref_squeeze %dma_start3A_532 : memref<1x1x64xi32, #tpu.memory_space<vmem>> -> memref<64xi32, #tpu.memory_space<vmem>>
      %dma_start3A_534 = arith.constant 0 : i32
      %dma_start3A_535 = arith.constant 0 : i32
      %dma_start3A_536 = tpu.memref_slice %arg2[%dma_start3A_534, %dma_start3A_535] : memref<10240x64xi32, #tpu.memory_space<hbm>> -> memref<10240x64xi32, #tpu.memory_space<hbm>>
      tpu.enqueue_indirect_dma source(%dma_start3A_536 : memref<10240x64xi32, #tpu.memory_space<hbm>>) target(%dma_start3A_530 : memref<64x64xi32, #tpu.memory_space<vmem>>) offsets(%dma_start3A_533 : memref<64xi32, #tpu.memory_space<vmem>>) semaphore(%arg13 : memref<!tpu.dma_semaphore, #tpu.memory_space<semaphore_mem>>)
      %dma_wait3A_537 = arith.constant 0 : i32
      %dma_wait3A_538 = arith.constant 7 : i32
      %dma_wait3A_539 = arith.constant 3 : i32
      %dma_wait3A_540 = arith.constant 0 : i32
      %dma_wait3A_541 = arith.constant 0 : i32
      %dma_wait3A_542 = tpu.memref_slice %arg9[%dma_wait3A_539, %dma_wait3A_540, %dma_wait3A_541] : memref<4x64x64xi32, #tpu.memory_space<vmem>> -> memref<1x64x64xi32, #tpu.memory_space<vmem>>
      %dma_wait3A_543 = tpu.memref_squeeze %dma_wait3A_542 : memref<1x64x64xi32, #tpu.memory_space<vmem>> -> memref<64x64xi32, #tpu.memory_space<vmem>>
      %dma_wait3A_544 = arith.constant 0 : i32
      %dma_wait3A_545 = tpu.memref_slice %arg7[%dma_wait3A_537, %dma_wait3A_538, %dma_wait3A_544] : memref<2x8x64xi32, #tpu.memory_space<vmem>> -> memref<1x1x64xi32, #tpu.memory_space<vmem>>
      %dma_wait3A_546 = tpu.memref_squeeze %dma_wait3A_545 : memref<1x1x64xi32, #tpu.memory_space<vmem>> -> memref<64xi32, #tpu.memory_space<vmem>>
      %dma_wait3A_547 = arith.constant 0 : i32
      %dma_wait3A_548 = arith.constant 0 : i32
      %dma_wait3A_549 = tpu.memref_slice %arg2[%dma_wait3A_547, %dma_wait3A_548] : memref<10240x64xi32, #tpu.memory_space<hbm>> -> memref<10240x64xi32, #tpu.memory_space<hbm>>
      tpu.wait_indirect_dma semaphore(%arg15 : memref<!tpu.dma_semaphore, #tpu.memory_space<semaphore_mem>>) src(%dma_wait3A_549 : memref<10240x64xi32, #tpu.memory_space<hbm>>) dst(%dma_wait3A_543 : memref<64x64xi32, #tpu.memory_space<vmem>>)
      %dma_wait3A_550 = arith.constant 1 : i32
      %dma_wait3A_551 = arith.constant 0 : i32
      %dma_wait3A_552 = arith.constant 7 : i32
      %dma_wait3A_553 = arith.constant 0 : i32
      %dma_wait3A_554 = arith.constant 0 : i32
      %dma_wait3A_555 = tpu.memref_slice %arg10[%dma_wait3A_550, %dma_wait3A_553, %dma_wait3A_554] : memref<2x64x128xf32, #tpu.memory_space<vmem>> -> memref<1x64x128xf32, #tpu.memory_space<vmem>>
      %dma_wait3A_556 = tpu.memref_squeeze %dma_wait3A_555 : memref<1x64x128xf32, #tpu.memory_space<vmem>> -> memref<64x128xf32, #tpu.memory_space<vmem>>
      %dma_wait3A_557 = arith.constant 0 : i32
      %dma_wait3A_558 = tpu.memref_slice %arg8[%dma_wait3A_551, %dma_wait3A_552, %dma_wait3A_557] : memref<2x8x64xi32, #tpu.memory_space<vmem>> -> memref<1x1x64xi32, #tpu.memory_space<vmem>>
      %dma_wait3A_559 = tpu.memref_squeeze %dma_wait3A_558 : memref<1x1x64xi32, #tpu.memory_space<vmem>> -> memref<64xi32, #tpu.memory_space<vmem>>
      %dma_wait3A_560 = arith.constant 0 : i32
      %dma_wait3A_561 = arith.constant 0 : i32
      %dma_wait3A_562 = tpu.memref_slice %arg11[%dma_wait3A_560, %dma_wait3A_561] : memref<10240x128xf32, #tpu.memory_space<vmem_shared>> -> memref<10240x128xf32, #tpu.memory_space<vmem_shared>>
      tpu.wait_indirect_dma semaphore(%arg17 : memref<!tpu.dma_semaphore, #tpu.memory_space<semaphore_mem>>) src(%dma_wait3A_556 : memref<64x128xf32, #tpu.memory_space<vmem>>) dst(%dma_wait3A_562 : memref<10240x128xf32, #tpu.memory_space<vmem_shared>>)
      %scan3A_563 = arith.constant 0 : i32
      %scan3A_564 = arith.constant 0 : i32
      %scan3A_565 = arith.constant 64 : i32
      %scan3A_566 = arith.addi %scan3A_564, %scan3A_565 : i32
      %scan3A_567 = arith.constant 1 : i32
      scf.for %scan3A_1044 = %scan3A_564 to %scan3A_566 step %scan3A_567  : i32 {
        %get3A = arith.constant 3 : i32
        %get3A_1045 = arith.index_cast %get3A : i32 to index
        %get3A_1046 = arith.index_cast %scan3A_1044 : i32 to index
        %get3A_1047 = arith.constant 0 : index
        %get3A_1048 = tpu.vector_load %arg9[%get3A_1045, %get3A_1046, %get3A_1047] {strides = array<i32>} : memref<4x64x64xi32, #tpu.memory_space<vmem>>, vector<16xi32>,
        %bitcast3A = vector.bitcast %get3A_1048 : vector<16xi32> to vector<32xbf16>
        %unpack3A = tpu.unpack_subelements %bitcast3A, 0 {pack_format = #tpu.pack_format<interleaved>} : vector<32xbf16> -> vector<16xf32>
        %unpack3A_1049 = tpu.unpack_subelements %bitcast3A, 1 {pack_format = #tpu.pack_format<interleaved>} : vector<32xbf16> -> vector<16xf32>
        %swap3A = arith.constant 1 : i32
        %swap3A_1050 = arith.index_cast %swap3A : i32 to index
        %swap3A_1051 = arith.index_cast %scan3A_1044 : i32 to index
        %swap3A_1052 = arith.constant 0 : index
        %swap3A_1053 = tpu.vector_load %arg10[%swap3A_1050, %swap3A_1051, %swap3A_1052] {strides = array<i32>} : memref<2x64x128xf32, #tpu.memory_space<vmem>>, vector<16xf32>,
        tpu.vector_store %arg10[%swap3A_1050, %swap3A_1051, %swap3A_1052], %unpack3A {strides = array<i32>} : memref<2x64x128xf32, #tpu.memory_space<vmem>>, vector<16xf32>,
        %swap3A_1054 = arith.constant 1 : i32
        %swap3A_1055 = arith.index_cast %swap3A_1054 : i32 to index
        %swap3A_1056 = arith.index_cast %scan3A_1044 : i32 to index
        %swap3A_1057 = arith.constant 16 : index
        %swap3A_1058 = tpu.vector_load %arg10[%swap3A_1055, %swap3A_1056, %swap3A_1057] {strides = array<i32>} : memref<2x64x128xf32, #tpu.memory_space<vmem>>, vector<16xf32>,
        tpu.vector_store %arg10[%swap3A_1055, %swap3A_1056, %swap3A_1057], %unpack3A_1049 {strides = array<i32>} : memref<2x64x128xf32, #tpu.memory_space<vmem>>, vector<16xf32>,
        %get3A_1059 = arith.constant 3 : i32
        %get3A_1060 = arith.index_cast %get3A_1059 : i32 to index
        %get3A_1061 = arith.index_cast %scan3A_1044 : i32 to index
        %get3A_1062 = arith.constant 16 : index
        %get3A_1063 = tpu.vector_load %arg9[%get3A_1060, %get3A_1061, %get3A_1062] {strides = array<i32>} : memref<4x64x64xi32, #tpu.memory_space<vmem>>, vector<16xi32>,
        %bitcast3A_1064 = vector.bitcast %get3A_1063 : vector<16xi32> to vector<32xbf16>
        %unpack3A_1065 = tpu.unpack_subelements %bitcast3A_1064, 0 {pack_format = #tpu.pack_format<interleaved>} : vector<32xbf16> -> vector<16xf32>
        %unpack3A_1066 = tpu.unpack_subelements %bitcast3A_1064, 1 {pack_format = #tpu.pack_format<interleaved>} : vector<32xbf16> -> vector<16xf32>
        %swap3A_1067 = arith.constant 1 : i32
        %swap3A_1068 = arith.index_cast %swap3A_1067 : i32 to index
        %swap3A_1069 = arith.index_cast %scan3A_1044 : i32 to index
        %swap3A_1070 = arith.constant 32 : index
        %swap3A_1071 = tpu.vector_load %arg10[%swap3A_1068, %swap3A_1069, %swap3A_1070] {strides = array<i32>} : memref<2x64x128xf32, #tpu.memory_space<vmem>>, vector<16xf32>,
        tpu.vector_store %arg10[%swap3A_1068, %swap3A_1069, %swap3A_1070], %unpack3A_1065 {strides = array<i32>} : memref<2x64x128xf32, #tpu.memory_space<vmem>>, vector<16xf32>,
        %swap3A_1072 = arith.constant 1 : i32
        %swap3A_1073 = arith.index_cast %swap3A_1072 : i32 to index
        %swap3A_1074 = arith.index_cast %scan3A_1044 : i32 to index
        %swap3A_1075 = arith.constant 48 : index
        %swap3A_1076 = tpu.vector_load %arg10[%swap3A_1073, %swap3A_1074, %swap3A_1075] {strides = array<i32>} : memref<2x64x128xf32, #tpu.memory_space<vmem>>, vector<16xf32>,
        tpu.vector_store %arg10[%swap3A_1073, %swap3A_1074, %swap3A_1075], %unpack3A_1066 {strides = array<i32>} : memref<2x64x128xf32, #tpu.memory_space<vmem>>, vector<16xf32>,
        %get3A_1077 = arith.constant 3 : i32
        %get3A_1078 = arith.index_cast %get3A_1077 : i32 to index
        %get3A_1079 = arith.index_cast %scan3A_1044 : i32 to index
        %get3A_1080 = arith.constant 32 : index
        %get3A_1081 = tpu.vector_load %arg9[%get3A_1078, %get3A_1079, %get3A_1080] {strides = array<i32>} : memref<4x64x64xi32, #tpu.memory_space<vmem>>, vector<16xi32>,
        %bitcast3A_1082 = vector.bitcast %get3A_1081 : vector<16xi32> to vector<32xbf16>
        %unpack3A_1083 = tpu.unpack_subelements %bitcast3A_1082, 0 {pack_format = #tpu.pack_format<interleaved>} : vector<32xbf16> -> vector<16xf32>
        %unpack3A_1084 = tpu.unpack_subelements %bitcast3A_1082, 1 {pack_format = #tpu.pack_format<interleaved>} : vector<32xbf16> -> vector<16xf32>
        %swap3A_1085 = arith.constant 1 : i32
        %swap3A_1086 = arith.index_cast %swap3A_1085 : i32 to index
        %swap3A_1087 = arith.index_cast %scan3A_1044 : i32 to index
        %swap3A_1088 = arith.constant 64 : index
        %swap3A_1089 = tpu.vector_load %arg10[%swap3A_1086, %swap3A_1087, %swap3A_1088] {strides = array<i32>} : memref<2x64x128xf32, #tpu.memory_space<vmem>>, vector<16xf32>,
        tpu.vector_store %arg10[%swap3A_1086, %swap3A_1087, %swap3A_1088], %unpack3A_1083 {strides = array<i32>} : memref<2x64x128xf32, #tpu.memory_space<vmem>>, vector<16xf32>,
        %swap3A_1090 = arith.constant 1 : i32
        %swap3A_1091 = arith.index_cast %swap3A_1090 : i32 to index
        %swap3A_1092 = arith.index_cast %scan3A_1044 : i32 to index
        %swap3A_1093 = arith.constant 80 : index
        %swap3A_1094 = tpu.vector_load %arg10[%swap3A_1091, %swap3A_1092, %swap3A_1093] {strides = array<i32>} : memref<2x64x128xf32, #tpu.memory_space<vmem>>, vector<16xf32>,
        tpu.vector_store %arg10[%swap3A_1091, %swap3A_1092, %swap3A_1093], %unpack3A_1084 {strides = array<i32>} : memref<2x64x128xf32, #tpu.memory_space<vmem>>, vector<16xf32>,
        %get3A_1095 = arith.constant 3 : i32
        %get3A_1096 = arith.index_cast %get3A_1095 : i32 to index
        %get3A_1097 = arith.index_cast %scan3A_1044 : i32 to index
        %get3A_1098 = arith.constant 48 : index
        %get3A_1099 = tpu.vector_load %arg9[%get3A_1096, %get3A_1097, %get3A_1098] {strides = array<i32>} : memref<4x64x64xi32, #tpu.memory_space<vmem>>, vector<16xi32>,
        %bitcast3A_1100 = vector.bitcast %get3A_1099 : vector<16xi32> to vector<32xbf16>
        %unpack3A_1101 = tpu.unpack_subelements %bitcast3A_1100, 0 {pack_format = #tpu.pack_format<interleaved>} : vector<32xbf16> -> vector<16xf32>
        %unpack3A_1102 = tpu.unpack_subelements %bitcast3A_1100, 1 {pack_format = #tpu.pack_format<interleaved>} : vector<32xbf16> -> vector<16xf32>
        %swap3A_1103 = arith.constant 1 : i32
        %swap3A_1104 = arith.index_cast %swap3A_1103 : i32 to index
        %swap3A_1105 = arith.index_cast %scan3A_1044 : i32 to index
        %swap3A_1106 = arith.constant 96 : index
        %swap3A_1107 = tpu.vector_load %arg10[%swap3A_1104, %swap3A_1105, %swap3A_1106] {strides = array<i32>} : memref<2x64x128xf32, #tpu.memory_space<vmem>>, vector<16xf32>,
        tpu.vector_store %arg10[%swap3A_1104, %swap3A_1105, %swap3A_1106], %unpack3A_1101 {strides = array<i32>} : memref<2x64x128xf32, #tpu.memory_space<vmem>>, vector<16xf32>,
        %swap3A_1108 = arith.constant 1 : i32
        %swap3A_1109 = arith.index_cast %swap3A_1108 : i32 to index
        %swap3A_1110 = arith.index_cast %scan3A_1044 : i32 to index
        %swap3A_1111 = arith.constant 112 : index
        %swap3A_1112 = tpu.vector_load %arg10[%swap3A_1109, %swap3A_1110, %swap3A_1111] {strides = array<i32>} : memref<2x64x128xf32, #tpu.memory_space<vmem>>, vector<16xf32>,
        tpu.vector_store %arg10[%swap3A_1109, %swap3A_1110, %swap3A_1111], %unpack3A_1102 {strides = array<i32>} : memref<2x64x128xf32, #tpu.memory_space<vmem>>, vector<16xf32>,
      }
      %scan3A_568 = arith.constant 64 : i32
      %dma_start3A_569 = arith.constant 1 : i32
      %dma_start3A_570 = arith.constant 0 : i32
      %dma_start3A_571 = arith.constant 7 : i32
      %dma_start3A_572 = arith.constant 0 : i32
      %dma_start3A_573 = arith.constant 0 : i32
      %dma_start3A_574 = tpu.memref_slice %arg10[%dma_start3A_569, %dma_start3A_572, %dma_start3A_573] : memref<2x64x128xf32, #tpu.memory_space<vmem>> -> memref<1x64x128xf32, #tpu.memory_space<vmem>>
      %dma_start3A_575 = tpu.memref_squeeze %dma_start3A_574 : memref<1x64x128xf32, #tpu.memory_space<vmem>> -> memref<64x128xf32, #tpu.memory_space<vmem>>
      %dma_start3A_576 = arith.constant 0 : i32
      %dma_start3A_577 = tpu.memref_slice %arg8[%dma_start3A_570, %dma_start3A_571, %dma_start3A_576] : memref<2x8x64xi32, #tpu.memory_space<vmem>> -> memref<1x1x64xi32, #tpu.memory_space<vmem>>
      %dma_start3A_578 = tpu.memref_squeeze %dma_start3A_577 : memref<1x1x64xi32, #tpu.memory_space<vmem>> -> memref<64xi32, #tpu.memory_space<vmem>>
      %dma_start3A_579 = arith.constant 0 : i32
      %dma_start3A_580 = arith.constant 0 : i32
      %dma_start3A_581 = tpu.memref_slice %arg11[%dma_start3A_579, %dma_start3A_580] : memref<10240x128xf32, #tpu.memory_space<vmem_shared>> -> memref<10240x128xf32, #tpu.memory_space<vmem_shared>>
      tpu.enqueue_indirect_dma source(%dma_start3A_575 : memref<64x128xf32, #tpu.memory_space<vmem>>) target(%dma_start3A_581 : memref<10240x128xf32, #tpu.memory_space<vmem_shared>>) offsets(%dma_start3A_578 : memref<64xi32, #tpu.memory_space<vmem>>) semaphore(%arg17 : memref<!tpu.dma_semaphore, #tpu.memory_space<semaphore_mem>>) {add = true}
      %dma_start3A_582 = arith.constant 1 : i32
      %dma_start3A_583 = arith.constant 2 : i32
      %dma_start3A_584 = arith.constant 2 : i32
      %dma_start3A_585 = arith.constant 0 : i32
      %dma_start3A_586 = arith.constant 0 : i32
      %dma_start3A_587 = tpu.memref_slice %arg9[%dma_start3A_584, %dma_start3A_585, %dma_start3A_586] : memref<4x64x64xi32, #tpu.memory_space<vmem>> -> memref<1x64x64xi32, #tpu.memory_space<vmem>>
      %dma_start3A_588 = tpu.memref_squeeze %dma_start3A_587 : memref<1x64x64xi32, #tpu.memory_space<vmem>> -> memref<64x64xi32, #tpu.memory_space<vmem>>
      %dma_start3A_589 = arith.constant 0 : i32
      %dma_start3A_590 = tpu.memref_slice %arg7[%dma_start3A_582, %dma_start3A_583, %dma_start3A_589] : memref<2x8x64xi32, #tpu.memory_space<vmem>> -> memref<1x1x64xi32, #tpu.memory_space<vmem>>
      %dma_start3A_591 = tpu.memref_squeeze %dma_start3A_590 : memref<1x1x64xi32, #tpu.memory_space<vmem>> -> memref<64xi32, #tpu.memory_space<vmem>>
      %dma_start3A_592 = arith.constant 0 : i32
      %dma_start3A_593 = arith.constant 0 : i32
      %dma_start3A_594 = tpu.memref_slice %arg2[%dma_start3A_592, %dma_start3A_593] : memref<10240x64xi32, #tpu.memory_space<hbm>> -> memref<10240x64xi32, #tpu.memory_space<hbm>>
      tpu.enqueue_indirect_dma source(%dma_start3A_594 : memref<10240x64xi32, #tpu.memory_space<hbm>>) target(%dma_start3A_588 : memref<64x64xi32, #tpu.memory_space<vmem>>) offsets(%dma_start3A_591 : memref<64xi32, #tpu.memory_space<vmem>>) semaphore(%arg14 : memref<!tpu.dma_semaphore, #tpu.memory_space<semaphore_mem>>)
      %lt3A = arith.constant 9 : i32
      %lt3A_595 = arith.cmpi slt, %scan3A_77, %lt3A : i32
      %convert_element_type3A_596 = arith.extui %lt3A_595 : i1 to i32
      %cond3A_597 = arith.constant 0 : i32
      %cond3A_598 = arith.cmpi ne, %convert_element_type3A_596, %cond3A_597 : i32
      scf.if %cond3A_598 {
        %add3A_1044 = arith.constant 16 : i32
        %add3A_1045 = arith.addi %mul3A_81, %add3A_1044 : i32
        %dma_start3A_1046 = arith.constant 0 : i32
        %dma_start3A_1047 = arith.constant 0 : i32
        %dma_start3A_1048 = arith.constant 0 : i32
        %dma_start3A_1049 = tpu.memref_slice %arg7[%dma_start3A_1046, %dma_start3A_1047, %dma_start3A_1048] : memref<2x8x64xi32, #tpu.memory_space<vmem>> -> memref<1x8x64xi32, #tpu.memory_space<vmem>>
        %dma_start3A_1050 = tpu.memref_squeeze %dma_start3A_1049 : memref<1x8x64xi32, #tpu.memory_space<vmem>> -> memref<8x64xi32, #tpu.memory_space<vmem>>
        %dma_start3A_1051 = arith.constant 0 : i32
        %dma_start3A_1052 = tpu.memref_slice %arg3[%add3A, %add3A_1045, %dma_start3A_1051] : memref<32x160x64xi32, #tpu.memory_space<hbm>> -> memref<1x8x64xi32, #tpu.memory_space<hbm>>
        %dma_start3A_1053 = tpu.memref_squeeze %dma_start3A_1052 : memref<1x8x64xi32, #tpu.memory_space<hbm>> -> memref<8x64xi32, #tpu.memory_space<hbm>>
        %dma_start3A_1054 = arith.constant 0 : i32
        %dma_start3A_1055 = arith.constant 0 : i32
        %dma_start3A_1056 = tpu.memref_slice %arg7[%dma_start3A_1046, %dma_start3A_1054, %dma_start3A_1055] : memref<2x8x64xi32, #tpu.memory_space<vmem>> -> memref<1x8x64xi32, #tpu.memory_space<vmem>>
        %dma_start3A_1057 = tpu.memref_squeeze %dma_start3A_1056 : memref<1x8x64xi32, #tpu.memory_space<vmem>> -> memref<8x64xi32, #tpu.memory_space<vmem>>
        %dma_start3A_1058 = arith.constant 0 : i32
        %dma_start3A_1059 = tpu.memref_slice %arg3[%add3A, %add3A_1045, %dma_start3A_1058] : memref<32x160x64xi32, #tpu.memory_space<hbm>> -> memref<1x8x64xi32, #tpu.memory_space<hbm>>
        %dma_start3A_1060 = tpu.memref_squeeze %dma_start3A_1059 : memref<1x8x64xi32, #tpu.memory_space<hbm>> -> memref<8x64xi32, #tpu.memory_space<hbm>>
        tpu.enqueue_dma source(%dma_start3A_1060 : memref<8x64xi32, #tpu.memory_space<hbm>>) target(%dma_start3A_1057 : memref<8x64xi32, #tpu.memory_space<vmem>>) target_semaphore(%arg18 : memref<!tpu.dma_semaphore, #tpu.memory_space<semaphore_mem>>)
        %add3A_1061 = arith.constant 16 : i32
        %add3A_1062 = arith.addi %mul3A_81, %add3A_1061 : i32
        %dma_start3A_1063 = arith.constant 0 : i32
        %dma_start3A_1064 = arith.constant 0 : i32
        %dma_start3A_1065 = arith.constant 0 : i32
        %dma_start3A_1066 = tpu.memref_slice %arg8[%dma_start3A_1063, %dma_start3A_1064, %dma_start3A_1065] : memref<2x8x64xi32, #tpu.memory_space<vmem>> -> memref<1x8x64xi32, #tpu.memory_space<vmem>>
        %dma_start3A_1067 = tpu.memref_squeeze %dma_start3A_1066 : memref<1x8x64xi32, #tpu.memory_space<vmem>> -> memref<8x64xi32, #tpu.memory_space<vmem>>
        %dma_start3A_1068 = arith.constant 0 : i32
        %dma_start3A_1069 = tpu.memref_slice %arg4[%add3A, %add3A_1062, %dma_start3A_1068] : memref<32x160x64xi32, #tpu.memory_space<hbm>> -> memref<1x8x64xi32, #tpu.memory_space<hbm>>
        %dma_start3A_1070 = tpu.memref_squeeze %dma_start3A_1069 : memref<1x8x64xi32, #tpu.memory_space<hbm>> -> memref<8x64xi32, #tpu.memory_space<hbm>>
        %dma_start3A_1071 = arith.constant 0 : i32
        %dma_start3A_1072 = arith.constant 0 : i32
        %dma_start3A_1073 = tpu.memref_slice %arg8[%dma_start3A_1063, %dma_start3A_1071, %dma_start3A_1072] : memref<2x8x64xi32, #tpu.memory_space<vmem>> -> memref<1x8x64xi32, #tpu.memory_space<vmem>>
        %dma_start3A_1074 = tpu.memref_squeeze %dma_start3A_1073 : memref<1x8x64xi32, #tpu.memory_space<vmem>> -> memref<8x64xi32, #tpu.memory_space<vmem>>
        %dma_start3A_1075 = arith.constant 0 : i32
        %dma_start3A_1076 = tpu.memref_slice %arg4[%add3A, %add3A_1062, %dma_start3A_1075] : memref<32x160x64xi32, #tpu.memory_space<hbm>> -> memref<1x8x64xi32, #tpu.memory_space<hbm>>
        %dma_start3A_1077 = tpu.memref_squeeze %dma_start3A_1076 : memref<1x8x64xi32, #tpu.memory_space<hbm>> -> memref<8x64xi32, #tpu.memory_space<hbm>>
        tpu.enqueue_dma source(%dma_start3A_1077 : memref<8x64xi32, #tpu.memory_space<hbm>>) target(%dma_start3A_1074 : memref<8x64xi32, #tpu.memory_space<vmem>>) target_semaphore(%arg18 : memref<!tpu.dma_semaphore, #tpu.memory_space<semaphore_mem>>)
      } else {
      }
      %dma_wait3A_599 = arith.constant 1 : i32
      %dma_wait3A_600 = arith.constant 0 : i32
      %dma_wait3A_601 = arith.constant 0 : i32
      %dma_wait3A_602 = arith.constant 0 : i32
      %dma_wait3A_603 = arith.constant 0 : i32
      %dma_wait3A_604 = tpu.memref_slice %arg9[%dma_wait3A_601, %dma_wait3A_602, %dma_wait3A_603] : memref<4x64x64xi32, #tpu.memory_space<vmem>> -> memref<1x64x64xi32, #tpu.memory_space<vmem>>
      %dma_wait3A_605 = tpu.memref_squeeze %dma_wait3A_604 : memref<1x64x64xi32, #tpu.memory_space<vmem>> -> memref<64x64xi32, #tpu.memory_space<vmem>>
      %dma_wait3A_606 = arith.constant 0 : i32
      %dma_wait3A_607 = tpu.memref_slice %arg7[%dma_wait3A_599, %dma_wait3A_600, %dma_wait3A_606] : memref<2x8x64xi32, #tpu.memory_space<vmem>> -> memref<1x1x64xi32, #tpu.memory_space<vmem>>
      %dma_wait3A_608 = tpu.memref_squeeze %dma_wait3A_607 : memref<1x1x64xi32, #tpu.memory_space<vmem>> -> memref<64xi32, #tpu.memory_space<vmem>>
      %dma_wait3A_609 = arith.constant 0 : i32
      %dma_wait3A_610 = arith.constant 0 : i32
      %dma_wait3A_611 = tpu.memref_slice %arg2[%dma_wait3A_609, %dma_wait3A_610] : memref<10240x64xi32, #tpu.memory_space<hbm>> -> memref<10240x64xi32, #tpu.memory_space<hbm>>
      tpu.wait_indirect_dma semaphore(%arg12 : memref<!tpu.dma_semaphore, #tpu.memory_space<semaphore_mem>>) src(%dma_wait3A_611 : memref<10240x64xi32, #tpu.memory_space<hbm>>) dst(%dma_wait3A_605 : memref<64x64xi32, #tpu.memory_space<vmem>>)
      %dma_wait3A_612 = arith.constant 0 : i32
      %dma_wait3A_613 = arith.constant 1 : i32
      %dma_wait3A_614 = arith.constant 0 : i32
      %dma_wait3A_615 = arith.constant 0 : i32
      %dma_wait3A_616 = arith.constant 0 : i32
      %dma_wait3A_617 = tpu.memref_slice %arg10[%dma_wait3A_612, %dma_wait3A_615, %dma_wait3A_616] : memref<2x64x128xf32, #tpu.memory_space<vmem>> -> memref<1x64x128xf32, #tpu.memory_space<vmem>>
      %dma_wait3A_618 = tpu.memref_squeeze %dma_wait3A_617 : memref<1x64x128xf32, #tpu.memory_space<vmem>> -> memref<64x128xf32, #tpu.memory_space<vmem>>
      %dma_wait3A_619 = arith.constant 0 : i32
      %dma_wait3A_620 = tpu.memref_slice %arg8[%dma_wait3A_613, %dma_wait3A_614, %dma_wait3A_619] : memref<2x8x64xi32, #tpu.memory_space<vmem>> -> memref<1x1x64xi32, #tpu.memory_space<vmem>>
      %dma_wait3A_621 = tpu.memref_squeeze %dma_wait3A_620 : memref<1x1x64xi32, #tpu.memory_space<vmem>> -> memref<64xi32, #tpu.memory_space<vmem>>
      %dma_wait3A_622 = arith.constant 0 : i32
      %dma_wait3A_623 = arith.constant 0 : i32
      %dma_wait3A_624 = tpu.memref_slice %arg11[%dma_wait3A_622, %dma_wait3A_623] : memref<10240x128xf32, #tpu.memory_space<vmem_shared>> -> memref<10240x128xf32, #tpu.memory_space<vmem_shared>>
      tpu.wait_indirect_dma semaphore(%arg16 : memref<!tpu.dma_semaphore, #tpu.memory_space<semaphore_mem>>) src(%dma_wait3A_618 : memref<64x128xf32, #tpu.memory_space<vmem>>) dst(%dma_wait3A_624 : memref<10240x128xf32, #tpu.memory_space<vmem_shared>>)
      %scan3A_625 = arith.constant 0 : i32
      %scan3A_626 = arith.constant 0 : i32
      %scan3A_627 = arith.constant 64 : i32
      %scan3A_628 = arith.addi %scan3A_626, %scan3A_627 : i32
      %scan3A_629 = arith.constant 1 : i32
      scf.for %scan3A_1044 = %scan3A_626 to %scan3A_628 step %scan3A_629  : i32 {
        %get3A = arith.constant 0 : i32
        %get3A_1045 = arith.index_cast %get3A : i32 to index
        %get3A_1046 = arith.index_cast %scan3A_1044 : i32 to index
        %get3A_1047 = arith.constant 0 : index
        %get3A_1048 = tpu.vector_load %arg9[%get3A_1045, %get3A_1046, %get3A_1047] {strides = array<i32>} : memref<4x64x64xi32, #tpu.memory_space<vmem>>, vector<16xi32>,
        %bitcast3A = vector.bitcast %get3A_1048 : vector<16xi32> to vector<32xbf16>
        %unpack3A = tpu.unpack_subelements %bitcast3A, 0 {pack_format = #tpu.pack_format<interleaved>} : vector<32xbf16> -> vector<16xf32>
        %unpack3A_1049 = tpu.unpack_subelements %bitcast3A, 1 {pack_format = #tpu.pack_format<interleaved>} : vector<32xbf16> -> vector<16xf32>
        %swap3A = arith.constant 0 : i32
        %swap3A_1050 = arith.index_cast %swap3A : i32 to index
        %swap3A_1051 = arith.index_cast %scan3A_1044 : i32 to index
        %swap3A_1052 = arith.constant 0 : index
        %swap3A_1053 = tpu.vector_load %arg10[%swap3A_1050, %swap3A_1051, %swap3A_1052] {strides = array<i32>} : memref<2x64x128xf32, #tpu.memory_space<vmem>>, vector<16xf32>,
        tpu.vector_store %arg10[%swap3A_1050, %swap3A_1051, %swap3A_1052], %unpack3A {strides = array<i32>} : memref<2x64x128xf32, #tpu.memory_space<vmem>>, vector<16xf32>,
        %swap3A_1054 = arith.constant 0 : i32
        %swap3A_1055 = arith.index_cast %swap3A_1054 : i32 to index
        %swap3A_1056 = arith.index_cast %scan3A_1044 : i32 to index
        %swap3A_1057 = arith.constant 16 : index
        %swap3A_1058 = tpu.vector_load %arg10[%swap3A_1055, %swap3A_1056, %swap3A_1057] {strides = array<i32>} : memref<2x64x128xf32, #tpu.memory_space<vmem>>, vector<16xf32>,
        tpu.vector_store %arg10[%swap3A_1055, %swap3A_1056, %swap3A_1057], %unpack3A_1049 {strides = array<i32>} : memref<2x64x128xf32, #tpu.memory_space<vmem>>, vector<16xf32>,
        %get3A_1059 = arith.constant 0 : i32
        %get3A_1060 = arith.index_cast %get3A_1059 : i32 to index
        %get3A_1061 = arith.index_cast %scan3A_1044 : i32 to index
        %get3A_1062 = arith.constant 16 : index
        %get3A_1063 = tpu.vector_load %arg9[%get3A_1060, %get3A_1061, %get3A_1062] {strides = array<i32>} : memref<4x64x64xi32, #tpu.memory_space<vmem>>, vector<16xi32>,
        %bitcast3A_1064 = vector.bitcast %get3A_1063 : vector<16xi32> to vector<32xbf16>
        %unpack3A_1065 = tpu.unpack_subelements %bitcast3A_1064, 0 {pack_format = #tpu.pack_format<interleaved>} : vector<32xbf16> -> vector<16xf32>
        %unpack3A_1066 = tpu.unpack_subelements %bitcast3A_1064, 1 {pack_format = #tpu.pack_format<interleaved>} : vector<32xbf16> -> vector<16xf32>
        %swap3A_1067 = arith.constant 0 : i32
        %swap3A_1068 = arith.index_cast %swap3A_1067 : i32 to index
        %swap3A_1069 = arith.index_cast %scan3A_1044 : i32 to index
        %swap3A_1070 = arith.constant 32 : index
        %swap3A_1071 = tpu.vector_load %arg10[%swap3A_1068, %swap3A_1069, %swap3A_1070] {strides = array<i32>} : memref<2x64x128xf32, #tpu.memory_space<vmem>>, vector<16xf32>,
        tpu.vector_store %arg10[%swap3A_1068, %swap3A_1069, %swap3A_1070], %unpack3A_1065 {strides = array<i32>} : memref<2x64x128xf32, #tpu.memory_space<vmem>>, vector<16xf32>,
        %swap3A_1072 = arith.constant 0 : i32
        %swap3A_1073 = arith.index_cast %swap3A_1072 : i32 to index
        %swap3A_1074 = arith.index_cast %scan3A_1044 : i32 to index
        %swap3A_1075 = arith.constant 48 : index
        %swap3A_1076 = tpu.vector_load %arg10[%swap3A_1073, %swap3A_1074, %swap3A_1075] {strides = array<i32>} : memref<2x64x128xf32, #tpu.memory_space<vmem>>, vector<16xf32>,
        tpu.vector_store %arg10[%swap3A_1073, %swap3A_1074, %swap3A_1075], %unpack3A_1066 {strides = array<i32>} : memref<2x64x128xf32, #tpu.memory_space<vmem>>, vector<16xf32>,
        %get3A_1077 = arith.constant 0 : i32
        %get3A_1078 = arith.index_cast %get3A_1077 : i32 to index
        %get3A_1079 = arith.index_cast %scan3A_1044 : i32 to index
        %get3A_1080 = arith.constant 32 : index
        %get3A_1081 = tpu.vector_load %arg9[%get3A_1078, %get3A_1079, %get3A_1080] {strides = array<i32>} : memref<4x64x64xi32, #tpu.memory_space<vmem>>, vector<16xi32>,
        %bitcast3A_1082 = vector.bitcast %get3A_1081 : vector<16xi32> to vector<32xbf16>
        %unpack3A_1083 = tpu.unpack_subelements %bitcast3A_1082, 0 {pack_format = #tpu.pack_format<interleaved>} : vector<32xbf16> -> vector<16xf32>
        %unpack3A_1084 = tpu.unpack_subelements %bitcast3A_1082, 1 {pack_format = #tpu.pack_format<interleaved>} : vector<32xbf16> -> vector<16xf32>
        %swap3A_1085 = arith.constant 0 : i32
        %swap3A_1086 = arith.index_cast %swap3A_1085 : i32 to index
        %swap3A_1087 = arith.index_cast %scan3A_1044 : i32 to index
        %swap3A_1088 = arith.constant 64 : index
        %swap3A_1089 = tpu.vector_load %arg10[%swap3A_1086, %swap3A_1087, %swap3A_1088] {strides = array<i32>} : memref<2x64x128xf32, #tpu.memory_space<vmem>>, vector<16xf32>,
        tpu.vector_store %arg10[%swap3A_1086, %swap3A_1087, %swap3A_1088], %unpack3A_1083 {strides = array<i32>} : memref<2x64x128xf32, #tpu.memory_space<vmem>>, vector<16xf32>,
        %swap3A_1090 = arith.constant 0 : i32
        %swap3A_1091 = arith.index_cast %swap3A_1090 : i32 to index
        %swap3A_1092 = arith.index_cast %scan3A_1044 : i32 to index
        %swap3A_1093 = arith.constant 80 : index
        %swap3A_1094 = tpu.vector_load %arg10[%swap3A_1091, %swap3A_1092, %swap3A_1093] {strides = array<i32>} : memref<2x64x128xf32, #tpu.memory_space<vmem>>, vector<16xf32>,
        tpu.vector_store %arg10[%swap3A_1091, %swap3A_1092, %swap3A_1093], %unpack3A_1084 {strides = array<i32>} : memref<2x64x128xf32, #tpu.memory_space<vmem>>, vector<16xf32>,
        %get3A_1095 = arith.constant 0 : i32
        %get3A_1096 = arith.index_cast %get3A_1095 : i32 to index
        %get3A_1097 = arith.index_cast %scan3A_1044 : i32 to index
        %get3A_1098 = arith.constant 48 : index
        %get3A_1099 = tpu.vector_load %arg9[%get3A_1096, %get3A_1097, %get3A_1098] {strides = array<i32>} : memref<4x64x64xi32, #tpu.memory_space<vmem>>, vector<16xi32>,
        %bitcast3A_1100 = vector.bitcast %get3A_1099 : vector<16xi32> to vector<32xbf16>
        %unpack3A_1101 = tpu.unpack_subelements %bitcast3A_1100, 0 {pack_format = #tpu.pack_format<interleaved>} : vector<32xbf16> -> vector<16xf32>
        %unpack3A_1102 = tpu.unpack_subelements %bitcast3A_1100, 1 {pack_format = #tpu.pack_format<interleaved>} : vector<32xbf16> -> vector<16xf32>
        %swap3A_1103 = arith.constant 0 : i32
        %swap3A_1104 = arith.index_cast %swap3A_1103 : i32 to index
        %swap3A_1105 = arith.index_cast %scan3A_1044 : i32 to index
        %swap3A_1106 = arith.constant 96 : index
        %swap3A_1107 = tpu.vector_load %arg10[%swap3A_1104, %swap3A_1105, %swap3A_1106] {strides = array<i32>} : memref<2x64x128xf32, #tpu.memory_space<vmem>>, vector<16xf32>,
        tpu.vector_store %arg10[%swap3A_1104, %swap3A_1105, %swap3A_1106], %unpack3A_1101 {strides = array<i32>} : memref<2x64x128xf32, #tpu.memory_space<vmem>>, vector<16xf32>,
        %swap3A_1108 = arith.constant 0 : i32
        %swap3A_1109 = arith.index_cast %swap3A_1108 : i32 to index
        %swap3A_1110 = arith.index_cast %scan3A_1044 : i32 to index
        %swap3A_1111 = arith.constant 112 : index
        %swap3A_1112 = tpu.vector_load %arg10[%swap3A_1109, %swap3A_1110, %swap3A_1111] {strides = array<i32>} : memref<2x64x128xf32, #tpu.memory_space<vmem>>, vector<16xf32>,
        tpu.vector_store %arg10[%swap3A_1109, %swap3A_1110, %swap3A_1111], %unpack3A_1102 {strides = array<i32>} : memref<2x64x128xf32, #tpu.memory_space<vmem>>, vector<16xf32>,
      }
      %scan3A_630 = arith.constant 64 : i32
      %dma_start3A_631 = arith.constant 0 : i32
      %dma_start3A_632 = arith.constant 1 : i32
      %dma_start3A_633 = arith.constant 0 : i32
      %dma_start3A_634 = arith.constant 0 : i32
      %dma_start3A_635 = arith.constant 0 : i32
      %dma_start3A_636 = tpu.memref_slice %arg10[%dma_start3A_631, %dma_start3A_634, %dma_start3A_635] : memref<2x64x128xf32, #tpu.memory_space<vmem>> -> memref<1x64x128xf32, #tpu.memory_space<vmem>>
      %dma_start3A_637 = tpu.memref_squeeze %dma_start3A_636 : memref<1x64x128xf32, #tpu.memory_space<vmem>> -> memref<64x128xf32, #tpu.memory_space<vmem>>
      %dma_start3A_638 = arith.constant 0 : i32
      %dma_start3A_639 = tpu.memref_slice %arg8[%dma_start3A_632, %dma_start3A_633, %dma_start3A_638] : memref<2x8x64xi32, #tpu.memory_space<vmem>> -> memref<1x1x64xi32, #tpu.memory_space<vmem>>
      %dma_start3A_640 = tpu.memref_squeeze %dma_start3A_639 : memref<1x1x64xi32, #tpu.memory_space<vmem>> -> memref<64xi32, #tpu.memory_space<vmem>>
      %dma_start3A_641 = arith.constant 0 : i32
      %dma_start3A_642 = arith.constant 0 : i32
      %dma_start3A_643 = tpu.memref_slice %arg11[%dma_start3A_641, %dma_start3A_642] : memref<10240x128xf32, #tpu.memory_space<vmem_shared>> -> memref<10240x128xf32, #tpu.memory_space<vmem_shared>>
      tpu.enqueue_indirect_dma source(%dma_start3A_637 : memref<64x128xf32, #tpu.memory_space<vmem>>) target(%dma_start3A_643 : memref<10240x128xf32, #tpu.memory_space<vmem_shared>>) offsets(%dma_start3A_640 : memref<64xi32, #tpu.memory_space<vmem>>) semaphore(%arg16 : memref<!tpu.dma_semaphore, #tpu.memory_space<semaphore_mem>>) {add = true}
      %dma_start3A_644 = arith.constant 1 : i32
      %dma_start3A_645 = arith.constant 3 : i32
      %dma_start3A_646 = arith.constant 3 : i32
      %dma_start3A_647 = arith.constant 0 : i32
      %dma_start3A_648 = arith.constant 0 : i32
      %dma_start3A_649 = tpu.memref_slice %arg9[%dma_start3A_646, %dma_start3A_647, %dma_start3A_648] : memref<4x64x64xi32, #tpu.memory_space<vmem>> -> memref<1x64x64xi32, #tpu.memory_space<vmem>>
      %dma_start3A_650 = tpu.memref_squeeze %dma_start3A_649 : memref<1x64x64xi32, #tpu.memory_space<vmem>> -> memref<64x64xi32, #tpu.memory_space<vmem>>
      %dma_start3A_651 = arith.constant 0 : i32
      %dma_start3A_652 = tpu.memref_slice %arg7[%dma_start3A_644, %dma_start3A_645, %dma_start3A_651] : memref<2x8x64xi32, #tpu.memory_space<vmem>> -> memref<1x1x64xi32, #tpu.memory_space<vmem>>
      %dma_start3A_653 = tpu.memref_squeeze %dma_start3A_652 : memref<1x1x64xi32, #tpu.memory_space<vmem>> -> memref<64xi32, #tpu.memory_space<vmem>>
      %dma_start3A_654 = arith.constant 0 : i32
      %dma_start3A_655 = arith.constant 0 : i32
      %dma_start3A_656 = tpu.memref_slice %arg2[%dma_start3A_654, %dma_start3A_655] : memref<10240x64xi32, #tpu.memory_space<hbm>> -> memref<10240x64xi32, #tpu.memory_space<hbm>>
      tpu.enqueue_indirect_dma source(%dma_start3A_656 : memref<10240x64xi32, #tpu.memory_space<hbm>>) target(%dma_start3A_650 : memref<64x64xi32, #tpu.memory_space<vmem>>) offsets(%dma_start3A_653 : memref<64xi32, #tpu.memory_space<vmem>>) semaphore(%arg15 : memref<!tpu.dma_semaphore, #tpu.memory_space<semaphore_mem>>)
      %dma_wait3A_657 = arith.constant 1 : i32
      %dma_wait3A_658 = arith.constant 1 : i32
      %dma_wait3A_659 = arith.constant 1 : i32
      %dma_wait3A_660 = arith.constant 0 : i32
      %dma_wait3A_661 = arith.constant 0 : i32
      %dma_wait3A_662 = tpu.memref_slice %arg9[%dma_wait3A_659, %dma_wait3A_660, %dma_wait3A_661] : memref<4x64x64xi32, #tpu.memory_space<vmem>> -> memref<1x64x64xi32, #tpu.memory_space<vmem>>
      %dma_wait3A_663 = tpu.memref_squeeze %dma_wait3A_662 : memref<1x64x64xi32, #tpu.memory_space<vmem>> -> memref<64x64xi32, #tpu.memory_space<vmem>>
      %dma_wait3A_664 = arith.constant 0 : i32
      %dma_wait3A_665 = tpu.memref_slice %arg7[%dma_wait3A_657, %dma_wait3A_658, %dma_wait3A_664] : memref<2x8x64xi32, #tpu.memory_space<vmem>> -> memref<1x1x64xi32, #tpu.memory_space<vmem>>
      %dma_wait3A_666 = tpu.memref_squeeze %dma_wait3A_665 : memref<1x1x64xi32, #tpu.memory_space<vmem>> -> memref<64xi32, #tpu.memory_space<vmem>>
      %dma_wait3A_667 = arith.constant 0 : i32
      %dma_wait3A_668 = arith.constant 0 : i32
      %dma_wait3A_669 = tpu.memref_slice %arg2[%dma_wait3A_667, %dma_wait3A_668] : memref<10240x64xi32, #tpu.memory_space<hbm>> -> memref<10240x64xi32, #tpu.memory_space<hbm>>
      tpu.wait_indirect_dma semaphore(%arg13 : memref<!tpu.dma_semaphore, #tpu.memory_space<semaphore_mem>>) src(%dma_wait3A_669 : memref<10240x64xi32, #tpu.memory_space<hbm>>) dst(%dma_wait3A_663 : memref<64x64xi32, #tpu.memory_space<vmem>>)
      %dma_wait3A_670 = arith.constant 1 : i32
      %dma_wait3A_671 = arith.constant 1 : i32
      %dma_wait3A_672 = arith.constant 1 : i32
      %dma_wait3A_673 = arith.constant 0 : i32
      %dma_wait3A_674 = arith.constant 0 : i32
      %dma_wait3A_675 = tpu.memref_slice %arg10[%dma_wait3A_670, %dma_wait3A_673, %dma_wait3A_674] : memref<2x64x128xf32, #tpu.memory_space<vmem>> -> memref<1x64x128xf32, #tpu.memory_space<vmem>>
      %dma_wait3A_676 = tpu.memref_squeeze %dma_wait3A_675 : memref<1x64x128xf32, #tpu.memory_space<vmem>> -> memref<64x128xf32, #tpu.memory_space<vmem>>
      %dma_wait3A_677 = arith.constant 0 : i32
      %dma_wait3A_678 = tpu.memref_slice %arg8[%dma_wait3A_671, %dma_wait3A_672, %dma_wait3A_677] : memref<2x8x64xi32, #tpu.memory_space<vmem>> -> memref<1x1x64xi32, #tpu.memory_space<vmem>>
      %dma_wait3A_679 = tpu.memref_squeeze %dma_wait3A_678 : memref<1x1x64xi32, #tpu.memory_space<vmem>> -> memref<64xi32, #tpu.memory_space<vmem>>
      %dma_wait3A_680 = arith.constant 0 : i32
      %dma_wait3A_681 = arith.constant 0 : i32
      %dma_wait3A_682 = tpu.memref_slice %arg11[%dma_wait3A_680, %dma_wait3A_681] : memref<10240x128xf32, #tpu.memory_space<vmem_shared>> -> memref<10240x128xf32, #tpu.memory_space<vmem_shared>>
      tpu.wait_indirect_dma semaphore(%arg17 : memref<!tpu.dma_semaphore, #tpu.memory_space<semaphore_mem>>) src(%dma_wait3A_676 : memref<64x128xf32, #tpu.memory_space<vmem>>) dst(%dma_wait3A_682 : memref<10240x128xf32, #tpu.memory_space<vmem_shared>>)
      %scan3A_683 = arith.constant 0 : i32
      %scan3A_684 = arith.constant 0 : i32
      %scan3A_685 = arith.constant 64 : i32
      %scan3A_686 = arith.addi %scan3A_684, %scan3A_685 : i32
      %scan3A_687 = arith.constant 1 : i32
      scf.for %scan3A_1044 = %scan3A_684 to %scan3A_686 step %scan3A_687  : i32 {
        %get3A = arith.constant 1 : i32
        %get3A_1045 = arith.index_cast %get3A : i32 to index
        %get3A_1046 = arith.index_cast %scan3A_1044 : i32 to index
        %get3A_1047 = arith.constant 0 : index
        %get3A_1048 = tpu.vector_load %arg9[%get3A_1045, %get3A_1046, %get3A_1047] {strides = array<i32>} : memref<4x64x64xi32, #tpu.memory_space<vmem>>, vector<16xi32>,
        %bitcast3A = vector.bitcast %get3A_1048 : vector<16xi32> to vector<32xbf16>
        %unpack3A = tpu.unpack_subelements %bitcast3A, 0 {pack_format = #tpu.pack_format<interleaved>} : vector<32xbf16> -> vector<16xf32>
        %unpack3A_1049 = tpu.unpack_subelements %bitcast3A, 1 {pack_format = #tpu.pack_format<interleaved>} : vector<32xbf16> -> vector<16xf32>
        %swap3A = arith.constant 1 : i32
        %swap3A_1050 = arith.index_cast %swap3A : i32 to index
        %swap3A_1051 = arith.index_cast %scan3A_1044 : i32 to index
        %swap3A_1052 = arith.constant 0 : index
        %swap3A_1053 = tpu.vector_load %arg10[%swap3A_1050, %swap3A_1051, %swap3A_1052] {strides = array<i32>} : memref<2x64x128xf32, #tpu.memory_space<vmem>>, vector<16xf32>,
        tpu.vector_store %arg10[%swap3A_1050, %swap3A_1051, %swap3A_1052], %unpack3A {strides = array<i32>} : memref<2x64x128xf32, #tpu.memory_space<vmem>>, vector<16xf32>,
        %swap3A_1054 = arith.constant 1 : i32
        %swap3A_1055 = arith.index_cast %swap3A_1054 : i32 to index
        %swap3A_1056 = arith.index_cast %scan3A_1044 : i32 to index
        %swap3A_1057 = arith.constant 16 : index
        %swap3A_1058 = tpu.vector_load %arg10[%swap3A_1055, %swap3A_1056, %swap3A_1057] {strides = array<i32>} : memref<2x64x128xf32, #tpu.memory_space<vmem>>, vector<16xf32>,
        tpu.vector_store %arg10[%swap3A_1055, %swap3A_1056, %swap3A_1057], %unpack3A_1049 {strides = array<i32>} : memref<2x64x128xf32, #tpu.memory_space<vmem>>, vector<16xf32>,
        %get3A_1059 = arith.constant 1 : i32
        %get3A_1060 = arith.index_cast %get3A_1059 : i32 to index
        %get3A_1061 = arith.index_cast %scan3A_1044 : i32 to index
        %get3A_1062 = arith.constant 16 : index
        %get3A_1063 = tpu.vector_load %arg9[%get3A_1060, %get3A_1061, %get3A_1062] {strides = array<i32>} : memref<4x64x64xi32, #tpu.memory_space<vmem>>, vector<16xi32>,
        %bitcast3A_1064 = vector.bitcast %get3A_1063 : vector<16xi32> to vector<32xbf16>
        %unpack3A_1065 = tpu.unpack_subelements %bitcast3A_1064, 0 {pack_format = #tpu.pack_format<interleaved>} : vector<32xbf16> -> vector<16xf32>
        %unpack3A_1066 = tpu.unpack_subelements %bitcast3A_1064, 1 {pack_format = #tpu.pack_format<interleaved>} : vector<32xbf16> -> vector<16xf32>
        %swap3A_1067 = arith.constant 1 : i32
        %swap3A_1068 = arith.index_cast %swap3A_1067 : i32 to index
        %swap3A_1069 = arith.index_cast %scan3A_1044 : i32 to index
        %swap3A_1070 = arith.constant 32 : index
        %swap3A_1071 = tpu.vector_load %arg10[%swap3A_1068, %swap3A_1069, %swap3A_1070] {strides = array<i32>} : memref<2x64x128xf32, #tpu.memory_space<vmem>>, vector<16xf32>,
        tpu.vector_store %arg10[%swap3A_1068, %swap3A_1069, %swap3A_1070], %unpack3A_1065 {strides = array<i32>} : memref<2x64x128xf32, #tpu.memory_space<vmem>>, vector<16xf32>,
        %swap3A_1072 = arith.constant 1 : i32
        %swap3A_1073 = arith.index_cast %swap3A_1072 : i32 to index
        %swap3A_1074 = arith.index_cast %scan3A_1044 : i32 to index
        %swap3A_1075 = arith.constant 48 : index
        %swap3A_1076 = tpu.vector_load %arg10[%swap3A_1073, %swap3A_1074, %swap3A_1075] {strides = array<i32>} : memref<2x64x128xf32, #tpu.memory_space<vmem>>, vector<16xf32>,
        tpu.vector_store %arg10[%swap3A_1073, %swap3A_1074, %swap3A_1075], %unpack3A_1066 {strides = array<i32>} : memref<2x64x128xf32, #tpu.memory_space<vmem>>, vector<16xf32>,
        %get3A_1077 = arith.constant 1 : i32
        %get3A_1078 = arith.index_cast %get3A_1077 : i32 to index
        %get3A_1079 = arith.index_cast %scan3A_1044 : i32 to index
        %get3A_1080 = arith.constant 32 : index
        %get3A_1081 = tpu.vector_load %arg9[%get3A_1078, %get3A_1079, %get3A_1080] {strides = array<i32>} : memref<4x64x64xi32, #tpu.memory_space<vmem>>, vector<16xi32>,
        %bitcast3A_1082 = vector.bitcast %get3A_1081 : vector<16xi32> to vector<32xbf16>
        %unpack3A_1083 = tpu.unpack_subelements %bitcast3A_1082, 0 {pack_format = #tpu.pack_format<interleaved>} : vector<32xbf16> -> vector<16xf32>
        %unpack3A_1084 = tpu.unpack_subelements %bitcast3A_1082, 1 {pack_format = #tpu.pack_format<interleaved>} : vector<32xbf16> -> vector<16xf32>
        %swap3A_1085 = arith.constant 1 : i32
        %swap3A_1086 = arith.index_cast %swap3A_1085 : i32 to index
        %swap3A_1087 = arith.index_cast %scan3A_1044 : i32 to index
        %swap3A_1088 = arith.constant 64 : index
        %swap3A_1089 = tpu.vector_load %arg10[%swap3A_1086, %swap3A_1087, %swap3A_1088] {strides = array<i32>} : memref<2x64x128xf32, #tpu.memory_space<vmem>>, vector<16xf32>,
        tpu.vector_store %arg10[%swap3A_1086, %swap3A_1087, %swap3A_1088], %unpack3A_1083 {strides = array<i32>} : memref<2x64x128xf32, #tpu.memory_space<vmem>>, vector<16xf32>,
        %swap3A_1090 = arith.constant 1 : i32
        %swap3A_1091 = arith.index_cast %swap3A_1090 : i32 to index
        %swap3A_1092 = arith.index_cast %scan3A_1044 : i32 to index
        %swap3A_1093 = arith.constant 80 : index
        %swap3A_1094 = tpu.vector_load %arg10[%swap3A_1091, %swap3A_1092, %swap3A_1093] {strides = array<i32>} : memref<2x64x128xf32, #tpu.memory_space<vmem>>, vector<16xf32>,
        tpu.vector_store %arg10[%swap3A_1091, %swap3A_1092, %swap3A_1093], %unpack3A_1084 {strides = array<i32>} : memref<2x64x128xf32, #tpu.memory_space<vmem>>, vector<16xf32>,
        %get3A_1095 = arith.constant 1 : i32
        %get3A_1096 = arith.index_cast %get3A_1095 : i32 to index
        %get3A_1097 = arith.index_cast %scan3A_1044 : i32 to index
        %get3A_1098 = arith.constant 48 : index
        %get3A_1099 = tpu.vector_load %arg9[%get3A_1096, %get3A_1097, %get3A_1098] {strides = array<i32>} : memref<4x64x64xi32, #tpu.memory_space<vmem>>, vector<16xi32>,
        %bitcast3A_1100 = vector.bitcast %get3A_1099 : vector<16xi32> to vector<32xbf16>
        %unpack3A_1101 = tpu.unpack_subelements %bitcast3A_1100, 0 {pack_format = #tpu.pack_format<interleaved>} : vector<32xbf16> -> vector<16xf32>
        %unpack3A_1102 = tpu.unpack_subelements %bitcast3A_1100, 1 {pack_format = #tpu.pack_format<interleaved>} : vector<32xbf16> -> vector<16xf32>
        %swap3A_1103 = arith.constant 1 : i32
        %swap3A_1104 = arith.index_cast %swap3A_1103 : i32 to index
        %swap3A_1105 = arith.index_cast %scan3A_1044 : i32 to index
        %swap3A_1106 = arith.constant 96 : index
        %swap3A_1107 = tpu.vector_load %arg10[%swap3A_1104, %swap3A_1105, %swap3A_1106] {strides = array<i32>} : memref<2x64x128xf32, #tpu.memory_space<vmem>>, vector<16xf32>,
        tpu.vector_store %arg10[%swap3A_1104, %swap3A_1105, %swap3A_1106], %unpack3A_1101 {strides = array<i32>} : memref<2x64x128xf32, #tpu.memory_space<vmem>>, vector<16xf32>,
        %swap3A_1108 = arith.constant 1 : i32
        %swap3A_1109 = arith.index_cast %swap3A_1108 : i32 to index
        %swap3A_1110 = arith.index_cast %scan3A_1044 : i32 to index
        %swap3A_1111 = arith.constant 112 : index
        %swap3A_1112 = tpu.vector_load %arg10[%swap3A_1109, %swap3A_1110, %swap3A_1111] {strides = array<i32>} : memref<2x64x128xf32, #tpu.memory_space<vmem>>, vector<16xf32>,
        tpu.vector_store %arg10[%swap3A_1109, %swap3A_1110, %swap3A_1111], %unpack3A_1102 {strides = array<i32>} : memref<2x64x128xf32, #tpu.memory_space<vmem>>, vector<16xf32>,
      }
      %scan3A_688 = arith.constant 64 : i32
      %dma_start3A_689 = arith.constant 1 : i32
      %dma_start3A_690 = arith.constant 1 : i32
      %dma_start3A_691 = arith.constant 1 : i32
      %dma_start3A_692 = arith.constant 0 : i32
      %dma_start3A_693 = arith.constant 0 : i32
      %dma_start3A_694 = tpu.memref_slice %arg10[%dma_start3A_689, %dma_start3A_692, %dma_start3A_693] : memref<2x64x128xf32, #tpu.memory_space<vmem>> -> memref<1x64x128xf32, #tpu.memory_space<vmem>>
      %dma_start3A_695 = tpu.memref_squeeze %dma_start3A_694 : memref<1x64x128xf32, #tpu.memory_space<vmem>> -> memref<64x128xf32, #tpu.memory_space<vmem>>
      %dma_start3A_696 = arith.constant 0 : i32
      %dma_start3A_697 = tpu.memref_slice %arg8[%dma_start3A_690, %dma_start3A_691, %dma_start3A_696] : memref<2x8x64xi32, #tpu.memory_space<vmem>> -> memref<1x1x64xi32, #tpu.memory_space<vmem>>
      %dma_start3A_698 = tpu.memref_squeeze %dma_start3A_697 : memref<1x1x64xi32, #tpu.memory_space<vmem>> -> memref<64xi32, #tpu.memory_space<vmem>>
      %dma_start3A_699 = arith.constant 0 : i32
      %dma_start3A_700 = arith.constant 0 : i32
      %dma_start3A_701 = tpu.memref_slice %arg11[%dma_start3A_699, %dma_start3A_700] : memref<10240x128xf32, #tpu.memory_space<vmem_shared>> -> memref<10240x128xf32, #tpu.memory_space<vmem_shared>>
      tpu.enqueue_indirect_dma source(%dma_start3A_695 : memref<64x128xf32, #tpu.memory_space<vmem>>) target(%dma_start3A_701 : memref<10240x128xf32, #tpu.memory_space<vmem_shared>>) offsets(%dma_start3A_698 : memref<64xi32, #tpu.memory_space<vmem>>) semaphore(%arg17 : memref<!tpu.dma_semaphore, #tpu.memory_space<semaphore_mem>>) {add = true}
      %dma_start3A_702 = arith.constant 1 : i32
      %dma_start3A_703 = arith.constant 4 : i32
      %dma_start3A_704 = arith.constant 0 : i32
      %dma_start3A_705 = arith.constant 0 : i32
      %dma_start3A_706 = arith.constant 0 : i32
      %dma_start3A_707 = tpu.memref_slice %arg9[%dma_start3A_704, %dma_start3A_705, %dma_start3A_706] : memref<4x64x64xi32, #tpu.memory_space<vmem>> -> memref<1x64x64xi32, #tpu.memory_space<vmem>>
      %dma_start3A_708 = tpu.memref_squeeze %dma_start3A_707 : memref<1x64x64xi32, #tpu.memory_space<vmem>> -> memref<64x64xi32, #tpu.memory_space<vmem>>
      %dma_start3A_709 = arith.constant 0 : i32
      %dma_start3A_710 = tpu.memref_slice %arg7[%dma_start3A_702, %dma_start3A_703, %dma_start3A_709] : memref<2x8x64xi32, #tpu.memory_space<vmem>> -> memref<1x1x64xi32, #tpu.memory_space<vmem>>
      %dma_start3A_711 = tpu.memref_squeeze %dma_start3A_710 : memref<1x1x64xi32, #tpu.memory_space<vmem>> -> memref<64xi32, #tpu.memory_space<vmem>>
      %dma_start3A_712 = arith.constant 0 : i32
      %dma_start3A_713 = arith.constant 0 : i32
      %dma_start3A_714 = tpu.memref_slice %arg2[%dma_start3A_712, %dma_start3A_713] : memref<10240x64xi32, #tpu.memory_space<hbm>> -> memref<10240x64xi32, #tpu.memory_space<hbm>>
      tpu.enqueue_indirect_dma source(%dma_start3A_714 : memref<10240x64xi32, #tpu.memory_space<hbm>>) target(%dma_start3A_708 : memref<64x64xi32, #tpu.memory_space<vmem>>) offsets(%dma_start3A_711 : memref<64xi32, #tpu.memory_space<vmem>>) semaphore(%arg12 : memref<!tpu.dma_semaphore, #tpu.memory_space<semaphore_mem>>)
      %dma_wait3A_715 = arith.constant 1 : i32
      %dma_wait3A_716 = arith.constant 2 : i32
      %dma_wait3A_717 = arith.constant 2 : i32
      %dma_wait3A_718 = arith.constant 0 : i32
      %dma_wait3A_719 = arith.constant 0 : i32
      %dma_wait3A_720 = tpu.memref_slice %arg9[%dma_wait3A_717, %dma_wait3A_718, %dma_wait3A_719] : memref<4x64x64xi32, #tpu.memory_space<vmem>> -> memref<1x64x64xi32, #tpu.memory_space<vmem>>
      %dma_wait3A_721 = tpu.memref_squeeze %dma_wait3A_720 : memref<1x64x64xi32, #tpu.memory_space<vmem>> -> memref<64x64xi32, #tpu.memory_space<vmem>>
      %dma_wait3A_722 = arith.constant 0 : i32
      %dma_wait3A_723 = tpu.memref_slice %arg7[%dma_wait3A_715, %dma_wait3A_716, %dma_wait3A_722] : memref<2x8x64xi32, #tpu.memory_space<vmem>> -> memref<1x1x64xi32, #tpu.memory_space<vmem>>
      %dma_wait3A_724 = tpu.memref_squeeze %dma_wait3A_723 : memref<1x1x64xi32, #tpu.memory_space<vmem>> -> memref<64xi32, #tpu.memory_space<vmem>>
      %dma_wait3A_725 = arith.constant 0 : i32
      %dma_wait3A_726 = arith.constant 0 : i32
      %dma_wait3A_727 = tpu.memref_slice %arg2[%dma_wait3A_725, %dma_wait3A_726] : memref<10240x64xi32, #tpu.memory_space<hbm>> -> memref<10240x64xi32, #tpu.memory_space<hbm>>
      tpu.wait_indirect_dma semaphore(%arg14 : memref<!tpu.dma_semaphore, #tpu.memory_space<semaphore_mem>>) src(%dma_wait3A_727 : memref<10240x64xi32, #tpu.memory_space<hbm>>) dst(%dma_wait3A_721 : memref<64x64xi32, #tpu.memory_space<vmem>>)
      %dma_wait3A_728 = arith.constant 0 : i32
      %dma_wait3A_729 = arith.constant 1 : i32
      %dma_wait3A_730 = arith.constant 2 : i32
      %dma_wait3A_731 = arith.constant 0 : i32
      %dma_wait3A_732 = arith.constant 0 : i32
      %dma_wait3A_733 = tpu.memref_slice %arg10[%dma_wait3A_728, %dma_wait3A_731, %dma_wait3A_732] : memref<2x64x128xf32, #tpu.memory_space<vmem>> -> memref<1x64x128xf32, #tpu.memory_space<vmem>>
      %dma_wait3A_734 = tpu.memref_squeeze %dma_wait3A_733 : memref<1x64x128xf32, #tpu.memory_space<vmem>> -> memref<64x128xf32, #tpu.memory_space<vmem>>
      %dma_wait3A_735 = arith.constant 0 : i32
      %dma_wait3A_736 = tpu.memref_slice %arg8[%dma_wait3A_729, %dma_wait3A_730, %dma_wait3A_735] : memref<2x8x64xi32, #tpu.memory_space<vmem>> -> memref<1x1x64xi32, #tpu.memory_space<vmem>>
      %dma_wait3A_737 = tpu.memref_squeeze %dma_wait3A_736 : memref<1x1x64xi32, #tpu.memory_space<vmem>> -> memref<64xi32, #tpu.memory_space<vmem>>
      %dma_wait3A_738 = arith.constant 0 : i32
      %dma_wait3A_739 = arith.constant 0 : i32
      %dma_wait3A_740 = tpu.memref_slice %arg11[%dma_wait3A_738, %dma_wait3A_739] : memref<10240x128xf32, #tpu.memory_space<vmem_shared>> -> memref<10240x128xf32, #tpu.memory_space<vmem_shared>>
      tpu.wait_indirect_dma semaphore(%arg16 : memref<!tpu.dma_semaphore, #tpu.memory_space<semaphore_mem>>) src(%dma_wait3A_734 : memref<64x128xf32, #tpu.memory_space<vmem>>) dst(%dma_wait3A_740 : memref<10240x128xf32, #tpu.memory_space<vmem_shared>>)
      %scan3A_741 = arith.constant 0 : i32
      %scan3A_742 = arith.constant 0 : i32
      %scan3A_743 = arith.constant 64 : i32
      %scan3A_744 = arith.addi %scan3A_742, %scan3A_743 : i32
      %scan3A_745 = arith.constant 1 : i32
      scf.for %scan3A_1044 = %scan3A_742 to %scan3A_744 step %scan3A_745  : i32 {
        %get3A = arith.constant 2 : i32
        %get3A_1045 = arith.index_cast %get3A : i32 to index
        %get3A_1046 = arith.index_cast %scan3A_1044 : i32 to index
        %get3A_1047 = arith.constant 0 : index
        %get3A_1048 = tpu.vector_load %arg9[%get3A_1045, %get3A_1046, %get3A_1047] {strides = array<i32>} : memref<4x64x64xi32, #tpu.memory_space<vmem>>, vector<16xi32>,
        %bitcast3A = vector.bitcast %get3A_1048 : vector<16xi32> to vector<32xbf16>
        %unpack3A = tpu.unpack_subelements %bitcast3A, 0 {pack_format = #tpu.pack_format<interleaved>} : vector<32xbf16> -> vector<16xf32>
        %unpack3A_1049 = tpu.unpack_subelements %bitcast3A, 1 {pack_format = #tpu.pack_format<interleaved>} : vector<32xbf16> -> vector<16xf32>
        %swap3A = arith.constant 0 : i32
        %swap3A_1050 = arith.index_cast %swap3A : i32 to index
        %swap3A_1051 = arith.index_cast %scan3A_1044 : i32 to index
        %swap3A_1052 = arith.constant 0 : index
        %swap3A_1053 = tpu.vector_load %arg10[%swap3A_1050, %swap3A_1051, %swap3A_1052] {strides = array<i32>} : memref<2x64x128xf32, #tpu.memory_space<vmem>>, vector<16xf32>,
        tpu.vector_store %arg10[%swap3A_1050, %swap3A_1051, %swap3A_1052], %unpack3A {strides = array<i32>} : memref<2x64x128xf32, #tpu.memory_space<vmem>>, vector<16xf32>,
        %swap3A_1054 = arith.constant 0 : i32
        %swap3A_1055 = arith.index_cast %swap3A_1054 : i32 to index
        %swap3A_1056 = arith.index_cast %scan3A_1044 : i32 to index
        %swap3A_1057 = arith.constant 16 : index
        %swap3A_1058 = tpu.vector_load %arg10[%swap3A_1055, %swap3A_1056, %swap3A_1057] {strides = array<i32>} : memref<2x64x128xf32, #tpu.memory_space<vmem>>, vector<16xf32>,
        tpu.vector_store %arg10[%swap3A_1055, %swap3A_1056, %swap3A_1057], %unpack3A_1049 {strides = array<i32>} : memref<2x64x128xf32, #tpu.memory_space<vmem>>, vector<16xf32>,
        %get3A_1059 = arith.constant 2 : i32
        %get3A_1060 = arith.index_cast %get3A_1059 : i32 to index
        %get3A_1061 = arith.index_cast %scan3A_1044 : i32 to index
        %get3A_1062 = arith.constant 16 : index
        %get3A_1063 = tpu.vector_load %arg9[%get3A_1060, %get3A_1061, %get3A_1062] {strides = array<i32>} : memref<4x64x64xi32, #tpu.memory_space<vmem>>, vector<16xi32>,
        %bitcast3A_1064 = vector.bitcast %get3A_1063 : vector<16xi32> to vector<32xbf16>
        %unpack3A_1065 = tpu.unpack_subelements %bitcast3A_1064, 0 {pack_format = #tpu.pack_format<interleaved>} : vector<32xbf16> -> vector<16xf32>
        %unpack3A_1066 = tpu.unpack_subelements %bitcast3A_1064, 1 {pack_format = #tpu.pack_format<interleaved>} : vector<32xbf16> -> vector<16xf32>
        %swap3A_1067 = arith.constant 0 : i32
        %swap3A_1068 = arith.index_cast %swap3A_1067 : i32 to index
        %swap3A_1069 = arith.index_cast %scan3A_1044 : i32 to index
        %swap3A_1070 = arith.constant 32 : index
        %swap3A_1071 = tpu.vector_load %arg10[%swap3A_1068, %swap3A_1069, %swap3A_1070] {strides = array<i32>} : memref<2x64x128xf32, #tpu.memory_space<vmem>>, vector<16xf32>,
        tpu.vector_store %arg10[%swap3A_1068, %swap3A_1069, %swap3A_1070], %unpack3A_1065 {strides = array<i32>} : memref<2x64x128xf32, #tpu.memory_space<vmem>>, vector<16xf32>,
        %swap3A_1072 = arith.constant 0 : i32
        %swap3A_1073 = arith.index_cast %swap3A_1072 : i32 to index
        %swap3A_1074 = arith.index_cast %scan3A_1044 : i32 to index
        %swap3A_1075 = arith.constant 48 : index
        %swap3A_1076 = tpu.vector_load %arg10[%swap3A_1073, %swap3A_1074, %swap3A_1075] {strides = array<i32>} : memref<2x64x128xf32, #tpu.memory_space<vmem>>, vector<16xf32>,
        tpu.vector_store %arg10[%swap3A_1073, %swap3A_1074, %swap3A_1075], %unpack3A_1066 {strides = array<i32>} : memref<2x64x128xf32, #tpu.memory_space<vmem>>, vector<16xf32>,
        %get3A_1077 = arith.constant 2 : i32
        %get3A_1078 = arith.index_cast %get3A_1077 : i32 to index
        %get3A_1079 = arith.index_cast %scan3A_1044 : i32 to index
        %get3A_1080 = arith.constant 32 : index
        %get3A_1081 = tpu.vector_load %arg9[%get3A_1078, %get3A_1079, %get3A_1080] {strides = array<i32>} : memref<4x64x64xi32, #tpu.memory_space<vmem>>, vector<16xi32>,
        %bitcast3A_1082 = vector.bitcast %get3A_1081 : vector<16xi32> to vector<32xbf16>
        %unpack3A_1083 = tpu.unpack_subelements %bitcast3A_1082, 0 {pack_format = #tpu.pack_format<interleaved>} : vector<32xbf16> -> vector<16xf32>
        %unpack3A_1084 = tpu.unpack_subelements %bitcast3A_1082, 1 {pack_format = #tpu.pack_format<interleaved>} : vector<32xbf16> -> vector<16xf32>
        %swap3A_1085 = arith.constant 0 : i32
        %swap3A_1086 = arith.index_cast %swap3A_1085 : i32 to index
        %swap3A_1087 = arith.index_cast %scan3A_1044 : i32 to index
        %swap3A_1088 = arith.constant 64 : index
        %swap3A_1089 = tpu.vector_load %arg10[%swap3A_1086, %swap3A_1087, %swap3A_1088] {strides = array<i32>} : memref<2x64x128xf32, #tpu.memory_space<vmem>>, vector<16xf32>,
        tpu.vector_store %arg10[%swap3A_1086, %swap3A_1087, %swap3A_1088], %unpack3A_1083 {strides = array<i32>} : memref<2x64x128xf32, #tpu.memory_space<vmem>>, vector<16xf32>,
        %swap3A_1090 = arith.constant 0 : i32
        %swap3A_1091 = arith.index_cast %swap3A_1090 : i32 to index
        %swap3A_1092 = arith.index_cast %scan3A_1044 : i32 to index
        %swap3A_1093 = arith.constant 80 : index
        %swap3A_1094 = tpu.vector_load %arg10[%swap3A_1091, %swap3A_1092, %swap3A_1093] {strides = array<i32>} : memref<2x64x128xf32, #tpu.memory_space<vmem>>, vector<16xf32>,
        tpu.vector_store %arg10[%swap3A_1091, %swap3A_1092, %swap3A_1093], %unpack3A_1084 {strides = array<i32>} : memref<2x64x128xf32, #tpu.memory_space<vmem>>, vector<16xf32>,
        %get3A_1095 = arith.constant 2 : i32
        %get3A_1096 = arith.index_cast %get3A_1095 : i32 to index
        %get3A_1097 = arith.index_cast %scan3A_1044 : i32 to index
        %get3A_1098 = arith.constant 48 : index
        %get3A_1099 = tpu.vector_load %arg9[%get3A_1096, %get3A_1097, %get3A_1098] {strides = array<i32>} : memref<4x64x64xi32, #tpu.memory_space<vmem>>, vector<16xi32>,
        %bitcast3A_1100 = vector.bitcast %get3A_1099 : vector<16xi32> to vector<32xbf16>
        %unpack3A_1101 = tpu.unpack_subelements %bitcast3A_1100, 0 {pack_format = #tpu.pack_format<interleaved>} : vector<32xbf16> -> vector<16xf32>
        %unpack3A_1102 = tpu.unpack_subelements %bitcast3A_1100, 1 {pack_format = #tpu.pack_format<interleaved>} : vector<32xbf16> -> vector<16xf32>
        %swap3A_1103 = arith.constant 0 : i32
        %swap3A_1104 = arith.index_cast %swap3A_1103 : i32 to index
        %swap3A_1105 = arith.index_cast %scan3A_1044 : i32 to index
        %swap3A_1106 = arith.constant 96 : index
        %swap3A_1107 = tpu.vector_load %arg10[%swap3A_1104, %swap3A_1105, %swap3A_1106] {strides = array<i32>} : memref<2x64x128xf32, #tpu.memory_space<vmem>>, vector<16xf32>,
        tpu.vector_store %arg10[%swap3A_1104, %swap3A_1105, %swap3A_1106], %unpack3A_1101 {strides = array<i32>} : memref<2x64x128xf32, #tpu.memory_space<vmem>>, vector<16xf32>,
        %swap3A_1108 = arith.constant 0 : i32
        %swap3A_1109 = arith.index_cast %swap3A_1108 : i32 to index
        %swap3A_1110 = arith.index_cast %scan3A_1044 : i32 to index
        %swap3A_1111 = arith.constant 112 : index
        %swap3A_1112 = tpu.vector_load %arg10[%swap3A_1109, %swap3A_1110, %swap3A_1111] {strides = array<i32>} : memref<2x64x128xf32, #tpu.memory_space<vmem>>, vector<16xf32>,
        tpu.vector_store %arg10[%swap3A_1109, %swap3A_1110, %swap3A_1111], %unpack3A_1102 {strides = array<i32>} : memref<2x64x128xf32, #tpu.memory_space<vmem>>, vector<16xf32>,
      }
      %scan3A_746 = arith.constant 64 : i32
      %dma_start3A_747 = arith.constant 0 : i32
      %dma_start3A_748 = arith.constant 1 : i32
      %dma_start3A_749 = arith.constant 2 : i32
      %dma_start3A_750 = arith.constant 0 : i32
      %dma_start3A_751 = arith.constant 0 : i32
      %dma_start3A_752 = tpu.memref_slice %arg10[%dma_start3A_747, %dma_start3A_750, %dma_start3A_751] : memref<2x64x128xf32, #tpu.memory_space<vmem>> -> memref<1x64x128xf32, #tpu.memory_space<vmem>>
      %dma_start3A_753 = tpu.memref_squeeze %dma_start3A_752 : memref<1x64x128xf32, #tpu.memory_space<vmem>> -> memref<64x128xf32, #tpu.memory_space<vmem>>
      %dma_start3A_754 = arith.constant 0 : i32
      %dma_start3A_755 = tpu.memref_slice %arg8[%dma_start3A_748, %dma_start3A_749, %dma_start3A_754] : memref<2x8x64xi32, #tpu.memory_space<vmem>> -> memref<1x1x64xi32, #tpu.memory_space<vmem>>
      %dma_start3A_756 = tpu.memref_squeeze %dma_start3A_755 : memref<1x1x64xi32, #tpu.memory_space<vmem>> -> memref<64xi32, #tpu.memory_space<vmem>>
      %dma_start3A_757 = arith.constant 0 : i32
      %dma_start3A_758 = arith.constant 0 : i32
      %dma_start3A_759 = tpu.memref_slice %arg11[%dma_start3A_757, %dma_start3A_758] : memref<10240x128xf32, #tpu.memory_space<vmem_shared>> -> memref<10240x128xf32, #tpu.memory_space<vmem_shared>>
      tpu.enqueue_indirect_dma source(%dma_start3A_753 : memref<64x128xf32, #tpu.memory_space<vmem>>) target(%dma_start3A_759 : memref<10240x128xf32, #tpu.memory_space<vmem_shared>>) offsets(%dma_start3A_756 : memref<64xi32, #tpu.memory_space<vmem>>) semaphore(%arg16 : memref<!tpu.dma_semaphore, #tpu.memory_space<semaphore_mem>>) {add = true}
      %dma_start3A_760 = arith.constant 1 : i32
      %dma_start3A_761 = arith.constant 5 : i32
      %dma_start3A_762 = arith.constant 1 : i32
      %dma_start3A_763 = arith.constant 0 : i32
      %dma_start3A_764 = arith.constant 0 : i32
      %dma_start3A_765 = tpu.memref_slice %arg9[%dma_start3A_762, %dma_start3A_763, %dma_start3A_764] : memref<4x64x64xi32, #tpu.memory_space<vmem>> -> memref<1x64x64xi32, #tpu.memory_space<vmem>>
      %dma_start3A_766 = tpu.memref_squeeze %dma_start3A_765 : memref<1x64x64xi32, #tpu.memory_space<vmem>> -> memref<64x64xi32, #tpu.memory_space<vmem>>
      %dma_start3A_767 = arith.constant 0 : i32
      %dma_start3A_768 = tpu.memref_slice %arg7[%dma_start3A_760, %dma_start3A_761, %dma_start3A_767] : memref<2x8x64xi32, #tpu.memory_space<vmem>> -> memref<1x1x64xi32, #tpu.memory_space<vmem>>
      %dma_start3A_769 = tpu.memref_squeeze %dma_start3A_768 : memref<1x1x64xi32, #tpu.memory_space<vmem>> -> memref<64xi32, #tpu.memory_space<vmem>>
      %dma_start3A_770 = arith.constant 0 : i32
      %dma_start3A_771 = arith.constant 0 : i32
      %dma_start3A_772 = tpu.memref_slice %arg2[%dma_start3A_770, %dma_start3A_771] : memref<10240x64xi32, #tpu.memory_space<hbm>> -> memref<10240x64xi32, #tpu.memory_space<hbm>>
      tpu.enqueue_indirect_dma source(%dma_start3A_772 : memref<10240x64xi32, #tpu.memory_space<hbm>>) target(%dma_start3A_766 : memref<64x64xi32, #tpu.memory_space<vmem>>) offsets(%dma_start3A_769 : memref<64xi32, #tpu.memory_space<vmem>>) semaphore(%arg13 : memref<!tpu.dma_semaphore, #tpu.memory_space<semaphore_mem>>)
      %dma_wait3A_773 = arith.constant 1 : i32
      %dma_wait3A_774 = arith.constant 3 : i32
      %dma_wait3A_775 = arith.constant 3 : i32
      %dma_wait3A_776 = arith.constant 0 : i32
      %dma_wait3A_777 = arith.constant 0 : i32
      %dma_wait3A_778 = tpu.memref_slice %arg9[%dma_wait3A_775, %dma_wait3A_776, %dma_wait3A_777] : memref<4x64x64xi32, #tpu.memory_space<vmem>> -> memref<1x64x64xi32, #tpu.memory_space<vmem>>
      %dma_wait3A_779 = tpu.memref_squeeze %dma_wait3A_778 : memref<1x64x64xi32, #tpu.memory_space<vmem>> -> memref<64x64xi32, #tpu.memory_space<vmem>>
      %dma_wait3A_780 = arith.constant 0 : i32
      %dma_wait3A_781 = tpu.memref_slice %arg7[%dma_wait3A_773, %dma_wait3A_774, %dma_wait3A_780] : memref<2x8x64xi32, #tpu.memory_space<vmem>> -> memref<1x1x64xi32, #tpu.memory_space<vmem>>
      %dma_wait3A_782 = tpu.memref_squeeze %dma_wait3A_781 : memref<1x1x64xi32, #tpu.memory_space<vmem>> -> memref<64xi32, #tpu.memory_space<vmem>>
      %dma_wait3A_783 = arith.constant 0 : i32
      %dma_wait3A_784 = arith.constant 0 : i32
      %dma_wait3A_785 = tpu.memref_slice %arg2[%dma_wait3A_783, %dma_wait3A_784] : memref<10240x64xi32, #tpu.memory_space<hbm>> -> memref<10240x64xi32, #tpu.memory_space<hbm>>
      tpu.wait_indirect_dma semaphore(%arg15 : memref<!tpu.dma_semaphore, #tpu.memory_space<semaphore_mem>>) src(%dma_wait3A_785 : memref<10240x64xi32, #tpu.memory_space<hbm>>) dst(%dma_wait3A_779 : memref<64x64xi32, #tpu.memory_space<vmem>>)
      %dma_wait3A_786 = arith.constant 1 : i32
      %dma_wait3A_787 = arith.constant 1 : i32
      %dma_wait3A_788 = arith.constant 3 : i32
      %dma_wait3A_789 = arith.constant 0 : i32
      %dma_wait3A_790 = arith.constant 0 : i32
      %dma_wait3A_791 = tpu.memref_slice %arg10[%dma_wait3A_786, %dma_wait3A_789, %dma_wait3A_790] : memref<2x64x128xf32, #tpu.memory_space<vmem>> -> memref<1x64x128xf32, #tpu.memory_space<vmem>>
      %dma_wait3A_792 = tpu.memref_squeeze %dma_wait3A_791 : memref<1x64x128xf32, #tpu.memory_space<vmem>> -> memref<64x128xf32, #tpu.memory_space<vmem>>
      %dma_wait3A_793 = arith.constant 0 : i32
      %dma_wait3A_794 = tpu.memref_slice %arg8[%dma_wait3A_787, %dma_wait3A_788, %dma_wait3A_793] : memref<2x8x64xi32, #tpu.memory_space<vmem>> -> memref<1x1x64xi32, #tpu.memory_space<vmem>>
      %dma_wait3A_795 = tpu.memref_squeeze %dma_wait3A_794 : memref<1x1x64xi32, #tpu.memory_space<vmem>> -> memref<64xi32, #tpu.memory_space<vmem>>
      %dma_wait3A_796 = arith.constant 0 : i32
      %dma_wait3A_797 = arith.constant 0 : i32
      %dma_wait3A_798 = tpu.memref_slice %arg11[%dma_wait3A_796, %dma_wait3A_797] : memref<10240x128xf32, #tpu.memory_space<vmem_shared>> -> memref<10240x128xf32, #tpu.memory_space<vmem_shared>>
      tpu.wait_indirect_dma semaphore(%arg17 : memref<!tpu.dma_semaphore, #tpu.memory_space<semaphore_mem>>) src(%dma_wait3A_792 : memref<64x128xf32, #tpu.memory_space<vmem>>) dst(%dma_wait3A_798 : memref<10240x128xf32, #tpu.memory_space<vmem_shared>>)
      %scan3A_799 = arith.constant 0 : i32
      %scan3A_800 = arith.constant 0 : i32
      %scan3A_801 = arith.constant 64 : i32
      %scan3A_802 = arith.addi %scan3A_800, %scan3A_801 : i32
      %scan3A_803 = arith.constant 1 : i32
      scf.for %scan3A_1044 = %scan3A_800 to %scan3A_802 step %scan3A_803  : i32 {
        %get3A = arith.constant 3 : i32
        %get3A_1045 = arith.index_cast %get3A : i32 to index
        %get3A_1046 = arith.index_cast %scan3A_1044 : i32 to index
        %get3A_1047 = arith.constant 0 : index
        %get3A_1048 = tpu.vector_load %arg9[%get3A_1045, %get3A_1046, %get3A_1047] {strides = array<i32>} : memref<4x64x64xi32, #tpu.memory_space<vmem>>, vector<16xi32>,
        %bitcast3A = vector.bitcast %get3A_1048 : vector<16xi32> to vector<32xbf16>
        %unpack3A = tpu.unpack_subelements %bitcast3A, 0 {pack_format = #tpu.pack_format<interleaved>} : vector<32xbf16> -> vector<16xf32>
        %unpack3A_1049 = tpu.unpack_subelements %bitcast3A, 1 {pack_format = #tpu.pack_format<interleaved>} : vector<32xbf16> -> vector<16xf32>
        %swap3A = arith.constant 1 : i32
        %swap3A_1050 = arith.index_cast %swap3A : i32 to index
        %swap3A_1051 = arith.index_cast %scan3A_1044 : i32 to index
        %swap3A_1052 = arith.constant 0 : index
        %swap3A_1053 = tpu.vector_load %arg10[%swap3A_1050, %swap3A_1051, %swap3A_1052] {strides = array<i32>} : memref<2x64x128xf32, #tpu.memory_space<vmem>>, vector<16xf32>,
        tpu.vector_store %arg10[%swap3A_1050, %swap3A_1051, %swap3A_1052], %unpack3A {strides = array<i32>} : memref<2x64x128xf32, #tpu.memory_space<vmem>>, vector<16xf32>,
        %swap3A_1054 = arith.constant 1 : i32
        %swap3A_1055 = arith.index_cast %swap3A_1054 : i32 to index
        %swap3A_1056 = arith.index_cast %scan3A_1044 : i32 to index
        %swap3A_1057 = arith.constant 16 : index
        %swap3A_1058 = tpu.vector_load %arg10[%swap3A_1055, %swap3A_1056, %swap3A_1057] {strides = array<i32>} : memref<2x64x128xf32, #tpu.memory_space<vmem>>, vector<16xf32>,
        tpu.vector_store %arg10[%swap3A_1055, %swap3A_1056, %swap3A_1057], %unpack3A_1049 {strides = array<i32>} : memref<2x64x128xf32, #tpu.memory_space<vmem>>, vector<16xf32>,
        %get3A_1059 = arith.constant 3 : i32
        %get3A_1060 = arith.index_cast %get3A_1059 : i32 to index
        %get3A_1061 = arith.index_cast %scan3A_1044 : i32 to index
        %get3A_1062 = arith.constant 16 : index
        %get3A_1063 = tpu.vector_load %arg9[%get3A_1060, %get3A_1061, %get3A_1062] {strides = array<i32>} : memref<4x64x64xi32, #tpu.memory_space<vmem>>, vector<16xi32>,
        %bitcast3A_1064 = vector.bitcast %get3A_1063 : vector<16xi32> to vector<32xbf16>
        %unpack3A_1065 = tpu.unpack_subelements %bitcast3A_1064, 0 {pack_format = #tpu.pack_format<interleaved>} : vector<32xbf16> -> vector<16xf32>
        %unpack3A_1066 = tpu.unpack_subelements %bitcast3A_1064, 1 {pack_format = #tpu.pack_format<interleaved>} : vector<32xbf16> -> vector<16xf32>
        %swap3A_1067 = arith.constant 1 : i32
        %swap3A_1068 = arith.index_cast %swap3A_1067 : i32 to index
        %swap3A_1069 = arith.index_cast %scan3A_1044 : i32 to index
        %swap3A_1070 = arith.constant 32 : index
        %swap3A_1071 = tpu.vector_load %arg10[%swap3A_1068, %swap3A_1069, %swap3A_1070] {strides = array<i32>} : memref<2x64x128xf32, #tpu.memory_space<vmem>>, vector<16xf32>,
        tpu.vector_store %arg10[%swap3A_1068, %swap3A_1069, %swap3A_1070], %unpack3A_1065 {strides = array<i32>} : memref<2x64x128xf32, #tpu.memory_space<vmem>>, vector<16xf32>,
        %swap3A_1072 = arith.constant 1 : i32
        %swap3A_1073 = arith.index_cast %swap3A_1072 : i32 to index
        %swap3A_1074 = arith.index_cast %scan3A_1044 : i32 to index
        %swap3A_1075 = arith.constant 48 : index
        %swap3A_1076 = tpu.vector_load %arg10[%swap3A_1073, %swap3A_1074, %swap3A_1075] {strides = array<i32>} : memref<2x64x128xf32, #tpu.memory_space<vmem>>, vector<16xf32>,
        tpu.vector_store %arg10[%swap3A_1073, %swap3A_1074, %swap3A_1075], %unpack3A_1066 {strides = array<i32>} : memref<2x64x128xf32, #tpu.memory_space<vmem>>, vector<16xf32>,
        %get3A_1077 = arith.constant 3 : i32
        %get3A_1078 = arith.index_cast %get3A_1077 : i32 to index
        %get3A_1079 = arith.index_cast %scan3A_1044 : i32 to index
        %get3A_1080 = arith.constant 32 : index
        %get3A_1081 = tpu.vector_load %arg9[%get3A_1078, %get3A_1079, %get3A_1080] {strides = array<i32>} : memref<4x64x64xi32, #tpu.memory_space<vmem>>, vector<16xi32>,
        %bitcast3A_1082 = vector.bitcast %get3A_1081 : vector<16xi32> to vector<32xbf16>
        %unpack3A_1083 = tpu.unpack_subelements %bitcast3A_1082, 0 {pack_format = #tpu.pack_format<interleaved>} : vector<32xbf16> -> vector<16xf32>
        %unpack3A_1084 = tpu.unpack_subelements %bitcast3A_1082, 1 {pack_format = #tpu.pack_format<interleaved>} : vector<32xbf16> -> vector<16xf32>
        %swap3A_1085 = arith.constant 1 : i32
        %swap3A_1086 = arith.index_cast %swap3A_1085 : i32 to index
        %swap3A_1087 = arith.index_cast %scan3A_1044 : i32 to index
        %swap3A_1088 = arith.constant 64 : index
        %swap3A_1089 = tpu.vector_load %arg10[%swap3A_1086, %swap3A_1087, %swap3A_1088] {strides = array<i32>} : memref<2x64x128xf32, #tpu.memory_space<vmem>>, vector<16xf32>,
        tpu.vector_store %arg10[%swap3A_1086, %swap3A_1087, %swap3A_1088], %unpack3A_1083 {strides = array<i32>} : memref<2x64x128xf32, #tpu.memory_space<vmem>>, vector<16xf32>,
        %swap3A_1090 = arith.constant 1 : i32
        %swap3A_1091 = arith.index_cast %swap3A_1090 : i32 to index
        %swap3A_1092 = arith.index_cast %scan3A_1044 : i32 to index
        %swap3A_1093 = arith.constant 80 : index
        %swap3A_1094 = tpu.vector_load %arg10[%swap3A_1091, %swap3A_1092, %swap3A_1093] {strides = array<i32>} : memref<2x64x128xf32, #tpu.memory_space<vmem>>, vector<16xf32>,
        tpu.vector_store %arg10[%swap3A_1091, %swap3A_1092, %swap3A_1093], %unpack3A_1084 {strides = array<i32>} : memref<2x64x128xf32, #tpu.memory_space<vmem>>, vector<16xf32>,
        %get3A_1095 = arith.constant 3 : i32
        %get3A_1096 = arith.index_cast %get3A_1095 : i32 to index
        %get3A_1097 = arith.index_cast %scan3A_1044 : i32 to index
        %get3A_1098 = arith.constant 48 : index
        %get3A_1099 = tpu.vector_load %arg9[%get3A_1096, %get3A_1097, %get3A_1098] {strides = array<i32>} : memref<4x64x64xi32, #tpu.memory_space<vmem>>, vector<16xi32>,
        %bitcast3A_1100 = vector.bitcast %get3A_1099 : vector<16xi32> to vector<32xbf16>
        %unpack3A_1101 = tpu.unpack_subelements %bitcast3A_1100, 0 {pack_format = #tpu.pack_format<interleaved>} : vector<32xbf16> -> vector<16xf32>
        %unpack3A_1102 = tpu.unpack_subelements %bitcast3A_1100, 1 {pack_format = #tpu.pack_format<interleaved>} : vector<32xbf16> -> vector<16xf32>
        %swap3A_1103 = arith.constant 1 : i32
        %swap3A_1104 = arith.index_cast %swap3A_1103 : i32 to index
        %swap3A_1105 = arith.index_cast %scan3A_1044 : i32 to index
        %swap3A_1106 = arith.constant 96 : index
        %swap3A_1107 = tpu.vector_load %arg10[%swap3A_1104, %swap3A_1105, %swap3A_1106] {strides = array<i32>} : memref<2x64x128xf32, #tpu.memory_space<vmem>>, vector<16xf32>,
        tpu.vector_store %arg10[%swap3A_1104, %swap3A_1105, %swap3A_1106], %unpack3A_1101 {strides = array<i32>} : memref<2x64x128xf32, #tpu.memory_space<vmem>>, vector<16xf32>,
        %swap3A_1108 = arith.constant 1 : i32
        %swap3A_1109 = arith.index_cast %swap3A_1108 : i32 to index
        %swap3A_1110 = arith.index_cast %scan3A_1044 : i32 to index
        %swap3A_1111 = arith.constant 112 : index
        %swap3A_1112 = tpu.vector_load %arg10[%swap3A_1109, %swap3A_1110, %swap3A_1111] {strides = array<i32>} : memref<2x64x128xf32, #tpu.memory_space<vmem>>, vector<16xf32>,
        tpu.vector_store %arg10[%swap3A_1109, %swap3A_1110, %swap3A_1111], %unpack3A_1102 {strides = array<i32>} : memref<2x64x128xf32, #tpu.memory_space<vmem>>, vector<16xf32>,
      }
      %scan3A_804 = arith.constant 64 : i32
      %dma_start3A_805 = arith.constant 1 : i32
      %dma_start3A_806 = arith.constant 1 : i32
      %dma_start3A_807 = arith.constant 3 : i32
      %dma_start3A_808 = arith.constant 0 : i32
      %dma_start3A_809 = arith.constant 0 : i32
      %dma_start3A_810 = tpu.memref_slice %arg10[%dma_start3A_805, %dma_start3A_808, %dma_start3A_809] : memref<2x64x128xf32, #tpu.memory_space<vmem>> -> memref<1x64x128xf32, #tpu.memory_space<vmem>>
      %dma_start3A_811 = tpu.memref_squeeze %dma_start3A_810 : memref<1x64x128xf32, #tpu.memory_space<vmem>> -> memref<64x128xf32, #tpu.memory_space<vmem>>
      %dma_start3A_812 = arith.constant 0 : i32
      %dma_start3A_813 = tpu.memref_slice %arg8[%dma_start3A_806, %dma_start3A_807, %dma_start3A_812] : memref<2x8x64xi32, #tpu.memory_space<vmem>> -> memref<1x1x64xi32, #tpu.memory_space<vmem>>
      %dma_start3A_814 = tpu.memref_squeeze %dma_start3A_813 : memref<1x1x64xi32, #tpu.memory_space<vmem>> -> memref<64xi32, #tpu.memory_space<vmem>>
      %dma_start3A_815 = arith.constant 0 : i32
      %dma_start3A_816 = arith.constant 0 : i32
      %dma_start3A_817 = tpu.memref_slice %arg11[%dma_start3A_815, %dma_start3A_816] : memref<10240x128xf32, #tpu.memory_space<vmem_shared>> -> memref<10240x128xf32, #tpu.memory_space<vmem_shared>>
      tpu.enqueue_indirect_dma source(%dma_start3A_811 : memref<64x128xf32, #tpu.memory_space<vmem>>) target(%dma_start3A_817 : memref<10240x128xf32, #tpu.memory_space<vmem_shared>>) offsets(%dma_start3A_814 : memref<64xi32, #tpu.memory_space<vmem>>) semaphore(%arg17 : memref<!tpu.dma_semaphore, #tpu.memory_space<semaphore_mem>>) {add = true}
      %dma_start3A_818 = arith.constant 1 : i32
      %dma_start3A_819 = arith.constant 6 : i32
      %dma_start3A_820 = arith.constant 2 : i32
      %dma_start3A_821 = arith.constant 0 : i32
      %dma_start3A_822 = arith.constant 0 : i32
      %dma_start3A_823 = tpu.memref_slice %arg9[%dma_start3A_820, %dma_start3A_821, %dma_start3A_822] : memref<4x64x64xi32, #tpu.memory_space<vmem>> -> memref<1x64x64xi32, #tpu.memory_space<vmem>>
      %dma_start3A_824 = tpu.memref_squeeze %dma_start3A_823 : memref<1x64x64xi32, #tpu.memory_space<vmem>> -> memref<64x64xi32, #tpu.memory_space<vmem>>
      %dma_start3A_825 = arith.constant 0 : i32
      %dma_start3A_826 = tpu.memref_slice %arg7[%dma_start3A_818, %dma_start3A_819, %dma_start3A_825] : memref<2x8x64xi32, #tpu.memory_space<vmem>> -> memref<1x1x64xi32, #tpu.memory_space<vmem>>
      %dma_start3A_827 = tpu.memref_squeeze %dma_start3A_826 : memref<1x1x64xi32, #tpu.memory_space<vmem>> -> memref<64xi32, #tpu.memory_space<vmem>>
      %dma_start3A_828 = arith.constant 0 : i32
      %dma_start3A_829 = arith.constant 0 : i32
      %dma_start3A_830 = tpu.memref_slice %arg2[%dma_start3A_828, %dma_start3A_829] : memref<10240x64xi32, #tpu.memory_space<hbm>> -> memref<10240x64xi32, #tpu.memory_space<hbm>>
      tpu.enqueue_indirect_dma source(%dma_start3A_830 : memref<10240x64xi32, #tpu.memory_space<hbm>>) target(%dma_start3A_824 : memref<64x64xi32, #tpu.memory_space<vmem>>) offsets(%dma_start3A_827 : memref<64xi32, #tpu.memory_space<vmem>>) semaphore(%arg14 : memref<!tpu.dma_semaphore, #tpu.memory_space<semaphore_mem>>)
      %dma_wait3A_831 = arith.constant 1 : i32
      %dma_wait3A_832 = arith.constant 4 : i32
      %dma_wait3A_833 = arith.constant 0 : i32
      %dma_wait3A_834 = arith.constant 0 : i32
      %dma_wait3A_835 = arith.constant 0 : i32
      %dma_wait3A_836 = tpu.memref_slice %arg9[%dma_wait3A_833, %dma_wait3A_834, %dma_wait3A_835] : memref<4x64x64xi32, #tpu.memory_space<vmem>> -> memref<1x64x64xi32, #tpu.memory_space<vmem>>
      %dma_wait3A_837 = tpu.memref_squeeze %dma_wait3A_836 : memref<1x64x64xi32, #tpu.memory_space<vmem>> -> memref<64x64xi32, #tpu.memory_space<vmem>>
      %dma_wait3A_838 = arith.constant 0 : i32
      %dma_wait3A_839 = tpu.memref_slice %arg7[%dma_wait3A_831, %dma_wait3A_832, %dma_wait3A_838] : memref<2x8x64xi32, #tpu.memory_space<vmem>> -> memref<1x1x64xi32, #tpu.memory_space<vmem>>
      %dma_wait3A_840 = tpu.memref_squeeze %dma_wait3A_839 : memref<1x1x64xi32, #tpu.memory_space<vmem>> -> memref<64xi32, #tpu.memory_space<vmem>>
      %dma_wait3A_841 = arith.constant 0 : i32
      %dma_wait3A_842 = arith.constant 0 : i32
      %dma_wait3A_843 = tpu.memref_slice %arg2[%dma_wait3A_841, %dma_wait3A_842] : memref<10240x64xi32, #tpu.memory_space<hbm>> -> memref<10240x64xi32, #tpu.memory_space<hbm>>
      tpu.wait_indirect_dma semaphore(%arg12 : memref<!tpu.dma_semaphore, #tpu.memory_space<semaphore_mem>>) src(%dma_wait3A_843 : memref<10240x64xi32, #tpu.memory_space<hbm>>) dst(%dma_wait3A_837 : memref<64x64xi32, #tpu.memory_space<vmem>>)
      %dma_wait3A_844 = arith.constant 0 : i32
      %dma_wait3A_845 = arith.constant 1 : i32
      %dma_wait3A_846 = arith.constant 4 : i32
      %dma_wait3A_847 = arith.constant 0 : i32
      %dma_wait3A_848 = arith.constant 0 : i32
      %dma_wait3A_849 = tpu.memref_slice %arg10[%dma_wait3A_844, %dma_wait3A_847, %dma_wait3A_848] : memref<2x64x128xf32, #tpu.memory_space<vmem>> -> memref<1x64x128xf32, #tpu.memory_space<vmem>>
      %dma_wait3A_850 = tpu.memref_squeeze %dma_wait3A_849 : memref<1x64x128xf32, #tpu.memory_space<vmem>> -> memref<64x128xf32, #tpu.memory_space<vmem>>
      %dma_wait3A_851 = arith.constant 0 : i32
      %dma_wait3A_852 = tpu.memref_slice %arg8[%dma_wait3A_845, %dma_wait3A_846, %dma_wait3A_851] : memref<2x8x64xi32, #tpu.memory_space<vmem>> -> memref<1x1x64xi32, #tpu.memory_space<vmem>>
      %dma_wait3A_853 = tpu.memref_squeeze %dma_wait3A_852 : memref<1x1x64xi32, #tpu.memory_space<vmem>> -> memref<64xi32, #tpu.memory_space<vmem>>
      %dma_wait3A_854 = arith.constant 0 : i32
      %dma_wait3A_855 = arith.constant 0 : i32
      %dma_wait3A_856 = tpu.memref_slice %arg11[%dma_wait3A_854, %dma_wait3A_855] : memref<10240x128xf32, #tpu.memory_space<vmem_shared>> -> memref<10240x128xf32, #tpu.memory_space<vmem_shared>>
      tpu.wait_indirect_dma semaphore(%arg16 : memref<!tpu.dma_semaphore, #tpu.memory_space<semaphore_mem>>) src(%dma_wait3A_850 : memref<64x128xf32, #tpu.memory_space<vmem>>) dst(%dma_wait3A_856 : memref<10240x128xf32, #tpu.memory_space<vmem_shared>>)
      %scan3A_857 = arith.constant 0 : i32
      %scan3A_858 = arith.constant 0 : i32
      %scan3A_859 = arith.constant 64 : i32
      %scan3A_860 = arith.addi %scan3A_858, %scan3A_859 : i32
      %scan3A_861 = arith.constant 1 : i32
      scf.for %scan3A_1044 = %scan3A_858 to %scan3A_860 step %scan3A_861  : i32 {
        %get3A = arith.constant 0 : i32
        %get3A_1045 = arith.index_cast %get3A : i32 to index
        %get3A_1046 = arith.index_cast %scan3A_1044 : i32 to index
        %get3A_1047 = arith.constant 0 : index
        %get3A_1048 = tpu.vector_load %arg9[%get3A_1045, %get3A_1046, %get3A_1047] {strides = array<i32>} : memref<4x64x64xi32, #tpu.memory_space<vmem>>, vector<16xi32>,
        %bitcast3A = vector.bitcast %get3A_1048 : vector<16xi32> to vector<32xbf16>
        %unpack3A = tpu.unpack_subelements %bitcast3A, 0 {pack_format = #tpu.pack_format<interleaved>} : vector<32xbf16> -> vector<16xf32>
        %unpack3A_1049 = tpu.unpack_subelements %bitcast3A, 1 {pack_format = #tpu.pack_format<interleaved>} : vector<32xbf16> -> vector<16xf32>
        %swap3A = arith.constant 0 : i32
        %swap3A_1050 = arith.index_cast %swap3A : i32 to index
        %swap3A_1051 = arith.index_cast %scan3A_1044 : i32 to index
        %swap3A_1052 = arith.constant 0 : index
        %swap3A_1053 = tpu.vector_load %arg10[%swap3A_1050, %swap3A_1051, %swap3A_1052] {strides = array<i32>} : memref<2x64x128xf32, #tpu.memory_space<vmem>>, vector<16xf32>,
        tpu.vector_store %arg10[%swap3A_1050, %swap3A_1051, %swap3A_1052], %unpack3A {strides = array<i32>} : memref<2x64x128xf32, #tpu.memory_space<vmem>>, vector<16xf32>,
        %swap3A_1054 = arith.constant 0 : i32
        %swap3A_1055 = arith.index_cast %swap3A_1054 : i32 to index
        %swap3A_1056 = arith.index_cast %scan3A_1044 : i32 to index
        %swap3A_1057 = arith.constant 16 : index
        %swap3A_1058 = tpu.vector_load %arg10[%swap3A_1055, %swap3A_1056, %swap3A_1057] {strides = array<i32>} : memref<2x64x128xf32, #tpu.memory_space<vmem>>, vector<16xf32>,
        tpu.vector_store %arg10[%swap3A_1055, %swap3A_1056, %swap3A_1057], %unpack3A_1049 {strides = array<i32>} : memref<2x64x128xf32, #tpu.memory_space<vmem>>, vector<16xf32>,
        %get3A_1059 = arith.constant 0 : i32
        %get3A_1060 = arith.index_cast %get3A_1059 : i32 to index
        %get3A_1061 = arith.index_cast %scan3A_1044 : i32 to index
        %get3A_1062 = arith.constant 16 : index
        %get3A_1063 = tpu.vector_load %arg9[%get3A_1060, %get3A_1061, %get3A_1062] {strides = array<i32>} : memref<4x64x64xi32, #tpu.memory_space<vmem>>, vector<16xi32>,
        %bitcast3A_1064 = vector.bitcast %get3A_1063 : vector<16xi32> to vector<32xbf16>
        %unpack3A_1065 = tpu.unpack_subelements %bitcast3A_1064, 0 {pack_format = #tpu.pack_format<interleaved>} : vector<32xbf16> -> vector<16xf32>
        %unpack3A_1066 = tpu.unpack_subelements %bitcast3A_1064, 1 {pack_format = #tpu.pack_format<interleaved>} : vector<32xbf16> -> vector<16xf32>
        %swap3A_1067 = arith.constant 0 : i32
        %swap3A_1068 = arith.index_cast %swap3A_1067 : i32 to index
        %swap3A_1069 = arith.index_cast %scan3A_1044 : i32 to index
        %swap3A_1070 = arith.constant 32 : index
        %swap3A_1071 = tpu.vector_load %arg10[%swap3A_1068, %swap3A_1069, %swap3A_1070] {strides = array<i32>} : memref<2x64x128xf32, #tpu.memory_space<vmem>>, vector<16xf32>,
        tpu.vector_store %arg10[%swap3A_1068, %swap3A_1069, %swap3A_1070], %unpack3A_1065 {strides = array<i32>} : memref<2x64x128xf32, #tpu.memory_space<vmem>>, vector<16xf32>,
        %swap3A_1072 = arith.constant 0 : i32
        %swap3A_1073 = arith.index_cast %swap3A_1072 : i32 to index
        %swap3A_1074 = arith.index_cast %scan3A_1044 : i32 to index
        %swap3A_1075 = arith.constant 48 : index
        %swap3A_1076 = tpu.vector_load %arg10[%swap3A_1073, %swap3A_1074, %swap3A_1075] {strides = array<i32>} : memref<2x64x128xf32, #tpu.memory_space<vmem>>, vector<16xf32>,
        tpu.vector_store %arg10[%swap3A_1073, %swap3A_1074, %swap3A_1075], %unpack3A_1066 {strides = array<i32>} : memref<2x64x128xf32, #tpu.memory_space<vmem>>, vector<16xf32>,
        %get3A_1077 = arith.constant 0 : i32
        %get3A_1078 = arith.index_cast %get3A_1077 : i32 to index
        %get3A_1079 = arith.index_cast %scan3A_1044 : i32 to index
        %get3A_1080 = arith.constant 32 : index
        %get3A_1081 = tpu.vector_load %arg9[%get3A_1078, %get3A_1079, %get3A_1080] {strides = array<i32>} : memref<4x64x64xi32, #tpu.memory_space<vmem>>, vector<16xi32>,
        %bitcast3A_1082 = vector.bitcast %get3A_1081 : vector<16xi32> to vector<32xbf16>
        %unpack3A_1083 = tpu.unpack_subelements %bitcast3A_1082, 0 {pack_format = #tpu.pack_format<interleaved>} : vector<32xbf16> -> vector<16xf32>
        %unpack3A_1084 = tpu.unpack_subelements %bitcast3A_1082, 1 {pack_format = #tpu.pack_format<interleaved>} : vector<32xbf16> -> vector<16xf32>
        %swap3A_1085 = arith.constant 0 : i32
        %swap3A_1086 = arith.index_cast %swap3A_1085 : i32 to index
        %swap3A_1087 = arith.index_cast %scan3A_1044 : i32 to index
        %swap3A_1088 = arith.constant 64 : index
        %swap3A_1089 = tpu.vector_load %arg10[%swap3A_1086, %swap3A_1087, %swap3A_1088] {strides = array<i32>} : memref<2x64x128xf32, #tpu.memory_space<vmem>>, vector<16xf32>,
        tpu.vector_store %arg10[%swap3A_1086, %swap3A_1087, %swap3A_1088], %unpack3A_1083 {strides = array<i32>} : memref<2x64x128xf32, #tpu.memory_space<vmem>>, vector<16xf32>,
        %swap3A_1090 = arith.constant 0 : i32
        %swap3A_1091 = arith.index_cast %swap3A_1090 : i32 to index
        %swap3A_1092 = arith.index_cast %scan3A_1044 : i32 to index
        %swap3A_1093 = arith.constant 80 : index
        %swap3A_1094 = tpu.vector_load %arg10[%swap3A_1091, %swap3A_1092, %swap3A_1093] {strides = array<i32>} : memref<2x64x128xf32, #tpu.memory_space<vmem>>, vector<16xf32>,
        tpu.vector_store %arg10[%swap3A_1091, %swap3A_1092, %swap3A_1093], %unpack3A_1084 {strides = array<i32>} : memref<2x64x128xf32, #tpu.memory_space<vmem>>, vector<16xf32>,
        %get3A_1095 = arith.constant 0 : i32
        %get3A_1096 = arith.index_cast %get3A_1095 : i32 to index
        %get3A_1097 = arith.index_cast %scan3A_1044 : i32 to index
        %get3A_1098 = arith.constant 48 : index
        %get3A_1099 = tpu.vector_load %arg9[%get3A_1096, %get3A_1097, %get3A_1098] {strides = array<i32>} : memref<4x64x64xi32, #tpu.memory_space<vmem>>, vector<16xi32>,
        %bitcast3A_1100 = vector.bitcast %get3A_1099 : vector<16xi32> to vector<32xbf16>
        %unpack3A_1101 = tpu.unpack_subelements %bitcast3A_1100, 0 {pack_format = #tpu.pack_format<interleaved>} : vector<32xbf16> -> vector<16xf32>
        %unpack3A_1102 = tpu.unpack_subelements %bitcast3A_1100, 1 {pack_format = #tpu.pack_format<interleaved>} : vector<32xbf16> -> vector<16xf32>
        %swap3A_1103 = arith.constant 0 : i32
        %swap3A_1104 = arith.index_cast %swap3A_1103 : i32 to index
        %swap3A_1105 = arith.index_cast %scan3A_1044 : i32 to index
        %swap3A_1106 = arith.constant 96 : index
        %swap3A_1107 = tpu.vector_load %arg10[%swap3A_1104, %swap3A_1105, %swap3A_1106] {strides = array<i32>} : memref<2x64x128xf32, #tpu.memory_space<vmem>>, vector<16xf32>,
        tpu.vector_store %arg10[%swap3A_1104, %swap3A_1105, %swap3A_1106], %unpack3A_1101 {strides = array<i32>} : memref<2x64x128xf32, #tpu.memory_space<vmem>>, vector<16xf32>,
        %swap3A_1108 = arith.constant 0 : i32
        %swap3A_1109 = arith.index_cast %swap3A_1108 : i32 to index
        %swap3A_1110 = arith.index_cast %scan3A_1044 : i32 to index
        %swap3A_1111 = arith.constant 112 : index
        %swap3A_1112 = tpu.vector_load %arg10[%swap3A_1109, %swap3A_1110, %swap3A_1111] {strides = array<i32>} : memref<2x64x128xf32, #tpu.memory_space<vmem>>, vector<16xf32>,
        tpu.vector_store %arg10[%swap3A_1109, %swap3A_1110, %swap3A_1111], %unpack3A_1102 {strides = array<i32>} : memref<2x64x128xf32, #tpu.memory_space<vmem>>, vector<16xf32>,
      }
      %scan3A_862 = arith.constant 64 : i32
      %dma_start3A_863 = arith.constant 0 : i32
      %dma_start3A_864 = arith.constant 1 : i32
      %dma_start3A_865 = arith.constant 4 : i32
      %dma_start3A_866 = arith.constant 0 : i32
      %dma_start3A_867 = arith.constant 0 : i32
      %dma_start3A_868 = tpu.memref_slice %arg10[%dma_start3A_863, %dma_start3A_866, %dma_start3A_867] : memref<2x64x128xf32, #tpu.memory_space<vmem>> -> memref<1x64x128xf32, #tpu.memory_space<vmem>>
      %dma_start3A_869 = tpu.memref_squeeze %dma_start3A_868 : memref<1x64x128xf32, #tpu.memory_space<vmem>> -> memref<64x128xf32, #tpu.memory_space<vmem>>
      %dma_start3A_870 = arith.constant 0 : i32
      %dma_start3A_871 = tpu.memref_slice %arg8[%dma_start3A_864, %dma_start3A_865, %dma_start3A_870] : memref<2x8x64xi32, #tpu.memory_space<vmem>> -> memref<1x1x64xi32, #tpu.memory_space<vmem>>
      %dma_start3A_872 = tpu.memref_squeeze %dma_start3A_871 : memref<1x1x64xi32, #tpu.memory_space<vmem>> -> memref<64xi32, #tpu.memory_space<vmem>>
      %dma_start3A_873 = arith.constant 0 : i32
      %dma_start3A_874 = arith.constant 0 : i32
      %dma_start3A_875 = tpu.memref_slice %arg11[%dma_start3A_873, %dma_start3A_874] : memref<10240x128xf32, #tpu.memory_space<vmem_shared>> -> memref<10240x128xf32, #tpu.memory_space<vmem_shared>>
      tpu.enqueue_indirect_dma source(%dma_start3A_869 : memref<64x128xf32, #tpu.memory_space<vmem>>) target(%dma_start3A_875 : memref<10240x128xf32, #tpu.memory_space<vmem_shared>>) offsets(%dma_start3A_872 : memref<64xi32, #tpu.memory_space<vmem>>) semaphore(%arg16 : memref<!tpu.dma_semaphore, #tpu.memory_space<semaphore_mem>>) {add = true}
      %dma_start3A_876 = arith.constant 1 : i32
      %dma_start3A_877 = arith.constant 7 : i32
      %dma_start3A_878 = arith.constant 3 : i32
      %dma_start3A_879 = arith.constant 0 : i32
      %dma_start3A_880 = arith.constant 0 : i32
      %dma_start3A_881 = tpu.memref_slice %arg9[%dma_start3A_878, %dma_start3A_879, %dma_start3A_880] : memref<4x64x64xi32, #tpu.memory_space<vmem>> -> memref<1x64x64xi32, #tpu.memory_space<vmem>>
      %dma_start3A_882 = tpu.memref_squeeze %dma_start3A_881 : memref<1x64x64xi32, #tpu.memory_space<vmem>> -> memref<64x64xi32, #tpu.memory_space<vmem>>
      %dma_start3A_883 = arith.constant 0 : i32
      %dma_start3A_884 = tpu.memref_slice %arg7[%dma_start3A_876, %dma_start3A_877, %dma_start3A_883] : memref<2x8x64xi32, #tpu.memory_space<vmem>> -> memref<1x1x64xi32, #tpu.memory_space<vmem>>
      %dma_start3A_885 = tpu.memref_squeeze %dma_start3A_884 : memref<1x1x64xi32, #tpu.memory_space<vmem>> -> memref<64xi32, #tpu.memory_space<vmem>>
      %dma_start3A_886 = arith.constant 0 : i32
      %dma_start3A_887 = arith.constant 0 : i32
      %dma_start3A_888 = tpu.memref_slice %arg2[%dma_start3A_886, %dma_start3A_887] : memref<10240x64xi32, #tpu.memory_space<hbm>> -> memref<10240x64xi32, #tpu.memory_space<hbm>>
      tpu.enqueue_indirect_dma source(%dma_start3A_888 : memref<10240x64xi32, #tpu.memory_space<hbm>>) target(%dma_start3A_882 : memref<64x64xi32, #tpu.memory_space<vmem>>) offsets(%dma_start3A_885 : memref<64xi32, #tpu.memory_space<vmem>>) semaphore(%arg15 : memref<!tpu.dma_semaphore, #tpu.memory_space<semaphore_mem>>)
      %lt3A_889 = arith.constant 9 : i32
      %lt3A_890 = arith.cmpi slt, %scan3A_77, %lt3A_889 : i32
      %convert_element_type3A_891 = arith.extui %lt3A_890 : i1 to i32
      %cond3A_892 = arith.constant 0 : i32
      %cond3A_893 = arith.cmpi ne, %convert_element_type3A_891, %cond3A_892 : i32
      scf.if %cond3A_893 {
        %dma_wait3A_1044 = arith.constant 0 : i32
        %dma_wait3A_1045 = arith.constant 0 : i32
        %dma_wait3A_1046 = arith.constant 0 : i32
        %dma_wait3A_1047 = tpu.memref_slice %arg7[%dma_wait3A_1044, %dma_wait3A_1045, %dma_wait3A_1046] : memref<2x8x64xi32, #tpu.memory_space<vmem>> -> memref<1x8x64xi32, #tpu.memory_space<vmem>>
        %dma_wait3A_1048 = tpu.memref_squeeze %dma_wait3A_1047 : memref<1x8x64xi32, #tpu.memory_space<vmem>> -> memref<8x64xi32, #tpu.memory_space<vmem>>
        %dma_wait3A_1049 = arith.constant 0 : i32
        %dma_wait3A_1050 = arith.constant 0 : i32
        %dma_wait3A_1051 = tpu.memref_slice %arg3[%add3A, %dma_wait3A_1049, %dma_wait3A_1050] : memref<32x160x64xi32, #tpu.memory_space<hbm>> -> memref<1x8x64xi32, #tpu.memory_space<hbm>>
        %dma_wait3A_1052 = tpu.memref_squeeze %dma_wait3A_1051 : memref<1x8x64xi32, #tpu.memory_space<hbm>> -> memref<8x64xi32, #tpu.memory_space<hbm>>
        %dma_wait3A_1053 = arith.constant 0 : i32
        %dma_wait3A_1054 = arith.constant 0 : i32
        %dma_wait3A_1055 = tpu.memref_slice %arg7[%dma_wait3A_1044, %dma_wait3A_1053, %dma_wait3A_1054] : memref<2x8x64xi32, #tpu.memory_space<vmem>> -> memref<1x8x64xi32, #tpu.memory_space<vmem>>
        %dma_wait3A_1056 = tpu.memref_squeeze %dma_wait3A_1055 : memref<1x8x64xi32, #tpu.memory_space<vmem>> -> memref<8x64xi32, #tpu.memory_space<vmem>>
        %dma_wait3A_1057 = arith.constant 0 : i32
        %dma_wait3A_1058 = arith.constant 0 : i32
        %dma_wait3A_1059 = tpu.memref_slice %arg3[%add3A, %dma_wait3A_1057, %dma_wait3A_1058] : memref<32x160x64xi32, #tpu.memory_space<hbm>> -> memref<1x8x64xi32, #tpu.memory_space<hbm>>
        %dma_wait3A_1060 = tpu.memref_squeeze %dma_wait3A_1059 : memref<1x8x64xi32, #tpu.memory_space<hbm>> -> memref<8x64xi32, #tpu.memory_space<hbm>>
        tpu.wait_dma2 semaphore(%arg18 : memref<!tpu.dma_semaphore, #tpu.memory_space<semaphore_mem>>) src(%dma_wait3A_1060 : memref<8x64xi32, #tpu.memory_space<hbm>>) dst(%dma_wait3A_1056 : memref<8x64xi32, #tpu.memory_space<vmem>>)
        %dma_wait3A_1061 = arith.constant 0 : i32
        %dma_wait3A_1062 = arith.constant 0 : i32
        %dma_wait3A_1063 = arith.constant 0 : i32
        %dma_wait3A_1064 = tpu.memref_slice %arg8[%dma_wait3A_1061, %dma_wait3A_1062, %dma_wait3A_1063] : memref<2x8x64xi32, #tpu.memory_space<vmem>> -> memref<1x8x64xi32, #tpu.memory_space<vmem>>
        %dma_wait3A_1065 = tpu.memref_squeeze %dma_wait3A_1064 : memref<1x8x64xi32, #tpu.memory_space<vmem>> -> memref<8x64xi32, #tpu.memory_space<vmem>>
        %dma_wait3A_1066 = arith.constant 0 : i32
        %dma_wait3A_1067 = arith.constant 0 : i32
        %dma_wait3A_1068 = tpu.memref_slice %arg4[%add3A, %dma_wait3A_1066, %dma_wait3A_1067] : memref<32x160x64xi32, #tpu.memory_space<hbm>> -> memref<1x8x64xi32, #tpu.memory_space<hbm>>
        %dma_wait3A_1069 = tpu.memref_squeeze %dma_wait3A_1068 : memref<1x8x64xi32, #tpu.memory_space<hbm>> -> memref<8x64xi32, #tpu.memory_space<hbm>>
        %dma_wait3A_1070 = arith.constant 0 : i32
        %dma_wait3A_1071 = arith.constant 0 : i32
        %dma_wait3A_1072 = tpu.memref_slice %arg8[%dma_wait3A_1061, %dma_wait3A_1070, %dma_wait3A_1071] : memref<2x8x64xi32, #tpu.memory_space<vmem>> -> memref<1x8x64xi32, #tpu.memory_space<vmem>>
        %dma_wait3A_1073 = tpu.memref_squeeze %dma_wait3A_1072 : memref<1x8x64xi32, #tpu.memory_space<vmem>> -> memref<8x64xi32, #tpu.memory_space<vmem>>
        %dma_wait3A_1074 = arith.constant 0 : i32
        %dma_wait3A_1075 = arith.constant 0 : i32
        %dma_wait3A_1076 = tpu.memref_slice %arg4[%add3A, %dma_wait3A_1074, %dma_wait3A_1075] : memref<32x160x64xi32, #tpu.memory_space<hbm>> -> memref<1x8x64xi32, #tpu.memory_space<hbm>>
        %dma_wait3A_1077 = tpu.memref_squeeze %dma_wait3A_1076 : memref<1x8x64xi32, #tpu.memory_space<hbm>> -> memref<8x64xi32, #tpu.memory_space<hbm>>
        tpu.wait_dma2 semaphore(%arg18 : memref<!tpu.dma_semaphore, #tpu.memory_space<semaphore_mem>>) src(%dma_wait3A_1077 : memref<8x64xi32, #tpu.memory_space<hbm>>) dst(%dma_wait3A_1073 : memref<8x64xi32, #tpu.memory_space<vmem>>)
      } else {
      }
      %dma_wait3A_894 = arith.constant 1 : i32
      %dma_wait3A_895 = arith.constant 5 : i32
      %dma_wait3A_896 = arith.constant 1 : i32
      %dma_wait3A_897 = arith.constant 0 : i32
      %dma_wait3A_898 = arith.constant 0 : i32
      %dma_wait3A_899 = tpu.memref_slice %arg9[%dma_wait3A_896, %dma_wait3A_897, %dma_wait3A_898] : memref<4x64x64xi32, #tpu.memory_space<vmem>> -> memref<1x64x64xi32, #tpu.memory_space<vmem>>
      %dma_wait3A_900 = tpu.memref_squeeze %dma_wait3A_899 : memref<1x64x64xi32, #tpu.memory_space<vmem>> -> memref<64x64xi32, #tpu.memory_space<vmem>>
      %dma_wait3A_901 = arith.constant 0 : i32
      %dma_wait3A_902 = tpu.memref_slice %arg7[%dma_wait3A_894, %dma_wait3A_895, %dma_wait3A_901] : memref<2x8x64xi32, #tpu.memory_space<vmem>> -> memref<1x1x64xi32, #tpu.memory_space<vmem>>
      %dma_wait3A_903 = tpu.memref_squeeze %dma_wait3A_902 : memref<1x1x64xi32, #tpu.memory_space<vmem>> -> memref<64xi32, #tpu.memory_space<vmem>>
      %dma_wait3A_904 = arith.constant 0 : i32
      %dma_wait3A_905 = arith.constant 0 : i32
      %dma_wait3A_906 = tpu.memref_slice %arg2[%dma_wait3A_904, %dma_wait3A_905] : memref<10240x64xi32, #tpu.memory_space<hbm>> -> memref<10240x64xi32, #tpu.memory_space<hbm>>
      tpu.wait_indirect_dma semaphore(%arg13 : memref<!tpu.dma_semaphore, #tpu.memory_space<semaphore_mem>>) src(%dma_wait3A_906 : memref<10240x64xi32, #tpu.memory_space<hbm>>) dst(%dma_wait3A_900 : memref<64x64xi32, #tpu.memory_space<vmem>>)
      %dma_wait3A_907 = arith.constant 1 : i32
      %dma_wait3A_908 = arith.constant 1 : i32
      %dma_wait3A_909 = arith.constant 5 : i32
      %dma_wait3A_910 = arith.constant 0 : i32
      %dma_wait3A_911 = arith.constant 0 : i32
      %dma_wait3A_912 = tpu.memref_slice %arg10[%dma_wait3A_907, %dma_wait3A_910, %dma_wait3A_911] : memref<2x64x128xf32, #tpu.memory_space<vmem>> -> memref<1x64x128xf32, #tpu.memory_space<vmem>>
      %dma_wait3A_913 = tpu.memref_squeeze %dma_wait3A_912 : memref<1x64x128xf32, #tpu.memory_space<vmem>> -> memref<64x128xf32, #tpu.memory_space<vmem>>
      %dma_wait3A_914 = arith.constant 0 : i32
      %dma_wait3A_915 = tpu.memref_slice %arg8[%dma_wait3A_908, %dma_wait3A_909, %dma_wait3A_914] : memref<2x8x64xi32, #tpu.memory_space<vmem>> -> memref<1x1x64xi32, #tpu.memory_space<vmem>>
      %dma_wait3A_916 = tpu.memref_squeeze %dma_wait3A_915 : memref<1x1x64xi32, #tpu.memory_space<vmem>> -> memref<64xi32, #tpu.memory_space<vmem>>
      %dma_wait3A_917 = arith.constant 0 : i32
      %dma_wait3A_918 = arith.constant 0 : i32
      %dma_wait3A_919 = tpu.memref_slice %arg11[%dma_wait3A_917, %dma_wait3A_918] : memref<10240x128xf32, #tpu.memory_space<vmem_shared>> -> memref<10240x128xf32, #tpu.memory_space<vmem_shared>>
      tpu.wait_indirect_dma semaphore(%arg17 : memref<!tpu.dma_semaphore, #tpu.memory_space<semaphore_mem>>) src(%dma_wait3A_913 : memref<64x128xf32, #tpu.memory_space<vmem>>) dst(%dma_wait3A_919 : memref<10240x128xf32, #tpu.memory_space<vmem_shared>>)
      %scan3A_920 = arith.constant 0 : i32
      %scan3A_921 = arith.constant 0 : i32
      %scan3A_922 = arith.constant 64 : i32
      %scan3A_923 = arith.addi %scan3A_921, %scan3A_922 : i32
      %scan3A_924 = arith.constant 1 : i32
      scf.for %scan3A_1044 = %scan3A_921 to %scan3A_923 step %scan3A_924  : i32 {
        %get3A = arith.constant 1 : i32
        %get3A_1045 = arith.index_cast %get3A : i32 to index
        %get3A_1046 = arith.index_cast %scan3A_1044 : i32 to index
        %get3A_1047 = arith.constant 0 : index
        %get3A_1048 = tpu.vector_load %arg9[%get3A_1045, %get3A_1046, %get3A_1047] {strides = array<i32>} : memref<4x64x64xi32, #tpu.memory_space<vmem>>, vector<16xi32>,
        %bitcast3A = vector.bitcast %get3A_1048 : vector<16xi32> to vector<32xbf16>
        %unpack3A = tpu.unpack_subelements %bitcast3A, 0 {pack_format = #tpu.pack_format<interleaved>} : vector<32xbf16> -> vector<16xf32>
        %unpack3A_1049 = tpu.unpack_subelements %bitcast3A, 1 {pack_format = #tpu.pack_format<interleaved>} : vector<32xbf16> -> vector<16xf32>
        %swap3A = arith.constant 1 : i32
        %swap3A_1050 = arith.index_cast %swap3A : i32 to index
        %swap3A_1051 = arith.index_cast %scan3A_1044 : i32 to index
        %swap3A_1052 = arith.constant 0 : index
        %swap3A_1053 = tpu.vector_load %arg10[%swap3A_1050, %swap3A_1051, %swap3A_1052] {strides = array<i32>} : memref<2x64x128xf32, #tpu.memory_space<vmem>>, vector<16xf32>,
        tpu.vector_store %arg10[%swap3A_1050, %swap3A_1051, %swap3A_1052], %unpack3A {strides = array<i32>} : memref<2x64x128xf32, #tpu.memory_space<vmem>>, vector<16xf32>,
        %swap3A_1054 = arith.constant 1 : i32
        %swap3A_1055 = arith.index_cast %swap3A_1054 : i32 to index
        %swap3A_1056 = arith.index_cast %scan3A_1044 : i32 to index
        %swap3A_1057 = arith.constant 16 : index
        %swap3A_1058 = tpu.vector_load %arg10[%swap3A_1055, %swap3A_1056, %swap3A_1057] {strides = array<i32>} : memref<2x64x128xf32, #tpu.memory_space<vmem>>, vector<16xf32>,
        tpu.vector_store %arg10[%swap3A_1055, %swap3A_1056, %swap3A_1057], %unpack3A_1049 {strides = array<i32>} : memref<2x64x128xf32, #tpu.memory_space<vmem>>, vector<16xf32>,
        %get3A_1059 = arith.constant 1 : i32
        %get3A_1060 = arith.index_cast %get3A_1059 : i32 to index
        %get3A_1061 = arith.index_cast %scan3A_1044 : i32 to index
        %get3A_1062 = arith.constant 16 : index
        %get3A_1063 = tpu.vector_load %arg9[%get3A_1060, %get3A_1061, %get3A_1062] {strides = array<i32>} : memref<4x64x64xi32, #tpu.memory_space<vmem>>, vector<16xi32>,
        %bitcast3A_1064 = vector.bitcast %get3A_1063 : vector<16xi32> to vector<32xbf16>
        %unpack3A_1065 = tpu.unpack_subelements %bitcast3A_1064, 0 {pack_format = #tpu.pack_format<interleaved>} : vector<32xbf16> -> vector<16xf32>
        %unpack3A_1066 = tpu.unpack_subelements %bitcast3A_1064, 1 {pack_format = #tpu.pack_format<interleaved>} : vector<32xbf16> -> vector<16xf32>
        %swap3A_1067 = arith.constant 1 : i32
        %swap3A_1068 = arith.index_cast %swap3A_1067 : i32 to index
        %swap3A_1069 = arith.index_cast %scan3A_1044 : i32 to index
        %swap3A_1070 = arith.constant 32 : index
        %swap3A_1071 = tpu.vector_load %arg10[%swap3A_1068, %swap3A_1069, %swap3A_1070] {strides = array<i32>} : memref<2x64x128xf32, #tpu.memory_space<vmem>>, vector<16xf32>,
        tpu.vector_store %arg10[%swap3A_1068, %swap3A_1069, %swap3A_1070], %unpack3A_1065 {strides = array<i32>} : memref<2x64x128xf32, #tpu.memory_space<vmem>>, vector<16xf32>,
        %swap3A_1072 = arith.constant 1 : i32
        %swap3A_1073 = arith.index_cast %swap3A_1072 : i32 to index
        %swap3A_1074 = arith.index_cast %scan3A_1044 : i32 to index
        %swap3A_1075 = arith.constant 48 : index
        %swap3A_1076 = tpu.vector_load %arg10[%swap3A_1073, %swap3A_1074, %swap3A_1075] {strides = array<i32>} : memref<2x64x128xf32, #tpu.memory_space<vmem>>, vector<16xf32>,
        tpu.vector_store %arg10[%swap3A_1073, %swap3A_1074, %swap3A_1075], %unpack3A_1066 {strides = array<i32>} : memref<2x64x128xf32, #tpu.memory_space<vmem>>, vector<16xf32>,
        %get3A_1077 = arith.constant 1 : i32
        %get3A_1078 = arith.index_cast %get3A_1077 : i32 to index
        %get3A_1079 = arith.index_cast %scan3A_1044 : i32 to index
        %get3A_1080 = arith.constant 32 : index
        %get3A_1081 = tpu.vector_load %arg9[%get3A_1078, %get3A_1079, %get3A_1080] {strides = array<i32>} : memref<4x64x64xi32, #tpu.memory_space<vmem>>, vector<16xi32>,
        %bitcast3A_1082 = vector.bitcast %get3A_1081 : vector<16xi32> to vector<32xbf16>
        %unpack3A_1083 = tpu.unpack_subelements %bitcast3A_1082, 0 {pack_format = #tpu.pack_format<interleaved>} : vector<32xbf16> -> vector<16xf32>
        %unpack3A_1084 = tpu.unpack_subelements %bitcast3A_1082, 1 {pack_format = #tpu.pack_format<interleaved>} : vector<32xbf16> -> vector<16xf32>
        %swap3A_1085 = arith.constant 1 : i32
        %swap3A_1086 = arith.index_cast %swap3A_1085 : i32 to index
        %swap3A_1087 = arith.index_cast %scan3A_1044 : i32 to index
        %swap3A_1088 = arith.constant 64 : index
        %swap3A_1089 = tpu.vector_load %arg10[%swap3A_1086, %swap3A_1087, %swap3A_1088] {strides = array<i32>} : memref<2x64x128xf32, #tpu.memory_space<vmem>>, vector<16xf32>,
        tpu.vector_store %arg10[%swap3A_1086, %swap3A_1087, %swap3A_1088], %unpack3A_1083 {strides = array<i32>} : memref<2x64x128xf32, #tpu.memory_space<vmem>>, vector<16xf32>,
        %swap3A_1090 = arith.constant 1 : i32
        %swap3A_1091 = arith.index_cast %swap3A_1090 : i32 to index
        %swap3A_1092 = arith.index_cast %scan3A_1044 : i32 to index
        %swap3A_1093 = arith.constant 80 : index
        %swap3A_1094 = tpu.vector_load %arg10[%swap3A_1091, %swap3A_1092, %swap3A_1093] {strides = array<i32>} : memref<2x64x128xf32, #tpu.memory_space<vmem>>, vector<16xf32>,
        tpu.vector_store %arg10[%swap3A_1091, %swap3A_1092, %swap3A_1093], %unpack3A_1084 {strides = array<i32>} : memref<2x64x128xf32, #tpu.memory_space<vmem>>, vector<16xf32>,
        %get3A_1095 = arith.constant 1 : i32
        %get3A_1096 = arith.index_cast %get3A_1095 : i32 to index
        %get3A_1097 = arith.index_cast %scan3A_1044 : i32 to index
        %get3A_1098 = arith.constant 48 : index
        %get3A_1099 = tpu.vector_load %arg9[%get3A_1096, %get3A_1097, %get3A_1098] {strides = array<i32>} : memref<4x64x64xi32, #tpu.memory_space<vmem>>, vector<16xi32>,
        %bitcast3A_1100 = vector.bitcast %get3A_1099 : vector<16xi32> to vector<32xbf16>
        %unpack3A_1101 = tpu.unpack_subelements %bitcast3A_1100, 0 {pack_format = #tpu.pack_format<interleaved>} : vector<32xbf16> -> vector<16xf32>
        %unpack3A_1102 = tpu.unpack_subelements %bitcast3A_1100, 1 {pack_format = #tpu.pack_format<interleaved>} : vector<32xbf16> -> vector<16xf32>
        %swap3A_1103 = arith.constant 1 : i32
        %swap3A_1104 = arith.index_cast %swap3A_1103 : i32 to index
        %swap3A_1105 = arith.index_cast %scan3A_1044 : i32 to index
        %swap3A_1106 = arith.constant 96 : index
        %swap3A_1107 = tpu.vector_load %arg10[%swap3A_1104, %swap3A_1105, %swap3A_1106] {strides = array<i32>} : memref<2x64x128xf32, #tpu.memory_space<vmem>>, vector<16xf32>,
        tpu.vector_store %arg10[%swap3A_1104, %swap3A_1105, %swap3A_1106], %unpack3A_1101 {strides = array<i32>} : memref<2x64x128xf32, #tpu.memory_space<vmem>>, vector<16xf32>,
        %swap3A_1108 = arith.constant 1 : i32
        %swap3A_1109 = arith.index_cast %swap3A_1108 : i32 to index
        %swap3A_1110 = arith.index_cast %scan3A_1044 : i32 to index
        %swap3A_1111 = arith.constant 112 : index
        %swap3A_1112 = tpu.vector_load %arg10[%swap3A_1109, %swap3A_1110, %swap3A_1111] {strides = array<i32>} : memref<2x64x128xf32, #tpu.memory_space<vmem>>, vector<16xf32>,
        tpu.vector_store %arg10[%swap3A_1109, %swap3A_1110, %swap3A_1111], %unpack3A_1102 {strides = array<i32>} : memref<2x64x128xf32, #tpu.memory_space<vmem>>, vector<16xf32>,
      }
      %scan3A_925 = arith.constant 64 : i32
      %dma_start3A_926 = arith.constant 1 : i32
      %dma_start3A_927 = arith.constant 1 : i32
      %dma_start3A_928 = arith.constant 5 : i32
      %dma_start3A_929 = arith.constant 0 : i32
      %dma_start3A_930 = arith.constant 0 : i32
      %dma_start3A_931 = tpu.memref_slice %arg10[%dma_start3A_926, %dma_start3A_929, %dma_start3A_930] : memref<2x64x128xf32, #tpu.memory_space<vmem>> -> memref<1x64x128xf32, #tpu.memory_space<vmem>>
      %dma_start3A_932 = tpu.memref_squeeze %dma_start3A_931 : memref<1x64x128xf32, #tpu.memory_space<vmem>> -> memref<64x128xf32, #tpu.memory_space<vmem>>
      %dma_start3A_933 = arith.constant 0 : i32
      %dma_start3A_934 = tpu.memref_slice %arg8[%dma_start3A_927, %dma_start3A_928, %dma_start3A_933] : memref<2x8x64xi32, #tpu.memory_space<vmem>> -> memref<1x1x64xi32, #tpu.memory_space<vmem>>
      %dma_start3A_935 = tpu.memref_squeeze %dma_start3A_934 : memref<1x1x64xi32, #tpu.memory_space<vmem>> -> memref<64xi32, #tpu.memory_space<vmem>>
      %dma_start3A_936 = arith.constant 0 : i32
      %dma_start3A_937 = arith.constant 0 : i32
      %dma_start3A_938 = tpu.memref_slice %arg11[%dma_start3A_936, %dma_start3A_937] : memref<10240x128xf32, #tpu.memory_space<vmem_shared>> -> memref<10240x128xf32, #tpu.memory_space<vmem_shared>>
      tpu.enqueue_indirect_dma source(%dma_start3A_932 : memref<64x128xf32, #tpu.memory_space<vmem>>) target(%dma_start3A_938 : memref<10240x128xf32, #tpu.memory_space<vmem_shared>>) offsets(%dma_start3A_935 : memref<64xi32, #tpu.memory_space<vmem>>) semaphore(%arg17 : memref<!tpu.dma_semaphore, #tpu.memory_space<semaphore_mem>>) {add = true}
      %lt3A_939 = arith.constant 9 : i32
      %lt3A_940 = arith.cmpi slt, %scan3A_77, %lt3A_939 : i32
      %convert_element_type3A_941 = arith.extui %lt3A_940 : i1 to i32
      %cond3A_942 = arith.constant 0 : i32
      %cond3A_943 = arith.cmpi ne, %convert_element_type3A_941, %cond3A_942 : i32
      scf.if %cond3A_943 {
        %dma_start3A_1044 = arith.constant 0 : i32
        %dma_start3A_1045 = arith.constant 0 : i32
        %dma_start3A_1046 = arith.constant 0 : i32
        %dma_start3A_1047 = arith.constant 0 : i32
        %dma_start3A_1048 = arith.constant 0 : i32
        %dma_start3A_1049 = tpu.memref_slice %arg9[%dma_start3A_1046, %dma_start3A_1047, %dma_start3A_1048] : memref<4x64x64xi32, #tpu.memory_space<vmem>> -> memref<1x64x64xi32, #tpu.memory_space<vmem>>
        %dma_start3A_1050 = tpu.memref_squeeze %dma_start3A_1049 : memref<1x64x64xi32, #tpu.memory_space<vmem>> -> memref<64x64xi32, #tpu.memory_space<vmem>>
        %dma_start3A_1051 = arith.constant 0 : i32
        %dma_start3A_1052 = tpu.memref_slice %arg7[%dma_start3A_1044, %dma_start3A_1045, %dma_start3A_1051] : memref<2x8x64xi32, #tpu.memory_space<vmem>> -> memref<1x1x64xi32, #tpu.memory_space<vmem>>
        %dma_start3A_1053 = tpu.memref_squeeze %dma_start3A_1052 : memref<1x1x64xi32, #tpu.memory_space<vmem>> -> memref<64xi32, #tpu.memory_space<vmem>>
        %dma_start3A_1054 = arith.constant 0 : i32
        %dma_start3A_1055 = arith.constant 0 : i32
        %dma_start3A_1056 = tpu.memref_slice %arg2[%dma_start3A_1054, %dma_start3A_1055] : memref<10240x64xi32, #tpu.memory_space<hbm>> -> memref<10240x64xi32, #tpu.memory_space<hbm>>
        tpu.enqueue_indirect_dma source(%dma_start3A_1056 : memref<10240x64xi32, #tpu.memory_space<hbm>>) target(%dma_start3A_1050 : memref<64x64xi32, #tpu.memory_space<vmem>>) offsets(%dma_start3A_1053 : memref<64xi32, #tpu.memory_space<vmem>>) semaphore(%arg12 : memref<!tpu.dma_semaphore, #tpu.memory_space<semaphore_mem>>)
      } else {
      }
      %dma_wait3A_944 = arith.constant 1 : i32
      %dma_wait3A_945 = arith.constant 6 : i32
      %dma_wait3A_946 = arith.constant 2 : i32
      %dma_wait3A_947 = arith.constant 0 : i32
      %dma_wait3A_948 = arith.constant 0 : i32
      %dma_wait3A_949 = tpu.memref_slice %arg9[%dma_wait3A_946, %dma_wait3A_947, %dma_wait3A_948] : memref<4x64x64xi32, #tpu.memory_space<vmem>> -> memref<1x64x64xi32, #tpu.memory_space<vmem>>
      %dma_wait3A_950 = tpu.memref_squeeze %dma_wait3A_949 : memref<1x64x64xi32, #tpu.memory_space<vmem>> -> memref<64x64xi32, #tpu.memory_space<vmem>>
      %dma_wait3A_951 = arith.constant 0 : i32
      %dma_wait3A_952 = tpu.memref_slice %arg7[%dma_wait3A_944, %dma_wait3A_945, %dma_wait3A_951] : memref<2x8x64xi32, #tpu.memory_space<vmem>> -> memref<1x1x64xi32, #tpu.memory_space<vmem>>
      %dma_wait3A_953 = tpu.memref_squeeze %dma_wait3A_952 : memref<1x1x64xi32, #tpu.memory_space<vmem>> -> memref<64xi32, #tpu.memory_space<vmem>>
      %dma_wait3A_954 = arith.constant 0 : i32
      %dma_wait3A_955 = arith.constant 0 : i32
      %dma_wait3A_956 = tpu.memref_slice %arg2[%dma_wait3A_954, %dma_wait3A_955] : memref<10240x64xi32, #tpu.memory_space<hbm>> -> memref<10240x64xi32, #tpu.memory_space<hbm>>
      tpu.wait_indirect_dma semaphore(%arg14 : memref<!tpu.dma_semaphore, #tpu.memory_space<semaphore_mem>>) src(%dma_wait3A_956 : memref<10240x64xi32, #tpu.memory_space<hbm>>) dst(%dma_wait3A_950 : memref<64x64xi32, #tpu.memory_space<vmem>>)
      %dma_wait3A_957 = arith.constant 0 : i32
      %dma_wait3A_958 = arith.constant 1 : i32
      %dma_wait3A_959 = arith.constant 6 : i32
      %dma_wait3A_960 = arith.constant 0 : i32
      %dma_wait3A_961 = arith.constant 0 : i32
      %dma_wait3A_962 = tpu.memref_slice %arg10[%dma_wait3A_957, %dma_wait3A_960, %dma_wait3A_961] : memref<2x64x128xf32, #tpu.memory_space<vmem>> -> memref<1x64x128xf32, #tpu.memory_space<vmem>>
      %dma_wait3A_963 = tpu.memref_squeeze %dma_wait3A_962 : memref<1x64x128xf32, #tpu.memory_space<vmem>> -> memref<64x128xf32, #tpu.memory_space<vmem>>
      %dma_wait3A_964 = arith.constant 0 : i32
      %dma_wait3A_965 = tpu.memref_slice %arg8[%dma_wait3A_958, %dma_wait3A_959, %dma_wait3A_964] : memref<2x8x64xi32, #tpu.memory_space<vmem>> -> memref<1x1x64xi32, #tpu.memory_space<vmem>>
      %dma_wait3A_966 = tpu.memref_squeeze %dma_wait3A_965 : memref<1x1x64xi32, #tpu.memory_space<vmem>> -> memref<64xi32, #tpu.memory_space<vmem>>
      %dma_wait3A_967 = arith.constant 0 : i32
      %dma_wait3A_968 = arith.constant 0 : i32
      %dma_wait3A_969 = tpu.memref_slice %arg11[%dma_wait3A_967, %dma_wait3A_968] : memref<10240x128xf32, #tpu.memory_space<vmem_shared>> -> memref<10240x128xf32, #tpu.memory_space<vmem_shared>>
      tpu.wait_indirect_dma semaphore(%arg16 : memref<!tpu.dma_semaphore, #tpu.memory_space<semaphore_mem>>) src(%dma_wait3A_963 : memref<64x128xf32, #tpu.memory_space<vmem>>) dst(%dma_wait3A_969 : memref<10240x128xf32, #tpu.memory_space<vmem_shared>>)
      %scan3A_970 = arith.constant 0 : i32
      %scan3A_971 = arith.constant 0 : i32
      %scan3A_972 = arith.constant 64 : i32
      %scan3A_973 = arith.addi %scan3A_971, %scan3A_972 : i32
      %scan3A_974 = arith.constant 1 : i32
      scf.for %scan3A_1044 = %scan3A_971 to %scan3A_973 step %scan3A_974  : i32 {
        %get3A = arith.constant 2 : i32
        %get3A_1045 = arith.index_cast %get3A : i32 to index
        %get3A_1046 = arith.index_cast %scan3A_1044 : i32 to index
        %get3A_1047 = arith.constant 0 : index
        %get3A_1048 = tpu.vector_load %arg9[%get3A_1045, %get3A_1046, %get3A_1047] {strides = array<i32>} : memref<4x64x64xi32, #tpu.memory_space<vmem>>, vector<16xi32>,
        %bitcast3A = vector.bitcast %get3A_1048 : vector<16xi32> to vector<32xbf16>
        %unpack3A = tpu.unpack_subelements %bitcast3A, 0 {pack_format = #tpu.pack_format<interleaved>} : vector<32xbf16> -> vector<16xf32>
        %unpack3A_1049 = tpu.unpack_subelements %bitcast3A, 1 {pack_format = #tpu.pack_format<interleaved>} : vector<32xbf16> -> vector<16xf32>
        %swap3A = arith.constant 0 : i32
        %swap3A_1050 = arith.index_cast %swap3A : i32 to index
        %swap3A_1051 = arith.index_cast %scan3A_1044 : i32 to index
        %swap3A_1052 = arith.constant 0 : index
        %swap3A_1053 = tpu.vector_load %arg10[%swap3A_1050, %swap3A_1051, %swap3A_1052] {strides = array<i32>} : memref<2x64x128xf32, #tpu.memory_space<vmem>>, vector<16xf32>,
        tpu.vector_store %arg10[%swap3A_1050, %swap3A_1051, %swap3A_1052], %unpack3A {strides = array<i32>} : memref<2x64x128xf32, #tpu.memory_space<vmem>>, vector<16xf32>,
        %swap3A_1054 = arith.constant 0 : i32
        %swap3A_1055 = arith.index_cast %swap3A_1054 : i32 to index
        %swap3A_1056 = arith.index_cast %scan3A_1044 : i32 to index
        %swap3A_1057 = arith.constant 16 : index
        %swap3A_1058 = tpu.vector_load %arg10[%swap3A_1055, %swap3A_1056, %swap3A_1057] {strides = array<i32>} : memref<2x64x128xf32, #tpu.memory_space<vmem>>, vector<16xf32>,
        tpu.vector_store %arg10[%swap3A_1055, %swap3A_1056, %swap3A_1057], %unpack3A_1049 {strides = array<i32>} : memref<2x64x128xf32, #tpu.memory_space<vmem>>, vector<16xf32>,
        %get3A_1059 = arith.constant 2 : i32
        %get3A_1060 = arith.index_cast %get3A_1059 : i32 to index
        %get3A_1061 = arith.index_cast %scan3A_1044 : i32 to index
        %get3A_1062 = arith.constant 16 : index
        %get3A_1063 = tpu.vector_load %arg9[%get3A_1060, %get3A_1061, %get3A_1062] {strides = array<i32>} : memref<4x64x64xi32, #tpu.memory_space<vmem>>, vector<16xi32>,
        %bitcast3A_1064 = vector.bitcast %get3A_1063 : vector<16xi32> to vector<32xbf16>
        %unpack3A_1065 = tpu.unpack_subelements %bitcast3A_1064, 0 {pack_format = #tpu.pack_format<interleaved>} : vector<32xbf16> -> vector<16xf32>
        %unpack3A_1066 = tpu.unpack_subelements %bitcast3A_1064, 1 {pack_format = #tpu.pack_format<interleaved>} : vector<32xbf16> -> vector<16xf32>
        %swap3A_1067 = arith.constant 0 : i32
        %swap3A_1068 = arith.index_cast %swap3A_1067 : i32 to index
        %swap3A_1069 = arith.index_cast %scan3A_1044 : i32 to index
        %swap3A_1070 = arith.constant 32 : index
        %swap3A_1071 = tpu.vector_load %arg10[%swap3A_1068, %swap3A_1069, %swap3A_1070] {strides = array<i32>} : memref<2x64x128xf32, #tpu.memory_space<vmem>>, vector<16xf32>,
        tpu.vector_store %arg10[%swap3A_1068, %swap3A_1069, %swap3A_1070], %unpack3A_1065 {strides = array<i32>} : memref<2x64x128xf32, #tpu.memory_space<vmem>>, vector<16xf32>,
        %swap3A_1072 = arith.constant 0 : i32
        %swap3A_1073 = arith.index_cast %swap3A_1072 : i32 to index
        %swap3A_1074 = arith.index_cast %scan3A_1044 : i32 to index
        %swap3A_1075 = arith.constant 48 : index
        %swap3A_1076 = tpu.vector_load %arg10[%swap3A_1073, %swap3A_1074, %swap3A_1075] {strides = array<i32>} : memref<2x64x128xf32, #tpu.memory_space<vmem>>, vector<16xf32>,
        tpu.vector_store %arg10[%swap3A_1073, %swap3A_1074, %swap3A_1075], %unpack3A_1066 {strides = array<i32>} : memref<2x64x128xf32, #tpu.memory_space<vmem>>, vector<16xf32>,
        %get3A_1077 = arith.constant 2 : i32
        %get3A_1078 = arith.index_cast %get3A_1077 : i32 to index
        %get3A_1079 = arith.index_cast %scan3A_1044 : i32 to index
        %get3A_1080 = arith.constant 32 : index
        %get3A_1081 = tpu.vector_load %arg9[%get3A_1078, %get3A_1079, %get3A_1080] {strides = array<i32>} : memref<4x64x64xi32, #tpu.memory_space<vmem>>, vector<16xi32>,
        %bitcast3A_1082 = vector.bitcast %get3A_1081 : vector<16xi32> to vector<32xbf16>
        %unpack3A_1083 = tpu.unpack_subelements %bitcast3A_1082, 0 {pack_format = #tpu.pack_format<interleaved>} : vector<32xbf16> -> vector<16xf32>
        %unpack3A_1084 = tpu.unpack_subelements %bitcast3A_1082, 1 {pack_format = #tpu.pack_format<interleaved>} : vector<32xbf16> -> vector<16xf32>
        %swap3A_1085 = arith.constant 0 : i32
        %swap3A_1086 = arith.index_cast %swap3A_1085 : i32 to index
        %swap3A_1087 = arith.index_cast %scan3A_1044 : i32 to index
        %swap3A_1088 = arith.constant 64 : index
        %swap3A_1089 = tpu.vector_load %arg10[%swap3A_1086, %swap3A_1087, %swap3A_1088] {strides = array<i32>} : memref<2x64x128xf32, #tpu.memory_space<vmem>>, vector<16xf32>,
        tpu.vector_store %arg10[%swap3A_1086, %swap3A_1087, %swap3A_1088], %unpack3A_1083 {strides = array<i32>} : memref<2x64x128xf32, #tpu.memory_space<vmem>>, vector<16xf32>,
        %swap3A_1090 = arith.constant 0 : i32
        %swap3A_1091 = arith.index_cast %swap3A_1090 : i32 to index
        %swap3A_1092 = arith.index_cast %scan3A_1044 : i32 to index
        %swap3A_1093 = arith.constant 80 : index
        %swap3A_1094 = tpu.vector_load %arg10[%swap3A_1091, %swap3A_1092, %swap3A_1093] {strides = array<i32>} : memref<2x64x128xf32, #tpu.memory_space<vmem>>, vector<16xf32>,
        tpu.vector_store %arg10[%swap3A_1091, %swap3A_1092, %swap3A_1093], %unpack3A_1084 {strides = array<i32>} : memref<2x64x128xf32, #tpu.memory_space<vmem>>, vector<16xf32>,
        %get3A_1095 = arith.constant 2 : i32
        %get3A_1096 = arith.index_cast %get3A_1095 : i32 to index
        %get3A_1097 = arith.index_cast %scan3A_1044 : i32 to index
        %get3A_1098 = arith.constant 48 : index
        %get3A_1099 = tpu.vector_load %arg9[%get3A_1096, %get3A_1097, %get3A_1098] {strides = array<i32>} : memref<4x64x64xi32, #tpu.memory_space<vmem>>, vector<16xi32>,
        %bitcast3A_1100 = vector.bitcast %get3A_1099 : vector<16xi32> to vector<32xbf16>
        %unpack3A_1101 = tpu.unpack_subelements %bitcast3A_1100, 0 {pack_format = #tpu.pack_format<interleaved>} : vector<32xbf16> -> vector<16xf32>
        %unpack3A_1102 = tpu.unpack_subelements %bitcast3A_1100, 1 {pack_format = #tpu.pack_format<interleaved>} : vector<32xbf16> -> vector<16xf32>
        %swap3A_1103 = arith.constant 0 : i32
        %swap3A_1104 = arith.index_cast %swap3A_1103 : i32 to index
        %swap3A_1105 = arith.index_cast %scan3A_1044 : i32 to index
        %swap3A_1106 = arith.constant 96 : index
        %swap3A_1107 = tpu.vector_load %arg10[%swap3A_1104, %swap3A_1105, %swap3A_1106] {strides = array<i32>} : memref<2x64x128xf32, #tpu.memory_space<vmem>>, vector<16xf32>,
        tpu.vector_store %arg10[%swap3A_1104, %swap3A_1105, %swap3A_1106], %unpack3A_1101 {strides = array<i32>} : memref<2x64x128xf32, #tpu.memory_space<vmem>>, vector<16xf32>,
        %swap3A_1108 = arith.constant 0 : i32
        %swap3A_1109 = arith.index_cast %swap3A_1108 : i32 to index
        %swap3A_1110 = arith.index_cast %scan3A_1044 : i32 to index
        %swap3A_1111 = arith.constant 112 : index
        %swap3A_1112 = tpu.vector_load %arg10[%swap3A_1109, %swap3A_1110, %swap3A_1111] {strides = array<i32>} : memref<2x64x128xf32, #tpu.memory_space<vmem>>, vector<16xf32>,
        tpu.vector_store %arg10[%swap3A_1109, %swap3A_1110, %swap3A_1111], %unpack3A_1102 {strides = array<i32>} : memref<2x64x128xf32, #tpu.memory_space<vmem>>, vector<16xf32>,
      }
      %scan3A_975 = arith.constant 64 : i32
      %dma_start3A_976 = arith.constant 0 : i32
      %dma_start3A_977 = arith.constant 1 : i32
      %dma_start3A_978 = arith.constant 6 : i32
      %dma_start3A_979 = arith.constant 0 : i32
      %dma_start3A_980 = arith.constant 0 : i32
      %dma_start3A_981 = tpu.memref_slice %arg10[%dma_start3A_976, %dma_start3A_979, %dma_start3A_980] : memref<2x64x128xf32, #tpu.memory_space<vmem>> -> memref<1x64x128xf32, #tpu.memory_space<vmem>>
      %dma_start3A_982 = tpu.memref_squeeze %dma_start3A_981 : memref<1x64x128xf32, #tpu.memory_space<vmem>> -> memref<64x128xf32, #tpu.memory_space<vmem>>
      %dma_start3A_983 = arith.constant 0 : i32
      %dma_start3A_984 = tpu.memref_slice %arg8[%dma_start3A_977, %dma_start3A_978, %dma_start3A_983] : memref<2x8x64xi32, #tpu.memory_space<vmem>> -> memref<1x1x64xi32, #tpu.memory_space<vmem>>
      %dma_start3A_985 = tpu.memref_squeeze %dma_start3A_984 : memref<1x1x64xi32, #tpu.memory_space<vmem>> -> memref<64xi32, #tpu.memory_space<vmem>>
      %dma_start3A_986 = arith.constant 0 : i32
      %dma_start3A_987 = arith.constant 0 : i32
      %dma_start3A_988 = tpu.memref_slice %arg11[%dma_start3A_986, %dma_start3A_987] : memref<10240x128xf32, #tpu.memory_space<vmem_shared>> -> memref<10240x128xf32, #tpu.memory_space<vmem_shared>>
      tpu.enqueue_indirect_dma source(%dma_start3A_982 : memref<64x128xf32, #tpu.memory_space<vmem>>) target(%dma_start3A_988 : memref<10240x128xf32, #tpu.memory_space<vmem_shared>>) offsets(%dma_start3A_985 : memref<64xi32, #tpu.memory_space<vmem>>) semaphore(%arg16 : memref<!tpu.dma_semaphore, #tpu.memory_space<semaphore_mem>>) {add = true}
      %lt3A_989 = arith.constant 9 : i32
      %lt3A_990 = arith.cmpi slt, %scan3A_77, %lt3A_989 : i32
      %convert_element_type3A_991 = arith.extui %lt3A_990 : i1 to i32
      %cond3A_992 = arith.constant 0 : i32
      %cond3A_993 = arith.cmpi ne, %convert_element_type3A_991, %cond3A_992 : i32
      scf.if %cond3A_993 {
        %dma_start3A_1044 = arith.constant 0 : i32
        %dma_start3A_1045 = arith.constant 1 : i32
        %dma_start3A_1046 = arith.constant 1 : i32
        %dma_start3A_1047 = arith.constant 0 : i32
        %dma_start3A_1048 = arith.constant 0 : i32
        %dma_start3A_1049 = tpu.memref_slice %arg9[%dma_start3A_1046, %dma_start3A_1047, %dma_start3A_1048] : memref<4x64x64xi32, #tpu.memory_space<vmem>> -> memref<1x64x64xi32, #tpu.memory_space<vmem>>
        %dma_start3A_1050 = tpu.memref_squeeze %dma_start3A_1049 : memref<1x64x64xi32, #tpu.memory_space<vmem>> -> memref<64x64xi32, #tpu.memory_space<vmem>>
        %dma_start3A_1051 = arith.constant 0 : i32
        %dma_start3A_1052 = tpu.memref_slice %arg7[%dma_start3A_1044, %dma_start3A_1045, %dma_start3A_1051] : memref<2x8x64xi32, #tpu.memory_space<vmem>> -> memref<1x1x64xi32, #tpu.memory_space<vmem>>
        %dma_start3A_1053 = tpu.memref_squeeze %dma_start3A_1052 : memref<1x1x64xi32, #tpu.memory_space<vmem>> -> memref<64xi32, #tpu.memory_space<vmem>>
        %dma_start3A_1054 = arith.constant 0 : i32
        %dma_start3A_1055 = arith.constant 0 : i32
        %dma_start3A_1056 = tpu.memref_slice %arg2[%dma_start3A_1054, %dma_start3A_1055] : memref<10240x64xi32, #tpu.memory_space<hbm>> -> memref<10240x64xi32, #tpu.memory_space<hbm>>
        tpu.enqueue_indirect_dma source(%dma_start3A_1056 : memref<10240x64xi32, #tpu.memory_space<hbm>>) target(%dma_start3A_1050 : memref<64x64xi32, #tpu.memory_space<vmem>>) offsets(%dma_start3A_1053 : memref<64xi32, #tpu.memory_space<vmem>>) semaphore(%arg13 : memref<!tpu.dma_semaphore, #tpu.memory_space<semaphore_mem>>)
      } else {
      }
      %dma_wait3A_994 = arith.constant 1 : i32
      %dma_wait3A_995 = arith.constant 7 : i32
      %dma_wait3A_996 = arith.constant 3 : i32
      %dma_wait3A_997 = arith.constant 0 : i32
      %dma_wait3A_998 = arith.constant 0 : i32
      %dma_wait3A_999 = tpu.memref_slice %arg9[%dma_wait3A_996, %dma_wait3A_997, %dma_wait3A_998] : memref<4x64x64xi32, #tpu.memory_space<vmem>> -> memref<1x64x64xi32, #tpu.memory_space<vmem>>
      %dma_wait3A_1000 = tpu.memref_squeeze %dma_wait3A_999 : memref<1x64x64xi32, #tpu.memory_space<vmem>> -> memref<64x64xi32, #tpu.memory_space<vmem>>
      %dma_wait3A_1001 = arith.constant 0 : i32
      %dma_wait3A_1002 = tpu.memref_slice %arg7[%dma_wait3A_994, %dma_wait3A_995, %dma_wait3A_1001] : memref<2x8x64xi32, #tpu.memory_space<vmem>> -> memref<1x1x64xi32, #tpu.memory_space<vmem>>
      %dma_wait3A_1003 = tpu.memref_squeeze %dma_wait3A_1002 : memref<1x1x64xi32, #tpu.memory_space<vmem>> -> memref<64xi32, #tpu.memory_space<vmem>>
      %dma_wait3A_1004 = arith.constant 0 : i32
      %dma_wait3A_1005 = arith.constant 0 : i32
      %dma_wait3A_1006 = tpu.memref_slice %arg2[%dma_wait3A_1004, %dma_wait3A_1005] : memref<10240x64xi32, #tpu.memory_space<hbm>> -> memref<10240x64xi32, #tpu.memory_space<hbm>>
      tpu.wait_indirect_dma semaphore(%arg15 : memref<!tpu.dma_semaphore, #tpu.memory_space<semaphore_mem>>) src(%dma_wait3A_1006 : memref<10240x64xi32, #tpu.memory_space<hbm>>) dst(%dma_wait3A_1000 : memref<64x64xi32, #tpu.memory_space<vmem>>)
      %dma_wait3A_1007 = arith.constant 1 : i32
      %dma_wait3A_1008 = arith.constant 1 : i32
      %dma_wait3A_1009 = arith.constant 7 : i32
      %dma_wait3A_1010 = arith.constant 0 : i32
      %dma_wait3A_1011 = arith.constant 0 : i32
      %dma_wait3A_1012 = tpu.memref_slice %arg10[%dma_wait3A_1007, %dma_wait3A_1010, %dma_wait3A_1011] : memref<2x64x128xf32, #tpu.memory_space<vmem>> -> memref<1x64x128xf32, #tpu.memory_space<vmem>>
      %dma_wait3A_1013 = tpu.memref_squeeze %dma_wait3A_1012 : memref<1x64x128xf32, #tpu.memory_space<vmem>> -> memref<64x128xf32, #tpu.memory_space<vmem>>
      %dma_wait3A_1014 = arith.constant 0 : i32
      %dma_wait3A_1015 = tpu.memref_slice %arg8[%dma_wait3A_1008, %dma_wait3A_1009, %dma_wait3A_1014] : memref<2x8x64xi32, #tpu.memory_space<vmem>> -> memref<1x1x64xi32, #tpu.memory_space<vmem>>
      %dma_wait3A_1016 = tpu.memref_squeeze %dma_wait3A_1015 : memref<1x1x64xi32, #tpu.memory_space<vmem>> -> memref<64xi32, #tpu.memory_space<vmem>>
      %dma_wait3A_1017 = arith.constant 0 : i32
      %dma_wait3A_1018 = arith.constant 0 : i32
      %dma_wait3A_1019 = tpu.memref_slice %arg11[%dma_wait3A_1017, %dma_wait3A_1018] : memref<10240x128xf32, #tpu.memory_space<vmem_shared>> -> memref<10240x128xf32, #tpu.memory_space<vmem_shared>>
      tpu.wait_indirect_dma semaphore(%arg17 : memref<!tpu.dma_semaphore, #tpu.memory_space<semaphore_mem>>) src(%dma_wait3A_1013 : memref<64x128xf32, #tpu.memory_space<vmem>>) dst(%dma_wait3A_1019 : memref<10240x128xf32, #tpu.memory_space<vmem_shared>>)
      %scan3A_1020 = arith.constant 0 : i32
      %scan3A_1021 = arith.constant 0 : i32
      %scan3A_1022 = arith.constant 64 : i32
      %scan3A_1023 = arith.addi %scan3A_1021, %scan3A_1022 : i32
      %scan3A_1024 = arith.constant 1 : i32
      scf.for %scan3A_1044 = %scan3A_1021 to %scan3A_1023 step %scan3A_1024  : i32 {
        %get3A = arith.constant 3 : i32
        %get3A_1045 = arith.index_cast %get3A : i32 to index
        %get3A_1046 = arith.index_cast %scan3A_1044 : i32 to index
        %get3A_1047 = arith.constant 0 : index
        %get3A_1048 = tpu.vector_load %arg9[%get3A_1045, %get3A_1046, %get3A_1047] {strides = array<i32>} : memref<4x64x64xi32, #tpu.memory_space<vmem>>, vector<16xi32>,
        %bitcast3A = vector.bitcast %get3A_1048 : vector<16xi32> to vector<32xbf16>
        %unpack3A = tpu.unpack_subelements %bitcast3A, 0 {pack_format = #tpu.pack_format<interleaved>} : vector<32xbf16> -> vector<16xf32>
        %unpack3A_1049 = tpu.unpack_subelements %bitcast3A, 1 {pack_format = #tpu.pack_format<interleaved>} : vector<32xbf16> -> vector<16xf32>
        %swap3A = arith.constant 1 : i32
        %swap3A_1050 = arith.index_cast %swap3A : i32 to index
        %swap3A_1051 = arith.index_cast %scan3A_1044 : i32 to index
        %swap3A_1052 = arith.constant 0 : index
        %swap3A_1053 = tpu.vector_load %arg10[%swap3A_1050, %swap3A_1051, %swap3A_1052] {strides = array<i32>} : memref<2x64x128xf32, #tpu.memory_space<vmem>>, vector<16xf32>,
        tpu.vector_store %arg10[%swap3A_1050, %swap3A_1051, %swap3A_1052], %unpack3A {strides = array<i32>} : memref<2x64x128xf32, #tpu.memory_space<vmem>>, vector<16xf32>,
        %swap3A_1054 = arith.constant 1 : i32
        %swap3A_1055 = arith.index_cast %swap3A_1054 : i32 to index
        %swap3A_1056 = arith.index_cast %scan3A_1044 : i32 to index
        %swap3A_1057 = arith.constant 16 : index
        %swap3A_1058 = tpu.vector_load %arg10[%swap3A_1055, %swap3A_1056, %swap3A_1057] {strides = array<i32>} : memref<2x64x128xf32, #tpu.memory_space<vmem>>, vector<16xf32>,
        tpu.vector_store %arg10[%swap3A_1055, %swap3A_1056, %swap3A_1057], %unpack3A_1049 {strides = array<i32>} : memref<2x64x128xf32, #tpu.memory_space<vmem>>, vector<16xf32>,
        %get3A_1059 = arith.constant 3 : i32
        %get3A_1060 = arith.index_cast %get3A_1059 : i32 to index
        %get3A_1061 = arith.index_cast %scan3A_1044 : i32 to index
        %get3A_1062 = arith.constant 16 : index
        %get3A_1063 = tpu.vector_load %arg9[%get3A_1060, %get3A_1061, %get3A_1062] {strides = array<i32>} : memref<4x64x64xi32, #tpu.memory_space<vmem>>, vector<16xi32>,
        %bitcast3A_1064 = vector.bitcast %get3A_1063 : vector<16xi32> to vector<32xbf16>
        %unpack3A_1065 = tpu.unpack_subelements %bitcast3A_1064, 0 {pack_format = #tpu.pack_format<interleaved>} : vector<32xbf16> -> vector<16xf32>
        %unpack3A_1066 = tpu.unpack_subelements %bitcast3A_1064, 1 {pack_format = #tpu.pack_format<interleaved>} : vector<32xbf16> -> vector<16xf32>
        %swap3A_1067 = arith.constant 1 : i32
        %swap3A_1068 = arith.index_cast %swap3A_1067 : i32 to index
        %swap3A_1069 = arith.index_cast %scan3A_1044 : i32 to index
        %swap3A_1070 = arith.constant 32 : index
        %swap3A_1071 = tpu.vector_load %arg10[%swap3A_1068, %swap3A_1069, %swap3A_1070] {strides = array<i32>} : memref<2x64x128xf32, #tpu.memory_space<vmem>>, vector<16xf32>,
        tpu.vector_store %arg10[%swap3A_1068, %swap3A_1069, %swap3A_1070], %unpack3A_1065 {strides = array<i32>} : memref<2x64x128xf32, #tpu.memory_space<vmem>>, vector<16xf32>,
        %swap3A_1072 = arith.constant 1 : i32
        %swap3A_1073 = arith.index_cast %swap3A_1072 : i32 to index
        %swap3A_1074 = arith.index_cast %scan3A_1044 : i32 to index
        %swap3A_1075 = arith.constant 48 : index
        %swap3A_1076 = tpu.vector_load %arg10[%swap3A_1073, %swap3A_1074, %swap3A_1075] {strides = array<i32>} : memref<2x64x128xf32, #tpu.memory_space<vmem>>, vector<16xf32>,
        tpu.vector_store %arg10[%swap3A_1073, %swap3A_1074, %swap3A_1075], %unpack3A_1066 {strides = array<i32>} : memref<2x64x128xf32, #tpu.memory_space<vmem>>, vector<16xf32>,
        %get3A_1077 = arith.constant 3 : i32
        %get3A_1078 = arith.index_cast %get3A_1077 : i32 to index
        %get3A_1079 = arith.index_cast %scan3A_1044 : i32 to index
        %get3A_1080 = arith.constant 32 : index
        %get3A_1081 = tpu.vector_load %arg9[%get3A_1078, %get3A_1079, %get3A_1080] {strides = array<i32>} : memref<4x64x64xi32, #tpu.memory_space<vmem>>, vector<16xi32>,
        %bitcast3A_1082 = vector.bitcast %get3A_1081 : vector<16xi32> to vector<32xbf16>
        %unpack3A_1083 = tpu.unpack_subelements %bitcast3A_1082, 0 {pack_format = #tpu.pack_format<interleaved>} : vector<32xbf16> -> vector<16xf32>
        %unpack3A_1084 = tpu.unpack_subelements %bitcast3A_1082, 1 {pack_format = #tpu.pack_format<interleaved>} : vector<32xbf16> -> vector<16xf32>
        %swap3A_1085 = arith.constant 1 : i32
        %swap3A_1086 = arith.index_cast %swap3A_1085 : i32 to index
        %swap3A_1087 = arith.index_cast %scan3A_1044 : i32 to index
        %swap3A_1088 = arith.constant 64 : index
        %swap3A_1089 = tpu.vector_load %arg10[%swap3A_1086, %swap3A_1087, %swap3A_1088] {strides = array<i32>} : memref<2x64x128xf32, #tpu.memory_space<vmem>>, vector<16xf32>,
        tpu.vector_store %arg10[%swap3A_1086, %swap3A_1087, %swap3A_1088], %unpack3A_1083 {strides = array<i32>} : memref<2x64x128xf32, #tpu.memory_space<vmem>>, vector<16xf32>,
        %swap3A_1090 = arith.constant 1 : i32
        %swap3A_1091 = arith.index_cast %swap3A_1090 : i32 to index
        %swap3A_1092 = arith.index_cast %scan3A_1044 : i32 to index
        %swap3A_1093 = arith.constant 80 : index
        %swap3A_1094 = tpu.vector_load %arg10[%swap3A_1091, %swap3A_1092, %swap3A_1093] {strides = array<i32>} : memref<2x64x128xf32, #tpu.memory_space<vmem>>, vector<16xf32>,
        tpu.vector_store %arg10[%swap3A_1091, %swap3A_1092, %swap3A_1093], %unpack3A_1084 {strides = array<i32>} : memref<2x64x128xf32, #tpu.memory_space<vmem>>, vector<16xf32>,
        %get3A_1095 = arith.constant 3 : i32
        %get3A_1096 = arith.index_cast %get3A_1095 : i32 to index
        %get3A_1097 = arith.index_cast %scan3A_1044 : i32 to index
        %get3A_1098 = arith.constant 48 : index
        %get3A_1099 = tpu.vector_load %arg9[%get3A_1096, %get3A_1097, %get3A_1098] {strides = array<i32>} : memref<4x64x64xi32, #tpu.memory_space<vmem>>, vector<16xi32>,
        %bitcast3A_1100 = vector.bitcast %get3A_1099 : vector<16xi32> to vector<32xbf16>
        %unpack3A_1101 = tpu.unpack_subelements %bitcast3A_1100, 0 {pack_format = #tpu.pack_format<interleaved>} : vector<32xbf16> -> vector<16xf32>
        %unpack3A_1102 = tpu.unpack_subelements %bitcast3A_1100, 1 {pack_format = #tpu.pack_format<interleaved>} : vector<32xbf16> -> vector<16xf32>
        %swap3A_1103 = arith.constant 1 : i32
        %swap3A_1104 = arith.index_cast %swap3A_1103 : i32 to index
        %swap3A_1105 = arith.index_cast %scan3A_1044 : i32 to index
        %swap3A_1106 = arith.constant 96 : index
        %swap3A_1107 = tpu.vector_load %arg10[%swap3A_1104, %swap3A_1105, %swap3A_1106] {strides = array<i32>} : memref<2x64x128xf32, #tpu.memory_space<vmem>>, vector<16xf32>,
        tpu.vector_store %arg10[%swap3A_1104, %swap3A_1105, %swap3A_1106], %unpack3A_1101 {strides = array<i32>} : memref<2x64x128xf32, #tpu.memory_space<vmem>>, vector<16xf32>,
        %swap3A_1108 = arith.constant 1 : i32
        %swap3A_1109 = arith.index_cast %swap3A_1108 : i32 to index
        %swap3A_1110 = arith.index_cast %scan3A_1044 : i32 to index
        %swap3A_1111 = arith.constant 112 : index
        %swap3A_1112 = tpu.vector_load %arg10[%swap3A_1109, %swap3A_1110, %swap3A_1111] {strides = array<i32>} : memref<2x64x128xf32, #tpu.memory_space<vmem>>, vector<16xf32>,
        tpu.vector_store %arg10[%swap3A_1109, %swap3A_1110, %swap3A_1111], %unpack3A_1102 {strides = array<i32>} : memref<2x64x128xf32, #tpu.memory_space<vmem>>, vector<16xf32>,
      }
      %scan3A_1025 = arith.constant 64 : i32
      %dma_start3A_1026 = arith.constant 1 : i32
      %dma_start3A_1027 = arith.constant 1 : i32
      %dma_start3A_1028 = arith.constant 7 : i32
      %dma_start3A_1029 = arith.constant 0 : i32
      %dma_start3A_1030 = arith.constant 0 : i32
      %dma_start3A_1031 = tpu.memref_slice %arg10[%dma_start3A_1026, %dma_start3A_1029, %dma_start3A_1030] : memref<2x64x128xf32, #tpu.memory_space<vmem>> -> memref<1x64x128xf32, #tpu.memory_space<vmem>>
      %dma_start3A_1032 = tpu.memref_squeeze %dma_start3A_1031 : memref<1x64x128xf32, #tpu.memory_space<vmem>> -> memref<64x128xf32, #tpu.memory_space<vmem>>
      %dma_start3A_1033 = arith.constant 0 : i32
      %dma_start3A_1034 = tpu.memref_slice %arg8[%dma_start3A_1027, %dma_start3A_1028, %dma_start3A_1033] : memref<2x8x64xi32, #tpu.memory_space<vmem>> -> memref<1x1x64xi32, #tpu.memory_space<vmem>>
      %dma_start3A_1035 = tpu.memref_squeeze %dma_start3A_1034 : memref<1x1x64xi32, #tpu.memory_space<vmem>> -> memref<64xi32, #tpu.memory_space<vmem>>
      %dma_start3A_1036 = arith.constant 0 : i32
      %dma_start3A_1037 = arith.constant 0 : i32
      %dma_start3A_1038 = tpu.memref_slice %arg11[%dma_start3A_1036, %dma_start3A_1037] : memref<10240x128xf32, #tpu.memory_space<vmem_shared>> -> memref<10240x128xf32, #tpu.memory_space<vmem_shared>>
      tpu.enqueue_indirect_dma source(%dma_start3A_1032 : memref<64x128xf32, #tpu.memory_space<vmem>>) target(%dma_start3A_1038 : memref<10240x128xf32, #tpu.memory_space<vmem_shared>>) offsets(%dma_start3A_1035 : memref<64xi32, #tpu.memory_space<vmem>>) semaphore(%arg17 : memref<!tpu.dma_semaphore, #tpu.memory_space<semaphore_mem>>) {add = true}
      %lt3A_1039 = arith.constant 9 : i32
      %lt3A_1040 = arith.cmpi slt, %scan3A_77, %lt3A_1039 : i32
      %convert_element_type3A_1041 = arith.extui %lt3A_1040 : i1 to i32
      %cond3A_1042 = arith.constant 0 : i32
      %cond3A_1043 = arith.cmpi ne, %convert_element_type3A_1041, %cond3A_1042 : i32
      scf.if %cond3A_1043 {
        %dma_start3A_1044 = arith.constant 0 : i32
        %dma_start3A_1045 = arith.constant 2 : i32
        %dma_start3A_1046 = arith.constant 2 : i32
        %dma_start3A_1047 = arith.constant 0 : i32
        %dma_start3A_1048 = arith.constant 0 : i32
        %dma_start3A_1049 = tpu.memref_slice %arg9[%dma_start3A_1046, %dma_start3A_1047, %dma_start3A_1048] : memref<4x64x64xi32, #tpu.memory_space<vmem>> -> memref<1x64x64xi32, #tpu.memory_space<vmem>>
        %dma_start3A_1050 = tpu.memref_squeeze %dma_start3A_1049 : memref<1x64x64xi32, #tpu.memory_space<vmem>> -> memref<64x64xi32, #tpu.memory_space<vmem>>
        %dma_start3A_1051 = arith.constant 0 : i32
        %dma_start3A_1052 = tpu.memref_slice %arg7[%dma_start3A_1044, %dma_start3A_1045, %dma_start3A_1051] : memref<2x8x64xi32, #tpu.memory_space<vmem>> -> memref<1x1x64xi32, #tpu.memory_space<vmem>>
        %dma_start3A_1053 = tpu.memref_squeeze %dma_start3A_1052 : memref<1x1x64xi32, #tpu.memory_space<vmem>> -> memref<64xi32, #tpu.memory_space<vmem>>
        %dma_start3A_1054 = arith.constant 0 : i32
        %dma_start3A_1055 = arith.constant 0 : i32
        %dma_start3A_1056 = tpu.memref_slice %arg2[%dma_start3A_1054, %dma_start3A_1055] : memref<10240x64xi32, #tpu.memory_space<hbm>> -> memref<10240x64xi32, #tpu.memory_space<hbm>>
        tpu.enqueue_indirect_dma source(%dma_start3A_1056 : memref<10240x64xi32, #tpu.memory_space<hbm>>) target(%dma_start3A_1050 : memref<64x64xi32, #tpu.memory_space<vmem>>) offsets(%dma_start3A_1053 : memref<64xi32, #tpu.memory_space<vmem>>) semaphore(%arg14 : memref<!tpu.dma_semaphore, #tpu.memory_space<semaphore_mem>>)
      } else {
      }
    }
    %scan3A_46 = arith.constant 10 : i32
    %dma_wait3A = arith.constant 0 : i32
    %dma_wait3A_47 = arith.constant 1 : i32
    %dma_wait3A_48 = arith.constant 7 : i32
    %dma_wait3A_49 = arith.constant 0 : i32
    %dma_wait3A_50 = arith.constant 0 : i32
    %dma_wait3A_51 = tpu.memref_slice %arg10[%dma_wait3A, %dma_wait3A_49, %dma_wait3A_50] : memref<2x64x128xf32, #tpu.memory_space<vmem>> -> memref<1x64x128xf32, #tpu.memory_space<vmem>>
    %dma_wait3A_52 = tpu.memref_squeeze %dma_wait3A_51 : memref<1x64x128xf32, #tpu.memory_space<vmem>> -> memref<64x128xf32, #tpu.memory_space<vmem>>
    %dma_wait3A_53 = arith.constant 0 : i32
    %dma_wait3A_54 = tpu.memref_slice %arg8[%dma_wait3A_47, %dma_wait3A_48, %dma_wait3A_53] : memref<2x8x64xi32, #tpu.memory_space<vmem>> -> memref<1x1x64xi32, #tpu.memory_space<vmem>>
    %dma_wait3A_55 = tpu.memref_squeeze %dma_wait3A_54 : memref<1x1x64xi32, #tpu.memory_space<vmem>> -> memref<64xi32, #tpu.memory_space<vmem>>
    %dma_wait3A_56 = arith.constant 0 : i32
    %dma_wait3A_57 = arith.constant 0 : i32
    %dma_wait3A_58 = tpu.memref_slice %arg11[%dma_wait3A_56, %dma_wait3A_57] : memref<10240x128xf32, #tpu.memory_space<vmem_shared>> -> memref<10240x128xf32, #tpu.memory_space<vmem_shared>>
    tpu.wait_indirect_dma semaphore(%arg16 : memref<!tpu.dma_semaphore, #tpu.memory_space<semaphore_mem>>) src(%dma_wait3A_52 : memref<64x128xf32, #tpu.memory_space<vmem>>) dst(%dma_wait3A_58 : memref<10240x128xf32, #tpu.memory_space<vmem_shared>>)
    %dma_wait3A_59 = arith.constant 1 : i32
    %dma_wait3A_60 = arith.constant 1 : i32
    %dma_wait3A_61 = arith.constant 7 : i32
    %dma_wait3A_62 = arith.constant 0 : i32
    %dma_wait3A_63 = arith.constant 0 : i32
    %dma_wait3A_64 = tpu.memref_slice %arg10[%dma_wait3A_59, %dma_wait3A_62, %dma_wait3A_63] : memref<2x64x128xf32, #tpu.memory_space<vmem>> -> memref<1x64x128xf32, #tpu.memory_space<vmem>>
    %dma_wait3A_65 = tpu.memref_squeeze %dma_wait3A_64 : memref<1x64x128xf32, #tpu.memory_space<vmem>> -> memref<64x128xf32, #tpu.memory_space<vmem>>
    %dma_wait3A_66 = arith.constant 0 : i32
    %dma_wait3A_67 = tpu.memref_slice %arg8[%dma_wait3A_60, %dma_wait3A_61, %dma_wait3A_66] : memref<2x8x64xi32, #tpu.memory_space<vmem>> -> memref<1x1x64xi32, #tpu.memory_space<vmem>>
    %dma_wait3A_68 = tpu.memref_squeeze %dma_wait3A_67 : memref<1x1x64xi32, #tpu.memory_space<vmem>> -> memref<64xi32, #tpu.memory_space<vmem>>
    %dma_wait3A_69 = arith.constant 0 : i32
    %dma_wait3A_70 = arith.constant 0 : i32
    %dma_wait3A_71 = tpu.memref_slice %arg11[%dma_wait3A_69, %dma_wait3A_70] : memref<10240x128xf32, #tpu.memory_space<vmem_shared>> -> memref<10240x128xf32, #tpu.memory_space<vmem_shared>>
    tpu.wait_indirect_dma semaphore(%arg17 : memref<!tpu.dma_semaphore, #tpu.memory_space<semaphore_mem>>) src(%dma_wait3A_65 : memref<64x128xf32, #tpu.memory_space<vmem>>) dst(%dma_wait3A_71 : memref<10240x128xf32, #tpu.memory_space<vmem_shared>>)
    %barrier3A_72 = arith.constant 0 : index
    tpu.barrier barrier_id(%barrier3A_72)
    %mul3A_73 = arith.constant 640 : i32
    %mul3A_74 = arith.muli %arg1, %mul3A_73 : i32
    %mul3A_75 = arith.constant 640 : i32
    %mul3A_76 = arith.muli %arg1, %mul3A_75 : i32
    "tpu.region"() ({
      %run_scoped3A_77 = tpu.sem_alloc : memref<!tpu.dma_semaphore, #tpu.memory_space<semaphore_mem>>
      %dma_start3A_78 = arith.constant 0 : i32
      %dma_start3A_79 = tpu.memref_slice %arg6[%arg0, %mul3A_76, %dma_start3A_78] : memref<2x10240x128xf32, #tpu.memory_space<hbm>> -> memref<1x640x128xf32, #tpu.memory_space<hbm>>
      %dma_start3A_80 = tpu.memref_squeeze %dma_start3A_79 : memref<1x640x128xf32, #tpu.memory_space<hbm>> -> memref<640x128xf32, #tpu.memory_space<hbm>>
      %dma_start3A_81 = arith.constant 0 : i32
      %dma_start3A_82 = tpu.memref_slice %arg11[%mul3A_74, %dma_start3A_81] : memref<10240x128xf32, #tpu.memory_space<vmem_shared>> -> memref<640x128xf32, #tpu.memory_space<vmem_shared>>
      tpu.enqueue_dma source(%dma_start3A_82 : memref<640x128xf32, #tpu.memory_space<vmem_shared>>) target(%dma_start3A_80 : memref<640x128xf32, #tpu.memory_space<hbm>>) target_semaphore(%run_scoped3A_77 : memref<!tpu.dma_semaphore, #tpu.memory_space<semaphore_mem>>)
      %dma_wait3A_83 = arith.constant 0 : i32
      %dma_wait3A_84 = tpu.memref_slice %arg6[%arg0, %mul3A_76, %dma_wait3A_83] : memref<2x10240x128xf32, #tpu.memory_space<hbm>> -> memref<1x640x128xf32, #tpu.memory_space<hbm>>
      %dma_wait3A_85 = tpu.memref_squeeze %dma_wait3A_84 : memref<1x640x128xf32, #tpu.memory_space<hbm>> -> memref<640x128xf32, #tpu.memory_space<hbm>>
      %dma_wait3A_86 = arith.constant 0 : i32
      %dma_wait3A_87 = tpu.memref_slice %arg11[%mul3A_74, %dma_wait3A_86] : memref<10240x128xf32, #tpu.memory_space<vmem_shared>> -> memref<640x128xf32, #tpu.memory_space<vmem_shared>>
      tpu.wait_dma2 semaphore(%run_scoped3A_77 : memref<!tpu.dma_semaphore, #tpu.memory_space<semaphore_mem>>) src(%dma_wait3A_87 : memref<640x128xf32, #tpu.memory_space<vmem_shared>>) dst(%dma_wait3A_85 : memref<640x128xf32, #tpu.memory_space<hbm>>)
      tpu.yield
    }) : () -> ()
    return
  }
}

module attributes {stable_mosaic.version = 14 : i64} {
  func.func @_reduce_body(%arg0: memref<2x32x10240xf32, #tpu.memory_space<vmem>>, %arg1: memref<2x10240xf32, #tpu.memory_space<vmem>>) attributes {dimension_semantics = [], scalar_prefetch = 0 : i64, scratch_operands = 0 : i64, tpu.core_type = #tpu.core_type<tc>} {
    %get3A = arith.constant 0 : index
    %get3A_0 = arith.constant 0 : index
    %get3A_1 = arith.constant 0 : index
    %get3A_2 = vector.load %arg0[%get3A, %get3A_0, %get3A_1] : memref<2x32x10240xf32, #tpu.memory_space<vmem>>, vector<2x32x10240xf32>
    %reduce_sum3A = arith.constant dense<0.000000e+00> : vector<2x10240xf32>
    %reduce_sum3A_3 = vector.multi_reduction <add>, %get3A_2, %reduce_sum3A [1] : vector<2x32x10240xf32> to vector<2x10240xf32>
    %swap3A = arith.constant 0 : index
    %swap3A_4 = arith.constant 0 : index
    %swap3A_5 = vector.load %arg1[%swap3A, %swap3A_4] : memref<2x10240xf32, #tpu.memory_space<vmem>>, vector<2x10240xf32>
    tpu.vector_store %arg1[%swap3A, %swap3A_4], %reduce_sum3A_3 {strides = array<i32>} : memref<2x10240xf32, #tpu.memory_space<vmem>>, vector<2x10240xf32>,
    return
  }
}

module attributes {stable_mosaic.version = 14 : i64} {
  func.func @_scale_body(%arg0: i32, %arg1: memref<1280x128xf32, #tpu.memory_space<vmem>>, %arg2: memref<1280x1xf32, #tpu.memory_space<vmem>>, %arg3: memref<1280x1xi32, #tpu.memory_space<vmem>>, %arg4: memref<1x128xf32, #tpu.memory_space<vmem>>, %arg5: memref<1280x128xbf16, #tpu.memory_space<vmem>>) attributes {dimension_semantics = [#tpu.dimension_semantics<arbitrary>], iteration_bounds = array<i64: 8>, scalar_prefetch = 0 : i64, scratch_operands = 0 : i64, tpu.core_type = #tpu.core_type<tc>, window_params = [{transform_indices = @transform_0, window_bounds = array<i64: 1280, 128>}, {transform_indices = @transform_1, window_bounds = array<i64: 1280, 1>}, {transform_indices = @transform_2, window_bounds = array<i64: 1280, 1>}, {pipeline_mode = #tpu.pipeline_mode<synchronous>, transform_indices = @transform_3, window_bounds = array<i64: 1, 128>}, {transform_indices = @transform_4, window_bounds = array<i64: 1280, 128>}]} {
    %get3A = arith.constant 0 : index
    %get3A_0 = arith.constant 0 : index
    %get3A_1 = vector.load %arg2[%get3A, %get3A_0] : memref<1280x1xf32, #tpu.memory_space<vmem>>, vector<1280x1xf32>
    %max3A = arith.constant 1.000000e+00 : f32
    %max3A_2 = vector.broadcast %max3A : f32 to vector<1280x1xf32>
    %max3A_3 = arith.maximumf %get3A_1, %max3A_2 : vector<1280x1xf32>
    %rsqrt3A = math.rsqrt %max3A_3 : vector<1280x1xf32>
    %get3A_4 = arith.constant 0 : index
    %get3A_5 = arith.constant 0 : index
    %get3A_6 = vector.load %arg3[%get3A_4, %get3A_5] : memref<1280x1xi32, #tpu.memory_space<vmem>>, vector<1280x1xi32>
    %iota3A = tpu.iota {dimensions = array<i32: 1>} : vector<1280x128xi32>
    %eq3A = vector.broadcast %get3A_6 : vector<1280x1xi32> to vector<1280x128xi32>
    %eq3A_7 = arith.cmpi eq, %eq3A, %iota3A : vector<1280x128xi32>
    %get3A_8 = arith.constant 0 : index
    %get3A_9 = arith.constant 0 : index
    %get3A_10 = vector.load %arg4[%get3A_8, %get3A_9] : memref<1x128xf32, #tpu.memory_space<vmem>>, vector<1x128xf32>
    %jit3A = arith.constant 0.000000e+00 : f32
    %broadcast_in_dim3A = vector.shape_cast %get3A_10 : vector<1x128xf32> to vector<1x128xf32>
    %broadcast_in_dim3A_11 = vector.broadcast %broadcast_in_dim3A : vector<1x128xf32> to vector<1280x128xf32>
    %broadcast_in_dim3A_12 = vector.broadcast %jit3A : f32 to vector<1280x128xf32>
    %select_n3A = arith.select %eq3A_7, %broadcast_in_dim3A_11, %broadcast_in_dim3A_12 : vector<1280x128xi1>, vector<1280x128xf32>
    %reduce_sum3A = arith.constant dense<0.000000e+00> : vector<1280xf32>
    %reduce_sum3A_13 = vector.multi_reduction <add>, %select_n3A, %reduce_sum3A [1] : vector<1280x128xf32> to vector<1280xf32>
    %broadcast_in_dim3A_14 = vector.shape_cast %reduce_sum3A_13 : vector<1280xf32> to vector<1280x1xf32>
    %get3A_15 = arith.constant 0 : index
    %get3A_16 = arith.constant 0 : index
    %get3A_17 = vector.load %arg1[%get3A_15, %get3A_16] : memref<1280x128xf32, #tpu.memory_space<vmem>>, vector<1280x128xf32>
    %mul3A = arith.mulf %rsqrt3A, %broadcast_in_dim3A_14 : vector<1280x1xf32>
    %mul3A_18 = vector.broadcast %mul3A : vector<1280x1xf32> to vector<1280x128xf32>
    %mul3A_19 = arith.mulf %get3A_17, %mul3A_18 : vector<1280x128xf32>
    %convert_element_type3A = arith.truncf %mul3A_19 : vector<1280x128xf32> to vector<1280x128xbf16>
    %swap3A = arith.constant 0 : index
    %swap3A_20 = arith.constant 0 : index
    %swap3A_21 = vector.load %arg5[%swap3A, %swap3A_20] : memref<1280x128xbf16, #tpu.memory_space<vmem>>, vector<1280x128xbf16>
    tpu.vector_store %arg5[%swap3A, %swap3A_20], %convert_element_type3A {strides = array<i32>} : memref<1280x128xbf16, #tpu.memory_space<vmem>>, vector<1280x128xbf16>,
    return
  }
  func.func @transform_0(%arg0: i32) -> (i32, i32) {
    %c0_i32 = arith.constant 0 : i32
    %c0_i32_0 = arith.constant 0 : i32
    return %arg0, %c0_i32 : i32, i32
  }
  func.func @transform_1(%arg0: i32) -> (i32, i32) {
    %c0_i32 = arith.constant 0 : i32
    %c0_i32_0 = arith.constant 0 : i32
    return %arg0, %c0_i32 : i32, i32
  }
  func.func @transform_2(%arg0: i32) -> (i32, i32) {
    %c0_i32 = arith.constant 0 : i32
    %c0_i32_0 = arith.constant 0 : i32
    return %arg0, %c0_i32 : i32, i32
  }
  func.func @transform_3(%arg0: i32) -> (i32, i32) {
    %c0_i32 = arith.constant 0 : i32
    %c0_i32_0 = arith.constant 0 : i32
    %c0_i32_1 = arith.constant 0 : i32
    return %c0_i32, %c0_i32_0 : i32, i32
  }
  func.func @transform_4(%arg0: i32) -> (i32, i32) {
    %c0_i32 = arith.constant 0 : i32
    %c0_i32_0 = arith.constant 0 : i32
    return %arg0, %c0_i32 : i32, i32
  }
}

module attributes {stable_mosaic.version = 14 : i64} {
  func.func @_final_body(%arg0: i32, %arg1: memref<2x1280x128xf32, #tpu.memory_space<vmem>>, %arg2: memref<128x128xf32, #tpu.memory_space<vmem>>, %arg3: memref<1280x1xf32, #tpu.memory_space<vmem>>, %arg4: memref<1x128xf32, #tpu.memory_space<vmem>>, %arg5: memref<1280x128xf32, #tpu.memory_space<vmem>>) attributes {dimension_semantics = [#tpu.dimension_semantics<arbitrary>], iteration_bounds = array<i64: 8>, scalar_prefetch = 0 : i64, scratch_operands = 0 : i64, tpu.core_type = #tpu.core_type<tc>, window_params = [{transform_indices = @transform_0, window_bounds = array<i64: 2, 1280, 128>}, {pipeline_mode = #tpu.pipeline_mode<synchronous>, transform_indices = @transform_1, window_bounds = array<i64: 128, 128>}, {transform_indices = @transform_2, window_bounds = array<i64: 1280, 1>}, {pipeline_mode = #tpu.pipeline_mode<synchronous>, transform_indices = @transform_3, window_bounds = array<i64: 1, 128>}, {transform_indices = @transform_4, window_bounds = array<i64: 1280, 128>}]} {
    %get3A = arith.constant 0 : index
    %get3A_0 = arith.constant 0 : index
    %get3A_1 = arith.constant 0 : index
    %get3A_2 = vector.load %arg1[%get3A, %get3A_0, %get3A_1] : memref<2x1280x128xf32, #tpu.memory_space<vmem>>, vector<1x1280x128xf32>
    %get3A_3 = vector.shape_cast %get3A_2 : vector<1x1280x128xf32> to vector<1280x128xf32>
    %get3A_4 = arith.constant 1 : index
    %get3A_5 = arith.constant 0 : index
    %get3A_6 = arith.constant 0 : index
    %get3A_7 = vector.load %arg1[%get3A_4, %get3A_5, %get3A_6] : memref<2x1280x128xf32, #tpu.memory_space<vmem>>, vector<1x1280x128xf32>
    %get3A_8 = vector.shape_cast %get3A_7 : vector<1x1280x128xf32> to vector<1280x128xf32>
    %add3A = arith.addf %get3A_3, %get3A_8 : vector<1280x128xf32>
    %get3A_9 = arith.constant 0 : index
    %get3A_10 = arith.constant 0 : index
    %get3A_11 = vector.load %arg3[%get3A_9, %get3A_10] : memref<1280x1xf32, #tpu.memory_space<vmem>>, vector<1280x1xf32>
    %max3A = arith.constant 1.000000e+00 : f32
    %max3A_12 = vector.broadcast %max3A : f32 to vector<1280x1xf32>
    %max3A_13 = arith.maximumf %get3A_11, %max3A_12 : vector<1280x1xf32>
    %rsqrt3A = math.rsqrt %max3A_13 : vector<1280x1xf32>
    %mul3A = vector.broadcast %rsqrt3A : vector<1280x1xf32> to vector<1280x128xf32>
    %mul3A_14 = arith.mulf %add3A, %mul3A : vector<1280x128xf32>
    %get3A_15 = arith.constant 0 : index
    %get3A_16 = arith.constant 0 : index
    %get3A_17 = vector.load %arg2[%get3A_15, %get3A_16] : memref<128x128xf32, #tpu.memory_space<vmem>>, vector<128x128xf32>
    %dot_general3A = arith.constant dense<0.000000e+00> : vector<1280x128xf32>
    %dot_general3A_18 = tpu.matmul %mul3A_14, %get3A_17, %dot_general3A {dimension_numbers = #tpu.dot_dimension_numbers<[1], [0], [0], [1], [0, 0, 1, 1], [], []>, precision = #tpu.contract_precision<fp32>, transpose_lhs_hint = false} : vector<1280x128xf32>, vector<128x128xf32>, vector<1280x128xf32> -> vector<1280x128xf32>
    %get3A_19 = arith.constant 0 : index
    %get3A_20 = arith.constant 0 : index
    %get3A_21 = vector.load %arg4[%get3A_19, %get3A_20] : memref<1x128xf32, #tpu.memory_space<vmem>>, vector<1x128xf32>
    %add3A_22 = vector.broadcast %get3A_21 : vector<1x128xf32> to vector<1280x128xf32>
    %add3A_23 = arith.addf %dot_general3A_18, %add3A_22 : vector<1280x128xf32>
    %swap3A = arith.constant 0 : index
    %swap3A_24 = arith.constant 0 : index
    %swap3A_25 = vector.load %arg5[%swap3A, %swap3A_24] : memref<1280x128xf32, #tpu.memory_space<vmem>>, vector<1280x128xf32>
    tpu.vector_store %arg5[%swap3A, %swap3A_24], %add3A_23 {strides = array<i32>} : memref<1280x128xf32, #tpu.memory_space<vmem>>, vector<1280x128xf32>,
    return
  }
  func.func @transform_0(%arg0: i32) -> (i32, i32, i32) {
    %c0_i32 = arith.constant 0 : i32
    %c0_i32_0 = arith.constant 0 : i32
    %c0_i32_1 = arith.constant 0 : i32
    return %c0_i32, %arg0, %c0_i32_0 : i32, i32, i32
  }
  func.func @transform_1(%arg0: i32) -> (i32, i32) {
    %c0_i32 = arith.constant 0 : i32
    %c0_i32_0 = arith.constant 0 : i32
    %c0_i32_1 = arith.constant 0 : i32
    return %c0_i32, %c0_i32_0 : i32, i32
  }
  func.func @transform_2(%arg0: i32) -> (i32, i32) {
    %c0_i32 = arith.constant 0 : i32
    %c0_i32_0 = arith.constant 0 : i32
    return %arg0, %c0_i32 : i32, i32
  }
  func.func @transform_3(%arg0: i32) -> (i32, i32) {
    %c0_i32 = arith.constant 0 : i32
    %c0_i32_0 = arith.constant 0 : i32
    %c0_i32_1 = arith.constant 0 : i32
    return %c0_i32, %c0_i32_0 : i32, i32
  }
  func.func @transform_4(%arg0: i32) -> (i32, i32) {
    %c0_i32 = arith.constant 0 : i32
    %c0_i32_0 = arith.constant 0 : i32
    return %arg0, %c0_i32 : i32, i32
  }
}

</mosaic_0001>

<sc_bundles>
// kernel: kernel.10.cloned.1.call-start
scs
__scs_entry_jumppad:
0x0: {  	(pc) =	sbr.rel $0x88, $3  }
0x1: {  	(tag) =	ssettag $0x0;
	lr =	simm.s32 $0x1  }
0x2: {  	[smem:$0x3F9B] =	sst lr;
	_ =	strace $0xD0000000  }
0x3: {  	_ = 	snop  }
0x4: {  	_ = 	snop  }
0x5: {  	_ = 	snop  }
0x6: {  	_ = 	snop  }
0x7: {  	_ = 	snop  }
__scs_overlays_trampoline_lowered:
0x8: {  	[smem:$0x3FAA] =	sst s0  }
0x9: {  	[smem:$0x3FAB] =	sst s1  }
0xa: {  	[smem:$0x3FAC] =	sst s2  }
0xb: {  	[smem:$0x3FAD] =	sst s3  }
0xc: {  	[smem:$0x3FAE] =	sst s4  }
0xd: {  	[smem:$0x3FAF] =	sst s5  }
0xe: {  	[smem:$0x3FB0] =	sst s6  }
0xf: {  	[smem:$0x3FB1] =	sst s7  }
0x10: {  	[smem:$0x3FB2] =	sst s8  }
0x11: {  	[smem:$0x3FB3] =	sst s9;
	s0 =	simm.s32 @!p0 $0x0  }
0x12: {  	s1 =	sld [smem:$0x3F99];
	s0 =	simm.s32 @p0 $0x1  }
0x13: {  	[smem:$0x3FB4] =	sst s0;
	s0 =	simm.s32 @!p1 $0x0  }
0x14: {  	s2 =	sld [smem:$0x3F98];
	s0 =	simm.s32 @p1 $0x1  }
0x15: {  	[smem:$0x3FB5] =	sst s0;
	s0 =	simm.s32 @!p2 $0x0  }
0x16: {  	s3 =	sld [smem:$0x3FDB];
	s0 =	simm.s32 @p2 $0x1  }
0x17: {  	s4 =	simm.s32 $0x1BF5;
	[smem:$0x3FB7] =	sst s0  }
0x18: {  	s0 =	sld [smem:$0x3F9A];
	_ =	swait.ge [sflag:s4], $0x0  }
0x19: {  	s7 =	sld [smem:$0x3F9B]  }
0x1a: {  	s8 =	sadd.s32 $0xFFFFE003, lr  }
0x1b: {  	s9 =	sadd.s32 $0xFFFFFEF7, lr;
	s5 =	simm.s32 $0xFFFFFFFF;
	p2 =	slt.u32 s8, $0xFFFFF086  }
0x1c: {  	p1 =	slt.u32 s9, $0xF7A;
	s5 =	simm.s32 @!p2 $0x0  }
0x1d: {  	s5 =	simm.s32 @p1 $0x1;
	p0 =	seq.s32 s7, s2  }
0x1e: {  	s7 =	smul.u32 @!p0 $0xF7A, s2;
	p2 =	seq.s32 @!p0 s5, $0x0  }
0x1f: {  	s9 =	smul.u32 $0xF7A, s1;
	s8 =	simm.s32 @!p0 $0x1BF5;
	p2 =	por !p2, p0  }
0x20: {  	[sflag:s8] =	ssyncset.s32 @!p0 $0xFFFFF086;
	s6 =	sadd.s32 @!p0 s3, s7;
	s7 =	simm.s32 @!p0 $0x108  }
0x21: {  	s3 =	sadd.s32 s3, s9;
	s6 =	sadd.s32 @!p0 $0x88, s6;
	s7 =	simm.s32 @p2 $0x1082  }
0x22: {  	[simem:s7], [sflag:s8] =	dma.local @!p0 [hbm:s6], $0xF7A  }
0x23: {  	s9 =	sor.u32 $0xD0000000, s2;
	s6 =	simm.s32 $0x108;
	_ =	swait.ge @!p0 [sflag:s8], $0x0  }
0x24: {  	s3 =	sadd.s32 $0x88, s3;
	s6 =	simm.s32 @!p1 $0x1082;
	[sflag:s4] =	ssyncset.s32 $0xFFFFF086  }
0x25: {  	[simem:s6], [sflag:s4] =	dma.local [hbm:s3], $0xF7A  }
0x26: {  	[smem:$0x3F9B] =	sst s1;
	(tag) =	ssettag s2;
	_ =	strace s9  }
0x27: {  	s1 =	sld [smem:$0x3FAB]  }
0x28: {  	s2 =	sld [smem:$0x3FAC]  }
0x29: {  	s4 =	sld [smem:$0x3FAE]  }
0x2a: {  	p0 =	seq.s32 s5, $0x0;
	s5 =	sld [smem:$0x3FAF]  }
0x2b: {  	s6 =	sld [smem:$0x3FB0]  }
0x2c: {  	s7 =	sld [smem:$0x3FB1]  }
0x2d: {  	s3 =	simm.s32 $0x108;
	s8 =	sld [smem:$0x3FB2]  }
0x2e: {  	s3 =	simm.s32 @!p0 $0x1082;
	s9 =	sld [smem:$0x3FB3]  }
0x2f: {  	lr =	sadd.s32 s0, s3;
	s0 =	sld [smem:$0x3FAA]  }
0x30: {  	s3 =	sld [smem:$0x3FAD]  }
0x31: {  	[smem:$0x3FB6] =	sst s10  }
0x32: {  	s10 =	sld [smem:$0x3FB4];
	_ =	sdelay $0x3  }
0x33: {  	p0 =	seq.s32 s10, $0x1;
	s10 =	sld [smem:$0x3FB6];
	_ =	sdelay $0x3  }
0x34: {  	[smem:$0x3FB6] =	sst s10  }
0x35: {  	s10 =	sld [smem:$0x3FB5];
	_ =	sdelay $0x3  }
0x36: {  	p1 =	seq.s32 s10, $0x1;
	s10 =	sld [smem:$0x3FB6];
	_ =	sdelay $0x3  }
0x37: {  	[smem:$0x3FB6] =	sst s10  }
0x38: {  	s10 =	sld [smem:$0x3FB7]  }
0x39: {  	_ = 	snop;
	(pc) =	sbr.ind lr, $3  }
0x3a: {  	_ = 	snop  }
0x3b: {  	_ = 	snop  }
0x3c: {  	p2 =	seq.s32 s10, $0x1;
	s10 =	sld [smem:$0x3FB6]  }
0x3d: {  	_ =	shalt  }
0x3e: {  	_ =	shalt  }
0x3f: {  	_ =	shalt  }
0x40: {  	_ =	shalt  }
0x41: {  	_ =	shalt  }
0x42: {  	_ =	shalt  }
0x43: {  	_ =	shalt  }
0x44: {  	_ =	shalt  }
0x45: {  	_ =	shalt  }
0x46: {  	_ =	shalt  }
0x47: {  	_ =	shalt  }
0x48: {  	_ =	shalt  }
0x49: {  	_ =	shalt  }
0x4a: {  	_ =	shalt  }
0x4b: {  	_ =	shalt  }
0x4c: {  	_ =	shalt  }
0x4d: {  	_ =	shalt  }
0x4e: {  	_ =	shalt  }
0x4f: {  	_ =	shalt  }
0x50: {  	_ =	shalt  }
0x51: {  	_ =	shalt  }
0x52: {  	_ =	shalt  }
0x53: {  	_ =	shalt  }
0x54: {  	_ =	shalt  }
0x55: {  	_ =	shalt  }
0x56: {  	_ =	shalt  }
0x57: {  	_ =	shalt  }
0x58: {  	_ =	shalt  }
0x59: {  	_ =	shalt  }
0x5a: {  	_ =	shalt  }
0x5b: {  	_ =	shalt  }
0x5c: {  	_ =	shalt  }
0x5d: {  	_ =	shalt  }
0x5e: {  	_ =	shalt  }
0x5f: {  	_ =	shalt  }
0x60: {  	_ =	shalt  }
0x61: {  	_ =	shalt  }
0x62: {  	_ =	shalt  }
0x63: {  	_ =	shalt  }
0x64: {  	_ =	shalt  }
0x65: {  	_ =	shalt  }
0x66: {  	_ =	shalt  }
0x67: {  	_ =	shalt  }
0x68: {  	_ =	shalt  }
0x69: {  	_ =	shalt  }
0x6a: {  	_ =	shalt  }
0x6b: {  	_ =	shalt  }
0x6c: {  	_ =	shalt  }
0x6d: {  	_ =	shalt  }
0x6e: {  	_ =	shalt  }
0x6f: {  	_ =	shalt  }
0x70: {  	_ =	shalt  }
0x71: {  	_ =	shalt  }
0x72: {  	_ =	shalt  }
0x73: {  	_ =	shalt  }
0x74: {  	_ =	shalt  }
0x75: {  	_ =	shalt  }
0x76: {  	_ =	shalt  }
0x77: {  	_ =	shalt  }
0x78: {  	_ =	shalt  }
0x79: {  	_ =	shalt  }
0x7a: {  	_ =	shalt  }
0x7b: {  	_ =	shalt  }
0x7c: {  	_ =	shalt  }
0x7d: {  	_ =	shalt  }
0x7e: {  	_ =	shalt  }
0x7f: {  	_ =	shalt  }
0x80: {  	_ =	shalt  }
0x81: {  	_ =	shalt  }
0x82: {  	_ =	shalt  }
0x83: {  	_ =	shalt  }
0x84: {  	_ =	shalt  }
0x85: {  	_ =	shalt  }
0x86: {  	_ =	shalt  }
0x87: {  	_ =	shalt  }
.Lfunc_end0:
.L_simem_size_0:
called_computation.1_lowered:
.L_overlay_start_0:
0x88: {  	s2 =	sld [smem:$0x3FD9]  }
0x89: {  	s3 =	sld [smem:$0x3FFE];
	_ =	sdelay $0x1  }
0x8a: {  	s1 =	srdreg.scid  }
0x8b: {  	s0 =	sand.u32 $0x1, s1  }
0x8c: {  	s17 =	sshll.u32 s0, $0xA;
	s2 =	sadd.s32 s3, s2  }
0x8d: {  	s2 =	sadd.s32 s2, s17  }
0x8e: {  	[smem:$0x3FC2] =	sst s2  }
0x8f: {  	_ = 	snop  }
0x90: {  	s2 =	sld [smem:$0x3FD0];
	(tm) =	ssettm $0x1  }
0x91: {  	s18 =	sld [smem:$0x3FFB];
	_ =	sdelay $0x3  }
0x92: {  	_ =	strace s18  }
0x93: {  	s3 =	sld [smem:$0x3FFC];
	_ =	sdelay $0x3  }
0x94: {  	_ =	strace s3  }
0x95: {  	s3 =	sld [smem:$0x3FFD];
	_ =	sdelay $0x3  }
0x96: {  	_ =	strace s3  }
0x97: {  	_ =	strace $0x8FFFFFFF  }
0x98: {  	s19 =	sld [smem:$0x3FDB];
	_ =	sdelay $0x1  }
0x99: {  	s4 =	simm.s32 $_scs_section_size  }
0x9a: {  	s5 =	simm.s32 $_size__tile_overlayer_lowered;
	s6 =	simm.s32 $_tile_overlayer_lowered  }
0x9b: {  	s22 =	simm.s32 $0x1BFF;
	s21 =	sshll.u32 s6, $0x1;
	s3 =	sadd.s32 s4, s19  }
0x9c: {  	s7 =	simm.s32 $0x0;
	s20 =	sshll.u32 s5, $0x1;
	s5 =	sadd.s32 s21, s3  }
0x9d: {  	[timem:s7], [sflag:s22] =	dma.local [hbm:s5], s20  }
0x9e: {  	_ =	swait.ge [sflag:s22], s20  }
0x9f: {  	s4 =	ssub.s32 $0x0, s20;
	[sflag:s22] =	ssyncset.done $0x0  }
0xa0: {  	[sflag:s22] =	ssyncadd.s32 s4;
	_ =	sdelay $0x1  }
0xa1: {  	s23 =	simm.s32 $0x1B8B  }
0xa2: {  	_ =	swait.ge [sflag:s23], $0x1  }
0xa3: {  	[sflag:s23] =	ssyncset.done $0x0  }
0xa4: {  	s25 =	simm.s32 $0x1B8E;
	s24 =	sld [smem:$0x3FFE];
	[sflag:s23] =	ssyncadd.s32 $0xFFFFFFFF  }
0xa5: {  	s26 =	simm.s32 $execute0_lowered;
	[smem:$0x3FD2] =	sst s25  }
0xa6: {  	s5 =	sshll.u32 s26, $0x1;
	_ =	strace $0x80000049;
	[dreg:$0x1] =	wrdreg $0xFFFFFFFF  }
0xa7: {  	s28 =	simm.s32 $_size_execute0_lowered;
	s3 =	sadd.s32 s3, s5;
	[dreg:$0x0] =	wrdreg $0x0  }
0xa8: {  	s5 =	sshll.u32 s28, $0x1;
	[dreg:$0x2] =	wrdreg s3  }
0xa9: {  	[dreg:$0x3] =	wrdreg s5  }
0xaa: {  	[dreg:$0x4] =	wrdreg $0xC0  }
0xab: {  	_ =	task [dreg:s7], $0x5FFFF  }
0xac: {  	[dreg:$0x1] =	wrdreg $0xFFFFFFFF  }
0xad: {  	[dreg:$0x0] =	wrdreg $0x60  }
0xae: {  	[dreg:$0x2] =	wrdreg s2  }
0xaf: {  	[dreg:$0x3] =	wrdreg s24  }
0xb0: {  	[dreg:$0x4] =	wrdreg $0x88000  }
0xb1: {  	[dreg:$0x5] =	wrdreg $0x9  }
0xb2: {  	_ =	task.clear_ibuf [dreg:s7], $0x6FFFF;
	_ =	strace $0x90000049  }
0xb3: {  	s29 =	simm.s32 $0x9;
	_ =	strace $0x8000004B  }
0xb4: {  	_ =	swait.ge [sflag:s29], $0x1  }
0xb5: {  	[sflag:s29] =	ssyncadd.s32 $0xFFFFFFFF  }
0xb6: {  	_ =	strace $0x9000004B  }
0xb7: {  	_ =	sfence  }
0xb8: {  	s30 =	sld [smem:$0x0];
	_ =	sdelay $0x2  }
0xb9: {  	s31 =	sshll.u32 s1, $0xD;
	s1 =	sshrl.u32 s1, $0x2  }
0xba: {  	s3 =	sand.u32 $0x4000, s31;
	s1 =	sadd.s32 s1, s30  }
0xbb: {  	s0 =	sor.u32 s3, s0;
	s1 =	sshll.u32 s1, $0x11  }
0xbc: {  	s0 =	sor.u32 s1, s0  }
0xbd: {  	s0 =	sadd.s32 $0x8F2B, s0  }
0xbe: {  	[sflag:s0] =	ssyncadd.remote.s32 $0x1  }
0xbf: {  	_ =	sfence.sel $0xFFFF  }
0xc0: {  	[dreg:$0x0] =	wrdreg $0xFFFFFFFF;
	(pc) =	sbr.abs _section_cstart, $3  }
0xc1: {  	[dreg:$0x1] =	wrdreg $0xFFFFFFFF  }
0xc2: {  	_ =	task.clear_ibuf [dreg:s7], $0x2FFFF;
	_ =	strace $0x9FFFFFFF  }
0xc3: {  	(tm) =	ssettm $0x7FFFFFFF  }
tec
execute0_lowered:
.L_overlay_start_1:
0x0: {  	(tag) =	ssettag $0x1  }
0x1: {  	s1 =	rddreg [dreg:$0x0]  }
0x2: {  	s0 =	rddreg [dreg:$0x1]  }
0x3: {  	s3 =	rddreg [dreg:$0x2];
	s4 =	simm.s32 $0x0  }
0x4: {  	s2 =	srdreg.scid;
	s11 =	stileid.u32;
	s17 =	simm.s32 $0x400  }
0x5: {  	s18 =	simm.s32 $0x40;
	s19 =	simm.s32 $0x800;
	s29 =	simm.s32 $0x3800  }
0x6: {  	s30 =	simm.s32 $0x2;
	s14 =	simm.s32 $0x4;
	s31 =	simm.s32 $0x8  }
0x7: {  	s13 =	simm.s32 $0x7C0;
	s28 =	simm.s32 $0x0;
	[smem:$0x7FF] =	sst s4  }
0x8: {  	s2 =	sand.u32 $0x1, s2;
	s7 =	smul.u32 $0x14000, s11;
	s5 =	sadd.s32 $0xAA00, s0  }
0x9: {  	s6 =	sadd.s32 $0xA00, s0;
	s9 =	sshll.u32 s11, $0x1;
	s12 =	sadd.s32 $0x14A00, s0  }
0xa: {  	s22 =	sshll.u32 s11, $0x6;
	_ =	strace $0x8000004A;
	s8 =	smul.u32 $0x140000, s2  }
0xb: {  	s10 =	ssub.s32 $0x2, s2;
	s2 =	sor.u32 s2, s9;
	[dreg:$0x4] =	wrdreg s12  }
0xc: {  	s15 =	sor.u32 $0x1C09, s22;
	s22 =	simm.s32 $0x2800;
	s9 =	simm.s32 $0x5  }
0xd: {  	[dreg:$0xb] =	wrdreg s28;
	s20 =	sshrl.u32 s10, $0x1;
	s2 =	smul.u32 $0x2800, s2  }
0xe: {  	[dreg:$0x5] =	wrdreg s15;
	s8 =	sadd.s32 s7, s8;
	s21 =	ssub.s32 s10, s20  }
0xf: {  	s7 =	sadd.s32 s7, s3;
	s20 =	simm.s32 $0x1800;
	s10 =	simm.s32 $0x780  }
0x10: {  	s8 =	sshrl.u32 s8, $0x3;
	s23 =	sshrl.u32 s2, $0x3;
	s11 =	sor.u32 $0x200, s2  }
0x11: {  	s12 =	sor.u32 $0x400, s2;
	s26 =	smax.u32 s21, $0x1;
	s16 =	sshrl.u32 s7, $0x3  }
0x12: {  	s21 =	simm.s32 $0x9;
	s7 =	simm.s32 $0x3;
	s0 =	sadd.s32 s8, s0  }
.Ltmp0:
0x13: {  	s24 =	sadd.s32 s5, s23;
	[dreg:$0x9] =	wrdreg s26;
	(pc) =	sbr.rel .LBB2_1-.Ltmp0, $4  }
0x14: {  	s25 =	sadd.s32 s6, s23;
	s23 =	simm.s32 $0x200;
	[dreg:$0xa] =	wrdreg s16  }
0x15: {  	s26 =	simm.s32 $0x4800;
	s8 =	simm.s32 $0x6;
	[dreg:$0x6] =	wrdreg s24  }
0x16: {  	[dreg:$0x7] =	wrdreg s25;
	s0 =	sadd.s32 $0x17200, s0;
	s24 =	simm.s32 $0x600  }
0x17: {  	s25 =	simm.s32 $0x1;
	[dreg:$0x8] =	wrdreg s0;
	s0 =	simm.s32 $0x6800  }
.LBB2_36:
0x18: {  	_ =	swait.ge [sflag:s9], $0x2000  }
0x19: {  	[sflag:s9] =	ssyncset.done $0x0  }
0x1a: {  	[sflag:s9] =	ssyncadd.s32 $0xFFFFE000  }
0x1b: {  	_ =	swait.ge [sflag:s8], $0x2000  }
0x1c: {  	[sflag:s8] =	ssyncset.done $0x0  }
0x1d: {  	[sflag:s8] =	ssyncadd.s32 $0xFFFFE000  }
0x1e: {  	[bflag:$0x0] =	sbarrier.arrive $0xFFFF  }
0x1f: {  	s15 =	rddreg [dreg:$0x5]  }
0x20: {  	s2 =	rddreg [dreg:$0x8]  }
0x21: {  	s21 =	simm.s32 $0x9;
	s16 =	rddreg [dreg:$0xa]  }
0x22: {  	[hbm:s2], [sflag:s15] =	dma.local [spmem:s16], $0x2800  }
0x23: {  	_ =	swait.ge [sflag:s21], $0x2800  }
0x24: {  	s28 =	rddreg [dreg:$0xb]  }
0x25: {  	s2 =	rddreg [dreg:$0x9];
	s28 =	sadd.s32 $0x1, s28  }
0x26: {  	p0 =	sne.s32 s28, s2  }
.Ltmp1:
0x27: {  	_ = 	snop;
	(pc) =	sbr.rel @!p0 .LBB2_37-.Ltmp1, $3  }
0x28: {  	_ =	sdelay $0x1  }
0x29: {  	[sflag:s21] =	ssyncset.done $0x0  }
0x2a: {  	[sflag:s21] =	ssyncadd.s32 $0xFFFFD800;
	[dreg:$0xb] =	wrdreg s28  }
.LBB2_1:
0x2b: {  	s2 =	rddreg [dreg:$0x4]  }
0x2c: {  	[spmem:s16], [sflag:s15] =	dma.local [hbm:s2], $0x2800  }
0x2d: {  	_ =	swait.ge [sflag:s21], $0x2800  }
0x2e: {  	[sflag:s21] =	ssyncset.done $0x0  }
0x2f: {  	s15 =	rddreg [dreg:$0x6];
	[sflag:s21] =	ssyncadd.s32 $0xFFFFD800  }
0x30: {  	[tilespmem:s4], [sflag:$0x9] =	stream.linear.gather [hbm4b:s15+s4], $0x200, $0x38;
	[tilespmem:$0x1C800] =	vst v63  }
0x31: {  	_ =	swait.ge [sflag:s21], $0x200  }
0x32: {  	[sflag:s21] =	ssyncset.done $0x0  }
0x33: {  	s16 =	rddreg [dreg:$0x7];
	[sflag:s21] =	ssyncadd.s32 $0xFFFFFE00  }
0x34: {  	[tilespmem:s17], [sflag:$0x9] =	stream.linear.gather [hbm4b:s16+s4], $0x200, $0x38;
	[tilespmem:$0x1C800] =	vst v63  }
0x35: {  	_ =	swait.ge [sflag:s21], $0x200  }
0x36: {  	[sflag:s21] =	ssyncset.done $0x0  }
0x37: {  	[sflag:s21] =	ssyncadd.s32 $0xFFFFFE00  }
0x38: {  	[bflag:$0x0] =	sbarrier.arrive $0xFFFF  }
0x39: {  	[tilespmem:s19], [sflag:$0x1] =	stream.indirect.gather [hbm4b:s1+s18], $0x40, s4, s18, $0xb8;
	[tilespmem:$0x1C800] =	vst v63  }
0x3a: {  	_ = 	snop  }
0x3b: {  	[tilespmem:s20], [sflag:$0x2] =	stream.indirect.gather [hbm4b:s1+s18], $0x40, s18, s18, $0xb8;
	[tilespmem:$0x1C800] =	vst v63  }
0x3c: {  	s28 =	simm.s32 $0x80;
	s15 =	simm.s32 $0x0  }
0x3d: {  	[tilespmem:s22], [sflag:$0x3] =	stream.indirect.gather [hbm4b:s1+s18], $0x40, s28, s18, $0xb8;
	[tilespmem:$0x1C800] =	vst v63  }
.LBB2_2:
0x3e: {  	s16 =	sshll.u32 s15, $0xA  }
0x3f: {  	s2 =	sadd.s32 s16, s11  }
0x40: {  	s2 =	sshrl.u32 s2, $0x3  }
0x41: {  	s21 =	sadd.s32 s5, s2  }
0x42: {  	[tilespmem:s23], [sflag:$0x8] =	stream.linear.gather [hbm4b:s21+s4], $0x200, $0x38;
	[tilespmem:$0x1C800] =	vst v63  }
0x43: {  	s2 =	sadd.s32 s6, s2  }
0x44: {  	[tilespmem:s24], [sflag:$0x8] =	stream.linear.gather [hbm4b:s2+s4], $0x200, $0x38;
	[tilespmem:$0x1C800] =	vst v63  }
0x45: {  	_ =	swait.ge [sflag:s25], $0x1000  }
0x46: {  	p0 =	seq.s32 s15, $0x0;
	[sflag:s25] =	ssyncset.done $0x0  }
0x47: {  	s2 =	simm.s32 @!p0 $0x5;
	[sflag:s25] =	ssyncadd.s32 $0xFFFFF000  }
0x48: {  	_ =	swait.ge @!p0 [sflag:s2], $0x2000  }
0x49: {  	[sflag:s2] =	ssyncset.done @!p0 $0x0  }
0x4a: {  	[sflag:s2] =	ssyncadd.s32 @!p0 $0xFFFFE000;
	s2 =	simm.s32 $0x0  }
0x4b: {  	v0 =	vld [tilespmem:s2+$0x800];
	_ =	sdelay $0x4  }
0x4c: {  	s21 =	simm.s32 $0x4840;
	v1 =	vunpack.i.l.bf16.f32 v0  }
0x4d: {  	v0 =	vunpack.i.u.bf16.f32 v0;
	[tilespmem:s21+$0xFFFFFFC0] =	vst v1  }
0x4e: {  	[tilespmem:s21+$0xFFFFFFD0] =	vst v0  }
0x4f: {  	v0 =	vld [tilespmem:s2+$0x810];
	_ =	sdelay $0x4  }
0x50: {  	v1 =	vunpack.i.l.bf16.f32 v0  }
0x51: {  	v0 =	vunpack.i.u.bf16.f32 v0;
	[tilespmem:s21+$0xFFFFFFE0] =	vst v1  }
0x52: {  	[tilespmem:s21+$0xFFFFFFF0] =	vst v0  }
0x53: {  	v0 =	vld [tilespmem:s2+$0x820];
	_ =	sdelay $0x4  }
0x54: {  	v1 =	vunpack.i.u.bf16.f32 v0  }
0x55: {  	v0 =	vunpack.i.l.bf16.f32 v0;
	[tilespmem:s21+$0x10] =	vst v1  }
0x56: {  	[tilespmem:s21+$0x0] =	vst v0  }
0x57: {  	v0 =	vld [tilespmem:s2+$0x830];
	_ =	sdelay $0x4  }
0x58: {  	v1 =	vunpack.i.l.bf16.f32 v0  }
0x59: {  	v0 =	vunpack.i.u.bf16.f32 v0;
	[tilespmem:s21+$0x20] =	vst v1  }
0x5a: {  	s28 =	simm.s32 $0x40;
	[tilespmem:s21+$0x30] =	vst v0  }
0x5b: {  	v0 =	vld [tilespmem:s28+$0x800]  }
0x5c: {  	s2 =	simm.s32 $0x200  }
.LBB2_3:
0x5d: {  	p1 =	sne.s32 s2, $0x3F00;
	_ =	sdelay $0x2  }
0x5e: {  	s21 =	sadd.s32 $0x80, s21;
	v1 =	vunpack.i.l.bf16.f32 v0  }
0x5f: {  	v0 =	vunpack.i.u.bf16.f32 v0;
	[tilespmem:s21+$0xFFFFFFC0] =	vst v1  }
0x60: {  	[tilespmem:s21+$0xFFFFFFD0] =	vst v0  }
0x61: {  	v0 =	vld [tilespmem:s28+$0x810];
	_ =	sdelay $0x4  }
0x62: {  	v1 =	vunpack.i.l.bf16.f32 v0  }
0x63: {  	v0 =	vunpack.i.u.bf16.f32 v0;
	[tilespmem:s21+$0xFFFFFFE0] =	vst v1  }
0x64: {  	[tilespmem:s21+$0xFFFFFFF0] =	vst v0  }
0x65: {  	v0 =	vld [tilespmem:s28+$0x820];
	_ =	sdelay $0x4  }
0x66: {  	v1 =	vunpack.i.u.bf16.f32 v0;
	v0 =	vunpack.i.l.bf16.f32 v0  }
0x67: {  	[tilespmem:s21+$0x10] =	vst v1  }
0x68: {  	[tilespmem:s21+$0x0] =	vst v0  }
0x69: {  	v0 =	vld [tilespmem:s28+$0x830];
	_ =	sdelay $0x4  }
.Ltmp2:
0x6a: {  	v1 =	vunpack.i.u.bf16.f32 v0;
	v0 =	vunpack.i.l.bf16.f32 v0;
	(pc) =	sbr.rel @p1 .LBB2_3-.Ltmp2, $4  }
0x6b: {  	[tilespmem:s21+$0x20] =	vst v0  }
0x6c: {  	s28 =	sshra.s32 s2, $0x2;
	[tilespmem:s21+$0x30] =	vst v1  }
0x6d: {  	v0 =	vld [tilespmem:s28+$0x800]  }
0x6e: {  	s2 =	sadd.s32 $0x100, s2  }
0x6f: {  	_ =	sdelay $0x2  }
0x70: {  	s2 =	sadd.s32 $0x80, s21;
	v1 =	vunpack.i.l.bf16.f32 v0  }
0x71: {  	v0 =	vunpack.i.u.bf16.f32 v0;
	[tilespmem:s2+$0xFFFFFFC0] =	vst v1  }
0x72: {  	[tilespmem:s2+$0xFFFFFFD0] =	vst v0  }
0x73: {  	v0 =	vld [tilespmem:s28+$0x810];
	_ =	sdelay $0x4  }
0x74: {  	v1 =	vunpack.i.l.bf16.f32 v0  }
0x75: {  	v0 =	vunpack.i.u.bf16.f32 v0;
	[tilespmem:s2+$0xFFFFFFE0] =	vst v1  }
0x76: {  	[tilespmem:s2+$0xFFFFFFF0] =	vst v0  }
0x77: {  	v0 =	vld [tilespmem:s28+$0x820];
	_ =	sdelay $0x4  }
0x78: {  	v1 =	vunpack.i.u.bf16.f32 v0  }
0x79: {  	v0 =	vunpack.i.l.bf16.f32 v0;
	[tilespmem:s2+$0x10] =	vst v1  }
0x7a: {  	[tilespmem:s2+$0x0] =	vst v0  }
0x7b: {  	v0 =	vld [tilespmem:s28+$0x830];
	_ =	sdelay $0x4  }
0x7c: {  	v1 =	vunpack.i.l.bf16.f32 v0  }
0x7d: {  	v0 =	vunpack.i.u.bf16.f32 v0;
	[tilespmem:s2+$0x20] =	vst v1  }
0x7e: {  	[tilespmem:s2+$0x30] =	vst v0  }
0x7f: {  	[spmem:s3] =	stream.indirect.scatter.add.f32 [tilespmem:s26], [sflag:$0x5], $0x80, s17, s18, $0xb8;
	[tilespmem:$0x1C800] =	vst v63  }
0x80: {  	s21 =	simm.s32 $0xC0  }
0x81: {  	[tilespmem:s29], [sflag:$0x4] =	stream.indirect.gather [hbm4b:s1+s18], $0x40, s21, s18, $0xb8;
	[tilespmem:$0x1C800] =	vst v63  }
0x82: {  	_ =	swait.ge [sflag:s30], $0x1000  }
0x83: {  	[sflag:s30] =	ssyncset.done $0x0  }
0x84: {  	s2 =	simm.s32 @!p0 $0x6;
	[sflag:s30] =	ssyncadd.s32 $0xFFFFF000  }
0x85: {  	_ =	swait.ge @!p0 [sflag:s2], $0x2000  }
0x86: {  	[sflag:s2] =	ssyncset.done @!p0 $0x0  }
0x87: {  	[sflag:s2] =	ssyncadd.s32 @!p0 $0xFFFFE000;
	s2 =	simm.s32 $0x0  }
0x88: {  	v0 =	vld [tilespmem:s2+$0x1800];
	_ =	sdelay $0x4  }
0x89: {  	s21 =	simm.s32 $0x6870;
	v1 =	vunpack.i.l.bf16.f32 v0  }
0x8a: {  	v0 =	vunpack.i.u.bf16.f32 v0;
	[tilespmem:s21+$0xFFFFFF90] =	vst v1  }
0x8b: {  	[tilespmem:s21+$0xFFFFFFA0] =	vst v0  }
0x8c: {  	v0 =	vld [tilespmem:s2+$0x1810];
	_ =	sdelay $0x4  }
0x8d: {  	v1 =	vunpack.i.l.bf16.f32 v0  }
0x8e: {  	v0 =	vunpack.i.u.bf16.f32 v0;
	[tilespmem:s21+$0xFFFFFFB0] =	vst v1  }
0x8f: {  	[tilespmem:s21+$0xFFFFFFC0] =	vst v0  }
0x90: {  	v0 =	vld [tilespmem:s2+$0x1820];
	_ =	sdelay $0x4  }
0x91: {  	v1 =	vunpack.i.u.bf16.f32 v0  }
0x92: {  	v0 =	vunpack.i.l.bf16.f32 v0;
	[tilespmem:s21+$0xFFFFFFE0] =	vst v1  }
0x93: {  	[tilespmem:s21+$0xFFFFFFD0] =	vst v0  }
0x94: {  	v0 =	vld [tilespmem:s2+$0x1830];
	_ =	sdelay $0x4  }
0x95: {  	v1 =	vunpack.i.l.bf16.f32 v0  }
0x96: {  	v0 =	vunpack.i.u.bf16.f32 v0;
	[tilespmem:s21+$0xFFFFFFF0] =	vst v1  }
0x97: {  	s28 =	simm.s32 $0x40;
	[tilespmem:s21+$0x0] =	vst v0  }
0x98: {  	v0 =	vld [tilespmem:s28+$0x1800]  }
0x99: {  	s2 =	simm.s32 $0x200  }
.LBB2_5:
0x9a: {  	p0 =	sne.s32 s2, $0x3F00;
	_ =	sdelay $0x2  }
0x9b: {  	s21 =	sadd.s32 $0x80, s21;
	v1 =	vunpack.i.l.bf16.f32 v0  }
0x9c: {  	v0 =	vunpack.i.u.bf16.f32 v0;
	[tilespmem:s21+$0xFFFFFF90] =	vst v1  }
0x9d: {  	[tilespmem:s21+$0xFFFFFFA0] =	vst v0  }
0x9e: {  	v0 =	vld [tilespmem:s28+$0x1810];
	_ =	sdelay $0x4  }
0x9f: {  	v1 =	vunpack.i.l.bf16.f32 v0  }
0xa0: {  	v0 =	vunpack.i.u.bf16.f32 v0;
	[tilespmem:s21+$0xFFFFFFB0] =	vst v1  }
0xa1: {  	[tilespmem:s21+$0xFFFFFFC0] =	vst v0  }
0xa2: {  	v0 =	vld [tilespmem:s28+$0x1820];
	_ =	sdelay $0x4  }
0xa3: {  	v1 =	vunpack.i.u.bf16.f32 v0;
	v0 =	vunpack.i.l.bf16.f32 v0  }
0xa4: {  	[tilespmem:s21+$0xFFFFFFE0] =	vst v1  }
0xa5: {  	[tilespmem:s21+$0xFFFFFFD0] =	vst v0  }
0xa6: {  	v0 =	vld [tilespmem:s28+$0x1830];
	_ =	sdelay $0x4  }
.Ltmp3:
0xa7: {  	v1 =	vunpack.i.u.bf16.f32 v0;
	v0 =	vunpack.i.l.bf16.f32 v0;
	(pc) =	sbr.rel @p0 .LBB2_5-.Ltmp3, $4  }
0xa8: {  	[tilespmem:s21+$0xFFFFFFF0] =	vst v0  }
0xa9: {  	s28 =	sshra.s32 s2, $0x2;
	[tilespmem:s21+$0x0] =	vst v1  }
0xaa: {  	v0 =	vld [tilespmem:s28+$0x1800]  }
0xab: {  	s2 =	sadd.s32 $0x100, s2  }
0xac: {  	_ =	sdelay $0x2  }
0xad: {  	s2 =	sadd.s32 $0x80, s21;
	v1 =	vunpack.i.l.bf16.f32 v0  }
0xae: {  	v0 =	vunpack.i.u.bf16.f32 v0;
	[tilespmem:s2+$0xFFFFFF90] =	vst v1  }
0xaf: {  	[tilespmem:s2+$0xFFFFFFA0] =	vst v0  }
0xb0: {  	v0 =	vld [tilespmem:s28+$0x1810];
	_ =	sdelay $0x4  }
0xb1: {  	v1 =	vunpack.i.l.bf16.f32 v0  }
0xb2: {  	v0 =	vunpack.i.u.bf16.f32 v0;
	[tilespmem:s2+$0xFFFFFFB0] =	vst v1  }
0xb3: {  	[tilespmem:s2+$0xFFFFFFC0] =	vst v0  }
0xb4: {  	v0 =	vld [tilespmem:s28+$0x1820];
	_ =	sdelay $0x4  }
0xb5: {  	v1 =	vunpack.i.u.bf16.f32 v0  }
0xb6: {  	v0 =	vunpack.i.l.bf16.f32 v0;
	[tilespmem:s2+$0xFFFFFFE0] =	vst v1  }
0xb7: {  	[tilespmem:s2+$0xFFFFFFD0] =	vst v0  }
0xb8: {  	v0 =	vld [tilespmem:s28+$0x1830];
	_ =	sdelay $0x4  }
0xb9: {  	v1 =	vunpack.i.l.bf16.f32 v0  }
0xba: {  	v0 =	vunpack.i.u.bf16.f32 v0;
	[tilespmem:s2+$0xFFFFFFF0] =	vst v1  }
0xbb: {  	s21 =	simm.s32 $0x440;
	[tilespmem:s2+$0x0] =	vst v0  }
0xbc: {  	[spmem:s3] =	stream.indirect.scatter.add.f32 [tilespmem:s0], [sflag:$0x6], $0x80, s21, s18, $0xb8;
	[tilespmem:$0x1C800] =	vst v63  }
0xbd: {  	s21 =	simm.s32 $0x100  }
0xbe: {  	[tilespmem:s19], [sflag:$0x1] =	stream.indirect.gather [hbm4b:s1+s18], $0x40, s21, s18, $0xb8;
	[tilespmem:$0x1C800] =	vst v63  }
0xbf: {  	_ =	swait.ge [sflag:s7], $0x1000  }
0xc0: {  	[sflag:s7] =	ssyncset.done $0x0  }
0xc1: {  	[sflag:s7] =	ssyncadd.s32 $0xFFFFF000  }
0xc2: {  	_ =	swait.ge [sflag:s9], $0x2000  }
0xc3: {  	[sflag:s9] =	ssyncset.done $0x0  }
0xc4: {  	s2 =	simm.s32 $0x0;
	[sflag:s9] =	ssyncadd.s32 $0xFFFFE000  }
0xc5: {  	v0 =	vld [tilespmem:s2+$0x2800];
	_ =	sdelay $0x4  }
0xc6: {  	s21 =	simm.s32 $0x4840;
	v1 =	vunpack.i.l.bf16.f32 v0  }
0xc7: {  	v0 =	vunpack.i.u.bf16.f32 v0;
	[tilespmem:s21+$0xFFFFFFC0] =	vst v1  }
0xc8: {  	[tilespmem:s21+$0xFFFFFFD0] =	vst v0  }
0xc9: {  	v0 =	vld [tilespmem:s2+$0x2810];
	_ =	sdelay $0x4  }
0xca: {  	v1 =	vunpack.i.l.bf16.f32 v0  }
0xcb: {  	v0 =	vunpack.i.u.bf16.f32 v0;
	[tilespmem:s21+$0xFFFFFFE0] =	vst v1  }
0xcc: {  	[tilespmem:s21+$0xFFFFFFF0] =	vst v0  }
0xcd: {  	v0 =	vld [tilespmem:s2+$0x2820];
	_ =	sdelay $0x4  }
0xce: {  	v1 =	vunpack.i.u.bf16.f32 v0  }
0xcf: {  	v0 =	vunpack.i.l.bf16.f32 v0;
	[tilespmem:s21+$0x10] =	vst v1  }
0xd0: {  	[tilespmem:s21+$0x0] =	vst v0  }
0xd1: {  	v0 =	vld [tilespmem:s2+$0x2830];
	_ =	sdelay $0x4  }
0xd2: {  	v1 =	vunpack.i.l.bf16.f32 v0  }
0xd3: {  	v0 =	vunpack.i.u.bf16.f32 v0;
	[tilespmem:s21+$0x20] =	vst v1  }
0xd4: {  	s28 =	simm.s32 $0x40;
	[tilespmem:s21+$0x30] =	vst v0  }
0xd5: {  	v0 =	vld [tilespmem:s28+$0x2800]  }
0xd6: {  	s2 =	simm.s32 $0x200  }
.LBB2_7:
0xd7: {  	p0 =	sne.s32 s2, $0x3F00;
	_ =	sdelay $0x2  }
0xd8: {  	s21 =	sadd.s32 $0x80, s21;
	v1 =	vunpack.i.l.bf16.f32 v0  }
0xd9: {  	v0 =	vunpack.i.u.bf16.f32 v0;
	[tilespmem:s21+$0xFFFFFFC0] =	vst v1  }
0xda: {  	[tilespmem:s21+$0xFFFFFFD0] =	vst v0  }
0xdb: {  	v0 =	vld [tilespmem:s28+$0x2810];
	_ =	sdelay $0x4  }
0xdc: {  	v1 =	vunpack.i.l.bf16.f32 v0  }
0xdd: {  	v0 =	vunpack.i.u.bf16.f32 v0;
	[tilespmem:s21+$0xFFFFFFE0] =	vst v1  }
0xde: {  	[tilespmem:s21+$0xFFFFFFF0] =	vst v0  }
0xdf: {  	v0 =	vld [tilespmem:s28+$0x2820];
	_ =	sdelay $0x4  }
0xe0: {  	v1 =	vunpack.i.u.bf16.f32 v0;
	v0 =	vunpack.i.l.bf16.f32 v0  }
0xe1: {  	[tilespmem:s21+$0x10] =	vst v1  }
0xe2: {  	[tilespmem:s21+$0x0] =	vst v0  }
0xe3: {  	v0 =	vld [tilespmem:s28+$0x2830];
	_ =	sdelay $0x4  }
.Ltmp4:
0xe4: {  	v1 =	vunpack.i.u.bf16.f32 v0;
	v0 =	vunpack.i.l.bf16.f32 v0;
	(pc) =	sbr.rel @p0 .LBB2_7-.Ltmp4, $4  }
0xe5: {  	[tilespmem:s21+$0x20] =	vst v0  }
0xe6: {  	s28 =	sshra.s32 s2, $0x2;
	[tilespmem:s21+$0x30] =	vst v1  }
0xe7: {  	v0 =	vld [tilespmem:s28+$0x2800]  }
0xe8: {  	s2 =	sadd.s32 $0x100, s2  }
0xe9: {  	_ =	sdelay $0x2  }
0xea: {  	s2 =	sadd.s32 $0x80, s21;
	v1 =	vunpack.i.l.bf16.f32 v0  }
0xeb: {  	v0 =	vunpack.i.u.bf16.f32 v0;
	[tilespmem:s2+$0xFFFFFFC0] =	vst v1  }
0xec: {  	[tilespmem:s2+$0xFFFFFFD0] =	vst v0  }
0xed: {  	v0 =	vld [tilespmem:s28+$0x2810];
	_ =	sdelay $0x4  }
0xee: {  	v1 =	vunpack.i.l.bf16.f32 v0  }
0xef: {  	v0 =	vunpack.i.u.bf16.f32 v0;
	[tilespmem:s2+$0xFFFFFFE0] =	vst v1  }
0xf0: {  	[tilespmem:s2+$0xFFFFFFF0] =	vst v0  }
0xf1: {  	v0 =	vld [tilespmem:s28+$0x2820];
	_ =	sdelay $0x4  }
0xf2: {  	v1 =	vunpack.i.u.bf16.f32 v0  }
0xf3: {  	v0 =	vunpack.i.l.bf16.f32 v0;
	[tilespmem:s2+$0x10] =	vst v1  }
0xf4: {  	[tilespmem:s2+$0x0] =	vst v0  }
0xf5: {  	v0 =	vld [tilespmem:s28+$0x2830];
	_ =	sdelay $0x4  }
0xf6: {  	v1 =	vunpack.i.l.bf16.f32 v0  }
0xf7: {  	v0 =	vunpack.i.u.bf16.f32 v0;
	[tilespmem:s2+$0x20] =	vst v1  }
0xf8: {  	s21 =	simm.s32 $0x480;
	[tilespmem:s2+$0x30] =	vst v0  }
0xf9: {  	[spmem:s3] =	stream.indirect.scatter.add.f32 [tilespmem:s26], [sflag:$0x5], $0x80, s21, s18, $0xb8;
	[tilespmem:$0x1C800] =	vst v63  }
0xfa: {  	s21 =	simm.s32 $0x140  }
0xfb: {  	[tilespmem:s20], [sflag:$0x2] =	stream.indirect.gather [hbm4b:s1+s18], $0x40, s21, s18, $0xb8;
	[tilespmem:$0x1C800] =	vst v63  }
0xfc: {  	_ =	swait.ge [sflag:s14], $0x1000  }
0xfd: {  	[sflag:s14] =	ssyncset.done $0x0  }
0xfe: {  	[sflag:s14] =	ssyncadd.s32 $0xFFFFF000  }
0xff: {  	_ =	swait.ge [sflag:s8], $0x2000  }
0x100: {  	[sflag:s8] =	ssyncset.done $0x0  }
0x101: {  	s2 =	simm.s32 $0x0;
	[sflag:s8] =	ssyncadd.s32 $0xFFFFE000  }
0x102: {  	v0 =	vld [tilespmem:s2+$0x3800];
	_ =	sdelay $0x4  }
0x103: {  	s21 =	simm.s32 $0x6870;
	v1 =	vunpack.i.l.bf16.f32 v0  }
0x104: {  	v0 =	vunpack.i.u.bf16.f32 v0;
	[tilespmem:s21+$0xFFFFFF90] =	vst v1  }
0x105: {  	[tilespmem:s21+$0xFFFFFFA0] =	vst v0  }
0x106: {  	v0 =	vld [tilespmem:s2+$0x3810];
	_ =	sdelay $0x4  }
0x107: {  	v1 =	vunpack.i.l.bf16.f32 v0  }
0x108: {  	v0 =	vunpack.i.u.bf16.f32 v0;
	[tilespmem:s21+$0xFFFFFFB0] =	vst v1  }
0x109: {  	[tilespmem:s21+$0xFFFFFFC0] =	vst v0  }
0x10a: {  	v0 =	vld [tilespmem:s2+$0x3820];
	_ =	sdelay $0x4  }
0x10b: {  	v1 =	vunpack.i.u.bf16.f32 v0  }
0x10c: {  	v0 =	vunpack.i.l.bf16.f32 v0;
	[tilespmem:s21+$0xFFFFFFE0] =	vst v1  }
0x10d: {  	[tilespmem:s21+$0xFFFFFFD0] =	vst v0  }
0x10e: {  	v0 =	vld [tilespmem:s2+$0x3830];
	_ =	sdelay $0x4  }
0x10f: {  	v1 =	vunpack.i.l.bf16.f32 v0  }
0x110: {  	v0 =	vunpack.i.u.bf16.f32 v0;
	[tilespmem:s21+$0xFFFFFFF0] =	vst v1  }
0x111: {  	s28 =	simm.s32 $0x40;
	[tilespmem:s21+$0x0] =	vst v0  }
0x112: {  	v0 =	vld [tilespmem:s28+$0x3800]  }
0x113: {  	s2 =	simm.s32 $0x200  }
.LBB2_9:
0x114: {  	p0 =	sne.s32 s2, $0x3F00;
	_ =	sdelay $0x2  }
0x115: {  	s21 =	sadd.s32 $0x80, s21;
	v1 =	vunpack.i.l.bf16.f32 v0  }
0x116: {  	v0 =	vunpack.i.u.bf16.f32 v0;
	[tilespmem:s21+$0xFFFFFF90] =	vst v1  }
0x117: {  	[tilespmem:s21+$0xFFFFFFA0] =	vst v0  }
0x118: {  	v0 =	vld [tilespmem:s28+$0x3810];
	_ =	sdelay $0x4  }
0x119: {  	v1 =	vunpack.i.l.bf16.f32 v0  }
0x11a: {  	v0 =	vunpack.i.u.bf16.f32 v0;
	[tilespmem:s21+$0xFFFFFFB0] =	vst v1  }
0x11b: {  	[tilespmem:s21+$0xFFFFFFC0] =	vst v0  }
0x11c: {  	v0 =	vld [tilespmem:s28+$0x3820];
	_ =	sdelay $0x4  }
0x11d: {  	v1 =	vunpack.i.u.bf16.f32 v0;
	v0 =	vunpack.i.l.bf16.f32 v0  }
0x11e: {  	[tilespmem:s21+$0xFFFFFFE0] =	vst v1  }
0x11f: {  	[tilespmem:s21+$0xFFFFFFD0] =	vst v0  }
0x120: {  	v0 =	vld [tilespmem:s28+$0x3830];
	_ =	sdelay $0x4  }
.Ltmp5:
0x121: {  	v1 =	vunpack.i.u.bf16.f32 v0;
	v0 =	vunpack.i.l.bf16.f32 v0;
	(pc) =	sbr.rel @p0 .LBB2_9-.Ltmp5, $4  }
0x122: {  	[tilespmem:s21+$0xFFFFFFF0] =	vst v0  }
0x123: {  	s28 =	sshra.s32 s2, $0x2;
	[tilespmem:s21+$0x0] =	vst v1  }
0x124: {  	v0 =	vld [tilespmem:s28+$0x3800]  }
0x125: {  	s2 =	sadd.s32 $0x100, s2  }
0x126: {  	_ =	sdelay $0x2  }
0x127: {  	s2 =	sadd.s32 $0x80, s21;
	v1 =	vunpack.i.l.bf16.f32 v0  }
0x128: {  	v0 =	vunpack.i.u.bf16.f32 v0;
	[tilespmem:s2+$0xFFFFFF90] =	vst v1  }
0x129: {  	[tilespmem:s2+$0xFFFFFFA0] =	vst v0  }
0x12a: {  	v0 =	vld [tilespmem:s28+$0x3810];
	_ =	sdelay $0x4  }
0x12b: {  	v1 =	vunpack.i.l.bf16.f32 v0  }
0x12c: {  	v0 =	vunpack.i.u.bf16.f32 v0;
	[tilespmem:s2+$0xFFFFFFB0] =	vst v1  }
0x12d: {  	[tilespmem:s2+$0xFFFFFFC0] =	vst v0  }
0x12e: {  	v0 =	vld [tilespmem:s28+$0x3820];
	_ =	sdelay $0x4  }
0x12f: {  	v1 =	vunpack.i.u.bf16.f32 v0  }
0x130: {  	v0 =	vunpack.i.l.bf16.f32 v0;
	[tilespmem:s2+$0xFFFFFFE0] =	vst v1  }
0x131: {  	[tilespmem:s2+$0xFFFFFFD0] =	vst v0  }
0x132: {  	v0 =	vld [tilespmem:s28+$0x3830];
	_ =	sdelay $0x4  }
0x133: {  	v1 =	vunpack.i.l.bf16.f32 v0  }
0x134: {  	v0 =	vunpack.i.u.bf16.f32 v0;
	[tilespmem:s2+$0xFFFFFFF0] =	vst v1  }
0x135: {  	s21 =	simm.s32 $0x4C0;
	[tilespmem:s2+$0x0] =	vst v0  }
0x136: {  	[spmem:s3] =	stream.indirect.scatter.add.f32 [tilespmem:s0], [sflag:$0x6], $0x80, s21, s18, $0xb8;
	[tilespmem:$0x1C800] =	vst v63  }
0x137: {  	s21 =	simm.s32 $0x180  }
0x138: {  	[tilespmem:s22], [sflag:$0x3] =	stream.indirect.gather [hbm4b:s1+s18], $0x40, s21, s18, $0xb8;
	[tilespmem:$0x1C800] =	vst v63  }
0x139: {  	_ =	swait.ge [sflag:s25], $0x1000  }
0x13a: {  	[sflag:s25] =	ssyncset.done $0x0  }
0x13b: {  	[sflag:s25] =	ssyncadd.s32 $0xFFFFF000  }
0x13c: {  	_ =	swait.ge [sflag:s9], $0x2000  }
0x13d: {  	[sflag:s9] =	ssyncset.done $0x0  }
0x13e: {  	s2 =	simm.s32 $0x0;
	[sflag:s9] =	ssyncadd.s32 $0xFFFFE000  }
0x13f: {  	v0 =	vld [tilespmem:s2+$0x800];
	_ =	sdelay $0x4  }
0x140: {  	s21 =	simm.s32 $0x4840;
	v1 =	vunpack.i.l.bf16.f32 v0  }
0x141: {  	v0 =	vunpack.i.u.bf16.f32 v0;
	[tilespmem:s21+$0xFFFFFFC0] =	vst v1  }
0x142: {  	[tilespmem:s21+$0xFFFFFFD0] =	vst v0  }
0x143: {  	v0 =	vld [tilespmem:s2+$0x810];
	_ =	sdelay $0x4  }
0x144: {  	v1 =	vunpack.i.l.bf16.f32 v0  }
0x145: {  	v0 =	vunpack.i.u.bf16.f32 v0;
	[tilespmem:s21+$0xFFFFFFE0] =	vst v1  }
0x146: {  	[tilespmem:s21+$0xFFFFFFF0] =	vst v0  }
0x147: {  	v0 =	vld [tilespmem:s2+$0x820];
	_ =	sdelay $0x4  }
0x148: {  	v1 =	vunpack.i.u.bf16.f32 v0  }
0x149: {  	v0 =	vunpack.i.l.bf16.f32 v0;
	[tilespmem:s21+$0x10] =	vst v1  }
0x14a: {  	[tilespmem:s21+$0x0] =	vst v0  }
0x14b: {  	v0 =	vld [tilespmem:s2+$0x830];
	_ =	sdelay $0x4  }
0x14c: {  	v1 =	vunpack.i.l.bf16.f32 v0  }
0x14d: {  	v0 =	vunpack.i.u.bf16.f32 v0;
	[tilespmem:s21+$0x20] =	vst v1  }
0x14e: {  	s28 =	simm.s32 $0x40;
	[tilespmem:s21+$0x30] =	vst v0  }
0x14f: {  	v0 =	vld [tilespmem:s28+$0x800]  }
0x150: {  	s2 =	simm.s32 $0x200  }
.LBB2_11:
0x151: {  	p0 =	sne.s32 s2, $0x3F00;
	_ =	sdelay $0x2  }
0x152: {  	s21 =	sadd.s32 $0x80, s21;
	v1 =	vunpack.i.l.bf16.f32 v0  }
0x153: {  	v0 =	vunpack.i.u.bf16.f32 v0;
	[tilespmem:s21+$0xFFFFFFC0] =	vst v1  }
0x154: {  	[tilespmem:s21+$0xFFFFFFD0] =	vst v0  }
0x155: {  	v0 =	vld [tilespmem:s28+$0x810];
	_ =	sdelay $0x4  }
0x156: {  	v1 =	vunpack.i.l.bf16.f32 v0  }
0x157: {  	v0 =	vunpack.i.u.bf16.f32 v0;
	[tilespmem:s21+$0xFFFFFFE0] =	vst v1  }
0x158: {  	[tilespmem:s21+$0xFFFFFFF0] =	vst v0  }
0x159: {  	v0 =	vld [tilespmem:s28+$0x820];
	_ =	sdelay $0x4  }
0x15a: {  	v1 =	vunpack.i.u.bf16.f32 v0;
	v0 =	vunpack.i.l.bf16.f32 v0  }
0x15b: {  	[tilespmem:s21+$0x10] =	vst v1  }
0x15c: {  	[tilespmem:s21+$0x0] =	vst v0  }
0x15d: {  	v0 =	vld [tilespmem:s28+$0x830];
	_ =	sdelay $0x4  }
.Ltmp6:
0x15e: {  	v1 =	vunpack.i.u.bf16.f32 v0;
	v0 =	vunpack.i.l.bf16.f32 v0;
	(pc) =	sbr.rel @p0 .LBB2_11-.Ltmp6, $4  }
0x15f: {  	[tilespmem:s21+$0x20] =	vst v0  }
0x160: {  	s28 =	sshra.s32 s2, $0x2;
	[tilespmem:s21+$0x30] =	vst v1  }
0x161: {  	v0 =	vld [tilespmem:s28+$0x800]  }
0x162: {  	s2 =	sadd.s32 $0x100, s2  }
0x163: {  	_ =	sdelay $0x2  }
0x164: {  	s2 =	sadd.s32 $0x80, s21;
	v1 =	vunpack.i.l.bf16.f32 v0  }
0x165: {  	v0 =	vunpack.i.u.bf16.f32 v0;
	[tilespmem:s2+$0xFFFFFFC0] =	vst v1  }
0x166: {  	[tilespmem:s2+$0xFFFFFFD0] =	vst v0  }
0x167: {  	v0 =	vld [tilespmem:s28+$0x810];
	_ =	sdelay $0x4  }
0x168: {  	v1 =	vunpack.i.l.bf16.f32 v0  }
0x169: {  	v0 =	vunpack.i.u.bf16.f32 v0;
	[tilespmem:s2+$0xFFFFFFE0] =	vst v1  }
0x16a: {  	[tilespmem:s2+$0xFFFFFFF0] =	vst v0  }
0x16b: {  	v0 =	vld [tilespmem:s28+$0x820];
	_ =	sdelay $0x4  }
0x16c: {  	v1 =	vunpack.i.u.bf16.f32 v0  }
0x16d: {  	v0 =	vunpack.i.l.bf16.f32 v0;
	[tilespmem:s2+$0x10] =	vst v1  }
0x16e: {  	[tilespmem:s2+$0x0] =	vst v0  }
0x16f: {  	v0 =	vld [tilespmem:s28+$0x830];
	_ =	sdelay $0x4  }
0x170: {  	v1 =	vunpack.i.l.bf16.f32 v0  }
0x171: {  	v0 =	vunpack.i.u.bf16.f32 v0;
	[tilespmem:s2+$0x20] =	vst v1  }
0x172: {  	s21 =	simm.s32 $0x500;
	[tilespmem:s2+$0x30] =	vst v0  }
0x173: {  	[spmem:s3] =	stream.indirect.scatter.add.f32 [tilespmem:s26], [sflag:$0x5], $0x80, s21, s18, $0xb8;
	[tilespmem:$0x1C800] =	vst v63  }
0x174: {  	s21 =	simm.s32 $0x1C0  }
0x175: {  	[tilespmem:s29], [sflag:$0x4] =	stream.indirect.gather [hbm4b:s1+s18], $0x40, s21, s18, $0xb8;
	[tilespmem:$0x1C800] =	vst v63  }
0x176: {  	_ =	swait.ge [sflag:s31], $0x200  }
0x177: {  	[sflag:s31] =	ssyncset.done $0x0  }
0x178: {  	[sflag:s31] =	ssyncadd.s32 $0xFFFFFE00  }
0x179: {  	_ =	swait.ge [sflag:s31], $0x200  }
0x17a: {  	[sflag:s31] =	ssyncset.done $0x0  }
0x17b: {  	[sflag:s31] =	ssyncadd.s32 $0xFFFFFE00  }
0x17c: {  	_ =	swait.ge [sflag:s30], $0x1000  }
0x17d: {  	[sflag:s30] =	ssyncset.done $0x0  }
0x17e: {  	[sflag:s30] =	ssyncadd.s32 $0xFFFFF000  }
0x17f: {  	_ =	swait.ge [sflag:s8], $0x2000  }
0x180: {  	[sflag:s8] =	ssyncset.done $0x0  }
0x181: {  	s2 =	simm.s32 $0x0;
	[sflag:s8] =	ssyncadd.s32 $0xFFFFE000  }
0x182: {  	v0 =	vld [tilespmem:s2+$0x1800];
	_ =	sdelay $0x4  }
0x183: {  	s21 =	simm.s32 $0x6870;
	v1 =	vunpack.i.l.bf16.f32 v0  }
0x184: {  	v0 =	vunpack.i.u.bf16.f32 v0;
	[tilespmem:s21+$0xFFFFFF90] =	vst v1  }
0x185: {  	[tilespmem:s21+$0xFFFFFFA0] =	vst v0  }
0x186: {  	v0 =	vld [tilespmem:s2+$0x1810];
	_ =	sdelay $0x4  }
0x187: {  	v1 =	vunpack.i.l.bf16.f32 v0  }
0x188: {  	v0 =	vunpack.i.u.bf16.f32 v0;
	[tilespmem:s21+$0xFFFFFFB0] =	vst v1  }
0x189: {  	[tilespmem:s21+$0xFFFFFFC0] =	vst v0  }
0x18a: {  	v0 =	vld [tilespmem:s2+$0x1820];
	_ =	sdelay $0x4  }
0x18b: {  	v1 =	vunpack.i.u.bf16.f32 v0  }
0x18c: {  	v0 =	vunpack.i.l.bf16.f32 v0;
	[tilespmem:s21+$0xFFFFFFE0] =	vst v1  }
0x18d: {  	[tilespmem:s21+$0xFFFFFFD0] =	vst v0  }
0x18e: {  	v0 =	vld [tilespmem:s2+$0x1830];
	_ =	sdelay $0x4  }
0x18f: {  	v1 =	vunpack.i.l.bf16.f32 v0  }
0x190: {  	v0 =	vunpack.i.u.bf16.f32 v0;
	[tilespmem:s21+$0xFFFFFFF0] =	vst v1  }
0x191: {  	s28 =	simm.s32 $0x40;
	[tilespmem:s21+$0x0] =	vst v0  }
0x192: {  	v0 =	vld [tilespmem:s28+$0x1800]  }
0x193: {  	s2 =	simm.s32 $0x200  }
.LBB2_13:
0x194: {  	p0 =	sne.s32 s2, $0x3F00;
	_ =	sdelay $0x2  }
0x195: {  	s21 =	sadd.s32 $0x80, s21;
	v1 =	vunpack.i.l.bf16.f32 v0  }
0x196: {  	v0 =	vunpack.i.u.bf16.f32 v0;
	[tilespmem:s21+$0xFFFFFF90] =	vst v1  }
0x197: {  	[tilespmem:s21+$0xFFFFFFA0] =	vst v0  }
0x198: {  	v0 =	vld [tilespmem:s28+$0x1810];
	_ =	sdelay $0x4  }
0x199: {  	v1 =	vunpack.i.l.bf16.f32 v0  }
0x19a: {  	v0 =	vunpack.i.u.bf16.f32 v0;
	[tilespmem:s21+$0xFFFFFFB0] =	vst v1  }
0x19b: {  	[tilespmem:s21+$0xFFFFFFC0] =	vst v0  }
0x19c: {  	v0 =	vld [tilespmem:s28+$0x1820];
	_ =	sdelay $0x4  }
0x19d: {  	v1 =	vunpack.i.u.bf16.f32 v0;
	v0 =	vunpack.i.l.bf16.f32 v0  }
0x19e: {  	[tilespmem:s21+$0xFFFFFFE0] =	vst v1  }
0x19f: {  	[tilespmem:s21+$0xFFFFFFD0] =	vst v0  }
0x1a0: {  	v0 =	vld [tilespmem:s28+$0x1830];
	_ =	sdelay $0x4  }
.Ltmp7:
0x1a1: {  	v1 =	vunpack.i.u.bf16.f32 v0;
	v0 =	vunpack.i.l.bf16.f32 v0;
	(pc) =	sbr.rel @p0 .LBB2_13-.Ltmp7, $4  }
0x1a2: {  	[tilespmem:s21+$0xFFFFFFF0] =	vst v0  }
0x1a3: {  	s28 =	sshra.s32 s2, $0x2;
	[tilespmem:s21+$0x0] =	vst v1  }
0x1a4: {  	v0 =	vld [tilespmem:s28+$0x1800]  }
0x1a5: {  	s2 =	sadd.s32 $0x100, s2  }
0x1a6: {  	_ =	sdelay $0x2  }
0x1a7: {  	s2 =	sadd.s32 $0x80, s21;
	v1 =	vunpack.i.l.bf16.f32 v0  }
0x1a8: {  	v0 =	vunpack.i.u.bf16.f32 v0;
	[tilespmem:s2+$0xFFFFFF90] =	vst v1  }
0x1a9: {  	[tilespmem:s2+$0xFFFFFFA0] =	vst v0  }
0x1aa: {  	v0 =	vld [tilespmem:s28+$0x1810];
	_ =	sdelay $0x4  }
0x1ab: {  	v1 =	vunpack.i.l.bf16.f32 v0  }
0x1ac: {  	v0 =	vunpack.i.u.bf16.f32 v0;
	[tilespmem:s2+$0xFFFFFFB0] =	vst v1  }
0x1ad: {  	[tilespmem:s2+$0xFFFFFFC0] =	vst v0  }
0x1ae: {  	v0 =	vld [tilespmem:s28+$0x1820];
	_ =	sdelay $0x4  }
0x1af: {  	v1 =	vunpack.i.u.bf16.f32 v0  }
0x1b0: {  	v0 =	vunpack.i.l.bf16.f32 v0;
	[tilespmem:s2+$0xFFFFFFE0] =	vst v1  }
0x1b1: {  	[tilespmem:s2+$0xFFFFFFD0] =	vst v0  }
0x1b2: {  	v0 =	vld [tilespmem:s28+$0x1830];
	_ =	sdelay $0x4  }
0x1b3: {  	v1 =	vunpack.i.l.bf16.f32 v0  }
0x1b4: {  	v0 =	vunpack.i.u.bf16.f32 v0;
	[tilespmem:s2+$0xFFFFFFF0] =	vst v1  }
0x1b5: {  	s21 =	simm.s32 $0x540;
	[tilespmem:s2+$0x0] =	vst v0  }
0x1b6: {  	[spmem:s3] =	stream.indirect.scatter.add.f32 [tilespmem:s0], [sflag:$0x6], $0x80, s21, s18, $0xb8;
	[tilespmem:$0x1C800] =	vst v63  }
0x1b7: {  	_ = 	snop  }
0x1b8: {  	[tilespmem:s19], [sflag:$0x1] =	stream.indirect.gather [hbm4b:s1+s18], $0x40, s23, s18, $0xb8;
	[tilespmem:$0x1C800] =	vst v63  }
0x1b9: {  	_ =	swait.ge [sflag:s7], $0x1000  }
0x1ba: {  	[sflag:s7] =	ssyncset.done $0x0  }
0x1bb: {  	[sflag:s7] =	ssyncadd.s32 $0xFFFFF000  }
0x1bc: {  	_ =	swait.ge [sflag:s9], $0x2000  }
0x1bd: {  	[sflag:s9] =	ssyncset.done $0x0  }
0x1be: {  	s2 =	simm.s32 $0x0;
	[sflag:s9] =	ssyncadd.s32 $0xFFFFE000  }
0x1bf: {  	v0 =	vld [tilespmem:s2+$0x2800];
	_ =	sdelay $0x4  }
0x1c0: {  	s21 =	simm.s32 $0x4840;
	v1 =	vunpack.i.l.bf16.f32 v0  }
0x1c1: {  	v0 =	vunpack.i.u.bf16.f32 v0;
	[tilespmem:s21+$0xFFFFFFC0] =	vst v1  }
0x1c2: {  	[tilespmem:s21+$0xFFFFFFD0] =	vst v0  }
0x1c3: {  	v0 =	vld [tilespmem:s2+$0x2810];
	_ =	sdelay $0x4  }
0x1c4: {  	v1 =	vunpack.i.l.bf16.f32 v0  }
0x1c5: {  	v0 =	vunpack.i.u.bf16.f32 v0;
	[tilespmem:s21+$0xFFFFFFE0] =	vst v1  }
0x1c6: {  	[tilespmem:s21+$0xFFFFFFF0] =	vst v0  }
0x1c7: {  	v0 =	vld [tilespmem:s2+$0x2820];
	_ =	sdelay $0x4  }
0x1c8: {  	v1 =	vunpack.i.u.bf16.f32 v0  }
0x1c9: {  	v0 =	vunpack.i.l.bf16.f32 v0;
	[tilespmem:s21+$0x10] =	vst v1  }
0x1ca: {  	[tilespmem:s21+$0x0] =	vst v0  }
0x1cb: {  	v0 =	vld [tilespmem:s2+$0x2830];
	_ =	sdelay $0x4  }
0x1cc: {  	v1 =	vunpack.i.l.bf16.f32 v0  }
0x1cd: {  	v0 =	vunpack.i.u.bf16.f32 v0;
	[tilespmem:s21+$0x20] =	vst v1  }
0x1ce: {  	s28 =	simm.s32 $0x40;
	[tilespmem:s21+$0x30] =	vst v0  }
0x1cf: {  	v0 =	vld [tilespmem:s28+$0x2800]  }
0x1d0: {  	s2 =	simm.s32 $0x200  }
.LBB2_15:
0x1d1: {  	p0 =	sne.s32 s2, $0x3F00;
	_ =	sdelay $0x2  }
0x1d2: {  	s21 =	sadd.s32 $0x80, s21;
	v1 =	vunpack.i.l.bf16.f32 v0  }
0x1d3: {  	v0 =	vunpack.i.u.bf16.f32 v0;
	[tilespmem:s21+$0xFFFFFFC0] =	vst v1  }
0x1d4: {  	[tilespmem:s21+$0xFFFFFFD0] =	vst v0  }
0x1d5: {  	v0 =	vld [tilespmem:s28+$0x2810];
	_ =	sdelay $0x4  }
0x1d6: {  	v1 =	vunpack.i.l.bf16.f32 v0  }
0x1d7: {  	v0 =	vunpack.i.u.bf16.f32 v0;
	[tilespmem:s21+$0xFFFFFFE0] =	vst v1  }
0x1d8: {  	[tilespmem:s21+$0xFFFFFFF0] =	vst v0  }
0x1d9: {  	v0 =	vld [tilespmem:s28+$0x2820];
	_ =	sdelay $0x4  }
0x1da: {  	v1 =	vunpack.i.u.bf16.f32 v0;
	v0 =	vunpack.i.l.bf16.f32 v0  }
0x1db: {  	[tilespmem:s21+$0x10] =	vst v1  }
0x1dc: {  	[tilespmem:s21+$0x0] =	vst v0  }
0x1dd: {  	v0 =	vld [tilespmem:s28+$0x2830];
	_ =	sdelay $0x4  }
.Ltmp8:
0x1de: {  	v1 =	vunpack.i.u.bf16.f32 v0;
	v0 =	vunpack.i.l.bf16.f32 v0;
	(pc) =	sbr.rel @p0 .LBB2_15-.Ltmp8, $4  }
0x1df: {  	[tilespmem:s21+$0x20] =	vst v0  }
0x1e0: {  	s28 =	sshra.s32 s2, $0x2;
	[tilespmem:s21+$0x30] =	vst v1  }
0x1e1: {  	v0 =	vld [tilespmem:s28+$0x2800]  }
0x1e2: {  	s2 =	sadd.s32 $0x100, s2  }
0x1e3: {  	_ =	sdelay $0x2  }
0x1e4: {  	s2 =	sadd.s32 $0x80, s21;
	v1 =	vunpack.i.l.bf16.f32 v0  }
0x1e5: {  	v0 =	vunpack.i.u.bf16.f32 v0;
	[tilespmem:s2+$0xFFFFFFC0] =	vst v1  }
0x1e6: {  	[tilespmem:s2+$0xFFFFFFD0] =	vst v0  }
0x1e7: {  	v0 =	vld [tilespmem:s28+$0x2810];
	_ =	sdelay $0x4  }
0x1e8: {  	v1 =	vunpack.i.l.bf16.f32 v0  }
0x1e9: {  	v0 =	vunpack.i.u.bf16.f32 v0;
	[tilespmem:s2+$0xFFFFFFE0] =	vst v1  }
0x1ea: {  	[tilespmem:s2+$0xFFFFFFF0] =	vst v0  }
0x1eb: {  	v0 =	vld [tilespmem:s28+$0x2820];
	_ =	sdelay $0x4  }
0x1ec: {  	v1 =	vunpack.i.u.bf16.f32 v0  }
0x1ed: {  	v0 =	vunpack.i.l.bf16.f32 v0;
	[tilespmem:s2+$0x10] =	vst v1  }
0x1ee: {  	[tilespmem:s2+$0x0] =	vst v0  }
0x1ef: {  	v0 =	vld [tilespmem:s28+$0x2830];
	_ =	sdelay $0x4  }
0x1f0: {  	v1 =	vunpack.i.l.bf16.f32 v0  }
0x1f1: {  	v0 =	vunpack.i.u.bf16.f32 v0;
	[tilespmem:s2+$0x20] =	vst v1  }
0x1f2: {  	s21 =	simm.s32 $0x580;
	[tilespmem:s2+$0x30] =	vst v0  }
0x1f3: {  	[spmem:s3] =	stream.indirect.scatter.add.f32 [tilespmem:s26], [sflag:$0x5], $0x80, s21, s18, $0xb8;
	[tilespmem:$0x1C800] =	vst v63  }
0x1f4: {  	s21 =	simm.s32 $0x240  }
0x1f5: {  	[tilespmem:s20], [sflag:$0x2] =	stream.indirect.gather [hbm4b:s1+s18], $0x40, s21, s18, $0xb8;
	[tilespmem:$0x1C800] =	vst v63  }
0x1f6: {  	_ =	swait.ge [sflag:s14], $0x1000  }
0x1f7: {  	[sflag:s14] =	ssyncset.done $0x0  }
0x1f8: {  	[sflag:s14] =	ssyncadd.s32 $0xFFFFF000  }
0x1f9: {  	_ =	swait.ge [sflag:s8], $0x2000  }
0x1fa: {  	[sflag:s8] =	ssyncset.done $0x0  }
0x1fb: {  	s2 =	simm.s32 $0x0;
	[sflag:s8] =	ssyncadd.s32 $0xFFFFE000  }
0x1fc: {  	v0 =	vld [tilespmem:s2+$0x3800];
	_ =	sdelay $0x4  }
0x1fd: {  	s21 =	simm.s32 $0x6870;
	v1 =	vunpack.i.l.bf16.f32 v0  }
0x1fe: {  	v0 =	vunpack.i.u.bf16.f32 v0;
	[tilespmem:s21+$0xFFFFFF90] =	vst v1  }
0x1ff: {  	[tilespmem:s21+$0xFFFFFFA0] =	vst v0  }
0x200: {  	v0 =	vld [tilespmem:s2+$0x3810];
	_ =	sdelay $0x4  }
0x201: {  	v1 =	vunpack.i.l.bf16.f32 v0  }
0x202: {  	v0 =	vunpack.i.u.bf16.f32 v0;
	[tilespmem:s21+$0xFFFFFFB0] =	vst v1  }
0x203: {  	[tilespmem:s21+$0xFFFFFFC0] =	vst v0  }
0x204: {  	v0 =	vld [tilespmem:s2+$0x3820];
	_ =	sdelay $0x4  }
0x205: {  	v1 =	vunpack.i.u.bf16.f32 v0  }
0x206: {  	v0 =	vunpack.i.l.bf16.f32 v0;
	[tilespmem:s21+$0xFFFFFFE0] =	vst v1  }
0x207: {  	[tilespmem:s21+$0xFFFFFFD0] =	vst v0  }
0x208: {  	v0 =	vld [tilespmem:s2+$0x3830];
	_ =	sdelay $0x4  }
0x209: {  	v1 =	vunpack.i.l.bf16.f32 v0  }
0x20a: {  	v0 =	vunpack.i.u.bf16.f32 v0;
	[tilespmem:s21+$0xFFFFFFF0] =	vst v1  }
0x20b: {  	s28 =	simm.s32 $0x40;
	[tilespmem:s21+$0x0] =	vst v0  }
0x20c: {  	v0 =	vld [tilespmem:s28+$0x3800]  }
0x20d: {  	s2 =	simm.s32 $0x200  }
.LBB2_17:
0x20e: {  	p0 =	sne.s32 s2, $0x3F00;
	_ =	sdelay $0x2  }
0x20f: {  	s21 =	sadd.s32 $0x80, s21;
	v1 =	vunpack.i.l.bf16.f32 v0  }
0x210: {  	v0 =	vunpack.i.u.bf16.f32 v0;
	[tilespmem:s21+$0xFFFFFF90] =	vst v1  }
0x211: {  	[tilespmem:s21+$0xFFFFFFA0] =	vst v0  }
0x212: {  	v0 =	vld [tilespmem:s28+$0x3810];
	_ =	sdelay $0x4  }
0x213: {  	v1 =	vunpack.i.l.bf16.f32 v0  }
0x214: {  	v0 =	vunpack.i.u.bf16.f32 v0;
	[tilespmem:s21+$0xFFFFFFB0] =	vst v1  }
0x215: {  	[tilespmem:s21+$0xFFFFFFC0] =	vst v0  }
0x216: {  	v0 =	vld [tilespmem:s28+$0x3820];
	_ =	sdelay $0x4  }
0x217: {  	v1 =	vunpack.i.u.bf16.f32 v0;
	v0 =	vunpack.i.l.bf16.f32 v0  }
0x218: {  	[tilespmem:s21+$0xFFFFFFE0] =	vst v1  }
0x219: {  	[tilespmem:s21+$0xFFFFFFD0] =	vst v0  }
0x21a: {  	v0 =	vld [tilespmem:s28+$0x3830];
	_ =	sdelay $0x4  }
.Ltmp9:
0x21b: {  	v1 =	vunpack.i.u.bf16.f32 v0;
	v0 =	vunpack.i.l.bf16.f32 v0;
	(pc) =	sbr.rel @p0 .LBB2_17-.Ltmp9, $4  }
0x21c: {  	[tilespmem:s21+$0xFFFFFFF0] =	vst v0  }
0x21d: {  	s28 =	sshra.s32 s2, $0x2;
	[tilespmem:s21+$0x0] =	vst v1  }
0x21e: {  	v0 =	vld [tilespmem:s28+$0x3800]  }
0x21f: {  	s2 =	sadd.s32 $0x100, s2  }
0x220: {  	_ =	sdelay $0x2  }
0x221: {  	s2 =	sadd.s32 $0x80, s21;
	v1 =	vunpack.i.l.bf16.f32 v0  }
0x222: {  	v0 =	vunpack.i.u.bf16.f32 v0;
	[tilespmem:s2+$0xFFFFFF90] =	vst v1  }
0x223: {  	[tilespmem:s2+$0xFFFFFFA0] =	vst v0  }
0x224: {  	v0 =	vld [tilespmem:s28+$0x3810];
	_ =	sdelay $0x4  }
0x225: {  	v1 =	vunpack.i.l.bf16.f32 v0  }
0x226: {  	v0 =	vunpack.i.u.bf16.f32 v0;
	[tilespmem:s2+$0xFFFFFFB0] =	vst v1  }
0x227: {  	[tilespmem:s2+$0xFFFFFFC0] =	vst v0  }
0x228: {  	v0 =	vld [tilespmem:s28+$0x3820];
	_ =	sdelay $0x4  }
0x229: {  	v1 =	vunpack.i.u.bf16.f32 v0  }
0x22a: {  	v0 =	vunpack.i.l.bf16.f32 v0;
	[tilespmem:s2+$0xFFFFFFE0] =	vst v1  }
0x22b: {  	[tilespmem:s2+$0xFFFFFFD0] =	vst v0  }
0x22c: {  	v0 =	vld [tilespmem:s28+$0x3830];
	_ =	sdelay $0x4  }
0x22d: {  	v1 =	vunpack.i.l.bf16.f32 v0  }
0x22e: {  	p0 =	seq.s32 s15, $0x9;
	v0 =	vunpack.i.u.bf16.f32 v0;
	[tilespmem:s2+$0xFFFFFFF0] =	vst v1  }
0x22f: {  	s28 =	simm.s32 $0x5C0;
	[tilespmem:s2+$0x0] =	vst v0;
	s2 =	sadd.s32 @!p0 s16, s12  }
0x230: {  	[spmem:s3] =	stream.indirect.scatter.add.f32 [tilespmem:s0], [sflag:$0x6], $0x80, s28, s18, $0xb8;
	[tilespmem:$0x1C800] =	vst v63  }
0x231: {  	s21 =	simm.s32 $0x280;
	s2 =	sshrl.u32 @!p0 s2, $0x3  }
0x232: {  	[tilespmem:s22], [sflag:$0x3] =	stream.indirect.gather [hbm4b:s1+s18], $0x40, s21, s18, $0xb8;
	[tilespmem:$0x1C800] =	vst v63  }
0x233: {  	s16 =	sadd.s32 @!p0 s5, s2;
	s21 =	simm.s32 @!p0 $0x0  }
0x234: {  	[tilespmem:s21], [sflag:$0x7] =	stream.linear.gather @!p0 [hbm4b:s16+s21], $0x200, $0x38;
	[tilespmem:$0x1C800] =	vst v63  }
0x235: {  	s2 =	sadd.s32 @!p0 s6, s2;
	s16 =	simm.s32 @!p0 $0x400  }
0x236: {  	[tilespmem:s16], [sflag:$0x7] =	stream.linear.gather @!p0 [hbm4b:s2+s21], $0x200, $0x38;
	[tilespmem:$0x1C800] =	vst v63  }
0x237: {  	_ =	swait.ge [sflag:s25], $0x1000  }
0x238: {  	[sflag:s25] =	ssyncset.done $0x0  }
0x239: {  	[sflag:s25] =	ssyncadd.s32 $0xFFFFF000  }
0x23a: {  	_ =	swait.ge [sflag:s9], $0x2000  }
0x23b: {  	[sflag:s9] =	ssyncset.done $0x0  }
0x23c: {  	s28 =	simm.s32 $0x0;
	[sflag:s9] =	ssyncadd.s32 $0xFFFFE000  }
0x23d: {  	v0 =	vld [tilespmem:s28+$0x800];
	_ =	sdelay $0x4  }
0x23e: {  	s16 =	simm.s32 $0x4840;
	v1 =	vunpack.i.l.bf16.f32 v0  }
0x23f: {  	v0 =	vunpack.i.u.bf16.f32 v0;
	[tilespmem:s16+$0xFFFFFFC0] =	vst v1  }
0x240: {  	[tilespmem:s16+$0xFFFFFFD0] =	vst v0  }
0x241: {  	v0 =	vld [tilespmem:s28+$0x810];
	_ =	sdelay $0x4  }
0x242: {  	v1 =	vunpack.i.l.bf16.f32 v0  }
0x243: {  	v0 =	vunpack.i.u.bf16.f32 v0;
	[tilespmem:s16+$0xFFFFFFE0] =	vst v1  }
0x244: {  	[tilespmem:s16+$0xFFFFFFF0] =	vst v0  }
0x245: {  	v0 =	vld [tilespmem:s28+$0x820];
	_ =	sdelay $0x4  }
0x246: {  	v1 =	vunpack.i.u.bf16.f32 v0  }
0x247: {  	v0 =	vunpack.i.l.bf16.f32 v0;
	[tilespmem:s16+$0x10] =	vst v1  }
0x248: {  	[tilespmem:s16+$0x0] =	vst v0  }
0x249: {  	v0 =	vld [tilespmem:s28+$0x830];
	_ =	sdelay $0x4  }
0x24a: {  	v1 =	vunpack.i.l.bf16.f32 v0  }
0x24b: {  	v0 =	vunpack.i.u.bf16.f32 v0;
	[tilespmem:s16+$0x20] =	vst v1  }
0x24c: {  	s21 =	simm.s32 $0x40;
	[tilespmem:s16+$0x30] =	vst v0  }
0x24d: {  	v0 =	vld [tilespmem:s21+$0x800]  }
0x24e: {  	s2 =	simm.s32 $0x200  }
.LBB2_19:
0x24f: {  	p1 =	sne.s32 s2, $0x3F00;
	_ =	sdelay $0x2  }
0x250: {  	s16 =	sadd.s32 $0x80, s16;
	v1 =	vunpack.i.l.bf16.f32 v0  }
0x251: {  	v0 =	vunpack.i.u.bf16.f32 v0;
	[tilespmem:s16+$0xFFFFFFC0] =	vst v1  }
0x252: {  	[tilespmem:s16+$0xFFFFFFD0] =	vst v0  }
0x253: {  	v0 =	vld [tilespmem:s21+$0x810];
	_ =	sdelay $0x4  }
0x254: {  	v1 =	vunpack.i.l.bf16.f32 v0  }
0x255: {  	v0 =	vunpack.i.u.bf16.f32 v0;
	[tilespmem:s16+$0xFFFFFFE0] =	vst v1  }
0x256: {  	[tilespmem:s16+$0xFFFFFFF0] =	vst v0  }
0x257: {  	v0 =	vld [tilespmem:s21+$0x820];
	_ =	sdelay $0x4  }
0x258: {  	v1 =	vunpack.i.u.bf16.f32 v0;
	v0 =	vunpack.i.l.bf16.f32 v0  }
0x259: {  	[tilespmem:s16+$0x10] =	vst v1  }
0x25a: {  	[tilespmem:s16+$0x0] =	vst v0  }
0x25b: {  	v0 =	vld [tilespmem:s21+$0x830];
	_ =	sdelay $0x4  }
.Ltmp10:
0x25c: {  	v1 =	vunpack.i.u.bf16.f32 v0;
	v0 =	vunpack.i.l.bf16.f32 v0;
	(pc) =	sbr.rel @p1 .LBB2_19-.Ltmp10, $4  }
0x25d: {  	[tilespmem:s16+$0x20] =	vst v0  }
0x25e: {  	s21 =	sshra.s32 s2, $0x2;
	[tilespmem:s16+$0x30] =	vst v1  }
0x25f: {  	v0 =	vld [tilespmem:s21+$0x800]  }
0x260: {  	s2 =	sadd.s32 $0x100, s2  }
0x261: {  	_ =	sdelay $0x2  }
0x262: {  	s2 =	sadd.s32 $0x80, s16;
	v1 =	vunpack.i.l.bf16.f32 v0  }
0x263: {  	v0 =	vunpack.i.u.bf16.f32 v0;
	[tilespmem:s2+$0xFFFFFFC0] =	vst v1  }
0x264: {  	[tilespmem:s2+$0xFFFFFFD0] =	vst v0  }
0x265: {  	v0 =	vld [tilespmem:s21+$0x810];
	_ =	sdelay $0x4  }
0x266: {  	v1 =	vunpack.i.l.bf16.f32 v0  }
0x267: {  	v0 =	vunpack.i.u.bf16.f32 v0;
	[tilespmem:s2+$0xFFFFFFE0] =	vst v1  }
0x268: {  	[tilespmem:s2+$0xFFFFFFF0] =	vst v0  }
0x269: {  	v0 =	vld [tilespmem:s21+$0x820];
	_ =	sdelay $0x4  }
0x26a: {  	v1 =	vunpack.i.u.bf16.f32 v0  }
0x26b: {  	v0 =	vunpack.i.l.bf16.f32 v0;
	[tilespmem:s2+$0x10] =	vst v1  }
0x26c: {  	[tilespmem:s2+$0x0] =	vst v0  }
0x26d: {  	v0 =	vld [tilespmem:s21+$0x830];
	_ =	sdelay $0x4  }
0x26e: {  	v1 =	vunpack.i.l.bf16.f32 v0  }
0x26f: {  	v0 =	vunpack.i.u.bf16.f32 v0;
	[tilespmem:s2+$0x20] =	vst v1  }
0x270: {  	[tilespmem:s2+$0x30] =	vst v0  }
0x271: {  	[spmem:s3] =	stream.indirect.scatter.add.f32 [tilespmem:s26], [sflag:$0x5], $0x80, s24, s18, $0xb8;
	[tilespmem:$0x1C800] =	vst v63  }
0x272: {  	s21 =	simm.s32 $0x2C0  }
0x273: {  	[tilespmem:s29], [sflag:$0x4] =	stream.indirect.gather [hbm4b:s1+s18], $0x40, s21, s18, $0xb8;
	[tilespmem:$0x1C800] =	vst v63  }
0x274: {  	_ =	swait.ge [sflag:s30], $0x1000  }
0x275: {  	[sflag:s30] =	ssyncset.done $0x0  }
0x276: {  	[sflag:s30] =	ssyncadd.s32 $0xFFFFF000  }
0x277: {  	_ =	swait.ge [sflag:s8], $0x2000  }
0x278: {  	[sflag:s8] =	ssyncset.done $0x0  }
0x279: {  	s28 =	simm.s32 $0x0;
	[sflag:s8] =	ssyncadd.s32 $0xFFFFE000  }
0x27a: {  	v0 =	vld [tilespmem:s28+$0x1800];
	_ =	sdelay $0x4  }
0x27b: {  	s16 =	simm.s32 $0x6870;
	v1 =	vunpack.i.l.bf16.f32 v0  }
0x27c: {  	v0 =	vunpack.i.u.bf16.f32 v0;
	[tilespmem:s16+$0xFFFFFF90] =	vst v1  }
0x27d: {  	[tilespmem:s16+$0xFFFFFFA0] =	vst v0  }
0x27e: {  	v0 =	vld [tilespmem:s28+$0x1810];
	_ =	sdelay $0x4  }
0x27f: {  	v1 =	vunpack.i.l.bf16.f32 v0  }
0x280: {  	v0 =	vunpack.i.u.bf16.f32 v0;
	[tilespmem:s16+$0xFFFFFFB0] =	vst v1  }
0x281: {  	[tilespmem:s16+$0xFFFFFFC0] =	vst v0  }
0x282: {  	v0 =	vld [tilespmem:s28+$0x1820];
	_ =	sdelay $0x4  }
0x283: {  	v1 =	vunpack.i.u.bf16.f32 v0  }
0x284: {  	v0 =	vunpack.i.l.bf16.f32 v0;
	[tilespmem:s16+$0xFFFFFFE0] =	vst v1  }
0x285: {  	[tilespmem:s16+$0xFFFFFFD0] =	vst v0  }
0x286: {  	v0 =	vld [tilespmem:s28+$0x1830];
	_ =	sdelay $0x4  }
0x287: {  	v1 =	vunpack.i.l.bf16.f32 v0  }
0x288: {  	v0 =	vunpack.i.u.bf16.f32 v0;
	[tilespmem:s16+$0xFFFFFFF0] =	vst v1  }
0x289: {  	s21 =	simm.s32 $0x40;
	[tilespmem:s16+$0x0] =	vst v0  }
0x28a: {  	v0 =	vld [tilespmem:s21+$0x1800]  }
0x28b: {  	s2 =	simm.s32 $0x200  }
.LBB2_21:
0x28c: {  	p1 =	sne.s32 s2, $0x3F00;
	_ =	sdelay $0x2  }
0x28d: {  	s16 =	sadd.s32 $0x80, s16;
	v1 =	vunpack.i.l.bf16.f32 v0  }
0x28e: {  	v0 =	vunpack.i.u.bf16.f32 v0;
	[tilespmem:s16+$0xFFFFFF90] =	vst v1  }
0x28f: {  	[tilespmem:s16+$0xFFFFFFA0] =	vst v0  }
0x290: {  	v0 =	vld [tilespmem:s21+$0x1810];
	_ =	sdelay $0x4  }
0x291: {  	v1 =	vunpack.i.l.bf16.f32 v0  }
0x292: {  	v0 =	vunpack.i.u.bf16.f32 v0;
	[tilespmem:s16+$0xFFFFFFB0] =	vst v1  }
0x293: {  	[tilespmem:s16+$0xFFFFFFC0] =	vst v0  }
0x294: {  	v0 =	vld [tilespmem:s21+$0x1820];
	_ =	sdelay $0x4  }
0x295: {  	v1 =	vunpack.i.u.bf16.f32 v0;
	v0 =	vunpack.i.l.bf16.f32 v0  }
0x296: {  	[tilespmem:s16+$0xFFFFFFE0] =	vst v1  }
0x297: {  	[tilespmem:s16+$0xFFFFFFD0] =	vst v0  }
0x298: {  	v0 =	vld [tilespmem:s21+$0x1830];
	_ =	sdelay $0x4  }
.Ltmp11:
0x299: {  	v1 =	vunpack.i.u.bf16.f32 v0;
	v0 =	vunpack.i.l.bf16.f32 v0;
	(pc) =	sbr.rel @p1 .LBB2_21-.Ltmp11, $4  }
0x29a: {  	[tilespmem:s16+$0xFFFFFFF0] =	vst v0  }
0x29b: {  	s21 =	sshra.s32 s2, $0x2;
	[tilespmem:s16+$0x0] =	vst v1  }
0x29c: {  	v0 =	vld [tilespmem:s21+$0x1800]  }
0x29d: {  	s2 =	sadd.s32 $0x100, s2  }
0x29e: {  	_ =	sdelay $0x2  }
0x29f: {  	s2 =	sadd.s32 $0x80, s16;
	v1 =	vunpack.i.l.bf16.f32 v0  }
0x2a0: {  	v0 =	vunpack.i.u.bf16.f32 v0;
	[tilespmem:s2+$0xFFFFFF90] =	vst v1  }
0x2a1: {  	[tilespmem:s2+$0xFFFFFFA0] =	vst v0  }
0x2a2: {  	v0 =	vld [tilespmem:s21+$0x1810];
	_ =	sdelay $0x4  }
0x2a3: {  	v1 =	vunpack.i.l.bf16.f32 v0  }
0x2a4: {  	v0 =	vunpack.i.u.bf16.f32 v0;
	[tilespmem:s2+$0xFFFFFFB0] =	vst v1  }
0x2a5: {  	[tilespmem:s2+$0xFFFFFFC0] =	vst v0  }
0x2a6: {  	v0 =	vld [tilespmem:s21+$0x1820];
	_ =	sdelay $0x4  }
0x2a7: {  	v1 =	vunpack.i.u.bf16.f32 v0  }
0x2a8: {  	v0 =	vunpack.i.l.bf16.f32 v0;
	[tilespmem:s2+$0xFFFFFFE0] =	vst v1  }
0x2a9: {  	[tilespmem:s2+$0xFFFFFFD0] =	vst v0  }
0x2aa: {  	v0 =	vld [tilespmem:s21+$0x1830];
	_ =	sdelay $0x4  }
0x2ab: {  	v1 =	vunpack.i.l.bf16.f32 v0  }
0x2ac: {  	v0 =	vunpack.i.u.bf16.f32 v0;
	[tilespmem:s2+$0xFFFFFFF0] =	vst v1  }
0x2ad: {  	s16 =	simm.s32 $0x640;
	[tilespmem:s2+$0x0] =	vst v0  }
0x2ae: {  	[spmem:s3] =	stream.indirect.scatter.add.f32 [tilespmem:s0], [sflag:$0x6], $0x80, s16, s18, $0xb8;
	[tilespmem:$0x1C800] =	vst v63  }
0x2af: {  	s21 =	simm.s32 $0x300  }
0x2b0: {  	[tilespmem:s19], [sflag:$0x1] =	stream.indirect.gather [hbm4b:s1+s18], $0x40, s21, s18, $0xb8;
	[tilespmem:$0x1C800] =	vst v63  }
0x2b1: {  	_ =	swait.ge [sflag:s7], $0x1000  }
0x2b2: {  	[sflag:s7] =	ssyncset.done $0x0  }
0x2b3: {  	[sflag:s7] =	ssyncadd.s32 $0xFFFFF000  }
0x2b4: {  	_ =	swait.ge [sflag:s9], $0x2000  }
0x2b5: {  	[sflag:s9] =	ssyncset.done $0x0  }
0x2b6: {  	s28 =	simm.s32 $0x0;
	[sflag:s9] =	ssyncadd.s32 $0xFFFFE000  }
0x2b7: {  	v0 =	vld [tilespmem:s28+$0x2800];
	_ =	sdelay $0x4  }
0x2b8: {  	s16 =	simm.s32 $0x4840;
	v1 =	vunpack.i.l.bf16.f32 v0  }
0x2b9: {  	v0 =	vunpack.i.u.bf16.f32 v0;
	[tilespmem:s16+$0xFFFFFFC0] =	vst v1  }
0x2ba: {  	[tilespmem:s16+$0xFFFFFFD0] =	vst v0  }
0x2bb: {  	v0 =	vld [tilespmem:s28+$0x2810];
	_ =	sdelay $0x4  }
0x2bc: {  	v1 =	vunpack.i.l.bf16.f32 v0  }
0x2bd: {  	v0 =	vunpack.i.u.bf16.f32 v0;
	[tilespmem:s16+$0xFFFFFFE0] =	vst v1  }
0x2be: {  	[tilespmem:s16+$0xFFFFFFF0] =	vst v0  }
0x2bf: {  	v0 =	vld [tilespmem:s28+$0x2820];
	_ =	sdelay $0x4  }
0x2c0: {  	v1 =	vunpack.i.u.bf16.f32 v0  }
0x2c1: {  	v0 =	vunpack.i.l.bf16.f32 v0;
	[tilespmem:s16+$0x10] =	vst v1  }
0x2c2: {  	[tilespmem:s16+$0x0] =	vst v0  }
0x2c3: {  	v0 =	vld [tilespmem:s28+$0x2830];
	_ =	sdelay $0x4  }
0x2c4: {  	v1 =	vunpack.i.l.bf16.f32 v0  }
0x2c5: {  	v0 =	vunpack.i.u.bf16.f32 v0;
	[tilespmem:s16+$0x20] =	vst v1  }
0x2c6: {  	s21 =	simm.s32 $0x40;
	[tilespmem:s16+$0x30] =	vst v0  }
0x2c7: {  	v0 =	vld [tilespmem:s21+$0x2800]  }
0x2c8: {  	s2 =	simm.s32 $0x200  }
.LBB2_23:
0x2c9: {  	p1 =	sne.s32 s2, $0x3F00;
	_ =	sdelay $0x2  }
0x2ca: {  	s16 =	sadd.s32 $0x80, s16;
	v1 =	vunpack.i.l.bf16.f32 v0  }
0x2cb: {  	v0 =	vunpack.i.u.bf16.f32 v0;
	[tilespmem:s16+$0xFFFFFFC0] =	vst v1  }
0x2cc: {  	[tilespmem:s16+$0xFFFFFFD0] =	vst v0  }
0x2cd: {  	v0 =	vld [tilespmem:s21+$0x2810];
	_ =	sdelay $0x4  }
0x2ce: {  	v1 =	vunpack.i.l.bf16.f32 v0  }
0x2cf: {  	v0 =	vunpack.i.u.bf16.f32 v0;
	[tilespmem:s16+$0xFFFFFFE0] =	vst v1  }
0x2d0: {  	[tilespmem:s16+$0xFFFFFFF0] =	vst v0  }
0x2d1: {  	v0 =	vld [tilespmem:s21+$0x2820];
	_ =	sdelay $0x4  }
0x2d2: {  	v1 =	vunpack.i.u.bf16.f32 v0;
	v0 =	vunpack.i.l.bf16.f32 v0  }
0x2d3: {  	[tilespmem:s16+$0x10] =	vst v1  }
0x2d4: {  	[tilespmem:s16+$0x0] =	vst v0  }
0x2d5: {  	v0 =	vld [tilespmem:s21+$0x2830];
	_ =	sdelay $0x4  }
.Ltmp12:
0x2d6: {  	v1 =	vunpack.i.u.bf16.f32 v0;
	v0 =	vunpack.i.l.bf16.f32 v0;
	(pc) =	sbr.rel @p1 .LBB2_23-.Ltmp12, $4  }
0x2d7: {  	[tilespmem:s16+$0x20] =	vst v0  }
0x2d8: {  	s21 =	sshra.s32 s2, $0x2;
	[tilespmem:s16+$0x30] =	vst v1  }
0x2d9: {  	v0 =	vld [tilespmem:s21+$0x2800]  }
0x2da: {  	s2 =	sadd.s32 $0x100, s2  }
0x2db: {  	_ =	sdelay $0x2  }
0x2dc: {  	s2 =	sadd.s32 $0x80, s16;
	v1 =	vunpack.i.l.bf16.f32 v0  }
0x2dd: {  	v0 =	vunpack.i.u.bf16.f32 v0;
	[tilespmem:s2+$0xFFFFFFC0] =	vst v1  }
0x2de: {  	[tilespmem:s2+$0xFFFFFFD0] =	vst v0  }
0x2df: {  	v0 =	vld [tilespmem:s21+$0x2810];
	_ =	sdelay $0x4  }
0x2e0: {  	v1 =	vunpack.i.l.bf16.f32 v0  }
0x2e1: {  	v0 =	vunpack.i.u.bf16.f32 v0;
	[tilespmem:s2+$0xFFFFFFE0] =	vst v1  }
0x2e2: {  	[tilespmem:s2+$0xFFFFFFF0] =	vst v0  }
0x2e3: {  	v0 =	vld [tilespmem:s21+$0x2820];
	_ =	sdelay $0x4  }
0x2e4: {  	v1 =	vunpack.i.u.bf16.f32 v0  }
0x2e5: {  	v0 =	vunpack.i.l.bf16.f32 v0;
	[tilespmem:s2+$0x10] =	vst v1  }
0x2e6: {  	[tilespmem:s2+$0x0] =	vst v0  }
0x2e7: {  	v0 =	vld [tilespmem:s21+$0x2830];
	_ =	sdelay $0x4  }
0x2e8: {  	v1 =	vunpack.i.l.bf16.f32 v0  }
0x2e9: {  	v0 =	vunpack.i.u.bf16.f32 v0;
	[tilespmem:s2+$0x20] =	vst v1  }
0x2ea: {  	s16 =	simm.s32 $0x680;
	[tilespmem:s2+$0x30] =	vst v0  }
0x2eb: {  	[spmem:s3] =	stream.indirect.scatter.add.f32 [tilespmem:s26], [sflag:$0x5], $0x80, s16, s18, $0xb8;
	[tilespmem:$0x1C800] =	vst v63  }
0x2ec: {  	s21 =	simm.s32 $0x340  }
0x2ed: {  	[tilespmem:s20], [sflag:$0x2] =	stream.indirect.gather [hbm4b:s1+s18], $0x40, s21, s18, $0xb8;
	[tilespmem:$0x1C800] =	vst v63  }
0x2ee: {  	_ =	swait.ge [sflag:s14], $0x1000  }
0x2ef: {  	[sflag:s14] =	ssyncset.done $0x0  }
0x2f0: {  	[sflag:s14] =	ssyncadd.s32 $0xFFFFF000  }
0x2f1: {  	_ =	swait.ge [sflag:s8], $0x2000  }
0x2f2: {  	[sflag:s8] =	ssyncset.done $0x0  }
0x2f3: {  	s28 =	simm.s32 $0x0;
	[sflag:s8] =	ssyncadd.s32 $0xFFFFE000  }
0x2f4: {  	v0 =	vld [tilespmem:s28+$0x3800];
	_ =	sdelay $0x4  }
0x2f5: {  	s16 =	simm.s32 $0x6870;
	v1 =	vunpack.i.l.bf16.f32 v0  }
0x2f6: {  	v0 =	vunpack.i.u.bf16.f32 v0;
	[tilespmem:s16+$0xFFFFFF90] =	vst v1  }
0x2f7: {  	[tilespmem:s16+$0xFFFFFFA0] =	vst v0  }
0x2f8: {  	v0 =	vld [tilespmem:s28+$0x3810];
	_ =	sdelay $0x4  }
0x2f9: {  	v1 =	vunpack.i.l.bf16.f32 v0  }
0x2fa: {  	v0 =	vunpack.i.u.bf16.f32 v0;
	[tilespmem:s16+$0xFFFFFFB0] =	vst v1  }
0x2fb: {  	[tilespmem:s16+$0xFFFFFFC0] =	vst v0  }
0x2fc: {  	v0 =	vld [tilespmem:s28+$0x3820];
	_ =	sdelay $0x4  }
0x2fd: {  	v1 =	vunpack.i.u.bf16.f32 v0  }
0x2fe: {  	v0 =	vunpack.i.l.bf16.f32 v0;
	[tilespmem:s16+$0xFFFFFFE0] =	vst v1  }
0x2ff: {  	[tilespmem:s16+$0xFFFFFFD0] =	vst v0  }
0x300: {  	v0 =	vld [tilespmem:s28+$0x3830];
	_ =	sdelay $0x4  }
0x301: {  	v1 =	vunpack.i.l.bf16.f32 v0  }
0x302: {  	v0 =	vunpack.i.u.bf16.f32 v0;
	[tilespmem:s16+$0xFFFFFFF0] =	vst v1  }
0x303: {  	s21 =	simm.s32 $0x40;
	[tilespmem:s16+$0x0] =	vst v0  }
0x304: {  	v0 =	vld [tilespmem:s21+$0x3800]  }
0x305: {  	s2 =	simm.s32 $0x200  }
.LBB2_25:
0x306: {  	p1 =	sne.s32 s2, $0x3F00;
	_ =	sdelay $0x2  }
0x307: {  	s16 =	sadd.s32 $0x80, s16;
	v1 =	vunpack.i.l.bf16.f32 v0  }
0x308: {  	v0 =	vunpack.i.u.bf16.f32 v0;
	[tilespmem:s16+$0xFFFFFF90] =	vst v1  }
0x309: {  	[tilespmem:s16+$0xFFFFFFA0] =	vst v0  }
0x30a: {  	v0 =	vld [tilespmem:s21+$0x3810];
	_ =	sdelay $0x4  }
0x30b: {  	v1 =	vunpack.i.l.bf16.f32 v0  }
0x30c: {  	v0 =	vunpack.i.u.bf16.f32 v0;
	[tilespmem:s16+$0xFFFFFFB0] =	vst v1  }
0x30d: {  	[tilespmem:s16+$0xFFFFFFC0] =	vst v0  }
0x30e: {  	v0 =	vld [tilespmem:s21+$0x3820];
	_ =	sdelay $0x4  }
0x30f: {  	v1 =	vunpack.i.u.bf16.f32 v0;
	v0 =	vunpack.i.l.bf16.f32 v0  }
0x310: {  	[tilespmem:s16+$0xFFFFFFE0] =	vst v1  }
0x311: {  	[tilespmem:s16+$0xFFFFFFD0] =	vst v0  }
0x312: {  	v0 =	vld [tilespmem:s21+$0x3830];
	_ =	sdelay $0x4  }
.Ltmp13:
0x313: {  	v1 =	vunpack.i.u.bf16.f32 v0;
	v0 =	vunpack.i.l.bf16.f32 v0;
	(pc) =	sbr.rel @p1 .LBB2_25-.Ltmp13, $4  }
0x314: {  	[tilespmem:s16+$0xFFFFFFF0] =	vst v0  }
0x315: {  	s21 =	sshra.s32 s2, $0x2;
	[tilespmem:s16+$0x0] =	vst v1  }
0x316: {  	v0 =	vld [tilespmem:s21+$0x3800]  }
0x317: {  	s2 =	sadd.s32 $0x100, s2  }
0x318: {  	_ =	sdelay $0x2  }
0x319: {  	s2 =	sadd.s32 $0x80, s16;
	v1 =	vunpack.i.l.bf16.f32 v0  }
0x31a: {  	v0 =	vunpack.i.u.bf16.f32 v0;
	[tilespmem:s2+$0xFFFFFF90] =	vst v1  }
0x31b: {  	[tilespmem:s2+$0xFFFFFFA0] =	vst v0  }
0x31c: {  	v0 =	vld [tilespmem:s21+$0x3810];
	_ =	sdelay $0x4  }
0x31d: {  	v1 =	vunpack.i.l.bf16.f32 v0  }
0x31e: {  	v0 =	vunpack.i.u.bf16.f32 v0;
	[tilespmem:s2+$0xFFFFFFB0] =	vst v1  }
0x31f: {  	[tilespmem:s2+$0xFFFFFFC0] =	vst v0  }
0x320: {  	v0 =	vld [tilespmem:s21+$0x3820];
	_ =	sdelay $0x4  }
0x321: {  	v1 =	vunpack.i.u.bf16.f32 v0  }
0x322: {  	v0 =	vunpack.i.l.bf16.f32 v0;
	[tilespmem:s2+$0xFFFFFFE0] =	vst v1  }
0x323: {  	[tilespmem:s2+$0xFFFFFFD0] =	vst v0  }
0x324: {  	v0 =	vld [tilespmem:s21+$0x3830];
	_ =	sdelay $0x4  }
0x325: {  	v1 =	vunpack.i.l.bf16.f32 v0  }
0x326: {  	v0 =	vunpack.i.u.bf16.f32 v0;
	[tilespmem:s2+$0xFFFFFFF0] =	vst v1  }
0x327: {  	s16 =	simm.s32 $0x6C0;
	[tilespmem:s2+$0x0] =	vst v0  }
0x328: {  	[spmem:s3] =	stream.indirect.scatter.add.f32 [tilespmem:s0], [sflag:$0x6], $0x80, s16, s18, $0xb8;
	[tilespmem:$0x1C800] =	vst v63  }
0x329: {  	s21 =	simm.s32 $0x380  }
0x32a: {  	[tilespmem:s22], [sflag:$0x3] =	stream.indirect.gather [hbm4b:s1+s18], $0x40, s21, s18, $0xb8;
	[tilespmem:$0x1C800] =	vst v63  }
0x32b: {  	_ =	swait.ge [sflag:s25], $0x1000  }
0x32c: {  	[sflag:s25] =	ssyncset.done $0x0  }
0x32d: {  	[sflag:s25] =	ssyncadd.s32 $0xFFFFF000  }
0x32e: {  	_ =	swait.ge [sflag:s9], $0x2000  }
0x32f: {  	[sflag:s9] =	ssyncset.done $0x0  }
0x330: {  	s28 =	simm.s32 $0x0;
	[sflag:s9] =	ssyncadd.s32 $0xFFFFE000  }
0x331: {  	v0 =	vld [tilespmem:s28+$0x800];
	_ =	sdelay $0x4  }
0x332: {  	s16 =	simm.s32 $0x4840;
	v1 =	vunpack.i.l.bf16.f32 v0  }
0x333: {  	v0 =	vunpack.i.u.bf16.f32 v0;
	[tilespmem:s16+$0xFFFFFFC0] =	vst v1  }
0x334: {  	[tilespmem:s16+$0xFFFFFFD0] =	vst v0  }
0x335: {  	v0 =	vld [tilespmem:s28+$0x810];
	_ =	sdelay $0x4  }
0x336: {  	v1 =	vunpack.i.l.bf16.f32 v0  }
0x337: {  	v0 =	vunpack.i.u.bf16.f32 v0;
	[tilespmem:s16+$0xFFFFFFE0] =	vst v1  }
0x338: {  	[tilespmem:s16+$0xFFFFFFF0] =	vst v0  }
0x339: {  	v0 =	vld [tilespmem:s28+$0x820];
	_ =	sdelay $0x4  }
0x33a: {  	v1 =	vunpack.i.u.bf16.f32 v0  }
0x33b: {  	v0 =	vunpack.i.l.bf16.f32 v0;
	[tilespmem:s16+$0x10] =	vst v1  }
0x33c: {  	[tilespmem:s16+$0x0] =	vst v0  }
0x33d: {  	v0 =	vld [tilespmem:s28+$0x830];
	_ =	sdelay $0x4  }
0x33e: {  	v1 =	vunpack.i.l.bf16.f32 v0  }
0x33f: {  	v0 =	vunpack.i.u.bf16.f32 v0;
	[tilespmem:s16+$0x20] =	vst v1  }
0x340: {  	s21 =	simm.s32 $0x40;
	[tilespmem:s16+$0x30] =	vst v0  }
0x341: {  	v0 =	vld [tilespmem:s21+$0x800]  }
0x342: {  	s2 =	simm.s32 $0x200  }
.LBB2_27:
0x343: {  	p1 =	sne.s32 s2, $0x3F00;
	_ =	sdelay $0x2  }
0x344: {  	s16 =	sadd.s32 $0x80, s16;
	v1 =	vunpack.i.l.bf16.f32 v0  }
0x345: {  	v0 =	vunpack.i.u.bf16.f32 v0;
	[tilespmem:s16+$0xFFFFFFC0] =	vst v1  }
0x346: {  	[tilespmem:s16+$0xFFFFFFD0] =	vst v0  }
0x347: {  	v0 =	vld [tilespmem:s21+$0x810];
	_ =	sdelay $0x4  }
0x348: {  	v1 =	vunpack.i.l.bf16.f32 v0  }
0x349: {  	v0 =	vunpack.i.u.bf16.f32 v0;
	[tilespmem:s16+$0xFFFFFFE0] =	vst v1  }
0x34a: {  	[tilespmem:s16+$0xFFFFFFF0] =	vst v0  }
0x34b: {  	v0 =	vld [tilespmem:s21+$0x820];
	_ =	sdelay $0x4  }
0x34c: {  	v1 =	vunpack.i.u.bf16.f32 v0;
	v0 =	vunpack.i.l.bf16.f32 v0  }
0x34d: {  	[tilespmem:s16+$0x10] =	vst v1  }
0x34e: {  	[tilespmem:s16+$0x0] =	vst v0  }
0x34f: {  	v0 =	vld [tilespmem:s21+$0x830];
	_ =	sdelay $0x4  }
.Ltmp14:
0x350: {  	v1 =	vunpack.i.u.bf16.f32 v0;
	v0 =	vunpack.i.l.bf16.f32 v0;
	(pc) =	sbr.rel @p1 .LBB2_27-.Ltmp14, $4  }
0x351: {  	[tilespmem:s16+$0x20] =	vst v0  }
0x352: {  	s21 =	sshra.s32 s2, $0x2;
	[tilespmem:s16+$0x30] =	vst v1  }
0x353: {  	v0 =	vld [tilespmem:s21+$0x800]  }
0x354: {  	s2 =	sadd.s32 $0x100, s2  }
0x355: {  	_ =	sdelay $0x2  }
0x356: {  	s2 =	sadd.s32 $0x80, s16;
	v1 =	vunpack.i.l.bf16.f32 v0  }
0x357: {  	v0 =	vunpack.i.u.bf16.f32 v0;
	[tilespmem:s2+$0xFFFFFFC0] =	vst v1  }
0x358: {  	[tilespmem:s2+$0xFFFFFFD0] =	vst v0  }
0x359: {  	v0 =	vld [tilespmem:s21+$0x810];
	_ =	sdelay $0x4  }
0x35a: {  	v1 =	vunpack.i.l.bf16.f32 v0  }
0x35b: {  	v0 =	vunpack.i.u.bf16.f32 v0;
	[tilespmem:s2+$0xFFFFFFE0] =	vst v1  }
0x35c: {  	[tilespmem:s2+$0xFFFFFFF0] =	vst v0  }
0x35d: {  	v0 =	vld [tilespmem:s21+$0x820];
	_ =	sdelay $0x4  }
0x35e: {  	v1 =	vunpack.i.u.bf16.f32 v0  }
0x35f: {  	v0 =	vunpack.i.l.bf16.f32 v0;
	[tilespmem:s2+$0x10] =	vst v1  }
0x360: {  	[tilespmem:s2+$0x0] =	vst v0  }
0x361: {  	v0 =	vld [tilespmem:s21+$0x830];
	_ =	sdelay $0x4  }
0x362: {  	v1 =	vunpack.i.l.bf16.f32 v0  }
0x363: {  	v0 =	vunpack.i.u.bf16.f32 v0;
	[tilespmem:s2+$0x20] =	vst v1  }
0x364: {  	s16 =	simm.s32 $0x700;
	[tilespmem:s2+$0x30] =	vst v0  }
0x365: {  	[spmem:s3] =	stream.indirect.scatter.add.f32 [tilespmem:s26], [sflag:$0x5], $0x80, s16, s18, $0xb8;
	[tilespmem:$0x1C800] =	vst v63  }
0x366: {  	s21 =	simm.s32 $0x3C0;
	s2 =	simm.s32 @!p0 $0x7  }
0x367: {  	[tilespmem:s29], [sflag:$0x4] =	stream.indirect.gather [hbm4b:s1+s18], $0x40, s21, s18, $0xb8;
	[tilespmem:$0x1C800] =	vst v63  }
0x368: {  	_ =	swait.ge @!p0 [sflag:s2], $0x200  }
0x369: {  	[sflag:s2] =	ssyncset.done @!p0 $0x0  }
0x36a: {  	[sflag:s2] =	ssyncadd.s32 @!p0 $0xFFFFFE00  }
0x36b: {  	_ =	swait.ge @!p0 [sflag:s2], $0x200  }
0x36c: {  	[sflag:s2] =	ssyncset.done @!p0 $0x0  }
0x36d: {  	[sflag:s2] =	ssyncadd.s32 @!p0 $0xFFFFFE00  }
0x36e: {  	_ =	swait.ge [sflag:s30], $0x1000  }
0x36f: {  	[sflag:s30] =	ssyncset.done $0x0  }
0x370: {  	[sflag:s30] =	ssyncadd.s32 $0xFFFFF000  }
0x371: {  	_ =	swait.ge [sflag:s8], $0x2000  }
0x372: {  	[sflag:s8] =	ssyncset.done $0x0  }
0x373: {  	s28 =	simm.s32 $0x0;
	[sflag:s8] =	ssyncadd.s32 $0xFFFFE000  }
0x374: {  	v0 =	vld [tilespmem:s28+$0x1800];
	_ =	sdelay $0x4  }
0x375: {  	s16 =	simm.s32 $0x6870;
	v1 =	vunpack.i.l.bf16.f32 v0  }
0x376: {  	v0 =	vunpack.i.u.bf16.f32 v0;
	[tilespmem:s16+$0xFFFFFF90] =	vst v1  }
0x377: {  	[tilespmem:s16+$0xFFFFFFA0] =	vst v0  }
0x378: {  	v0 =	vld [tilespmem:s28+$0x1810];
	_ =	sdelay $0x4  }
0x379: {  	v1 =	vunpack.i.l.bf16.f32 v0  }
0x37a: {  	v0 =	vunpack.i.u.bf16.f32 v0;
	[tilespmem:s16+$0xFFFFFFB0] =	vst v1  }
0x37b: {  	[tilespmem:s16+$0xFFFFFFC0] =	vst v0  }
0x37c: {  	v0 =	vld [tilespmem:s28+$0x1820];
	_ =	sdelay $0x4  }
0x37d: {  	v1 =	vunpack.i.u.bf16.f32 v0  }
0x37e: {  	v0 =	vunpack.i.l.bf16.f32 v0;
	[tilespmem:s16+$0xFFFFFFE0] =	vst v1  }
0x37f: {  	[tilespmem:s16+$0xFFFFFFD0] =	vst v0  }
0x380: {  	v0 =	vld [tilespmem:s28+$0x1830];
	_ =	sdelay $0x4  }
0x381: {  	v1 =	vunpack.i.l.bf16.f32 v0  }
0x382: {  	v0 =	vunpack.i.u.bf16.f32 v0;
	[tilespmem:s16+$0xFFFFFFF0] =	vst v1  }
0x383: {  	s21 =	simm.s32 $0x40;
	[tilespmem:s16+$0x0] =	vst v0  }
0x384: {  	v0 =	vld [tilespmem:s21+$0x1800]  }
0x385: {  	s2 =	simm.s32 $0x200  }
.LBB2_29:
0x386: {  	p1 =	sne.s32 s2, $0x3F00;
	_ =	sdelay $0x2  }
0x387: {  	s16 =	sadd.s32 $0x80, s16;
	v1 =	vunpack.i.l.bf16.f32 v0  }
0x388: {  	v0 =	vunpack.i.u.bf16.f32 v0;
	[tilespmem:s16+$0xFFFFFF90] =	vst v1  }
0x389: {  	[tilespmem:s16+$0xFFFFFFA0] =	vst v0  }
0x38a: {  	v0 =	vld [tilespmem:s21+$0x1810];
	_ =	sdelay $0x4  }
0x38b: {  	v1 =	vunpack.i.l.bf16.f32 v0  }
0x38c: {  	v0 =	vunpack.i.u.bf16.f32 v0;
	[tilespmem:s16+$0xFFFFFFB0] =	vst v1  }
0x38d: {  	[tilespmem:s16+$0xFFFFFFC0] =	vst v0  }
0x38e: {  	v0 =	vld [tilespmem:s21+$0x1820];
	_ =	sdelay $0x4  }
0x38f: {  	v1 =	vunpack.i.u.bf16.f32 v0;
	v0 =	vunpack.i.l.bf16.f32 v0  }
0x390: {  	[tilespmem:s16+$0xFFFFFFE0] =	vst v1  }
0x391: {  	[tilespmem:s16+$0xFFFFFFD0] =	vst v0  }
0x392: {  	v0 =	vld [tilespmem:s21+$0x1830];
	_ =	sdelay $0x4  }
.Ltmp15:
0x393: {  	v1 =	vunpack.i.u.bf16.f32 v0;
	v0 =	vunpack.i.l.bf16.f32 v0;
	(pc) =	sbr.rel @p1 .LBB2_29-.Ltmp15, $4  }
0x394: {  	[tilespmem:s16+$0xFFFFFFF0] =	vst v0  }
0x395: {  	s21 =	sshra.s32 s2, $0x2;
	[tilespmem:s16+$0x0] =	vst v1  }
0x396: {  	v0 =	vld [tilespmem:s21+$0x1800]  }
0x397: {  	s2 =	sadd.s32 $0x100, s2  }
0x398: {  	_ =	sdelay $0x2  }
0x399: {  	s2 =	sadd.s32 $0x80, s16;
	v1 =	vunpack.i.l.bf16.f32 v0  }
0x39a: {  	v0 =	vunpack.i.u.bf16.f32 v0;
	[tilespmem:s2+$0xFFFFFF90] =	vst v1  }
0x39b: {  	[tilespmem:s2+$0xFFFFFFA0] =	vst v0  }
0x39c: {  	v0 =	vld [tilespmem:s21+$0x1810];
	_ =	sdelay $0x4  }
0x39d: {  	v1 =	vunpack.i.l.bf16.f32 v0  }
0x39e: {  	v0 =	vunpack.i.u.bf16.f32 v0;
	[tilespmem:s2+$0xFFFFFFB0] =	vst v1  }
0x39f: {  	[tilespmem:s2+$0xFFFFFFC0] =	vst v0  }
0x3a0: {  	v0 =	vld [tilespmem:s21+$0x1820];
	_ =	sdelay $0x4  }
0x3a1: {  	v1 =	vunpack.i.u.bf16.f32 v0  }
0x3a2: {  	v0 =	vunpack.i.l.bf16.f32 v0;
	[tilespmem:s2+$0xFFFFFFE0] =	vst v1  }
0x3a3: {  	[tilespmem:s2+$0xFFFFFFD0] =	vst v0  }
0x3a4: {  	v0 =	vld [tilespmem:s21+$0x1830];
	_ =	sdelay $0x4  }
0x3a5: {  	v1 =	vunpack.i.l.bf16.f32 v0  }
0x3a6: {  	v0 =	vunpack.i.u.bf16.f32 v0;
	[tilespmem:s2+$0xFFFFFFF0] =	vst v1  }
0x3a7: {  	s21 =	simm.s32 $0x740;
	[tilespmem:s2+$0x0] =	vst v0  }
0x3a8: {  	[spmem:s3] =	stream.indirect.scatter.add.f32 [tilespmem:s0], [sflag:$0x6], $0x80, s21, s18, $0xb8;
	[tilespmem:$0x1C800] =	vst v63  }
0x3a9: {  	s16 =	simm.s32 @!p0 $0x0;
	s2 =	simm.s32 @!p0 $0x40;
	s21 =	simm.s32 @!p0 $0x800  }
0x3aa: {  	[tilespmem:s21], [sflag:$0x1] =	stream.indirect.gather @!p0 [hbm4b:s1+s2], $0x40, s16, s2, $0xb8;
	[tilespmem:$0x1C800] =	vst v63  }
0x3ab: {  	_ =	swait.ge [sflag:s7], $0x1000  }
0x3ac: {  	[sflag:s7] =	ssyncset.done $0x0  }
0x3ad: {  	[sflag:s7] =	ssyncadd.s32 $0xFFFFF000  }
0x3ae: {  	_ =	swait.ge [sflag:s9], $0x2000  }
0x3af: {  	[sflag:s9] =	ssyncset.done $0x0  }
0x3b0: {  	s28 =	simm.s32 $0x0;
	[sflag:s9] =	ssyncadd.s32 $0xFFFFE000  }
0x3b1: {  	v0 =	vld [tilespmem:s28+$0x2800];
	_ =	sdelay $0x4  }
0x3b2: {  	s16 =	simm.s32 $0x4840;
	v1 =	vunpack.i.l.bf16.f32 v0  }
0x3b3: {  	v0 =	vunpack.i.u.bf16.f32 v0;
	[tilespmem:s16+$0xFFFFFFC0] =	vst v1  }
0x3b4: {  	[tilespmem:s16+$0xFFFFFFD0] =	vst v0  }
0x3b5: {  	v0 =	vld [tilespmem:s28+$0x2810];
	_ =	sdelay $0x4  }
0x3b6: {  	v1 =	vunpack.i.l.bf16.f32 v0  }
0x3b7: {  	v0 =	vunpack.i.u.bf16.f32 v0;
	[tilespmem:s16+$0xFFFFFFE0] =	vst v1  }
0x3b8: {  	[tilespmem:s16+$0xFFFFFFF0] =	vst v0  }
0x3b9: {  	v0 =	vld [tilespmem:s28+$0x2820];
	_ =	sdelay $0x4  }
0x3ba: {  	v1 =	vunpack.i.u.bf16.f32 v0  }
0x3bb: {  	v0 =	vunpack.i.l.bf16.f32 v0;
	[tilespmem:s16+$0x10] =	vst v1  }
0x3bc: {  	[tilespmem:s16+$0x0] =	vst v0  }
0x3bd: {  	v0 =	vld [tilespmem:s28+$0x2830];
	_ =	sdelay $0x4  }
0x3be: {  	v1 =	vunpack.i.l.bf16.f32 v0  }
0x3bf: {  	v0 =	vunpack.i.u.bf16.f32 v0;
	[tilespmem:s16+$0x20] =	vst v1  }
0x3c0: {  	s21 =	simm.s32 $0x40;
	[tilespmem:s16+$0x30] =	vst v0  }
0x3c1: {  	v0 =	vld [tilespmem:s21+$0x2800]  }
0x3c2: {  	s2 =	simm.s32 $0x200  }
.LBB2_31:
0x3c3: {  	p1 =	sne.s32 s2, $0x3F00;
	_ =	sdelay $0x2  }
0x3c4: {  	s16 =	sadd.s32 $0x80, s16;
	v1 =	vunpack.i.l.bf16.f32 v0  }
0x3c5: {  	v0 =	vunpack.i.u.bf16.f32 v0;
	[tilespmem:s16+$0xFFFFFFC0] =	vst v1  }
0x3c6: {  	[tilespmem:s16+$0xFFFFFFD0] =	vst v0  }
0x3c7: {  	v0 =	vld [tilespmem:s21+$0x2810];
	_ =	sdelay $0x4  }
0x3c8: {  	v1 =	vunpack.i.l.bf16.f32 v0  }
0x3c9: {  	v0 =	vunpack.i.u.bf16.f32 v0;
	[tilespmem:s16+$0xFFFFFFE0] =	vst v1  }
0x3ca: {  	[tilespmem:s16+$0xFFFFFFF0] =	vst v0  }
0x3cb: {  	v0 =	vld [tilespmem:s21+$0x2820];
	_ =	sdelay $0x4  }
0x3cc: {  	v1 =	vunpack.i.u.bf16.f32 v0;
	v0 =	vunpack.i.l.bf16.f32 v0  }
0x3cd: {  	[tilespmem:s16+$0x10] =	vst v1  }
0x3ce: {  	[tilespmem:s16+$0x0] =	vst v0  }
0x3cf: {  	v0 =	vld [tilespmem:s21+$0x2830];
	_ =	sdelay $0x4  }
.Ltmp16:
0x3d0: {  	v1 =	vunpack.i.u.bf16.f32 v0;
	v0 =	vunpack.i.l.bf16.f32 v0;
	(pc) =	sbr.rel @p1 .LBB2_31-.Ltmp16, $4  }
0x3d1: {  	[tilespmem:s16+$0x20] =	vst v0  }
0x3d2: {  	s21 =	sshra.s32 s2, $0x2;
	[tilespmem:s16+$0x30] =	vst v1  }
0x3d3: {  	v0 =	vld [tilespmem:s21+$0x2800]  }
0x3d4: {  	s2 =	sadd.s32 $0x100, s2  }
0x3d5: {  	_ =	sdelay $0x2  }
0x3d6: {  	s2 =	sadd.s32 $0x80, s16;
	v1 =	vunpack.i.l.bf16.f32 v0  }
0x3d7: {  	v0 =	vunpack.i.u.bf16.f32 v0;
	[tilespmem:s2+$0xFFFFFFC0] =	vst v1  }
0x3d8: {  	[tilespmem:s2+$0xFFFFFFD0] =	vst v0  }
0x3d9: {  	v0 =	vld [tilespmem:s21+$0x2810];
	_ =	sdelay $0x4  }
0x3da: {  	v1 =	vunpack.i.l.bf16.f32 v0  }
0x3db: {  	v0 =	vunpack.i.u.bf16.f32 v0;
	[tilespmem:s2+$0xFFFFFFE0] =	vst v1  }
0x3dc: {  	[tilespmem:s2+$0xFFFFFFF0] =	vst v0  }
0x3dd: {  	v0 =	vld [tilespmem:s21+$0x2820];
	_ =	sdelay $0x4  }
0x3de: {  	v1 =	vunpack.i.u.bf16.f32 v0  }
0x3df: {  	v0 =	vunpack.i.l.bf16.f32 v0;
	[tilespmem:s2+$0x10] =	vst v1  }
0x3e0: {  	[tilespmem:s2+$0x0] =	vst v0  }
0x3e1: {  	v0 =	vld [tilespmem:s21+$0x2830];
	_ =	sdelay $0x4  }
0x3e2: {  	v1 =	vunpack.i.l.bf16.f32 v0  }
0x3e3: {  	v0 =	vunpack.i.u.bf16.f32 v0;
	[tilespmem:s2+$0x20] =	vst v1  }
0x3e4: {  	[tilespmem:s2+$0x30] =	vst v0  }
0x3e5: {  	[spmem:s3] =	stream.indirect.scatter.add.f32 [tilespmem:s26], [sflag:$0x5], $0x80, s10, s18, $0xb8;
	[tilespmem:$0x1C800] =	vst v63  }
0x3e6: {  	s16 =	simm.s32 @!p0 $0x1800;
	s2 =	simm.s32 @!p0 $0x40  }
0x3e7: {  	[tilespmem:s16], [sflag:$0x2] =	stream.indirect.gather @!p0 [hbm4b:s1+s2], $0x40, s2, s2, $0xb8;
	[tilespmem:$0x1C800] =	vst v63  }
0x3e8: {  	_ =	swait.ge [sflag:s14], $0x1000  }
0x3e9: {  	[sflag:s14] =	ssyncset.done $0x0  }
0x3ea: {  	[sflag:s14] =	ssyncadd.s32 $0xFFFFF000  }
0x3eb: {  	_ =	swait.ge [sflag:s8], $0x2000  }
0x3ec: {  	[sflag:s8] =	ssyncset.done $0x0  }
0x3ed: {  	s28 =	simm.s32 $0x0;
	[sflag:s8] =	ssyncadd.s32 $0xFFFFE000  }
0x3ee: {  	v0 =	vld [tilespmem:s28+$0x3800];
	_ =	sdelay $0x4  }
0x3ef: {  	s16 =	simm.s32 $0x6870;
	v1 =	vunpack.i.l.bf16.f32 v0  }
0x3f0: {  	v0 =	vunpack.i.u.bf16.f32 v0;
	[tilespmem:s16+$0xFFFFFF90] =	vst v1  }
0x3f1: {  	[tilespmem:s16+$0xFFFFFFA0] =	vst v0  }
0x3f2: {  	v0 =	vld [tilespmem:s28+$0x3810];
	_ =	sdelay $0x4  }
0x3f3: {  	v1 =	vunpack.i.l.bf16.f32 v0  }
0x3f4: {  	v0 =	vunpack.i.u.bf16.f32 v0;
	[tilespmem:s16+$0xFFFFFFB0] =	vst v1  }
0x3f5: {  	[tilespmem:s16+$0xFFFFFFC0] =	vst v0  }
0x3f6: {  	v0 =	vld [tilespmem:s28+$0x3820];
	_ =	sdelay $0x4  }
0x3f7: {  	v1 =	vunpack.i.u.bf16.f32 v0  }
0x3f8: {  	v0 =	vunpack.i.l.bf16.f32 v0;
	[tilespmem:s16+$0xFFFFFFE0] =	vst v1  }
0x3f9: {  	[tilespmem:s16+$0xFFFFFFD0] =	vst v0  }
0x3fa: {  	v0 =	vld [tilespmem:s28+$0x3830];
	_ =	sdelay $0x4  }
0x3fb: {  	v1 =	vunpack.i.l.bf16.f32 v0  }
0x3fc: {  	v0 =	vunpack.i.u.bf16.f32 v0;
	[tilespmem:s16+$0xFFFFFFF0] =	vst v1  }
0x3fd: {  	s21 =	simm.s32 $0x40;
	[tilespmem:s16+$0x0] =	vst v0  }
0x3fe: {  	v0 =	vld [tilespmem:s21+$0x3800]  }
0x3ff: {  	s2 =	simm.s32 $0x200  }
.LBB2_33:
0x400: {  	p1 =	sne.s32 s2, $0x3F00;
	_ =	sdelay $0x2  }
0x401: {  	s16 =	sadd.s32 $0x80, s16;
	v1 =	vunpack.i.l.bf16.f32 v0  }
0x402: {  	v0 =	vunpack.i.u.bf16.f32 v0;
	[tilespmem:s16+$0xFFFFFF90] =	vst v1  }
0x403: {  	[tilespmem:s16+$0xFFFFFFA0] =	vst v0  }
0x404: {  	v0 =	vld [tilespmem:s21+$0x3810];
	_ =	sdelay $0x4  }
0x405: {  	v1 =	vunpack.i.l.bf16.f32 v0  }
0x406: {  	v0 =	vunpack.i.u.bf16.f32 v0;
	[tilespmem:s16+$0xFFFFFFB0] =	vst v1  }
0x407: {  	[tilespmem:s16+$0xFFFFFFC0] =	vst v0  }
0x408: {  	v0 =	vld [tilespmem:s21+$0x3820];
	_ =	sdelay $0x4  }
0x409: {  	v1 =	vunpack.i.u.bf16.f32 v0;
	v0 =	vunpack.i.l.bf16.f32 v0  }
0x40a: {  	[tilespmem:s16+$0xFFFFFFE0] =	vst v1  }
0x40b: {  	[tilespmem:s16+$0xFFFFFFD0] =	vst v0  }
0x40c: {  	v0 =	vld [tilespmem:s21+$0x3830];
	_ =	sdelay $0x4  }
.Ltmp17:
0x40d: {  	v1 =	vunpack.i.u.bf16.f32 v0;
	v0 =	vunpack.i.l.bf16.f32 v0;
	(pc) =	sbr.rel @p1 .LBB2_33-.Ltmp17, $4  }
0x40e: {  	[tilespmem:s16+$0xFFFFFFF0] =	vst v0  }
0x40f: {  	s21 =	sshra.s32 s2, $0x2;
	[tilespmem:s16+$0x0] =	vst v1  }
0x410: {  	v0 =	vld [tilespmem:s21+$0x3800]  }
0x411: {  	s2 =	sadd.s32 $0x100, s2  }
0x412: {  	_ =	sdelay $0x2  }
0x413: {  	s2 =	sadd.s32 $0x80, s16;
	v1 =	vunpack.i.l.bf16.f32 v0  }
0x414: {  	v60 =	vunpack.i.u.bf16.f32 v0;
	[tilespmem:s2+$0xFFFFFF90] =	vst v1  }
0x415: {  	[tilespmem:s2+$0xFFFFFFA0] =	vst v60  }
0x416: {  	v0 =	vld [tilespmem:s21+$0x3810];
	_ =	sdelay $0x4  }
0x417: {  	v61 =	vunpack.i.l.bf16.f32 v0  }
0x418: {  	v0 =	vunpack.i.u.bf16.f32 v0;
	[tilespmem:s2+$0xFFFFFFB0] =	vst v61  }
0x419: {  	[tilespmem:s2+$0xFFFFFFC0] =	vst v0  }
0x41a: {  	v0 =	vld [tilespmem:s21+$0x3820];
	_ =	sdelay $0x4  }
0x41b: {  	v62 =	vunpack.i.u.bf16.f32 v0  }
0x41c: {  	v0 =	vunpack.i.l.bf16.f32 v0;
	[tilespmem:s2+$0xFFFFFFE0] =	vst v62  }
0x41d: {  	[tilespmem:s2+$0xFFFFFFD0] =	vst v0  }
0x41e: {  	v0 =	vld [tilespmem:s21+$0x3830];
	_ =	sdelay $0x3  }
.Ltmp18:
0x41f: {  	_ = 	snop;
	(pc) =	sbr.rel @p0 .LBB2_36-.Ltmp18, $4  }
0x420: {  	v63 =	vunpack.i.l.bf16.f32 v0  }
0x421: {  	v0 =	vunpack.i.u.bf16.f32 v0;
	[tilespmem:s2+$0xFFFFFFF0] =	vst v63  }
0x422: {  	[tilespmem:s2+$0x0] =	vst v0  }
0x423: {  	[spmem:s3] =	stream.indirect.scatter.add.f32 [tilespmem:s0], [sflag:$0x6], $0x80, s13, s18, $0xb8;
	[tilespmem:$0x1C800] =	vst v63  }
.Ltmp19:
0x424: {  	(pc) =	sbr.rel .LBB2_2-.Ltmp19, $3  }
0x425: {  	_ =	sdelay $0x1  }
0x426: {  	s2 =	simm.s32 $0x80;
	s15 =	sadd.s32 $0x1, s15  }
0x427: {  	[tilespmem:s22], [sflag:$0x3] =	stream.indirect.gather [hbm4b:s1+s18], $0x40, s2, s18, $0xb8;
	[tilespmem:$0x1C800] =	vst v63  }
.LBB2_37:
0x428: {  	_ =	sfence.sel $0x180000  }
0x429: {  	[bflag:$0x0] =	sbarrier.arrive $0xFFFF  }
0x42a: {  	_ =	strace $0x9000004A  }
0x42b: {  	s0 =	stileid.u32;
	[bflag:$0x2] =	sbarrier.arrive $0xFFFF  }
0x42c: {  	p0 =	sne.s32 s0, $0x0;
	s0 =	rddreg [dreg:$0x3]  }
0x42d: {  	s0 =	sadd.s32 @!p0 $0x100000, s0  }
0x42e: {  	[sflag:s0] =	ssyncadd.tile.s32 @!p0 $0x1;
	_ =	shalt  }
.Lfunc_end2:
_tile_overlayer_lowered:
.L_overlay_start_2:
0x42f: {  	(tag) =	ssettag $0x2  }
0x430: {  	s0 =	rddreg [dreg:$0x0];
	s2 =	stileid.u32  }
0x431: {  	s1 =	rddreg [dreg:$0x1];
	p0 =	sne.s32 s2, $0x0  }
0x432: {  	s3 =	rddreg [dreg:$0x2];
	[bflag:$0x3] =	sbarrier.arrive $0xFFFF;
	s2 =	simm.s32 @!p0 $0x1C09  }
0x433: {  	[timem:s3], [sflag:s2] =	dma.local @!p0 [hbm:s0], s1  }
0x434: {  	s0 =	simm.s32 @!p0 $0x9  }
0x435: {  	_ =	swait.ge @!p0 [sflag:s0], s1  }
0x436: {  	s1 =	ssub.s32 @!p0 $0x0, s1;
	[sflag:s0] =	ssyncset.done @!p0 $0x0  }
0x437: {  	[sflag:s0] =	ssyncadd.s32 @!p0 s1  }
0x438: {  	[bflag:$0x3] =	sbarrier.arrive $0xFFFF  }
0x439: {  	_ =	shalt  }

// kernel: kernel.7.cloned.1.call-start
scs
__scs_entry_jumppad:
0x0: {  	(pc) =	sbr.rel $0x88, $3  }
0x1: {  	(tag) =	ssettag $0x0;
	lr =	simm.s32 $0x1  }
0x2: {  	[smem:$0x3F9B] =	sst lr;
	_ =	strace $0xD0000000  }
0x3: {  	_ = 	snop  }
0x4: {  	_ = 	snop  }
0x5: {  	_ = 	snop  }
0x6: {  	_ = 	snop  }
0x7: {  	_ = 	snop  }
__scs_overlays_trampoline_lowered:
0x8: {  	[smem:$0x3FAA] =	sst s0  }
0x9: {  	[smem:$0x3FAB] =	sst s1  }
0xa: {  	[smem:$0x3FAC] =	sst s2  }
0xb: {  	[smem:$0x3FAD] =	sst s3  }
0xc: {  	[smem:$0x3FAE] =	sst s4  }
0xd: {  	[smem:$0x3FAF] =	sst s5  }
0xe: {  	[smem:$0x3FB0] =	sst s6  }
0xf: {  	[smem:$0x3FB1] =	sst s7  }
0x10: {  	[smem:$0x3FB2] =	sst s8  }
0x11: {  	[smem:$0x3FB3] =	sst s9;
	s0 =	simm.s32 @!p0 $0x0  }
0x12: {  	s1 =	sld [smem:$0x3F99];
	s0 =	simm.s32 @p0 $0x1  }
0x13: {  	[smem:$0x3FB4] =	sst s0;
	s0 =	simm.s32 @!p1 $0x0  }
0x14: {  	s2 =	sld [smem:$0x3F98];
	s0 =	simm.s32 @p1 $0x1  }
0x15: {  	[smem:$0x3FB5] =	sst s0;
	s0 =	simm.s32 @!p2 $0x0  }
0x16: {  	s3 =	sld [smem:$0x3FDB];
	s0 =	simm.s32 @p2 $0x1  }
0x17: {  	s4 =	simm.s32 $0x1BF5;
	[smem:$0x3FB7] =	sst s0  }
0x18: {  	s0 =	sld [smem:$0x3F9A];
	_ =	swait.ge [sflag:s4], $0x0  }
0x19: {  	s7 =	sld [smem:$0x3F9B]  }
0x1a: {  	s8 =	sadd.s32 $0xFFFFE003, lr  }
0x1b: {  	s9 =	sadd.s32 $0xFFFFFEF7, lr;
	s5 =	simm.s32 $0xFFFFFFFF;
	p2 =	slt.u32 s8, $0xFFFFF086  }
0x1c: {  	p1 =	slt.u32 s9, $0xF7A;
	s5 =	simm.s32 @!p2 $0x0  }
0x1d: {  	s5 =	simm.s32 @p1 $0x1;
	p0 =	seq.s32 s7, s2  }
0x1e: {  	s7 =	smul.u32 @!p0 $0xF7A, s2;
	p2 =	seq.s32 @!p0 s5, $0x0  }
0x1f: {  	s9 =	smul.u32 $0xF7A, s1;
	s8 =	simm.s32 @!p0 $0x1BF5;
	p2 =	por !p2, p0  }
0x20: {  	[sflag:s8] =	ssyncset.s32 @!p0 $0xFFFFF086;
	s6 =	sadd.s32 @!p0 s3, s7;
	s7 =	simm.s32 @!p0 $0x108  }
0x21: {  	s3 =	sadd.s32 s3, s9;
	s6 =	sadd.s32 @!p0 $0x88, s6;
	s7 =	simm.s32 @p2 $0x1082  }
0x22: {  	[simem:s7], [sflag:s8] =	dma.local @!p0 [hbm:s6], $0xF7A  }
0x23: {  	s9 =	sor.u32 $0xD0000000, s2;
	s6 =	simm.s32 $0x108;
	_ =	swait.ge @!p0 [sflag:s8], $0x0  }
0x24: {  	s3 =	sadd.s32 $0x88, s3;
	s6 =	simm.s32 @!p1 $0x1082;
	[sflag:s4] =	ssyncset.s32 $0xFFFFF086  }
0x25: {  	[simem:s6], [sflag:s4] =	dma.local [hbm:s3], $0xF7A  }
0x26: {  	[smem:$0x3F9B] =	sst s1;
	(tag) =	ssettag s2;
	_ =	strace s9  }
0x27: {  	s1 =	sld [smem:$0x3FAB]  }
0x28: {  	s2 =	sld [smem:$0x3FAC]  }
0x29: {  	s4 =	sld [smem:$0x3FAE]  }
0x2a: {  	p0 =	seq.s32 s5, $0x0;
	s5 =	sld [smem:$0x3FAF]  }
0x2b: {  	s6 =	sld [smem:$0x3FB0]  }
0x2c: {  	s7 =	sld [smem:$0x3FB1]  }
0x2d: {  	s3 =	simm.s32 $0x108;
	s8 =	sld [smem:$0x3FB2]  }
0x2e: {  	s3 =	simm.s32 @!p0 $0x1082;
	s9 =	sld [smem:$0x3FB3]  }
0x2f: {  	lr =	sadd.s32 s0, s3;
	s0 =	sld [smem:$0x3FAA]  }
0x30: {  	s3 =	sld [smem:$0x3FAD]  }
0x31: {  	[smem:$0x3FB6] =	sst s10  }
0x32: {  	s10 =	sld [smem:$0x3FB4];
	_ =	sdelay $0x3  }
0x33: {  	p0 =	seq.s32 s10, $0x1;
	s10 =	sld [smem:$0x3FB6];
	_ =	sdelay $0x3  }
0x34: {  	[smem:$0x3FB6] =	sst s10  }
0x35: {  	s10 =	sld [smem:$0x3FB5];
	_ =	sdelay $0x3  }
0x36: {  	p1 =	seq.s32 s10, $0x1;
	s10 =	sld [smem:$0x3FB6];
	_ =	sdelay $0x3  }
0x37: {  	[smem:$0x3FB6] =	sst s10  }
0x38: {  	s10 =	sld [smem:$0x3FB7]  }
0x39: {  	_ = 	snop;
	(pc) =	sbr.ind lr, $3  }
0x3a: {  	_ = 	snop  }
0x3b: {  	_ = 	snop  }
0x3c: {  	p2 =	seq.s32 s10, $0x1;
	s10 =	sld [smem:$0x3FB6]  }
0x3d: {  	_ =	shalt  }
0x3e: {  	_ =	shalt  }
0x3f: {  	_ =	shalt  }
0x40: {  	_ =	shalt  }
0x41: {  	_ =	shalt  }
0x42: {  	_ =	shalt  }
0x43: {  	_ =	shalt  }
0x44: {  	_ =	shalt  }
0x45: {  	_ =	shalt  }
0x46: {  	_ =	shalt  }
0x47: {  	_ =	shalt  }
0x48: {  	_ =	shalt  }
0x49: {  	_ =	shalt  }
0x4a: {  	_ =	shalt  }
0x4b: {  	_ =	shalt  }
0x4c: {  	_ =	shalt  }
0x4d: {  	_ =	shalt  }
0x4e: {  	_ =	shalt  }
0x4f: {  	_ =	shalt  }
0x50: {  	_ =	shalt  }
0x51: {  	_ =	shalt  }
0x52: {  	_ =	shalt  }
0x53: {  	_ =	shalt  }
0x54: {  	_ =	shalt  }
0x55: {  	_ =	shalt  }
0x56: {  	_ =	shalt  }
0x57: {  	_ =	shalt  }
0x58: {  	_ =	shalt  }
0x59: {  	_ =	shalt  }
0x5a: {  	_ =	shalt  }
0x5b: {  	_ =	shalt  }
0x5c: {  	_ =	shalt  }
0x5d: {  	_ =	shalt  }
0x5e: {  	_ =	shalt  }
0x5f: {  	_ =	shalt  }
0x60: {  	_ =	shalt  }
0x61: {  	_ =	shalt  }
0x62: {  	_ =	shalt  }
0x63: {  	_ =	shalt  }
0x64: {  	_ =	shalt  }
0x65: {  	_ =	shalt  }
0x66: {  	_ =	shalt  }
0x67: {  	_ =	shalt  }
0x68: {  	_ =	shalt  }
0x69: {  	_ =	shalt  }
0x6a: {  	_ =	shalt  }
0x6b: {  	_ =	shalt  }
0x6c: {  	_ =	shalt  }
0x6d: {  	_ =	shalt  }
0x6e: {  	_ =	shalt  }
0x6f: {  	_ =	shalt  }
0x70: {  	_ =	shalt  }
0x71: {  	_ =	shalt  }
0x72: {  	_ =	shalt  }
0x73: {  	_ =	shalt  }
0x74: {  	_ =	shalt  }
0x75: {  	_ =	shalt  }
0x76: {  	_ =	shalt  }
0x77: {  	_ =	shalt  }
0x78: {  	_ =	shalt  }
0x79: {  	_ =	shalt  }
0x7a: {  	_ =	shalt  }
0x7b: {  	_ =	shalt  }
0x7c: {  	_ =	shalt  }
0x7d: {  	_ =	shalt  }
0x7e: {  	_ =	shalt  }
0x7f: {  	_ =	shalt  }
0x80: {  	_ =	shalt  }
0x81: {  	_ =	shalt  }
0x82: {  	_ =	shalt  }
0x83: {  	_ =	shalt  }
0x84: {  	_ =	shalt  }
0x85: {  	_ =	shalt  }
0x86: {  	_ =	shalt  }
0x87: {  	_ =	shalt  }
.Lfunc_end0:
.L_simem_size_0:
called_computation_lowered:
.L_overlay_start_0:
0x88: {  	s2 =	sld [smem:$0x3FD9]  }
0x89: {  	s3 =	sld [smem:$0x3FFE];
	_ =	sdelay $0x1  }
0x8a: {  	s1 =	srdreg.scid  }
0x8b: {  	s0 =	sand.u32 $0x1, s1  }
0x8c: {  	s17 =	sshll.u32 s0, $0xA;
	s2 =	sadd.s32 s3, s2  }
0x8d: {  	s2 =	sadd.s32 s2, s17  }
0x8e: {  	[smem:$0x3FC2] =	sst s2  }
0x8f: {  	_ = 	snop  }
0x90: {  	s2 =	sld [smem:$0x3FD0];
	(tm) =	ssettm $0x1  }
0x91: {  	s18 =	sld [smem:$0x3FFB];
	_ =	sdelay $0x3  }
0x92: {  	_ =	strace s18  }
0x93: {  	s3 =	sld [smem:$0x3FFC];
	_ =	sdelay $0x3  }
0x94: {  	_ =	strace s3  }
0x95: {  	s3 =	sld [smem:$0x3FFD];
	_ =	sdelay $0x3  }
0x96: {  	_ =	strace s3  }
0x97: {  	_ =	strace $0x8FFFFFFF  }
0x98: {  	s19 =	sld [smem:$0x3FDB];
	_ =	sdelay $0x1  }
0x99: {  	s4 =	simm.s32 $_scs_section_size  }
0x9a: {  	s5 =	simm.s32 $_size__tile_overlayer_lowered;
	s6 =	simm.s32 $_tile_overlayer_lowered  }
0x9b: {  	s22 =	simm.s32 $0x1BFF;
	s21 =	sshll.u32 s6, $0x1;
	s3 =	sadd.s32 s4, s19  }
0x9c: {  	s7 =	simm.s32 $0x0;
	s20 =	sshll.u32 s5, $0x1;
	s5 =	sadd.s32 s21, s3  }
0x9d: {  	[timem:s7], [sflag:s22] =	dma.local [hbm:s5], s20  }
0x9e: {  	_ =	swait.ge [sflag:s22], s20  }
0x9f: {  	s4 =	ssub.s32 $0x0, s20;
	[sflag:s22] =	ssyncset.done $0x0  }
0xa0: {  	[sflag:s22] =	ssyncadd.s32 s4;
	_ =	sdelay $0x1  }
0xa1: {  	s23 =	simm.s32 $0x1B8B  }
0xa2: {  	_ =	swait.ge [sflag:s23], $0x1  }
0xa3: {  	[sflag:s23] =	ssyncset.done $0x0  }
0xa4: {  	s25 =	simm.s32 $0x1B8E;
	s24 =	sld [smem:$0x3FFE];
	[sflag:s23] =	ssyncadd.s32 $0xFFFFFFFF  }
0xa5: {  	s26 =	simm.s32 $execute0_lowered;
	[smem:$0x3FD2] =	sst s25  }
0xa6: {  	s5 =	sshll.u32 s26, $0x1;
	_ =	strace $0x80000046;
	[dreg:$0x1] =	wrdreg $0xFFFFFFFF  }
0xa7: {  	s28 =	simm.s32 $_size_execute0_lowered;
	s3 =	sadd.s32 s3, s5;
	[dreg:$0x0] =	wrdreg $0x0  }
0xa8: {  	s5 =	sshll.u32 s28, $0x1;
	[dreg:$0x2] =	wrdreg s3  }
0xa9: {  	[dreg:$0x3] =	wrdreg s5  }
0xaa: {  	[dreg:$0x4] =	wrdreg $0xC0  }
0xab: {  	_ =	task [dreg:s7], $0x5FFFF  }
0xac: {  	[dreg:$0x1] =	wrdreg $0xFFFFFFFF  }
0xad: {  	[dreg:$0x0] =	wrdreg $0x60  }
0xae: {  	[dreg:$0x2] =	wrdreg s24  }
0xaf: {  	[dreg:$0x3] =	wrdreg s2  }
0xb0: {  	[dreg:$0x4] =	wrdreg $0x9  }
0xb1: {  	_ =	task.clear_ibuf [dreg:s7], $0x5FFFF;
	_ =	strace $0x90000046  }
0xb2: {  	s29 =	simm.s32 $0x9;
	_ =	strace $0x80000048  }
0xb3: {  	_ =	swait.ge [sflag:s29], $0x1  }
0xb4: {  	[sflag:s29] =	ssyncadd.s32 $0xFFFFFFFF  }
0xb5: {  	_ =	strace $0x90000048  }
0xb6: {  	_ =	sfence  }
0xb7: {  	s30 =	sld [smem:$0x0];
	_ =	sdelay $0x2  }
0xb8: {  	s31 =	sshll.u32 s1, $0xD;
	s1 =	sshrl.u32 s1, $0x2  }
0xb9: {  	s3 =	sand.u32 $0x4000, s31;
	s1 =	sadd.s32 s1, s30  }
0xba: {  	s0 =	sor.u32 s3, s0;
	s1 =	sshll.u32 s1, $0x11  }
0xbb: {  	s0 =	sor.u32 s1, s0  }
0xbc: {  	s0 =	sadd.s32 $0x8F2B, s0  }
0xbd: {  	[sflag:s0] =	ssyncadd.remote.s32 $0x1  }
0xbe: {  	_ =	sfence.sel $0xFFFF  }
0xbf: {  	[dreg:$0x0] =	wrdreg $0xFFFFFFFF;
	(pc) =	sbr.abs _section_cstart, $3  }
0xc0: {  	[dreg:$0x1] =	wrdreg $0xFFFFFFFF  }
0xc1: {  	_ =	task.clear_ibuf [dreg:s7], $0x2FFFF;
	_ =	strace $0x9FFFFFFF  }
0xc2: {  	(tm) =	ssettm $0x7FFFFFFF  }
0xc3: {  	_ =	shalt  }
tec
execute0_lowered:
.L_overlay_start_1:
0x0: {  	(tag) =	ssettag $0x1  }
0x1: {  	s1 =	srdreg.scid  }
0x2: {  	s0 =	stileid.u32;
	s3 =	rddreg [dreg:$0x0]  }
0x3: {  	s5 =	rddreg [dreg:$0x1];
	s4 =	sand.u32 $0x1, s1;
	s31 =	sshll.u32 s0, $0x1  }
0x4: {  	s2 =	simm.s32 $0x0;
	s9 =	simm.s32 $0x2800;
	s6 =	sor.u32 s4, s31  }
0x5: {  	s10 =	simm.s32 $0x5000;
	s11 =	simm.s32 $0x7800;
	s6 =	smul.u32 $0x2800, s6  }
0x6: {  	s12 =	simm.s32 $0x0;
	s1 =	rddreg [dreg:$0x2];
	s4 =	ssub.s32 $0x2, s4  }
0x7: {  	[smem:$0x7FF] =	sst s2;
	s7 =	sshrl.u32 s4, $0x1;
	s6 =	sshrl.u32 s6, $0x3  }
0x8: {  	_ =	strace $0x80000047;
	s7 =	ssub.s32 s4, s7;
	s8 =	sadd.s32 s6, s3  }
0x9: {  	s7 =	smax.u32 s7, $0x1;
	s3 =	sadd.s32 s5, s6;
	s4 =	sadd.s32 $0xAA00, s8  }
0xa: {  	v0 =	vimm.f32 $0.0e+00;
	v1 =	vimm.f32 $1.000000000e+00;
	s5 =	sadd.s32 $0xA00, s8;
	s6 =	sadd.s32 $0xA000, s3;
	s8 =	simm.s32 $0x1  }
.LBB2_1:
0xb: {  	[tilespmem:s2], [sflag:$0x1] =	stream.linear.gather [hbm4b:s4+s2], $0x2800, $0x38;
	[tilespmem:$0xA000] =	vst v63  }
0xc: {  	_ =	swait.ge [sflag:s8], $0x2800  }
0xd: {  	[sflag:s8] =	ssyncset.done $0x0  }
0xe: {  	[sflag:s8] =	ssyncadd.s32 $0xFFFFD800  }
0xf: {  	[tilespmem:s9], [sflag:$0x1] =	stream.linear.gather [hbm4b:s5+s2], $0x2800, $0x38;
	[tilespmem:$0xA000] =	vst v63  }
0x10: {  	_ =	swait.ge [sflag:s8], $0x2800  }
0x11: {  	[sflag:s8] =	ssyncset.done $0x0  }
0x12: {  	s13 =	simm.s32 $0x0;
	[sflag:s8] =	ssyncadd.s32 $0xFFFFD800  }
.LBB2_2:
0x13: {  	p0 =	sne.s32 s13, $0x9FC0  }
.Ltmp0:
0x14: {  	_ = 	snop;
	(pc) =	sbr.rel @p0 .LBB2_2-.Ltmp0, $4  }
0x15: {  	_ = 	snop  }
0x16: {  	s14 =	sshra.s32 s13, $0x2  }
0x17: {  	[tilespmem:s14+$0x5000] =	vst v0  }
0x18: {  	s13 =	sadd.s32 $0x40, s13;
	[tilespmem:s14+$0x7800] =	vst v0  }
0x19: {  	s13 =	simm.s32 $0x0  }
.LBB2_4:
0x1a: {  	s14 =	sshra.s32 s13, $0x2  }
0x1b: {  	v2 =	vld [tilespmem:s14+$0x0]  }
0x1c: {  	v3 =	vld [tilespmem:s14+$0x2800];
	_ =	sdelay $0x6  }
0x1d: {  	[tilespmem:v2+s10+$0x0] =	vst.idx.add.f32.msk $0xffff, v1  }
0x1e: {  	[tilespmem:v3+s11+$0x0] =	vst.idx.add.f32.msk $0xffff, v1  }
0x1f: {  	v2 =	vld [tilespmem:s14+$0x10]  }
0x20: {  	v3 =	vld [tilespmem:s14+$0x2810];
	_ =	sdelay $0x6  }
0x21: {  	[tilespmem:v2+s10+$0x0] =	vst.idx.add.f32.msk $0xffff, v1  }
0x22: {  	[tilespmem:v3+s11+$0x0] =	vst.idx.add.f32.msk $0xffff, v1  }
0x23: {  	v2 =	vld [tilespmem:s14+$0x20]  }
0x24: {  	v3 =	vld [tilespmem:s14+$0x2820];
	_ =	sdelay $0x6  }
0x25: {  	[tilespmem:v2+s10+$0x0] =	vst.idx.add.f32.msk $0xffff, v1  }
0x26: {  	[tilespmem:v3+s11+$0x0] =	vst.idx.add.f32.msk $0xffff, v1  }
0x27: {  	v2 =	vld [tilespmem:s14+$0x30]  }
0x28: {  	v3 =	vld [tilespmem:s14+$0x2830];
	_ =	sdelay $0x2  }
0x29: {  	p0 =	sne.s32 s13, $0x9F00  }
.Ltmp1:
0x2a: {  	_ = 	snop;
	(pc) =	sbr.rel @p0 .LBB2_4-.Ltmp1, $3  }
0x2b: {  	_ =	sdelay $0x1  }
0x2c: {  	[tilespmem:v2+s10+$0x0] =	vst.idx.add.f32.msk $0xffff, v1  }
0x2d: {  	s13 =	sadd.s32 $0x100, s13;
	[tilespmem:v3+s11+$0x0] =	vst.idx.add.f32.msk $0xffff, v1  }
0x2e: {  	[hbm4b:s3+s2] =	stream.linear.scatter [tilespmem:s10], [sflag:$0x1], $0x2800, $0x38;
	[tilespmem:$0xA000] =	vst v63  }
0x2f: {  	s12 =	sadd.s32 $0x1, s12;
	_ =	swait.ge [sflag:s8], $0x2800  }
0x30: {  	p0 =	sne.s32 s12, s7;
	[sflag:s8] =	ssyncset.done $0x0  }
.Ltmp2:
0x31: {  	[sflag:s8] =	ssyncadd.s32 $0xFFFFD800;
	(pc) =	sbr.rel @p0 .LBB2_1-.Ltmp2, $4  }
0x32: {  	[hbm4b:s6+s2] =	stream.linear.scatter [tilespmem:s11], [sflag:$0x1], $0x2800, $0x38;
	[tilespmem:$0xA000] =	vst v63  }
0x33: {  	_ =	swait.ge [sflag:s8], $0x2800  }
0x34: {  	[sflag:s8] =	ssyncset.done $0x0  }
0x35: {  	[sflag:s8] =	ssyncadd.s32 $0xFFFFD800  }
0x36: {  	_ =	sfence.sel $0x180000  }
0x37: {  	[bflag:$0x0] =	sbarrier.arrive $0xFFFF  }
0x38: {  	p0 =	sne.s32 s0, $0x0;
	_ =	strace $0x90000047  }
0x39: {  	s0 =	sadd.s32 @!p0 $0x100000, s1;
	[bflag:$0x2] =	sbarrier.arrive $0xFFFF  }
0x3a: {  	[sflag:s0] =	ssyncadd.tile.s32 @!p0 $0x1;
	_ =	shalt  }
.Lfunc_end2:
_tile_overlayer_lowered:
.L_overlay_start_2:
0x3b: {  	(tag) =	ssettag $0x2  }
0x3c: {  	s0 =	rddreg [dreg:$0x0];
	s2 =	stileid.u32  }
0x3d: {  	s1 =	rddreg [dreg:$0x1];
	p0 =	sne.s32 s2, $0x0  }
0x3e: {  	s3 =	rddreg [dreg:$0x2];
	[bflag:$0x3] =	sbarrier.arrive $0xFFFF;
	s2 =	simm.s32 @!p0 $0x1C01  }
0x3f: {  	[timem:s3], [sflag:s2] =	dma.local @!p0 [hbm:s0], s1  }
0x40: {  	s0 =	simm.s32 @!p0 $0x1  }
0x41: {  	_ =	swait.ge @!p0 [sflag:s0], s1  }
0x42: {  	s1 =	ssub.s32 @!p0 $0x0, s1;
	[sflag:s0] =	ssyncset.done @!p0 $0x0  }
0x43: {  	[sflag:s0] =	ssyncadd.s32 @!p0 s1  }
0x44: {  	[bflag:$0x3] =	sbarrier.arrive $0xFFFF  }
0x45: {  	_ =	shalt  }

</sc_bundles>
